<compile_context>
chip_gen: v7x
topology: tpu7x:2x2x1
jax: 0.10.2.dev20260603
libtpu: 0.0.44.dev20260713+nightly
codegen_flags: <defaults>
</compile_context>

<pallas_src>
import jax
import jax.numpy as jnp
from jax import lax
from jax.experimental import pallas as pl
from jax.experimental.pallas import tpu as pltpu
from jax.experimental.pallas import tpu_sc as plsc

_B = 1024
_L = 200
_WDIM = 64
_PDIM = 16
_P2 = 2 * _PDIM
_XDIM = _WDIM + _P2
_N = _B * _L
_NC = 2
_NS = 16
_NW = _NC * _NS
_PER_W = _N // _NW
_C = 128
_G = 128
_NG = _PER_W // _G
_NB = 6
_K = 2
_HT_PER_W = _B // _NW

_SUBS = [(o, min(_C, _G - o)) for o in range(0, _G, _C)]
_VISITS = _NG + _NB
_OUTER = -(-_VISITS // _NB)


def _sc_body(word_hbm, pos1_hbm, pos2_hbm, m0_hbm, head_hbm, tail_hbm,
             wtab_hbm, p1tab_hbm, p2tab_hbm,
             x_hbm, head_out_hbm, tail_out_hbm,
             widx, pidx1, pidx2, m0t, wbuf, pbuf, p1tab_v, p2tab_v,
             hidx_v, hbuf, gsem, wsem, hsem):
    wid = lax.axis_index("s") * _NC + lax.axis_index("c")
    base = wid * _PER_W

    hbase = wid * _HT_PER_W
    pltpu.sync_copy(head_hbm.at[pl.ds(hbase, _HT_PER_W)], hidx_v)
    c1 = pltpu.async_copy(p1tab_hbm, p1tab_v.at[:, pl.ds(0, _PDIM)], hsem)
    c2 = pltpu.async_copy(p2tab_hbm, p2tab_v.at[:, pl.ds(0, _PDIM)], hsem)
    c3 = pltpu.async_copy(word_hbm.at[pl.ds(base, _PER_W)], widx, hsem)
    c4 = pltpu.async_copy(pos1_hbm.at[pl.ds(base, _PER_W)], pidx1, hsem)
    c5 = pltpu.async_copy(pos2_hbm.at[pl.ds(base, _PER_W)], pidx2, hsem)
    c6 = pltpu.async_copy(m0_hbm.at[pl.ds(base, _PER_W)], m0t, hsem)
    ch = pltpu.async_copy(wtab_hbm.at[hidx_v], hbuf, hsem)
    for c in (c1, c2, c3, c4, c5, c6, ch):
        c.wait()
    pltpu.sync_copy(hbuf, head_out_hbm.at[pl.ds(hbase, _HT_PER_W)])
    pltpu.sync_copy(tail_hbm.at[pl.ds(hbase, _HT_PER_W)], hidx_v)
    pltpu.async_copy(wtab_hbm.at[hidx_v], hbuf, hsem).wait()
    pltpu.sync_copy(hbuf, tail_out_hbm.at[pl.ds(hbase, _HT_PER_W)])

    def gather_copies(g, b):
        cs = []
        for off, n in _SUBS:
            tok = g * _G + off
            cs.append(pltpu.make_async_copy(
                wtab_hbm.at[widx.at[pl.ds(tok, n)]],
                wbuf.at[b, pl.ds(off, n)], gsem.at[b]))
        return cs

    def write_copies(g, b):
        off = base + g * _G
        return [
            pltpu.make_async_copy(
                wbuf.at[b], x_hbm.at[pl.ds(off, _G), pl.ds(0, _WDIM)],
                wsem.at[b]),
            pltpu.make_async_copy(
                pbuf.at[b, :, pl.ds(0, _P2)],
                x_hbm.at[pl.ds(off, _G), pl.ds(_WDIM, _P2)], wsem.at[b]),
        ]

    lanes = lax.iota(jnp.int32, 16)

    def pos_group(g, b):
        tok0 = g * _G

        def tloop(t, carry):
            s = pl.ds(tok0 + t * 16, 16)
            m = m0t[s]
            r1 = pidx1[s] * m
            r2 = pidx2[s] * m
            trow = lanes + t * 16
            for j in range(_PDIM):
                cj = jnp.full((16,), j, jnp.int32)
                v1 = plsc.load_gather(p1tab_v, [r1, cj])
                plsc.store_scatter(pbuf.at[b], [trow, cj], v1)
                v2 = plsc.load_gather(p2tab_v, [r2, cj])
                plsc.store_scatter(pbuf.at[b], [trow, cj + _PDIM], v2)
            return carry

        lax.fori_loop(0, _G // 16, tloop, 0)

    def outer(o, carry):
        for b in range(_NB):
            i = o * _NB + b

            @pl.when(jnp.logical_and(i >= _NB, i < _NG + _NB))
            def _():
                for c in write_copies(i - _NB, b):
                    c.wait()

            @pl.when(i < _NG)
            def _():
                for c in gather_copies(i, b):
                    c.start()
                pos_group(i, b)

            bj = (b - _K) % _NB

            @pl.when(jnp.logical_and(i >= _K, i < _NG + _K))
            def _():
                for c in gather_copies(i - _K, bj):
                    c.wait()
                for c in write_copies(i - _K, bj):
                    c.start()

        return carry

    lax.fori_loop(0, _OUTER, outer, 0)


def kernel(word, pos1, pos2, mask, mask0, head, tail,
           word_table, pos1_table, pos2_table):
    del mask
    word_f = word.reshape(_N).astype(jnp.int32)
    pos1_f = pos1.reshape(_N).astype(jnp.int32)
    pos2_f = pos2.reshape(_N).astype(jnp.int32)
    m0_f = mask0.reshape(_N).astype(jnp.int32)
    head_i = head.astype(jnp.int32)
    tail_i = tail.astype(jnp.int32)

    mesh = plsc.VectorSubcoreMesh(core_axis_name="c", subcore_axis_name="s",
                                  num_cores=_NC, num_subcores=_NS)
    x_flat, head_e, tail_e = pl.kernel(
        _sc_body,
        out_type=(
            jax.ShapeDtypeStruct((_N, _XDIM), jnp.float32),
            jax.ShapeDtypeStruct((_B, _WDIM), jnp.float32),
            jax.ShapeDtypeStruct((_B, _WDIM), jnp.float32),
        ),
        mesh=mesh,
        compiler_params=pltpu.CompilerParams(use_tc_tiling_on_sc=False,
                                             needs_layout_passes=False),
        scratch_types=[
            pltpu.VMEM((_PER_W,), jnp.int32),
            pltpu.VMEM((_PER_W,), jnp.int32),
            pltpu.VMEM((_PER_W,), jnp.int32),
            pltpu.VMEM((_PER_W,), jnp.int32),
            pltpu.VMEM((_NB, _G, _WDIM), jnp.float32),
            pltpu.VMEM((_NB, _G, _P2 + 1), jnp.float32),
            pltpu.VMEM((80, _PDIM + 1), jnp.float32),
            pltpu.VMEM((80, _PDIM + 1), jnp.float32),
            pltpu.VMEM((_HT_PER_W,), jnp.int32),
            pltpu.VMEM((_HT_PER_W, _WDIM), jnp.float32),
            pltpu.SemaphoreType.DMA((_NB,)),
            pltpu.SemaphoreType.DMA((_NB,)),
            pltpu.SemaphoreType.DMA,
        ],
    )(word_f, pos1_f, pos2_f, m0_f, head_i, tail_i,
      word_table, pos1_table, pos2_table)
    return x_flat.reshape(_B, _L, _XDIM), head_e, tail_e

# --- scband reference (transcript-rebuilt; emitter-appended) ---
"""Pipeline reference for scband-embedding-72464688218550 (READ-ONLY COPY).

The authoritative reference and input builder live on the scoring server;
editing this copy changes nothing except your own understanding.
"""

import jax, jax.numpy as jnp
import numpy as np
import math

VOCAB = 1000000
WDIM = 64
PDIM = 16
B = 1024
L = 200

def setup_inputs(seed: int = 0) -> dict:
    key = jax.random.key(seed)
    ks = jax.random.split(key, 11)
    word = jax.random.randint(ks[0], (B, L), 0, VOCAB)
    pos1 = jax.random.randint(ks[1], (B, L), 0, 80)
    pos2 = jax.random.randint(ks[2], (B, L), 0, 80)
    mask = jax.random.randint(ks[3], (B, L), 0, 2)
    mask0 = jax.random.randint(ks[4], (B, L), 0, 2)
    head = jax.random.randint(ks[5], (B,), 0, VOCAB)
    tail = jax.random.randint(ks[6], (B,), 0, VOCAB)
    word_vec = jax.random.normal(ks[7], (VOCAB, WDIM), dtype=jnp.float32)
    unk = jax.random.normal(ks[8], (1, WDIM), dtype=jnp.float32) / math.sqrt(WDIM)
    blk = jnp.zeros((1, WDIM), dtype=jnp.float32)
    word_table = jnp.concatenate([word_vec, unk, blk], axis=0)  # [VOCAB+2, WDIM], last row = padding
    pos1_table = jax.random.normal(ks[9], (80, PDIM), dtype=jnp.float32).at[0].set(0.0)  # padding_idx=0
    pos2_table = jax.random.normal(ks[10], (80, PDIM), dtype=jnp.float32).at[0].set(0.0)  # padding_idx=0
    return {"word": word, "pos1": pos1, "pos2": pos2, "mask": mask, "mask0": mask0,
            "head": head, "tail": tail,
            "word_table": word_table, "pos1_table": pos1_table, "pos2_table": pos2_table}

def reference(word, pos1, pos2, mask, mask0, head, tail, word_table, pos1_table, pos2_table):
    pos1 = mask0 * pos1
    pos2 = mask0 * pos2
    x = jnp.concatenate([
        jnp.take(word_table, word, axis=0),
        jnp.take(pos1_table, pos1, axis=0),
        jnp.take(pos2_table, pos2, axis=0),
    ], axis=2)
    w = jnp.take(word_table, word, axis=0)
    p1 = jnp.take(word_table, pos1, axis=0)
    p2 = jnp.take(pos1_table, pos2, axis=0)
    head_e = jnp.take(word_table, head, axis=0)
    tail_e = jnp.take(word_table, tail, axis=0)
    return (x, head_e, tail_e)

if __name__ == "__main__":
    import jax
    _d = setup_inputs()
    print(jax.jit(kernel)(*tuple(_d.values())))

</pallas_src>

<mosaic_0001>
#map = affine_map<(d0, d1) -> (0)>
#map1 = affine_map<(d0, d1) -> (0, 0)>
module attributes {stable_mosaic.version = 14 : i64} {
  func.func @_sc_body(%arg0: i32, %arg1: i32, %arg2: memref<204800xi32, #tpu.memory_space<hbm>>, %arg3: memref<204800xi32, #tpu.memory_space<hbm>>, %arg4: memref<204800xi32, #tpu.memory_space<hbm>>, %arg5: memref<204800xi32, #tpu.memory_space<hbm>>, %arg6: memref<1024xi32, #tpu.memory_space<hbm>>, %arg7: memref<1024xi32, #tpu.memory_space<hbm>>, %arg8: memref<1000002x64xf32, #tpu.memory_space<hbm>>, %arg9: memref<80x16xf32, #tpu.memory_space<hbm>>, %arg10: memref<80x16xf32, #tpu.memory_space<hbm>>, %arg11: memref<204800x96xf32, #tpu.memory_space<hbm>>, %arg12: memref<1024x64xf32, #tpu.memory_space<hbm>>, %arg13: memref<1024x64xf32, #tpu.memory_space<hbm>>, %arg14: memref<6400xi32, #tpu.memory_space<vmem>>, %arg15: memref<6400xi32, #tpu.memory_space<vmem>>, %arg16: memref<6400xi32, #tpu.memory_space<vmem>>, %arg17: memref<6400xi32, #tpu.memory_space<vmem>>, %arg18: memref<6x128x64xf32, #tpu.memory_space<vmem>>, %arg19: memref<6x128x33xf32, #tpu.memory_space<vmem>>, %arg20: memref<80x17xf32, #tpu.memory_space<vmem>>, %arg21: memref<80x17xf32, #tpu.memory_space<vmem>>, %arg22: memref<32xi32, #tpu.memory_space<vmem>>, %arg23: memref<32x64xf32, #tpu.memory_space<vmem>>, %arg24: memref<6x!tpu.dma_semaphore, #tpu.memory_space<semaphore_mem>>, %arg25: memref<6x!tpu.dma_semaphore, #tpu.memory_space<semaphore_mem>>, %arg26: memref<!tpu.dma_semaphore, #tpu.memory_space<semaphore_mem>>) attributes {dimension_semantics = [#tpu.dimension_semantics<core_parallel>, #tpu.dimension_semantics<subcore_parallel>], iteration_bounds = array<i64: 2, 16>, scalar_prefetch = 0 : i64, scratch_operands = 13 : i64, tpu.core_type = #tpu.core_type<sc_vector_subcore>, window_params = [{transform_indices = #map}, {transform_indices = #map}, {transform_indices = #map}, {transform_indices = #map}, {transform_indices = #map}, {transform_indices = #map}, {transform_indices = #map1}, {transform_indices = #map1}, {transform_indices = #map1}, {transform_indices = #map1}, {transform_indices = #map1}, {transform_indices = #map1}]} {
    %mul3A = arith.constant 2 : i32
    %mul3A_0 = arith.muli %arg1, %mul3A : i32
    %add3A = arith.addi %mul3A_0, %arg0 : i32
    %mul3A_1 = arith.constant 6400 : i32
    %mul3A_2 = arith.muli %add3A, %mul3A_1 : i32
    %mul3A_3 = arith.constant 32 : i32
    %mul3A_4 = arith.muli %add3A, %mul3A_3 : i32
    "tpu.region"() ({
      %run_scoped3A = tpu.sem_alloc : memref<!tpu.dma_semaphore, #tpu.memory_space<semaphore_mem>>
      %dma_start3A_60 = tpu.memref_slice %arg6[%mul3A_4] : memref<1024xi32, #tpu.memory_space<hbm>> -> memref<32xi32, #tpu.memory_space<hbm>>
      %dma_start3A_61 = tpu.memref_slice %arg6[%mul3A_4] : memref<1024xi32, #tpu.memory_space<hbm>> -> memref<32xi32, #tpu.memory_space<hbm>>
      tpu.enqueue_dma source(%dma_start3A_61 : memref<32xi32, #tpu.memory_space<hbm>>) target(%arg22 : memref<32xi32, #tpu.memory_space<vmem>>) target_semaphore(%run_scoped3A : memref<!tpu.dma_semaphore, #tpu.memory_space<semaphore_mem>>)
      %dma_wait3A_62 = tpu.memref_slice %arg6[%mul3A_4] : memref<1024xi32, #tpu.memory_space<hbm>> -> memref<32xi32, #tpu.memory_space<hbm>>
      %dma_wait3A_63 = tpu.memref_slice %arg6[%mul3A_4] : memref<1024xi32, #tpu.memory_space<hbm>> -> memref<32xi32, #tpu.memory_space<hbm>>
      tpu.wait_dma2 semaphore(%run_scoped3A : memref<!tpu.dma_semaphore, #tpu.memory_space<semaphore_mem>>) src(%dma_wait3A_63 : memref<32xi32, #tpu.memory_space<hbm>>) dst(%arg22 : memref<32xi32, #tpu.memory_space<vmem>>)
      tpu.yield
    }) : () -> ()
    %dma_start3A = arith.constant 0 : i32
    %dma_start3A_5 = arith.constant 0 : i32
    %dma_start3A_6 = tpu.memref_slice %arg20[%dma_start3A, %dma_start3A_5] : memref<80x17xf32, #tpu.memory_space<vmem>> -> memref<80x16xf32, #tpu.memory_space<vmem>>
    %dma_start3A_7 = arith.constant 0 : i32
    %dma_start3A_8 = arith.constant 0 : i32
    %dma_start3A_9 = tpu.memref_slice %arg20[%dma_start3A_7, %dma_start3A_8] : memref<80x17xf32, #tpu.memory_space<vmem>> -> memref<80x16xf32, #tpu.memory_space<vmem>>
    tpu.enqueue_dma source(%arg9 : memref<80x16xf32, #tpu.memory_space<hbm>>) target(%dma_start3A_9 : memref<80x16xf32, #tpu.memory_space<vmem>>) target_semaphore(%arg26 : memref<!tpu.dma_semaphore, #tpu.memory_space<semaphore_mem>>)
    %dma_start3A_10 = arith.constant 0 : i32
    %dma_start3A_11 = arith.constant 0 : i32
    %dma_start3A_12 = tpu.memref_slice %arg21[%dma_start3A_10, %dma_start3A_11] : memref<80x17xf32, #tpu.memory_space<vmem>> -> memref<80x16xf32, #tpu.memory_space<vmem>>
    %dma_start3A_13 = arith.constant 0 : i32
    %dma_start3A_14 = arith.constant 0 : i32
    %dma_start3A_15 = tpu.memref_slice %arg21[%dma_start3A_13, %dma_start3A_14] : memref<80x17xf32, #tpu.memory_space<vmem>> -> memref<80x16xf32, #tpu.memory_space<vmem>>
    tpu.enqueue_dma source(%arg10 : memref<80x16xf32, #tpu.memory_space<hbm>>) target(%dma_start3A_15 : memref<80x16xf32, #tpu.memory_space<vmem>>) target_semaphore(%arg26 : memref<!tpu.dma_semaphore, #tpu.memory_space<semaphore_mem>>)
    %dma_start3A_16 = tpu.memref_slice %arg2[%mul3A_2] : memref<204800xi32, #tpu.memory_space<hbm>> -> memref<6400xi32, #tpu.memory_space<hbm>>
    %dma_start3A_17 = tpu.memref_slice %arg2[%mul3A_2] : memref<204800xi32, #tpu.memory_space<hbm>> -> memref<6400xi32, #tpu.memory_space<hbm>>
    tpu.enqueue_dma source(%dma_start3A_17 : memref<6400xi32, #tpu.memory_space<hbm>>) target(%arg14 : memref<6400xi32, #tpu.memory_space<vmem>>) target_semaphore(%arg26 : memref<!tpu.dma_semaphore, #tpu.memory_space<semaphore_mem>>)
    %dma_start3A_18 = tpu.memref_slice %arg3[%mul3A_2] : memref<204800xi32, #tpu.memory_space<hbm>> -> memref<6400xi32, #tpu.memory_space<hbm>>
    %dma_start3A_19 = tpu.memref_slice %arg3[%mul3A_2] : memref<204800xi32, #tpu.memory_space<hbm>> -> memref<6400xi32, #tpu.memory_space<hbm>>
    tpu.enqueue_dma source(%dma_start3A_19 : memref<6400xi32, #tpu.memory_space<hbm>>) target(%arg15 : memref<6400xi32, #tpu.memory_space<vmem>>) target_semaphore(%arg26 : memref<!tpu.dma_semaphore, #tpu.memory_space<semaphore_mem>>)
    %dma_start3A_20 = tpu.memref_slice %arg4[%mul3A_2] : memref<204800xi32, #tpu.memory_space<hbm>> -> memref<6400xi32, #tpu.memory_space<hbm>>
    %dma_start3A_21 = tpu.memref_slice %arg4[%mul3A_2] : memref<204800xi32, #tpu.memory_space<hbm>> -> memref<6400xi32, #tpu.memory_space<hbm>>
    tpu.enqueue_dma source(%dma_start3A_21 : memref<6400xi32, #tpu.memory_space<hbm>>) target(%arg16 : memref<6400xi32, #tpu.memory_space<vmem>>) target_semaphore(%arg26 : memref<!tpu.dma_semaphore, #tpu.memory_space<semaphore_mem>>)
    %dma_start3A_22 = tpu.memref_slice %arg5[%mul3A_2] : memref<204800xi32, #tpu.memory_space<hbm>> -> memref<6400xi32, #tpu.memory_space<hbm>>
    %dma_start3A_23 = tpu.memref_slice %arg5[%mul3A_2] : memref<204800xi32, #tpu.memory_space<hbm>> -> memref<6400xi32, #tpu.memory_space<hbm>>
    tpu.enqueue_dma source(%dma_start3A_23 : memref<6400xi32, #tpu.memory_space<hbm>>) target(%arg17 : memref<6400xi32, #tpu.memory_space<vmem>>) target_semaphore(%arg26 : memref<!tpu.dma_semaphore, #tpu.memory_space<semaphore_mem>>)
    %dma_start3A_24 = arith.constant 0 : i32
    %dma_start3A_25 = arith.constant 0 : i32
    %dma_start3A_26 = tpu.memref_slice %arg8[%dma_start3A_24, %dma_start3A_25] : memref<1000002x64xf32, #tpu.memory_space<hbm>> -> memref<1000002x64xf32, #tpu.memory_space<hbm>>
    tpu.enqueue_indirect_dma source(%dma_start3A_26 : memref<1000002x64xf32, #tpu.memory_space<hbm>>) target(%arg23 : memref<32x64xf32, #tpu.memory_space<vmem>>) offsets(%arg22 : memref<32xi32, #tpu.memory_space<vmem>>) semaphore(%arg26 : memref<!tpu.dma_semaphore, #tpu.memory_space<semaphore_mem>>)
    %dma_wait3A = arith.constant 0 : i32
    %dma_wait3A_27 = arith.constant 0 : i32
    %dma_wait3A_28 = tpu.memref_slice %arg20[%dma_wait3A, %dma_wait3A_27] : memref<80x17xf32, #tpu.memory_space<vmem>> -> memref<80x16xf32, #tpu.memory_space<vmem>>
    %dma_wait3A_29 = arith.constant 0 : i32
    %dma_wait3A_30 = arith.constant 0 : i32
    %dma_wait3A_31 = tpu.memref_slice %arg20[%dma_wait3A_29, %dma_wait3A_30] : memref<80x17xf32, #tpu.memory_space<vmem>> -> memref<80x16xf32, #tpu.memory_space<vmem>>
    tpu.wait_dma2 semaphore(%arg26 : memref<!tpu.dma_semaphore, #tpu.memory_space<semaphore_mem>>) src(%arg9 : memref<80x16xf32, #tpu.memory_space<hbm>>) dst(%dma_wait3A_31 : memref<80x16xf32, #tpu.memory_space<vmem>>)
    %dma_wait3A_32 = arith.constant 0 : i32
    %dma_wait3A_33 = arith.constant 0 : i32
    %dma_wait3A_34 = tpu.memref_slice %arg21[%dma_wait3A_32, %dma_wait3A_33] : memref<80x17xf32, #tpu.memory_space<vmem>> -> memref<80x16xf32, #tpu.memory_space<vmem>>
    %dma_wait3A_35 = arith.constant 0 : i32
    %dma_wait3A_36 = arith.constant 0 : i32
    %dma_wait3A_37 = tpu.memref_slice %arg21[%dma_wait3A_35, %dma_wait3A_36] : memref<80x17xf32, #tpu.memory_space<vmem>> -> memref<80x16xf32, #tpu.memory_space<vmem>>
    tpu.wait_dma2 semaphore(%arg26 : memref<!tpu.dma_semaphore, #tpu.memory_space<semaphore_mem>>) src(%arg10 : memref<80x16xf32, #tpu.memory_space<hbm>>) dst(%dma_wait3A_37 : memref<80x16xf32, #tpu.memory_space<vmem>>)
    %dma_wait3A_38 = tpu.memref_slice %arg2[%mul3A_2] : memref<204800xi32, #tpu.memory_space<hbm>> -> memref<6400xi32, #tpu.memory_space<hbm>>
    %dma_wait3A_39 = tpu.memref_slice %arg2[%mul3A_2] : memref<204800xi32, #tpu.memory_space<hbm>> -> memref<6400xi32, #tpu.memory_space<hbm>>
    tpu.wait_dma2 semaphore(%arg26 : memref<!tpu.dma_semaphore, #tpu.memory_space<semaphore_mem>>) src(%dma_wait3A_39 : memref<6400xi32, #tpu.memory_space<hbm>>) dst(%arg14 : memref<6400xi32, #tpu.memory_space<vmem>>)
    %dma_wait3A_40 = tpu.memref_slice %arg3[%mul3A_2] : memref<204800xi32, #tpu.memory_space<hbm>> -> memref<6400xi32, #tpu.memory_space<hbm>>
    %dma_wait3A_41 = tpu.memref_slice %arg3[%mul3A_2] : memref<204800xi32, #tpu.memory_space<hbm>> -> memref<6400xi32, #tpu.memory_space<hbm>>
    tpu.wait_dma2 semaphore(%arg26 : memref<!tpu.dma_semaphore, #tpu.memory_space<semaphore_mem>>) src(%dma_wait3A_41 : memref<6400xi32, #tpu.memory_space<hbm>>) dst(%arg15 : memref<6400xi32, #tpu.memory_space<vmem>>)
    %dma_wait3A_42 = tpu.memref_slice %arg4[%mul3A_2] : memref<204800xi32, #tpu.memory_space<hbm>> -> memref<6400xi32, #tpu.memory_space<hbm>>
    %dma_wait3A_43 = tpu.memref_slice %arg4[%mul3A_2] : memref<204800xi32, #tpu.memory_space<hbm>> -> memref<6400xi32, #tpu.memory_space<hbm>>
    tpu.wait_dma2 semaphore(%arg26 : memref<!tpu.dma_semaphore, #tpu.memory_space<semaphore_mem>>) src(%dma_wait3A_43 : memref<6400xi32, #tpu.memory_space<hbm>>) dst(%arg16 : memref<6400xi32, #tpu.memory_space<vmem>>)
    %dma_wait3A_44 = tpu.memref_slice %arg5[%mul3A_2] : memref<204800xi32, #tpu.memory_space<hbm>> -> memref<6400xi32, #tpu.memory_space<hbm>>
    %dma_wait3A_45 = tpu.memref_slice %arg5[%mul3A_2] : memref<204800xi32, #tpu.memory_space<hbm>> -> memref<6400xi32, #tpu.memory_space<hbm>>
    tpu.wait_dma2 semaphore(%arg26 : memref<!tpu.dma_semaphore, #tpu.memory_space<semaphore_mem>>) src(%dma_wait3A_45 : memref<6400xi32, #tpu.memory_space<hbm>>) dst(%arg17 : memref<6400xi32, #tpu.memory_space<vmem>>)
    %dma_wait3A_46 = arith.constant 0 : i32
    %dma_wait3A_47 = arith.constant 0 : i32
    %dma_wait3A_48 = tpu.memref_slice %arg8[%dma_wait3A_46, %dma_wait3A_47] : memref<1000002x64xf32, #tpu.memory_space<hbm>> -> memref<1000002x64xf32, #tpu.memory_space<hbm>>
    tpu.wait_indirect_dma semaphore(%arg26 : memref<!tpu.dma_semaphore, #tpu.memory_space<semaphore_mem>>) src(%dma_wait3A_48 : memref<1000002x64xf32, #tpu.memory_space<hbm>>) dst(%arg23 : memref<32x64xf32, #tpu.memory_space<vmem>>)
    "tpu.region"() ({
      %run_scoped3A = tpu.sem_alloc : memref<!tpu.dma_semaphore, #tpu.memory_space<semaphore_mem>>
      %dma_start3A_60 = arith.constant 0 : i32
      %dma_start3A_61 = tpu.memref_slice %arg12[%mul3A_4, %dma_start3A_60] : memref<1024x64xf32, #tpu.memory_space<hbm>> -> memref<32x64xf32, #tpu.memory_space<hbm>>
      %dma_start3A_62 = arith.constant 0 : i32
      %dma_start3A_63 = tpu.memref_slice %arg12[%mul3A_4, %dma_start3A_62] : memref<1024x64xf32, #tpu.memory_space<hbm>> -> memref<32x64xf32, #tpu.memory_space<hbm>>
      tpu.enqueue_dma source(%arg23 : memref<32x64xf32, #tpu.memory_space<vmem>>) target(%dma_start3A_63 : memref<32x64xf32, #tpu.memory_space<hbm>>) target_semaphore(%run_scoped3A : memref<!tpu.dma_semaphore, #tpu.memory_space<semaphore_mem>>)
      %dma_wait3A_64 = arith.constant 0 : i32
      %dma_wait3A_65 = tpu.memref_slice %arg12[%mul3A_4, %dma_wait3A_64] : memref<1024x64xf32, #tpu.memory_space<hbm>> -> memref<32x64xf32, #tpu.memory_space<hbm>>
      %dma_wait3A_66 = arith.constant 0 : i32
      %dma_wait3A_67 = tpu.memref_slice %arg12[%mul3A_4, %dma_wait3A_66] : memref<1024x64xf32, #tpu.memory_space<hbm>> -> memref<32x64xf32, #tpu.memory_space<hbm>>
      tpu.wait_dma2 semaphore(%run_scoped3A : memref<!tpu.dma_semaphore, #tpu.memory_space<semaphore_mem>>) src(%arg23 : memref<32x64xf32, #tpu.memory_space<vmem>>) dst(%dma_wait3A_67 : memref<32x64xf32, #tpu.memory_space<hbm>>)
      tpu.yield
    }) : () -> ()
    "tpu.region"() ({
      %run_scoped3A = tpu.sem_alloc : memref<!tpu.dma_semaphore, #tpu.memory_space<semaphore_mem>>
      %dma_start3A_60 = tpu.memref_slice %arg7[%mul3A_4] : memref<1024xi32, #tpu.memory_space<hbm>> -> memref<32xi32, #tpu.memory_space<hbm>>
      %dma_start3A_61 = tpu.memref_slice %arg7[%mul3A_4] : memref<1024xi32, #tpu.memory_space<hbm>> -> memref<32xi32, #tpu.memory_space<hbm>>
      tpu.enqueue_dma source(%dma_start3A_61 : memref<32xi32, #tpu.memory_space<hbm>>) target(%arg22 : memref<32xi32, #tpu.memory_space<vmem>>) target_semaphore(%run_scoped3A : memref<!tpu.dma_semaphore, #tpu.memory_space<semaphore_mem>>)
      %dma_wait3A_62 = tpu.memref_slice %arg7[%mul3A_4] : memref<1024xi32, #tpu.memory_space<hbm>> -> memref<32xi32, #tpu.memory_space<hbm>>
      %dma_wait3A_63 = tpu.memref_slice %arg7[%mul3A_4] : memref<1024xi32, #tpu.memory_space<hbm>> -> memref<32xi32, #tpu.memory_space<hbm>>
      tpu.wait_dma2 semaphore(%run_scoped3A : memref<!tpu.dma_semaphore, #tpu.memory_space<semaphore_mem>>) src(%dma_wait3A_63 : memref<32xi32, #tpu.memory_space<hbm>>) dst(%arg22 : memref<32xi32, #tpu.memory_space<vmem>>)
      tpu.yield
    }) : () -> ()
    %dma_start3A_49 = arith.constant 0 : i32
    %dma_start3A_50 = arith.constant 0 : i32
    %dma_start3A_51 = tpu.memref_slice %arg8[%dma_start3A_49, %dma_start3A_50] : memref<1000002x64xf32, #tpu.memory_space<hbm>> -> memref<1000002x64xf32, #tpu.memory_space<hbm>>
    tpu.enqueue_indirect_dma source(%dma_start3A_51 : memref<1000002x64xf32, #tpu.memory_space<hbm>>) target(%arg23 : memref<32x64xf32, #tpu.memory_space<vmem>>) offsets(%arg22 : memref<32xi32, #tpu.memory_space<vmem>>) semaphore(%arg26 : memref<!tpu.dma_semaphore, #tpu.memory_space<semaphore_mem>>)
    %dma_wait3A_52 = arith.constant 0 : i32
    %dma_wait3A_53 = arith.constant 0 : i32
    %dma_wait3A_54 = tpu.memref_slice %arg8[%dma_wait3A_52, %dma_wait3A_53] : memref<1000002x64xf32, #tpu.memory_space<hbm>> -> memref<1000002x64xf32, #tpu.memory_space<hbm>>
    tpu.wait_indirect_dma semaphore(%arg26 : memref<!tpu.dma_semaphore, #tpu.memory_space<semaphore_mem>>) src(%dma_wait3A_54 : memref<1000002x64xf32, #tpu.memory_space<hbm>>) dst(%arg23 : memref<32x64xf32, #tpu.memory_space<vmem>>)
    "tpu.region"() ({
      %run_scoped3A = tpu.sem_alloc : memref<!tpu.dma_semaphore, #tpu.memory_space<semaphore_mem>>
      %dma_start3A_60 = arith.constant 0 : i32
      %dma_start3A_61 = tpu.memref_slice %arg13[%mul3A_4, %dma_start3A_60] : memref<1024x64xf32, #tpu.memory_space<hbm>> -> memref<32x64xf32, #tpu.memory_space<hbm>>
      %dma_start3A_62 = arith.constant 0 : i32
      %dma_start3A_63 = tpu.memref_slice %arg13[%mul3A_4, %dma_start3A_62] : memref<1024x64xf32, #tpu.memory_space<hbm>> -> memref<32x64xf32, #tpu.memory_space<hbm>>
      tpu.enqueue_dma source(%arg23 : memref<32x64xf32, #tpu.memory_space<vmem>>) target(%dma_start3A_63 : memref<32x64xf32, #tpu.memory_space<hbm>>) target_semaphore(%run_scoped3A : memref<!tpu.dma_semaphore, #tpu.memory_space<semaphore_mem>>)
      %dma_wait3A_64 = arith.constant 0 : i32
      %dma_wait3A_65 = tpu.memref_slice %arg13[%mul3A_4, %dma_wait3A_64] : memref<1024x64xf32, #tpu.memory_space<hbm>> -> memref<32x64xf32, #tpu.memory_space<hbm>>
      %dma_wait3A_66 = arith.constant 0 : i32
      %dma_wait3A_67 = tpu.memref_slice %arg13[%mul3A_4, %dma_wait3A_66] : memref<1024x64xf32, #tpu.memory_space<hbm>> -> memref<32x64xf32, #tpu.memory_space<hbm>>
      tpu.wait_dma2 semaphore(%run_scoped3A : memref<!tpu.dma_semaphore, #tpu.memory_space<semaphore_mem>>) src(%arg23 : memref<32x64xf32, #tpu.memory_space<vmem>>) dst(%dma_wait3A_67 : memref<32x64xf32, #tpu.memory_space<hbm>>)
      tpu.yield
    }) : () -> ()
    %iota3A = tpu.iota {dimensions = array<i32: 0>} : vector<16xi32>
    %scan3A = arith.constant 0 : i32
    %scan3A_55 = arith.constant 0 : i32
    %scan3A_56 = arith.constant 10 : i32
    %scan3A_57 = arith.addi %scan3A_55, %scan3A_56 : i32
    %scan3A_58 = arith.constant 1 : i32
    scf.for %scan3A_60 = %scan3A_55 to %scan3A_57 step %scan3A_58  : i32 {
      %mul3A_61 = arith.constant 6 : i32
      %mul3A_62 = arith.muli %scan3A_60, %mul3A_61 : i32
      %add3A_63 = arith.constant 0 : i32
      %add3A_64 = arith.addi %mul3A_62, %add3A_63 : i32
      %ge3A = arith.constant 6 : i32
      %ge3A_65 = arith.cmpi sge, %add3A_64, %ge3A : i32
      %lt3A = arith.constant 56 : i32
      %lt3A_66 = arith.cmpi slt, %add3A_64, %lt3A : i32
      %and3A = arith.andi %ge3A_65, %lt3A_66 : i1
      %convert_element_type3A = arith.extui %and3A : i1 to i32
      %cond3A = arith.constant 0 : i32
      %cond3A_67 = arith.cmpi ne, %convert_element_type3A, %cond3A : i32
      scf.if %cond3A_67 {
        %sub3A = arith.constant 6 : i32
        %sub3A_206 = arith.subi %add3A_64, %sub3A : i32
        %mul3A_207 = arith.constant 128 : i32
        %mul3A_208 = arith.muli %sub3A_206, %mul3A_207 : i32
        %add3A_209 = arith.addi %mul3A_2, %mul3A_208 : i32
        %dma_wait3A_210 = arith.constant 0 : i32
        %dma_wait3A_211 = arith.constant 0 : i32
        %dma_wait3A_212 = arith.constant 0 : i32
        %dma_wait3A_213 = arith.constant 0 : i32
        %dma_wait3A_214 = tpu.memref_slice %arg18[%dma_wait3A_210, %dma_wait3A_212, %dma_wait3A_213] : memref<6x128x64xf32, #tpu.memory_space<vmem>> -> memref<1x128x64xf32, #tpu.memory_space<vmem>>
        %dma_wait3A_215 = tpu.memref_squeeze %dma_wait3A_214 : memref<1x128x64xf32, #tpu.memory_space<vmem>> -> memref<128x64xf32, #tpu.memory_space<vmem>>
        %dma_wait3A_216 = arith.constant 0 : i32
        %dma_wait3A_217 = tpu.memref_slice %arg11[%add3A_209, %dma_wait3A_216] : memref<204800x96xf32, #tpu.memory_space<hbm>> -> memref<128x64xf32, #tpu.memory_space<hbm>>
        %dma_wait3A_218 = tpu.memref_slice %arg25[%dma_wait3A_211] : memref<6x!tpu.dma_semaphore, #tpu.memory_space<semaphore_mem>> -> memref<1x!tpu.dma_semaphore, #tpu.memory_space<semaphore_mem>>
        %dma_wait3A_219 = tpu.memref_squeeze %dma_wait3A_218 : memref<1x!tpu.dma_semaphore, #tpu.memory_space<semaphore_mem>> -> memref<!tpu.dma_semaphore, #tpu.memory_space<semaphore_mem>>
        %dma_wait3A_220 = arith.constant 0 : i32
        %dma_wait3A_221 = tpu.memref_slice %arg11[%add3A_209, %dma_wait3A_220] : memref<204800x96xf32, #tpu.memory_space<hbm>> -> memref<128x64xf32, #tpu.memory_space<hbm>>
        %dma_wait3A_222 = arith.constant 0 : i32
        %dma_wait3A_223 = arith.constant 0 : i32
        %dma_wait3A_224 = tpu.memref_slice %arg18[%dma_wait3A_210, %dma_wait3A_222, %dma_wait3A_223] : memref<6x128x64xf32, #tpu.memory_space<vmem>> -> memref<1x128x64xf32, #tpu.memory_space<vmem>>
        %dma_wait3A_225 = tpu.memref_squeeze %dma_wait3A_224 : memref<1x128x64xf32, #tpu.memory_space<vmem>> -> memref<128x64xf32, #tpu.memory_space<vmem>>
        tpu.wait_dma2 semaphore(%dma_wait3A_219 : memref<!tpu.dma_semaphore, #tpu.memory_space<semaphore_mem>>) src(%dma_wait3A_225 : memref<128x64xf32, #tpu.memory_space<vmem>>) dst(%dma_wait3A_221 : memref<128x64xf32, #tpu.memory_space<hbm>>)
        %dma_wait3A_226 = arith.constant 0 : i32
        %dma_wait3A_227 = arith.constant 0 : i32
        %dma_wait3A_228 = arith.constant 0 : i32
        %dma_wait3A_229 = arith.constant 0 : i32
        %dma_wait3A_230 = tpu.memref_slice %arg19[%dma_wait3A_226, %dma_wait3A_228, %dma_wait3A_229] : memref<6x128x33xf32, #tpu.memory_space<vmem>> -> memref<1x128x32xf32, #tpu.memory_space<vmem>>
        %dma_wait3A_231 = tpu.memref_squeeze %dma_wait3A_230 : memref<1x128x32xf32, #tpu.memory_space<vmem>> -> memref<128x32xf32, #tpu.memory_space<vmem>>
        %dma_wait3A_232 = arith.constant 64 : i32
        %dma_wait3A_233 = tpu.memref_slice %arg11[%add3A_209, %dma_wait3A_232] : memref<204800x96xf32, #tpu.memory_space<hbm>> -> memref<128x32xf32, #tpu.memory_space<hbm>>
        %dma_wait3A_234 = tpu.memref_slice %arg25[%dma_wait3A_227] : memref<6x!tpu.dma_semaphore, #tpu.memory_space<semaphore_mem>> -> memref<1x!tpu.dma_semaphore, #tpu.memory_space<semaphore_mem>>
        %dma_wait3A_235 = tpu.memref_squeeze %dma_wait3A_234 : memref<1x!tpu.dma_semaphore, #tpu.memory_space<semaphore_mem>> -> memref<!tpu.dma_semaphore, #tpu.memory_space<semaphore_mem>>
        %dma_wait3A_236 = arith.constant 64 : i32
        %dma_wait3A_237 = tpu.memref_slice %arg11[%add3A_209, %dma_wait3A_236] : memref<204800x96xf32, #tpu.memory_space<hbm>> -> memref<128x32xf32, #tpu.memory_space<hbm>>
        %dma_wait3A_238 = arith.constant 0 : i32
        %dma_wait3A_239 = arith.constant 0 : i32
        %dma_wait3A_240 = tpu.memref_slice %arg19[%dma_wait3A_226, %dma_wait3A_238, %dma_wait3A_239] : memref<6x128x33xf32, #tpu.memory_space<vmem>> -> memref<1x128x32xf32, #tpu.memory_space<vmem>>
        %dma_wait3A_241 = tpu.memref_squeeze %dma_wait3A_240 : memref<1x128x32xf32, #tpu.memory_space<vmem>> -> memref<128x32xf32, #tpu.memory_space<vmem>>
        tpu.wait_dma2 semaphore(%dma_wait3A_235 : memref<!tpu.dma_semaphore, #tpu.memory_space<semaphore_mem>>) src(%dma_wait3A_241 : memref<128x32xf32, #tpu.memory_space<vmem>>) dst(%dma_wait3A_237 : memref<128x32xf32, #tpu.memory_space<hbm>>)
      } else {
      }
      %lt3A_68 = arith.constant 50 : i32
      %lt3A_69 = arith.cmpi slt, %add3A_64, %lt3A_68 : i32
      %convert_element_type3A_70 = arith.extui %lt3A_69 : i1 to i32
      %cond3A_71 = arith.constant 0 : i32
      %cond3A_72 = arith.cmpi ne, %convert_element_type3A_70, %cond3A_71 : i32
      scf.if %cond3A_72 {
        %mul3A_206 = arith.constant 128 : i32
        %mul3A_207 = arith.muli %add3A_64, %mul3A_206 : i32
        %add3A_208 = arith.constant 0 : i32
        %add3A_209 = arith.addi %mul3A_207, %add3A_208 : i32
        %dma_start3A_210 = arith.constant 0 : i32
        %dma_start3A_211 = arith.constant 0 : i32
        %dma_start3A_212 = arith.constant 0 : i32
        %dma_start3A_213 = arith.constant 0 : i32
        %dma_start3A_214 = tpu.memref_slice %arg18[%dma_start3A_210, %dma_start3A_212, %dma_start3A_213] : memref<6x128x64xf32, #tpu.memory_space<vmem>> -> memref<1x128x64xf32, #tpu.memory_space<vmem>>
        %dma_start3A_215 = tpu.memref_squeeze %dma_start3A_214 : memref<1x128x64xf32, #tpu.memory_space<vmem>> -> memref<128x64xf32, #tpu.memory_space<vmem>>
        %dma_start3A_216 = tpu.memref_slice %arg14[%add3A_209] : memref<6400xi32, #tpu.memory_space<vmem>> -> memref<128xi32, #tpu.memory_space<vmem>>
        %dma_start3A_217 = arith.constant 0 : i32
        %dma_start3A_218 = arith.constant 0 : i32
        %dma_start3A_219 = tpu.memref_slice %arg8[%dma_start3A_217, %dma_start3A_218] : memref<1000002x64xf32, #tpu.memory_space<hbm>> -> memref<1000002x64xf32, #tpu.memory_space<hbm>>
        %dma_start3A_220 = tpu.memref_slice %arg24[%dma_start3A_211] : memref<6x!tpu.dma_semaphore, #tpu.memory_space<semaphore_mem>> -> memref<1x!tpu.dma_semaphore, #tpu.memory_space<semaphore_mem>>
        %dma_start3A_221 = tpu.memref_squeeze %dma_start3A_220 : memref<1x!tpu.dma_semaphore, #tpu.memory_space<semaphore_mem>> -> memref<!tpu.dma_semaphore, #tpu.memory_space<semaphore_mem>>
        tpu.enqueue_indirect_dma source(%dma_start3A_219 : memref<1000002x64xf32, #tpu.memory_space<hbm>>) target(%dma_start3A_215 : memref<128x64xf32, #tpu.memory_space<vmem>>) offsets(%dma_start3A_216 : memref<128xi32, #tpu.memory_space<vmem>>) semaphore(%dma_start3A_221 : memref<!tpu.dma_semaphore, #tpu.memory_space<semaphore_mem>>)
        %mul3A_222 = arith.constant 128 : i32
        %mul3A_223 = arith.muli %add3A_64, %mul3A_222 : i32
        %scan3A_224 = arith.constant 0 : i32
        %scan3A_225 = arith.constant 0 : i32
        %scan3A_226 = arith.constant 8 : i32
        %scan3A_227 = arith.addi %scan3A_225, %scan3A_226 : i32
        %scan3A_228 = arith.constant 1 : i32
        scf.for %scan3A_230 = %scan3A_225 to %scan3A_227 step %scan3A_228  : i32 {
          %mul3A_231 = arith.constant 16 : i32
          %mul3A_232 = arith.muli %scan3A_230, %mul3A_231 : i32
          %add3A_233 = arith.addi %mul3A_223, %mul3A_232 : i32
          %get3A = arith.index_cast %add3A_233 : i32 to index
          %get3A_234 = tpu.vector_load %arg17[%get3A] {strides = array<i32>} : memref<6400xi32, #tpu.memory_space<vmem>>, vector<16xi32>,
          %get3A_235 = arith.index_cast %add3A_233 : i32 to index
          %get3A_236 = tpu.vector_load %arg15[%get3A_235] {strides = array<i32>} : memref<6400xi32, #tpu.memory_space<vmem>>, vector<16xi32>,
          %mul3A_237 = arith.muli %get3A_236, %get3A_234 : vector<16xi32>
          %get3A_238 = arith.index_cast %add3A_233 : i32 to index
          %get3A_239 = tpu.vector_load %arg16[%get3A_238] {strides = array<i32>} : memref<6400xi32, #tpu.memory_space<vmem>>, vector<16xi32>,
          %mul3A_240 = arith.muli %get3A_239, %get3A_234 : vector<16xi32>
          %mul3A_241 = arith.constant 16 : i32
          %mul3A_242 = arith.muli %scan3A_230, %mul3A_241 : i32
          %add3A_243 = vector.broadcast %mul3A_242 : i32 to vector<16xi32>
          %add3A_244 = arith.addi %iota3A, %add3A_243 : vector<16xi32>
          %broadcast_in_dim3A = arith.constant 0 : i32
          %broadcast_in_dim3A_245 = vector.broadcast %broadcast_in_dim3A : i32 to vector<16xi32>
          %gather3A = tpu.vector_load_idx %arg20[%mul3A_237, %broadcast_in_dim3A_245] : memref<80x17xf32, #tpu.memory_space<vmem>>[vector<16xi32>, vector<16xi32>], vector<16xf32>,
          %scatter3A = arith.constant 0 : i32
          %scatter3A_246 = arith.constant 0 : i32
          %scatter3A_247 = arith.constant 0 : i32
          %scatter3A_248 = tpu.memref_slice %arg19[%scatter3A, %scatter3A_246, %scatter3A_247] : memref<6x128x33xf32, #tpu.memory_space<vmem>> -> memref<1x128x33xf32, #tpu.memory_space<vmem>>
          %scatter3A_249 = tpu.memref_squeeze %scatter3A_248 : memref<1x128x33xf32, #tpu.memory_space<vmem>> -> memref<128x33xf32, #tpu.memory_space<vmem>>
          tpu.vector_store_idx %scatter3A_249[%add3A_244, %broadcast_in_dim3A_245], %gather3A : memref<128x33xf32, #tpu.memory_space<vmem>>[vector<16xi32>, vector<16xi32>], vector<16xf32>,
          %gather3A_250 = tpu.vector_load_idx %arg21[%mul3A_240, %broadcast_in_dim3A_245] : memref<80x17xf32, #tpu.memory_space<vmem>>[vector<16xi32>, vector<16xi32>], vector<16xf32>,
          %add3A_251 = arith.constant 16 : i32
          %add3A_252 = vector.broadcast %add3A_251 : i32 to vector<16xi32>
          %add3A_253 = arith.addi %broadcast_in_dim3A_245, %add3A_252 : vector<16xi32>
          %scatter3A_254 = arith.constant 0 : i32
          %scatter3A_255 = arith.constant 0 : i32
          %scatter3A_256 = arith.constant 0 : i32
          %scatter3A_257 = tpu.memref_slice %arg19[%scatter3A_254, %scatter3A_255, %scatter3A_256] : memref<6x128x33xf32, #tpu.memory_space<vmem>> -> memref<1x128x33xf32, #tpu.memory_space<vmem>>
          %scatter3A_258 = tpu.memref_squeeze %scatter3A_257 : memref<1x128x33xf32, #tpu.memory_space<vmem>> -> memref<128x33xf32, #tpu.memory_space<vmem>>
          tpu.vector_store_idx %scatter3A_258[%add3A_244, %add3A_253], %gather3A_250 : memref<128x33xf32, #tpu.memory_space<vmem>>[vector<16xi32>, vector<16xi32>], vector<16xf32>,
          %broadcast_in_dim3A_259 = arith.constant 1 : i32
          %broadcast_in_dim3A_260 = vector.broadcast %broadcast_in_dim3A_259 : i32 to vector<16xi32>
          %gather3A_261 = tpu.vector_load_idx %arg20[%mul3A_237, %broadcast_in_dim3A_260] : memref<80x17xf32, #tpu.memory_space<vmem>>[vector<16xi32>, vector<16xi32>], vector<16xf32>,
          %scatter3A_262 = arith.constant 0 : i32
          %scatter3A_263 = arith.constant 0 : i32
          %scatter3A_264 = arith.constant 0 : i32
          %scatter3A_265 = tpu.memref_slice %arg19[%scatter3A_262, %scatter3A_263, %scatter3A_264] : memref<6x128x33xf32, #tpu.memory_space<vmem>> -> memref<1x128x33xf32, #tpu.memory_space<vmem>>
          %scatter3A_266 = tpu.memref_squeeze %scatter3A_265 : memref<1x128x33xf32, #tpu.memory_space<vmem>> -> memref<128x33xf32, #tpu.memory_space<vmem>>
          tpu.vector_store_idx %scatter3A_266[%add3A_244, %broadcast_in_dim3A_260], %gather3A_261 : memref<128x33xf32, #tpu.memory_space<vmem>>[vector<16xi32>, vector<16xi32>], vector<16xf32>,
          %gather3A_267 = tpu.vector_load_idx %arg21[%mul3A_240, %broadcast_in_dim3A_260] : memref<80x17xf32, #tpu.memory_space<vmem>>[vector<16xi32>, vector<16xi32>], vector<16xf32>,
          %add3A_268 = arith.constant 16 : i32
          %add3A_269 = vector.broadcast %add3A_268 : i32 to vector<16xi32>
          %add3A_270 = arith.addi %broadcast_in_dim3A_260, %add3A_269 : vector<16xi32>
          %scatter3A_271 = arith.constant 0 : i32
          %scatter3A_272 = arith.constant 0 : i32
          %scatter3A_273 = arith.constant 0 : i32
          %scatter3A_274 = tpu.memref_slice %arg19[%scatter3A_271, %scatter3A_272, %scatter3A_273] : memref<6x128x33xf32, #tpu.memory_space<vmem>> -> memref<1x128x33xf32, #tpu.memory_space<vmem>>
          %scatter3A_275 = tpu.memref_squeeze %scatter3A_274 : memref<1x128x33xf32, #tpu.memory_space<vmem>> -> memref<128x33xf32, #tpu.memory_space<vmem>>
          tpu.vector_store_idx %scatter3A_275[%add3A_244, %add3A_270], %gather3A_267 : memref<128x33xf32, #tpu.memory_space<vmem>>[vector<16xi32>, vector<16xi32>], vector<16xf32>,
          %broadcast_in_dim3A_276 = arith.constant 2 : i32
          %broadcast_in_dim3A_277 = vector.broadcast %broadcast_in_dim3A_276 : i32 to vector<16xi32>
          %gather3A_278 = tpu.vector_load_idx %arg20[%mul3A_237, %broadcast_in_dim3A_277] : memref<80x17xf32, #tpu.memory_space<vmem>>[vector<16xi32>, vector<16xi32>], vector<16xf32>,
          %scatter3A_279 = arith.constant 0 : i32
          %scatter3A_280 = arith.constant 0 : i32
          %scatter3A_281 = arith.constant 0 : i32
          %scatter3A_282 = tpu.memref_slice %arg19[%scatter3A_279, %scatter3A_280, %scatter3A_281] : memref<6x128x33xf32, #tpu.memory_space<vmem>> -> memref<1x128x33xf32, #tpu.memory_space<vmem>>
          %scatter3A_283 = tpu.memref_squeeze %scatter3A_282 : memref<1x128x33xf32, #tpu.memory_space<vmem>> -> memref<128x33xf32, #tpu.memory_space<vmem>>
          tpu.vector_store_idx %scatter3A_283[%add3A_244, %broadcast_in_dim3A_277], %gather3A_278 : memref<128x33xf32, #tpu.memory_space<vmem>>[vector<16xi32>, vector<16xi32>], vector<16xf32>,
          %gather3A_284 = tpu.vector_load_idx %arg21[%mul3A_240, %broadcast_in_dim3A_277] : memref<80x17xf32, #tpu.memory_space<vmem>>[vector<16xi32>, vector<16xi32>], vector<16xf32>,
          %add3A_285 = arith.constant 16 : i32
          %add3A_286 = vector.broadcast %add3A_285 : i32 to vector<16xi32>
          %add3A_287 = arith.addi %broadcast_in_dim3A_277, %add3A_286 : vector<16xi32>
          %scatter3A_288 = arith.constant 0 : i32
          %scatter3A_289 = arith.constant 0 : i32
          %scatter3A_290 = arith.constant 0 : i32
          %scatter3A_291 = tpu.memref_slice %arg19[%scatter3A_288, %scatter3A_289, %scatter3A_290] : memref<6x128x33xf32, #tpu.memory_space<vmem>> -> memref<1x128x33xf32, #tpu.memory_space<vmem>>
          %scatter3A_292 = tpu.memref_squeeze %scatter3A_291 : memref<1x128x33xf32, #tpu.memory_space<vmem>> -> memref<128x33xf32, #tpu.memory_space<vmem>>
          tpu.vector_store_idx %scatter3A_292[%add3A_244, %add3A_287], %gather3A_284 : memref<128x33xf32, #tpu.memory_space<vmem>>[vector<16xi32>, vector<16xi32>], vector<16xf32>,
          %broadcast_in_dim3A_293 = arith.constant 3 : i32
          %broadcast_in_dim3A_294 = vector.broadcast %broadcast_in_dim3A_293 : i32 to vector<16xi32>
          %gather3A_295 = tpu.vector_load_idx %arg20[%mul3A_237, %broadcast_in_dim3A_294] : memref<80x17xf32, #tpu.memory_space<vmem>>[vector<16xi32>, vector<16xi32>], vector<16xf32>,
          %scatter3A_296 = arith.constant 0 : i32
          %scatter3A_297 = arith.constant 0 : i32
          %scatter3A_298 = arith.constant 0 : i32
          %scatter3A_299 = tpu.memref_slice %arg19[%scatter3A_296, %scatter3A_297, %scatter3A_298] : memref<6x128x33xf32, #tpu.memory_space<vmem>> -> memref<1x128x33xf32, #tpu.memory_space<vmem>>
          %scatter3A_300 = tpu.memref_squeeze %scatter3A_299 : memref<1x128x33xf32, #tpu.memory_space<vmem>> -> memref<128x33xf32, #tpu.memory_space<vmem>>
          tpu.vector_store_idx %scatter3A_300[%add3A_244, %broadcast_in_dim3A_294], %gather3A_295 : memref<128x33xf32, #tpu.memory_space<vmem>>[vector<16xi32>, vector<16xi32>], vector<16xf32>,
          %gather3A_301 = tpu.vector_load_idx %arg21[%mul3A_240, %broadcast_in_dim3A_294] : memref<80x17xf32, #tpu.memory_space<vmem>>[vector<16xi32>, vector<16xi32>], vector<16xf32>,
          %add3A_302 = arith.constant 16 : i32
          %add3A_303 = vector.broadcast %add3A_302 : i32 to vector<16xi32>
          %add3A_304 = arith.addi %broadcast_in_dim3A_294, %add3A_303 : vector<16xi32>
          %scatter3A_305 = arith.constant 0 : i32
          %scatter3A_306 = arith.constant 0 : i32
          %scatter3A_307 = arith.constant 0 : i32
          %scatter3A_308 = tpu.memref_slice %arg19[%scatter3A_305, %scatter3A_306, %scatter3A_307] : memref<6x128x33xf32, #tpu.memory_space<vmem>> -> memref<1x128x33xf32, #tpu.memory_space<vmem>>
          %scatter3A_309 = tpu.memref_squeeze %scatter3A_308 : memref<1x128x33xf32, #tpu.memory_space<vmem>> -> memref<128x33xf32, #tpu.memory_space<vmem>>
          tpu.vector_store_idx %scatter3A_309[%add3A_244, %add3A_304], %gather3A_301 : memref<128x33xf32, #tpu.memory_space<vmem>>[vector<16xi32>, vector<16xi32>], vector<16xf32>,
          %broadcast_in_dim3A_310 = arith.constant 4 : i32
          %broadcast_in_dim3A_311 = vector.broadcast %broadcast_in_dim3A_310 : i32 to vector<16xi32>
          %gather3A_312 = tpu.vector_load_idx %arg20[%mul3A_237, %broadcast_in_dim3A_311] : memref<80x17xf32, #tpu.memory_space<vmem>>[vector<16xi32>, vector<16xi32>], vector<16xf32>,
          %scatter3A_313 = arith.constant 0 : i32
          %scatter3A_314 = arith.constant 0 : i32
          %scatter3A_315 = arith.constant 0 : i32
          %scatter3A_316 = tpu.memref_slice %arg19[%scatter3A_313, %scatter3A_314, %scatter3A_315] : memref<6x128x33xf32, #tpu.memory_space<vmem>> -> memref<1x128x33xf32, #tpu.memory_space<vmem>>
          %scatter3A_317 = tpu.memref_squeeze %scatter3A_316 : memref<1x128x33xf32, #tpu.memory_space<vmem>> -> memref<128x33xf32, #tpu.memory_space<vmem>>
          tpu.vector_store_idx %scatter3A_317[%add3A_244, %broadcast_in_dim3A_311], %gather3A_312 : memref<128x33xf32, #tpu.memory_space<vmem>>[vector<16xi32>, vector<16xi32>], vector<16xf32>,
          %gather3A_318 = tpu.vector_load_idx %arg21[%mul3A_240, %broadcast_in_dim3A_311] : memref<80x17xf32, #tpu.memory_space<vmem>>[vector<16xi32>, vector<16xi32>], vector<16xf32>,
          %add3A_319 = arith.constant 16 : i32
          %add3A_320 = vector.broadcast %add3A_319 : i32 to vector<16xi32>
          %add3A_321 = arith.addi %broadcast_in_dim3A_311, %add3A_320 : vector<16xi32>
          %scatter3A_322 = arith.constant 0 : i32
          %scatter3A_323 = arith.constant 0 : i32
          %scatter3A_324 = arith.constant 0 : i32
          %scatter3A_325 = tpu.memref_slice %arg19[%scatter3A_322, %scatter3A_323, %scatter3A_324] : memref<6x128x33xf32, #tpu.memory_space<vmem>> -> memref<1x128x33xf32, #tpu.memory_space<vmem>>
          %scatter3A_326 = tpu.memref_squeeze %scatter3A_325 : memref<1x128x33xf32, #tpu.memory_space<vmem>> -> memref<128x33xf32, #tpu.memory_space<vmem>>
          tpu.vector_store_idx %scatter3A_326[%add3A_244, %add3A_321], %gather3A_318 : memref<128x33xf32, #tpu.memory_space<vmem>>[vector<16xi32>, vector<16xi32>], vector<16xf32>,
          %broadcast_in_dim3A_327 = arith.constant 5 : i32
          %broadcast_in_dim3A_328 = vector.broadcast %broadcast_in_dim3A_327 : i32 to vector<16xi32>
          %gather3A_329 = tpu.vector_load_idx %arg20[%mul3A_237, %broadcast_in_dim3A_328] : memref<80x17xf32, #tpu.memory_space<vmem>>[vector<16xi32>, vector<16xi32>], vector<16xf32>,
          %scatter3A_330 = arith.constant 0 : i32
          %scatter3A_331 = arith.constant 0 : i32
          %scatter3A_332 = arith.constant 0 : i32
          %scatter3A_333 = tpu.memref_slice %arg19[%scatter3A_330, %scatter3A_331, %scatter3A_332] : memref<6x128x33xf32, #tpu.memory_space<vmem>> -> memref<1x128x33xf32, #tpu.memory_space<vmem>>
          %scatter3A_334 = tpu.memref_squeeze %scatter3A_333 : memref<1x128x33xf32, #tpu.memory_space<vmem>> -> memref<128x33xf32, #tpu.memory_space<vmem>>
          tpu.vector_store_idx %scatter3A_334[%add3A_244, %broadcast_in_dim3A_328], %gather3A_329 : memref<128x33xf32, #tpu.memory_space<vmem>>[vector<16xi32>, vector<16xi32>], vector<16xf32>,
          %gather3A_335 = tpu.vector_load_idx %arg21[%mul3A_240, %broadcast_in_dim3A_328] : memref<80x17xf32, #tpu.memory_space<vmem>>[vector<16xi32>, vector<16xi32>], vector<16xf32>,
          %add3A_336 = arith.constant 16 : i32
          %add3A_337 = vector.broadcast %add3A_336 : i32 to vector<16xi32>
          %add3A_338 = arith.addi %broadcast_in_dim3A_328, %add3A_337 : vector<16xi32>
          %scatter3A_339 = arith.constant 0 : i32
          %scatter3A_340 = arith.constant 0 : i32
          %scatter3A_341 = arith.constant 0 : i32
          %scatter3A_342 = tpu.memref_slice %arg19[%scatter3A_339, %scatter3A_340, %scatter3A_341] : memref<6x128x33xf32, #tpu.memory_space<vmem>> -> memref<1x128x33xf32, #tpu.memory_space<vmem>>
          %scatter3A_343 = tpu.memref_squeeze %scatter3A_342 : memref<1x128x33xf32, #tpu.memory_space<vmem>> -> memref<128x33xf32, #tpu.memory_space<vmem>>
          tpu.vector_store_idx %scatter3A_343[%add3A_244, %add3A_338], %gather3A_335 : memref<128x33xf32, #tpu.memory_space<vmem>>[vector<16xi32>, vector<16xi32>], vector<16xf32>,
          %broadcast_in_dim3A_344 = arith.constant 6 : i32
          %broadcast_in_dim3A_345 = vector.broadcast %broadcast_in_dim3A_344 : i32 to vector<16xi32>
          %gather3A_346 = tpu.vector_load_idx %arg20[%mul3A_237, %broadcast_in_dim3A_345] : memref<80x17xf32, #tpu.memory_space<vmem>>[vector<16xi32>, vector<16xi32>], vector<16xf32>,
          %scatter3A_347 = arith.constant 0 : i32
          %scatter3A_348 = arith.constant 0 : i32
          %scatter3A_349 = arith.constant 0 : i32
          %scatter3A_350 = tpu.memref_slice %arg19[%scatter3A_347, %scatter3A_348, %scatter3A_349] : memref<6x128x33xf32, #tpu.memory_space<vmem>> -> memref<1x128x33xf32, #tpu.memory_space<vmem>>
          %scatter3A_351 = tpu.memref_squeeze %scatter3A_350 : memref<1x128x33xf32, #tpu.memory_space<vmem>> -> memref<128x33xf32, #tpu.memory_space<vmem>>
          tpu.vector_store_idx %scatter3A_351[%add3A_244, %broadcast_in_dim3A_345], %gather3A_346 : memref<128x33xf32, #tpu.memory_space<vmem>>[vector<16xi32>, vector<16xi32>], vector<16xf32>,
          %gather3A_352 = tpu.vector_load_idx %arg21[%mul3A_240, %broadcast_in_dim3A_345] : memref<80x17xf32, #tpu.memory_space<vmem>>[vector<16xi32>, vector<16xi32>], vector<16xf32>,
          %add3A_353 = arith.constant 16 : i32
          %add3A_354 = vector.broadcast %add3A_353 : i32 to vector<16xi32>
          %add3A_355 = arith.addi %broadcast_in_dim3A_345, %add3A_354 : vector<16xi32>
          %scatter3A_356 = arith.constant 0 : i32
          %scatter3A_357 = arith.constant 0 : i32
          %scatter3A_358 = arith.constant 0 : i32
          %scatter3A_359 = tpu.memref_slice %arg19[%scatter3A_356, %scatter3A_357, %scatter3A_358] : memref<6x128x33xf32, #tpu.memory_space<vmem>> -> memref<1x128x33xf32, #tpu.memory_space<vmem>>
          %scatter3A_360 = tpu.memref_squeeze %scatter3A_359 : memref<1x128x33xf32, #tpu.memory_space<vmem>> -> memref<128x33xf32, #tpu.memory_space<vmem>>
          tpu.vector_store_idx %scatter3A_360[%add3A_244, %add3A_355], %gather3A_352 : memref<128x33xf32, #tpu.memory_space<vmem>>[vector<16xi32>, vector<16xi32>], vector<16xf32>,
          %broadcast_in_dim3A_361 = arith.constant 7 : i32
          %broadcast_in_dim3A_362 = vector.broadcast %broadcast_in_dim3A_361 : i32 to vector<16xi32>
          %gather3A_363 = tpu.vector_load_idx %arg20[%mul3A_237, %broadcast_in_dim3A_362] : memref<80x17xf32, #tpu.memory_space<vmem>>[vector<16xi32>, vector<16xi32>], vector<16xf32>,
          %scatter3A_364 = arith.constant 0 : i32
          %scatter3A_365 = arith.constant 0 : i32
          %scatter3A_366 = arith.constant 0 : i32
          %scatter3A_367 = tpu.memref_slice %arg19[%scatter3A_364, %scatter3A_365, %scatter3A_366] : memref<6x128x33xf32, #tpu.memory_space<vmem>> -> memref<1x128x33xf32, #tpu.memory_space<vmem>>
          %scatter3A_368 = tpu.memref_squeeze %scatter3A_367 : memref<1x128x33xf32, #tpu.memory_space<vmem>> -> memref<128x33xf32, #tpu.memory_space<vmem>>
          tpu.vector_store_idx %scatter3A_368[%add3A_244, %broadcast_in_dim3A_362], %gather3A_363 : memref<128x33xf32, #tpu.memory_space<vmem>>[vector<16xi32>, vector<16xi32>], vector<16xf32>,
          %gather3A_369 = tpu.vector_load_idx %arg21[%mul3A_240, %broadcast_in_dim3A_362] : memref<80x17xf32, #tpu.memory_space<vmem>>[vector<16xi32>, vector<16xi32>], vector<16xf32>,
          %add3A_370 = arith.constant 16 : i32
          %add3A_371 = vector.broadcast %add3A_370 : i32 to vector<16xi32>
          %add3A_372 = arith.addi %broadcast_in_dim3A_362, %add3A_371 : vector<16xi32>
          %scatter3A_373 = arith.constant 0 : i32
          %scatter3A_374 = arith.constant 0 : i32
          %scatter3A_375 = arith.constant 0 : i32
          %scatter3A_376 = tpu.memref_slice %arg19[%scatter3A_373, %scatter3A_374, %scatter3A_375] : memref<6x128x33xf32, #tpu.memory_space<vmem>> -> memref<1x128x33xf32, #tpu.memory_space<vmem>>
          %scatter3A_377 = tpu.memref_squeeze %scatter3A_376 : memref<1x128x33xf32, #tpu.memory_space<vmem>> -> memref<128x33xf32, #tpu.memory_space<vmem>>
          tpu.vector_store_idx %scatter3A_377[%add3A_244, %add3A_372], %gather3A_369 : memref<128x33xf32, #tpu.memory_space<vmem>>[vector<16xi32>, vector<16xi32>], vector<16xf32>,
          %broadcast_in_dim3A_378 = arith.constant 8 : i32
          %broadcast_in_dim3A_379 = vector.broadcast %broadcast_in_dim3A_378 : i32 to vector<16xi32>
          %gather3A_380 = tpu.vector_load_idx %arg20[%mul3A_237, %broadcast_in_dim3A_379] : memref<80x17xf32, #tpu.memory_space<vmem>>[vector<16xi32>, vector<16xi32>], vector<16xf32>,
          %scatter3A_381 = arith.constant 0 : i32
          %scatter3A_382 = arith.constant 0 : i32
          %scatter3A_383 = arith.constant 0 : i32
          %scatter3A_384 = tpu.memref_slice %arg19[%scatter3A_381, %scatter3A_382, %scatter3A_383] : memref<6x128x33xf32, #tpu.memory_space<vmem>> -> memref<1x128x33xf32, #tpu.memory_space<vmem>>
          %scatter3A_385 = tpu.memref_squeeze %scatter3A_384 : memref<1x128x33xf32, #tpu.memory_space<vmem>> -> memref<128x33xf32, #tpu.memory_space<vmem>>
          tpu.vector_store_idx %scatter3A_385[%add3A_244, %broadcast_in_dim3A_379], %gather3A_380 : memref<128x33xf32, #tpu.memory_space<vmem>>[vector<16xi32>, vector<16xi32>], vector<16xf32>,
          %gather3A_386 = tpu.vector_load_idx %arg21[%mul3A_240, %broadcast_in_dim3A_379] : memref<80x17xf32, #tpu.memory_space<vmem>>[vector<16xi32>, vector<16xi32>], vector<16xf32>,
          %add3A_387 = arith.constant 16 : i32
          %add3A_388 = vector.broadcast %add3A_387 : i32 to vector<16xi32>
          %add3A_389 = arith.addi %broadcast_in_dim3A_379, %add3A_388 : vector<16xi32>
          %scatter3A_390 = arith.constant 0 : i32
          %scatter3A_391 = arith.constant 0 : i32
          %scatter3A_392 = arith.constant 0 : i32
          %scatter3A_393 = tpu.memref_slice %arg19[%scatter3A_390, %scatter3A_391, %scatter3A_392] : memref<6x128x33xf32, #tpu.memory_space<vmem>> -> memref<1x128x33xf32, #tpu.memory_space<vmem>>
          %scatter3A_394 = tpu.memref_squeeze %scatter3A_393 : memref<1x128x33xf32, #tpu.memory_space<vmem>> -> memref<128x33xf32, #tpu.memory_space<vmem>>
          tpu.vector_store_idx %scatter3A_394[%add3A_244, %add3A_389], %gather3A_386 : memref<128x33xf32, #tpu.memory_space<vmem>>[vector<16xi32>, vector<16xi32>], vector<16xf32>,
          %broadcast_in_dim3A_395 = arith.constant 9 : i32
          %broadcast_in_dim3A_396 = vector.broadcast %broadcast_in_dim3A_395 : i32 to vector<16xi32>
          %gather3A_397 = tpu.vector_load_idx %arg20[%mul3A_237, %broadcast_in_dim3A_396] : memref<80x17xf32, #tpu.memory_space<vmem>>[vector<16xi32>, vector<16xi32>], vector<16xf32>,
          %scatter3A_398 = arith.constant 0 : i32
          %scatter3A_399 = arith.constant 0 : i32
          %scatter3A_400 = arith.constant 0 : i32
          %scatter3A_401 = tpu.memref_slice %arg19[%scatter3A_398, %scatter3A_399, %scatter3A_400] : memref<6x128x33xf32, #tpu.memory_space<vmem>> -> memref<1x128x33xf32, #tpu.memory_space<vmem>>
          %scatter3A_402 = tpu.memref_squeeze %scatter3A_401 : memref<1x128x33xf32, #tpu.memory_space<vmem>> -> memref<128x33xf32, #tpu.memory_space<vmem>>
          tpu.vector_store_idx %scatter3A_402[%add3A_244, %broadcast_in_dim3A_396], %gather3A_397 : memref<128x33xf32, #tpu.memory_space<vmem>>[vector<16xi32>, vector<16xi32>], vector<16xf32>,
          %gather3A_403 = tpu.vector_load_idx %arg21[%mul3A_240, %broadcast_in_dim3A_396] : memref<80x17xf32, #tpu.memory_space<vmem>>[vector<16xi32>, vector<16xi32>], vector<16xf32>,
          %add3A_404 = arith.constant 16 : i32
          %add3A_405 = vector.broadcast %add3A_404 : i32 to vector<16xi32>
          %add3A_406 = arith.addi %broadcast_in_dim3A_396, %add3A_405 : vector<16xi32>
          %scatter3A_407 = arith.constant 0 : i32
          %scatter3A_408 = arith.constant 0 : i32
          %scatter3A_409 = arith.constant 0 : i32
          %scatter3A_410 = tpu.memref_slice %arg19[%scatter3A_407, %scatter3A_408, %scatter3A_409] : memref<6x128x33xf32, #tpu.memory_space<vmem>> -> memref<1x128x33xf32, #tpu.memory_space<vmem>>
          %scatter3A_411 = tpu.memref_squeeze %scatter3A_410 : memref<1x128x33xf32, #tpu.memory_space<vmem>> -> memref<128x33xf32, #tpu.memory_space<vmem>>
          tpu.vector_store_idx %scatter3A_411[%add3A_244, %add3A_406], %gather3A_403 : memref<128x33xf32, #tpu.memory_space<vmem>>[vector<16xi32>, vector<16xi32>], vector<16xf32>,
          %broadcast_in_dim3A_412 = arith.constant 10 : i32
          %broadcast_in_dim3A_413 = vector.broadcast %broadcast_in_dim3A_412 : i32 to vector<16xi32>
          %gather3A_414 = tpu.vector_load_idx %arg20[%mul3A_237, %broadcast_in_dim3A_413] : memref<80x17xf32, #tpu.memory_space<vmem>>[vector<16xi32>, vector<16xi32>], vector<16xf32>,
          %scatter3A_415 = arith.constant 0 : i32
          %scatter3A_416 = arith.constant 0 : i32
          %scatter3A_417 = arith.constant 0 : i32
          %scatter3A_418 = tpu.memref_slice %arg19[%scatter3A_415, %scatter3A_416, %scatter3A_417] : memref<6x128x33xf32, #tpu.memory_space<vmem>> -> memref<1x128x33xf32, #tpu.memory_space<vmem>>
          %scatter3A_419 = tpu.memref_squeeze %scatter3A_418 : memref<1x128x33xf32, #tpu.memory_space<vmem>> -> memref<128x33xf32, #tpu.memory_space<vmem>>
          tpu.vector_store_idx %scatter3A_419[%add3A_244, %broadcast_in_dim3A_413], %gather3A_414 : memref<128x33xf32, #tpu.memory_space<vmem>>[vector<16xi32>, vector<16xi32>], vector<16xf32>,
          %gather3A_420 = tpu.vector_load_idx %arg21[%mul3A_240, %broadcast_in_dim3A_413] : memref<80x17xf32, #tpu.memory_space<vmem>>[vector<16xi32>, vector<16xi32>], vector<16xf32>,
          %add3A_421 = arith.constant 16 : i32
          %add3A_422 = vector.broadcast %add3A_421 : i32 to vector<16xi32>
          %add3A_423 = arith.addi %broadcast_in_dim3A_413, %add3A_422 : vector<16xi32>
          %scatter3A_424 = arith.constant 0 : i32
          %scatter3A_425 = arith.constant 0 : i32
          %scatter3A_426 = arith.constant 0 : i32
          %scatter3A_427 = tpu.memref_slice %arg19[%scatter3A_424, %scatter3A_425, %scatter3A_426] : memref<6x128x33xf32, #tpu.memory_space<vmem>> -> memref<1x128x33xf32, #tpu.memory_space<vmem>>
          %scatter3A_428 = tpu.memref_squeeze %scatter3A_427 : memref<1x128x33xf32, #tpu.memory_space<vmem>> -> memref<128x33xf32, #tpu.memory_space<vmem>>
          tpu.vector_store_idx %scatter3A_428[%add3A_244, %add3A_423], %gather3A_420 : memref<128x33xf32, #tpu.memory_space<vmem>>[vector<16xi32>, vector<16xi32>], vector<16xf32>,
          %broadcast_in_dim3A_429 = arith.constant 11 : i32
          %broadcast_in_dim3A_430 = vector.broadcast %broadcast_in_dim3A_429 : i32 to vector<16xi32>
          %gather3A_431 = tpu.vector_load_idx %arg20[%mul3A_237, %broadcast_in_dim3A_430] : memref<80x17xf32, #tpu.memory_space<vmem>>[vector<16xi32>, vector<16xi32>], vector<16xf32>,
          %scatter3A_432 = arith.constant 0 : i32
          %scatter3A_433 = arith.constant 0 : i32
          %scatter3A_434 = arith.constant 0 : i32
          %scatter3A_435 = tpu.memref_slice %arg19[%scatter3A_432, %scatter3A_433, %scatter3A_434] : memref<6x128x33xf32, #tpu.memory_space<vmem>> -> memref<1x128x33xf32, #tpu.memory_space<vmem>>
          %scatter3A_436 = tpu.memref_squeeze %scatter3A_435 : memref<1x128x33xf32, #tpu.memory_space<vmem>> -> memref<128x33xf32, #tpu.memory_space<vmem>>
          tpu.vector_store_idx %scatter3A_436[%add3A_244, %broadcast_in_dim3A_430], %gather3A_431 : memref<128x33xf32, #tpu.memory_space<vmem>>[vector<16xi32>, vector<16xi32>], vector<16xf32>,
          %gather3A_437 = tpu.vector_load_idx %arg21[%mul3A_240, %broadcast_in_dim3A_430] : memref<80x17xf32, #tpu.memory_space<vmem>>[vector<16xi32>, vector<16xi32>], vector<16xf32>,
          %add3A_438 = arith.constant 16 : i32
          %add3A_439 = vector.broadcast %add3A_438 : i32 to vector<16xi32>
          %add3A_440 = arith.addi %broadcast_in_dim3A_430, %add3A_439 : vector<16xi32>
          %scatter3A_441 = arith.constant 0 : i32
          %scatter3A_442 = arith.constant 0 : i32
          %scatter3A_443 = arith.constant 0 : i32
          %scatter3A_444 = tpu.memref_slice %arg19[%scatter3A_441, %scatter3A_442, %scatter3A_443] : memref<6x128x33xf32, #tpu.memory_space<vmem>> -> memref<1x128x33xf32, #tpu.memory_space<vmem>>
          %scatter3A_445 = tpu.memref_squeeze %scatter3A_444 : memref<1x128x33xf32, #tpu.memory_space<vmem>> -> memref<128x33xf32, #tpu.memory_space<vmem>>
          tpu.vector_store_idx %scatter3A_445[%add3A_244, %add3A_440], %gather3A_437 : memref<128x33xf32, #tpu.memory_space<vmem>>[vector<16xi32>, vector<16xi32>], vector<16xf32>,
          %broadcast_in_dim3A_446 = arith.constant 12 : i32
          %broadcast_in_dim3A_447 = vector.broadcast %broadcast_in_dim3A_446 : i32 to vector<16xi32>
          %gather3A_448 = tpu.vector_load_idx %arg20[%mul3A_237, %broadcast_in_dim3A_447] : memref<80x17xf32, #tpu.memory_space<vmem>>[vector<16xi32>, vector<16xi32>], vector<16xf32>,
          %scatter3A_449 = arith.constant 0 : i32
          %scatter3A_450 = arith.constant 0 : i32
          %scatter3A_451 = arith.constant 0 : i32
          %scatter3A_452 = tpu.memref_slice %arg19[%scatter3A_449, %scatter3A_450, %scatter3A_451] : memref<6x128x33xf32, #tpu.memory_space<vmem>> -> memref<1x128x33xf32, #tpu.memory_space<vmem>>
          %scatter3A_453 = tpu.memref_squeeze %scatter3A_452 : memref<1x128x33xf32, #tpu.memory_space<vmem>> -> memref<128x33xf32, #tpu.memory_space<vmem>>
          tpu.vector_store_idx %scatter3A_453[%add3A_244, %broadcast_in_dim3A_447], %gather3A_448 : memref<128x33xf32, #tpu.memory_space<vmem>>[vector<16xi32>, vector<16xi32>], vector<16xf32>,
          %gather3A_454 = tpu.vector_load_idx %arg21[%mul3A_240, %broadcast_in_dim3A_447] : memref<80x17xf32, #tpu.memory_space<vmem>>[vector<16xi32>, vector<16xi32>], vector<16xf32>,
          %add3A_455 = arith.constant 16 : i32
          %add3A_456 = vector.broadcast %add3A_455 : i32 to vector<16xi32>
          %add3A_457 = arith.addi %broadcast_in_dim3A_447, %add3A_456 : vector<16xi32>
          %scatter3A_458 = arith.constant 0 : i32
          %scatter3A_459 = arith.constant 0 : i32
          %scatter3A_460 = arith.constant 0 : i32
          %scatter3A_461 = tpu.memref_slice %arg19[%scatter3A_458, %scatter3A_459, %scatter3A_460] : memref<6x128x33xf32, #tpu.memory_space<vmem>> -> memref<1x128x33xf32, #tpu.memory_space<vmem>>
          %scatter3A_462 = tpu.memref_squeeze %scatter3A_461 : memref<1x128x33xf32, #tpu.memory_space<vmem>> -> memref<128x33xf32, #tpu.memory_space<vmem>>
          tpu.vector_store_idx %scatter3A_462[%add3A_244, %add3A_457], %gather3A_454 : memref<128x33xf32, #tpu.memory_space<vmem>>[vector<16xi32>, vector<16xi32>], vector<16xf32>,
          %broadcast_in_dim3A_463 = arith.constant 13 : i32
          %broadcast_in_dim3A_464 = vector.broadcast %broadcast_in_dim3A_463 : i32 to vector<16xi32>
          %gather3A_465 = tpu.vector_load_idx %arg20[%mul3A_237, %broadcast_in_dim3A_464] : memref<80x17xf32, #tpu.memory_space<vmem>>[vector<16xi32>, vector<16xi32>], vector<16xf32>,
          %scatter3A_466 = arith.constant 0 : i32
          %scatter3A_467 = arith.constant 0 : i32
          %scatter3A_468 = arith.constant 0 : i32
          %scatter3A_469 = tpu.memref_slice %arg19[%scatter3A_466, %scatter3A_467, %scatter3A_468] : memref<6x128x33xf32, #tpu.memory_space<vmem>> -> memref<1x128x33xf32, #tpu.memory_space<vmem>>
          %scatter3A_470 = tpu.memref_squeeze %scatter3A_469 : memref<1x128x33xf32, #tpu.memory_space<vmem>> -> memref<128x33xf32, #tpu.memory_space<vmem>>
          tpu.vector_store_idx %scatter3A_470[%add3A_244, %broadcast_in_dim3A_464], %gather3A_465 : memref<128x33xf32, #tpu.memory_space<vmem>>[vector<16xi32>, vector<16xi32>], vector<16xf32>,
          %gather3A_471 = tpu.vector_load_idx %arg21[%mul3A_240, %broadcast_in_dim3A_464] : memref<80x17xf32, #tpu.memory_space<vmem>>[vector<16xi32>, vector<16xi32>], vector<16xf32>,
          %add3A_472 = arith.constant 16 : i32
          %add3A_473 = vector.broadcast %add3A_472 : i32 to vector<16xi32>
          %add3A_474 = arith.addi %broadcast_in_dim3A_464, %add3A_473 : vector<16xi32>
          %scatter3A_475 = arith.constant 0 : i32
          %scatter3A_476 = arith.constant 0 : i32
          %scatter3A_477 = arith.constant 0 : i32
          %scatter3A_478 = tpu.memref_slice %arg19[%scatter3A_475, %scatter3A_476, %scatter3A_477] : memref<6x128x33xf32, #tpu.memory_space<vmem>> -> memref<1x128x33xf32, #tpu.memory_space<vmem>>
          %scatter3A_479 = tpu.memref_squeeze %scatter3A_478 : memref<1x128x33xf32, #tpu.memory_space<vmem>> -> memref<128x33xf32, #tpu.memory_space<vmem>>
          tpu.vector_store_idx %scatter3A_479[%add3A_244, %add3A_474], %gather3A_471 : memref<128x33xf32, #tpu.memory_space<vmem>>[vector<16xi32>, vector<16xi32>], vector<16xf32>,
          %broadcast_in_dim3A_480 = arith.constant 14 : i32
          %broadcast_in_dim3A_481 = vector.broadcast %broadcast_in_dim3A_480 : i32 to vector<16xi32>
          %gather3A_482 = tpu.vector_load_idx %arg20[%mul3A_237, %broadcast_in_dim3A_481] : memref<80x17xf32, #tpu.memory_space<vmem>>[vector<16xi32>, vector<16xi32>], vector<16xf32>,
          %scatter3A_483 = arith.constant 0 : i32
          %scatter3A_484 = arith.constant 0 : i32
          %scatter3A_485 = arith.constant 0 : i32
          %scatter3A_486 = tpu.memref_slice %arg19[%scatter3A_483, %scatter3A_484, %scatter3A_485] : memref<6x128x33xf32, #tpu.memory_space<vmem>> -> memref<1x128x33xf32, #tpu.memory_space<vmem>>
          %scatter3A_487 = tpu.memref_squeeze %scatter3A_486 : memref<1x128x33xf32, #tpu.memory_space<vmem>> -> memref<128x33xf32, #tpu.memory_space<vmem>>
          tpu.vector_store_idx %scatter3A_487[%add3A_244, %broadcast_in_dim3A_481], %gather3A_482 : memref<128x33xf32, #tpu.memory_space<vmem>>[vector<16xi32>, vector<16xi32>], vector<16xf32>,
          %gather3A_488 = tpu.vector_load_idx %arg21[%mul3A_240, %broadcast_in_dim3A_481] : memref<80x17xf32, #tpu.memory_space<vmem>>[vector<16xi32>, vector<16xi32>], vector<16xf32>,
          %add3A_489 = arith.constant 16 : i32
          %add3A_490 = vector.broadcast %add3A_489 : i32 to vector<16xi32>
          %add3A_491 = arith.addi %broadcast_in_dim3A_481, %add3A_490 : vector<16xi32>
          %scatter3A_492 = arith.constant 0 : i32
          %scatter3A_493 = arith.constant 0 : i32
          %scatter3A_494 = arith.constant 0 : i32
          %scatter3A_495 = tpu.memref_slice %arg19[%scatter3A_492, %scatter3A_493, %scatter3A_494] : memref<6x128x33xf32, #tpu.memory_space<vmem>> -> memref<1x128x33xf32, #tpu.memory_space<vmem>>
          %scatter3A_496 = tpu.memref_squeeze %scatter3A_495 : memref<1x128x33xf32, #tpu.memory_space<vmem>> -> memref<128x33xf32, #tpu.memory_space<vmem>>
          tpu.vector_store_idx %scatter3A_496[%add3A_244, %add3A_491], %gather3A_488 : memref<128x33xf32, #tpu.memory_space<vmem>>[vector<16xi32>, vector<16xi32>], vector<16xf32>,
          %broadcast_in_dim3A_497 = arith.constant 15 : i32
          %broadcast_in_dim3A_498 = vector.broadcast %broadcast_in_dim3A_497 : i32 to vector<16xi32>
          %gather3A_499 = tpu.vector_load_idx %arg20[%mul3A_237, %broadcast_in_dim3A_498] : memref<80x17xf32, #tpu.memory_space<vmem>>[vector<16xi32>, vector<16xi32>], vector<16xf32>,
          %scatter3A_500 = arith.constant 0 : i32
          %scatter3A_501 = arith.constant 0 : i32
          %scatter3A_502 = arith.constant 0 : i32
          %scatter3A_503 = tpu.memref_slice %arg19[%scatter3A_500, %scatter3A_501, %scatter3A_502] : memref<6x128x33xf32, #tpu.memory_space<vmem>> -> memref<1x128x33xf32, #tpu.memory_space<vmem>>
          %scatter3A_504 = tpu.memref_squeeze %scatter3A_503 : memref<1x128x33xf32, #tpu.memory_space<vmem>> -> memref<128x33xf32, #tpu.memory_space<vmem>>
          tpu.vector_store_idx %scatter3A_504[%add3A_244, %broadcast_in_dim3A_498], %gather3A_499 : memref<128x33xf32, #tpu.memory_space<vmem>>[vector<16xi32>, vector<16xi32>], vector<16xf32>,
          %gather3A_505 = tpu.vector_load_idx %arg21[%mul3A_240, %broadcast_in_dim3A_498] : memref<80x17xf32, #tpu.memory_space<vmem>>[vector<16xi32>, vector<16xi32>], vector<16xf32>,
          %add3A_506 = arith.constant 16 : i32
          %add3A_507 = vector.broadcast %add3A_506 : i32 to vector<16xi32>
          %add3A_508 = arith.addi %broadcast_in_dim3A_498, %add3A_507 : vector<16xi32>
          %scatter3A_509 = arith.constant 0 : i32
          %scatter3A_510 = arith.constant 0 : i32
          %scatter3A_511 = arith.constant 0 : i32
          %scatter3A_512 = tpu.memref_slice %arg19[%scatter3A_509, %scatter3A_510, %scatter3A_511] : memref<6x128x33xf32, #tpu.memory_space<vmem>> -> memref<1x128x33xf32, #tpu.memory_space<vmem>>
          %scatter3A_513 = tpu.memref_squeeze %scatter3A_512 : memref<1x128x33xf32, #tpu.memory_space<vmem>> -> memref<128x33xf32, #tpu.memory_space<vmem>>
          tpu.vector_store_idx %scatter3A_513[%add3A_244, %add3A_508], %gather3A_505 : memref<128x33xf32, #tpu.memory_space<vmem>>[vector<16xi32>, vector<16xi32>], vector<16xf32>,
        }
        %scan3A_229 = arith.constant 8 : i32
      } else {
      }
      %ge3A_73 = arith.constant 2 : i32
      %ge3A_74 = arith.cmpi sge, %add3A_64, %ge3A_73 : i32
      %lt3A_75 = arith.constant 52 : i32
      %lt3A_76 = arith.cmpi slt, %add3A_64, %lt3A_75 : i32
      %and3A_77 = arith.andi %ge3A_74, %lt3A_76 : i1
      %convert_element_type3A_78 = arith.extui %and3A_77 : i1 to i32
      %cond3A_79 = arith.constant 0 : i32
      %cond3A_80 = arith.cmpi ne, %convert_element_type3A_78, %cond3A_79 : i32
      scf.if %cond3A_80 {
        %sub3A = arith.constant 2 : i32
        %sub3A_206 = arith.subi %add3A_64, %sub3A : i32
        %mul3A_207 = arith.constant 128 : i32
        %mul3A_208 = arith.muli %sub3A_206, %mul3A_207 : i32
        %add3A_209 = arith.constant 0 : i32
        %add3A_210 = arith.addi %mul3A_208, %add3A_209 : i32
        %dma_wait3A_211 = arith.constant 4 : i32
        %dma_wait3A_212 = arith.constant 4 : i32
        %dma_wait3A_213 = arith.constant 0 : i32
        %dma_wait3A_214 = arith.constant 0 : i32
        %dma_wait3A_215 = tpu.memref_slice %arg18[%dma_wait3A_211, %dma_wait3A_213, %dma_wait3A_214] : memref<6x128x64xf32, #tpu.memory_space<vmem>> -> memref<1x128x64xf32, #tpu.memory_space<vmem>>
        %dma_wait3A_216 = tpu.memref_squeeze %dma_wait3A_215 : memref<1x128x64xf32, #tpu.memory_space<vmem>> -> memref<128x64xf32, #tpu.memory_space<vmem>>
        %dma_wait3A_217 = tpu.memref_slice %arg14[%add3A_210] : memref<6400xi32, #tpu.memory_space<vmem>> -> memref<128xi32, #tpu.memory_space<vmem>>
        %dma_wait3A_218 = arith.constant 0 : i32
        %dma_wait3A_219 = arith.constant 0 : i32
        %dma_wait3A_220 = tpu.memref_slice %arg8[%dma_wait3A_218, %dma_wait3A_219] : memref<1000002x64xf32, #tpu.memory_space<hbm>> -> memref<1000002x64xf32, #tpu.memory_space<hbm>>
        %dma_wait3A_221 = tpu.memref_slice %arg24[%dma_wait3A_212] : memref<6x!tpu.dma_semaphore, #tpu.memory_space<semaphore_mem>> -> memref<1x!tpu.dma_semaphore, #tpu.memory_space<semaphore_mem>>
        %dma_wait3A_222 = tpu.memref_squeeze %dma_wait3A_221 : memref<1x!tpu.dma_semaphore, #tpu.memory_space<semaphore_mem>> -> memref<!tpu.dma_semaphore, #tpu.memory_space<semaphore_mem>>
        tpu.wait_indirect_dma semaphore(%dma_wait3A_222 : memref<!tpu.dma_semaphore, #tpu.memory_space<semaphore_mem>>) src(%dma_wait3A_220 : memref<1000002x64xf32, #tpu.memory_space<hbm>>) dst(%dma_wait3A_216 : memref<128x64xf32, #tpu.memory_space<vmem>>)
        %sub3A_223 = arith.constant 2 : i32
        %sub3A_224 = arith.subi %add3A_64, %sub3A_223 : i32
        %mul3A_225 = arith.constant 128 : i32
        %mul3A_226 = arith.muli %sub3A_224, %mul3A_225 : i32
        %add3A_227 = arith.addi %mul3A_2, %mul3A_226 : i32
        %dma_start3A_228 = arith.constant 4 : i32
        %dma_start3A_229 = arith.constant 4 : i32
        %dma_start3A_230 = arith.constant 0 : i32
        %dma_start3A_231 = arith.constant 0 : i32
        %dma_start3A_232 = tpu.memref_slice %arg18[%dma_start3A_228, %dma_start3A_230, %dma_start3A_231] : memref<6x128x64xf32, #tpu.memory_space<vmem>> -> memref<1x128x64xf32, #tpu.memory_space<vmem>>
        %dma_start3A_233 = tpu.memref_squeeze %dma_start3A_232 : memref<1x128x64xf32, #tpu.memory_space<vmem>> -> memref<128x64xf32, #tpu.memory_space<vmem>>
        %dma_start3A_234 = arith.constant 0 : i32
        %dma_start3A_235 = tpu.memref_slice %arg11[%add3A_227, %dma_start3A_234] : memref<204800x96xf32, #tpu.memory_space<hbm>> -> memref<128x64xf32, #tpu.memory_space<hbm>>
        %dma_start3A_236 = tpu.memref_slice %arg25[%dma_start3A_229] : memref<6x!tpu.dma_semaphore, #tpu.memory_space<semaphore_mem>> -> memref<1x!tpu.dma_semaphore, #tpu.memory_space<semaphore_mem>>
        %dma_start3A_237 = tpu.memref_squeeze %dma_start3A_236 : memref<1x!tpu.dma_semaphore, #tpu.memory_space<semaphore_mem>> -> memref<!tpu.dma_semaphore, #tpu.memory_space<semaphore_mem>>
        %dma_start3A_238 = arith.constant 0 : i32
        %dma_start3A_239 = tpu.memref_slice %arg11[%add3A_227, %dma_start3A_238] : memref<204800x96xf32, #tpu.memory_space<hbm>> -> memref<128x64xf32, #tpu.memory_space<hbm>>
        %dma_start3A_240 = arith.constant 0 : i32
        %dma_start3A_241 = arith.constant 0 : i32
        %dma_start3A_242 = tpu.memref_slice %arg18[%dma_start3A_228, %dma_start3A_240, %dma_start3A_241] : memref<6x128x64xf32, #tpu.memory_space<vmem>> -> memref<1x128x64xf32, #tpu.memory_space<vmem>>
        %dma_start3A_243 = tpu.memref_squeeze %dma_start3A_242 : memref<1x128x64xf32, #tpu.memory_space<vmem>> -> memref<128x64xf32, #tpu.memory_space<vmem>>
        tpu.enqueue_dma source(%dma_start3A_243 : memref<128x64xf32, #tpu.memory_space<vmem>>) target(%dma_start3A_239 : memref<128x64xf32, #tpu.memory_space<hbm>>) target_semaphore(%dma_start3A_237 : memref<!tpu.dma_semaphore, #tpu.memory_space<semaphore_mem>>)
        %dma_start3A_244 = arith.constant 4 : i32
        %dma_start3A_245 = arith.constant 4 : i32
        %dma_start3A_246 = arith.constant 0 : i32
        %dma_start3A_247 = arith.constant 0 : i32
        %dma_start3A_248 = tpu.memref_slice %arg19[%dma_start3A_244, %dma_start3A_246, %dma_start3A_247] : memref<6x128x33xf32, #tpu.memory_space<vmem>> -> memref<1x128x32xf32, #tpu.memory_space<vmem>>
        %dma_start3A_249 = tpu.memref_squeeze %dma_start3A_248 : memref<1x128x32xf32, #tpu.memory_space<vmem>> -> memref<128x32xf32, #tpu.memory_space<vmem>>
        %dma_start3A_250 = arith.constant 64 : i32
        %dma_start3A_251 = tpu.memref_slice %arg11[%add3A_227, %dma_start3A_250] : memref<204800x96xf32, #tpu.memory_space<hbm>> -> memref<128x32xf32, #tpu.memory_space<hbm>>
        %dma_start3A_252 = tpu.memref_slice %arg25[%dma_start3A_245] : memref<6x!tpu.dma_semaphore, #tpu.memory_space<semaphore_mem>> -> memref<1x!tpu.dma_semaphore, #tpu.memory_space<semaphore_mem>>
        %dma_start3A_253 = tpu.memref_squeeze %dma_start3A_252 : memref<1x!tpu.dma_semaphore, #tpu.memory_space<semaphore_mem>> -> memref<!tpu.dma_semaphore, #tpu.memory_space<semaphore_mem>>
        %dma_start3A_254 = arith.constant 64 : i32
        %dma_start3A_255 = tpu.memref_slice %arg11[%add3A_227, %dma_start3A_254] : memref<204800x96xf32, #tpu.memory_space<hbm>> -> memref<128x32xf32, #tpu.memory_space<hbm>>
        %dma_start3A_256 = arith.constant 0 : i32
        %dma_start3A_257 = arith.constant 0 : i32
        %dma_start3A_258 = tpu.memref_slice %arg19[%dma_start3A_244, %dma_start3A_256, %dma_start3A_257] : memref<6x128x33xf32, #tpu.memory_space<vmem>> -> memref<1x128x32xf32, #tpu.memory_space<vmem>>
        %dma_start3A_259 = tpu.memref_squeeze %dma_start3A_258 : memref<1x128x32xf32, #tpu.memory_space<vmem>> -> memref<128x32xf32, #tpu.memory_space<vmem>>
        tpu.enqueue_dma source(%dma_start3A_259 : memref<128x32xf32, #tpu.memory_space<vmem>>) target(%dma_start3A_255 : memref<128x32xf32, #tpu.memory_space<hbm>>) target_semaphore(%dma_start3A_253 : memref<!tpu.dma_semaphore, #tpu.memory_space<semaphore_mem>>)
      } else {
      }
      %mul3A_81 = arith.constant 6 : i32
      %mul3A_82 = arith.muli %scan3A_60, %mul3A_81 : i32
      %add3A_83 = arith.constant 1 : i32
      %add3A_84 = arith.addi %mul3A_82, %add3A_83 : i32
      %ge3A_85 = arith.constant 6 : i32
      %ge3A_86 = arith.cmpi sge, %add3A_84, %ge3A_85 : i32
      %lt3A_87 = arith.constant 56 : i32
      %lt3A_88 = arith.cmpi slt, %add3A_84, %lt3A_87 : i32
      %and3A_89 = arith.andi %ge3A_86, %lt3A_88 : i1
      %convert_element_type3A_90 = arith.extui %and3A_89 : i1 to i32
      %cond3A_91 = arith.constant 0 : i32
      %cond3A_92 = arith.cmpi ne, %convert_element_type3A_90, %cond3A_91 : i32
      scf.if %cond3A_92 {
        %sub3A = arith.constant 6 : i32
        %sub3A_206 = arith.subi %add3A_84, %sub3A : i32
        %mul3A_207 = arith.constant 128 : i32
        %mul3A_208 = arith.muli %sub3A_206, %mul3A_207 : i32
        %add3A_209 = arith.addi %mul3A_2, %mul3A_208 : i32
        %dma_wait3A_210 = arith.constant 1 : i32
        %dma_wait3A_211 = arith.constant 1 : i32
        %dma_wait3A_212 = arith.constant 0 : i32
        %dma_wait3A_213 = arith.constant 0 : i32
        %dma_wait3A_214 = tpu.memref_slice %arg18[%dma_wait3A_210, %dma_wait3A_212, %dma_wait3A_213] : memref<6x128x64xf32, #tpu.memory_space<vmem>> -> memref<1x128x64xf32, #tpu.memory_space<vmem>>
        %dma_wait3A_215 = tpu.memref_squeeze %dma_wait3A_214 : memref<1x128x64xf32, #tpu.memory_space<vmem>> -> memref<128x64xf32, #tpu.memory_space<vmem>>
        %dma_wait3A_216 = arith.constant 0 : i32
        %dma_wait3A_217 = tpu.memref_slice %arg11[%add3A_209, %dma_wait3A_216] : memref<204800x96xf32, #tpu.memory_space<hbm>> -> memref<128x64xf32, #tpu.memory_space<hbm>>
        %dma_wait3A_218 = tpu.memref_slice %arg25[%dma_wait3A_211] : memref<6x!tpu.dma_semaphore, #tpu.memory_space<semaphore_mem>> -> memref<1x!tpu.dma_semaphore, #tpu.memory_space<semaphore_mem>>
        %dma_wait3A_219 = tpu.memref_squeeze %dma_wait3A_218 : memref<1x!tpu.dma_semaphore, #tpu.memory_space<semaphore_mem>> -> memref<!tpu.dma_semaphore, #tpu.memory_space<semaphore_mem>>
        %dma_wait3A_220 = arith.constant 0 : i32
        %dma_wait3A_221 = tpu.memref_slice %arg11[%add3A_209, %dma_wait3A_220] : memref<204800x96xf32, #tpu.memory_space<hbm>> -> memref<128x64xf32, #tpu.memory_space<hbm>>
        %dma_wait3A_222 = arith.constant 0 : i32
        %dma_wait3A_223 = arith.constant 0 : i32
        %dma_wait3A_224 = tpu.memref_slice %arg18[%dma_wait3A_210, %dma_wait3A_222, %dma_wait3A_223] : memref<6x128x64xf32, #tpu.memory_space<vmem>> -> memref<1x128x64xf32, #tpu.memory_space<vmem>>
        %dma_wait3A_225 = tpu.memref_squeeze %dma_wait3A_224 : memref<1x128x64xf32, #tpu.memory_space<vmem>> -> memref<128x64xf32, #tpu.memory_space<vmem>>
        tpu.wait_dma2 semaphore(%dma_wait3A_219 : memref<!tpu.dma_semaphore, #tpu.memory_space<semaphore_mem>>) src(%dma_wait3A_225 : memref<128x64xf32, #tpu.memory_space<vmem>>) dst(%dma_wait3A_221 : memref<128x64xf32, #tpu.memory_space<hbm>>)
        %dma_wait3A_226 = arith.constant 1 : i32
        %dma_wait3A_227 = arith.constant 1 : i32
        %dma_wait3A_228 = arith.constant 0 : i32
        %dma_wait3A_229 = arith.constant 0 : i32
        %dma_wait3A_230 = tpu.memref_slice %arg19[%dma_wait3A_226, %dma_wait3A_228, %dma_wait3A_229] : memref<6x128x33xf32, #tpu.memory_space<vmem>> -> memref<1x128x32xf32, #tpu.memory_space<vmem>>
        %dma_wait3A_231 = tpu.memref_squeeze %dma_wait3A_230 : memref<1x128x32xf32, #tpu.memory_space<vmem>> -> memref<128x32xf32, #tpu.memory_space<vmem>>
        %dma_wait3A_232 = arith.constant 64 : i32
        %dma_wait3A_233 = tpu.memref_slice %arg11[%add3A_209, %dma_wait3A_232] : memref<204800x96xf32, #tpu.memory_space<hbm>> -> memref<128x32xf32, #tpu.memory_space<hbm>>
        %dma_wait3A_234 = tpu.memref_slice %arg25[%dma_wait3A_227] : memref<6x!tpu.dma_semaphore, #tpu.memory_space<semaphore_mem>> -> memref<1x!tpu.dma_semaphore, #tpu.memory_space<semaphore_mem>>
        %dma_wait3A_235 = tpu.memref_squeeze %dma_wait3A_234 : memref<1x!tpu.dma_semaphore, #tpu.memory_space<semaphore_mem>> -> memref<!tpu.dma_semaphore, #tpu.memory_space<semaphore_mem>>
        %dma_wait3A_236 = arith.constant 64 : i32
        %dma_wait3A_237 = tpu.memref_slice %arg11[%add3A_209, %dma_wait3A_236] : memref<204800x96xf32, #tpu.memory_space<hbm>> -> memref<128x32xf32, #tpu.memory_space<hbm>>
        %dma_wait3A_238 = arith.constant 0 : i32
        %dma_wait3A_239 = arith.constant 0 : i32
        %dma_wait3A_240 = tpu.memref_slice %arg19[%dma_wait3A_226, %dma_wait3A_238, %dma_wait3A_239] : memref<6x128x33xf32, #tpu.memory_space<vmem>> -> memref<1x128x32xf32, #tpu.memory_space<vmem>>
        %dma_wait3A_241 = tpu.memref_squeeze %dma_wait3A_240 : memref<1x128x32xf32, #tpu.memory_space<vmem>> -> memref<128x32xf32, #tpu.memory_space<vmem>>
        tpu.wait_dma2 semaphore(%dma_wait3A_235 : memref<!tpu.dma_semaphore, #tpu.memory_space<semaphore_mem>>) src(%dma_wait3A_241 : memref<128x32xf32, #tpu.memory_space<vmem>>) dst(%dma_wait3A_237 : memref<128x32xf32, #tpu.memory_space<hbm>>)
      } else {
      }
      %lt3A_93 = arith.constant 50 : i32
      %lt3A_94 = arith.cmpi slt, %add3A_84, %lt3A_93 : i32
      %convert_element_type3A_95 = arith.extui %lt3A_94 : i1 to i32
      %cond3A_96 = arith.constant 0 : i32
      %cond3A_97 = arith.cmpi ne, %convert_element_type3A_95, %cond3A_96 : i32
      scf.if %cond3A_97 {
        %mul3A_206 = arith.constant 128 : i32
        %mul3A_207 = arith.muli %add3A_84, %mul3A_206 : i32
        %add3A_208 = arith.constant 0 : i32
        %add3A_209 = arith.addi %mul3A_207, %add3A_208 : i32
        %dma_start3A_210 = arith.constant 1 : i32
        %dma_start3A_211 = arith.constant 1 : i32
        %dma_start3A_212 = arith.constant 0 : i32
        %dma_start3A_213 = arith.constant 0 : i32
        %dma_start3A_214 = tpu.memref_slice %arg18[%dma_start3A_210, %dma_start3A_212, %dma_start3A_213] : memref<6x128x64xf32, #tpu.memory_space<vmem>> -> memref<1x128x64xf32, #tpu.memory_space<vmem>>
        %dma_start3A_215 = tpu.memref_squeeze %dma_start3A_214 : memref<1x128x64xf32, #tpu.memory_space<vmem>> -> memref<128x64xf32, #tpu.memory_space<vmem>>
        %dma_start3A_216 = tpu.memref_slice %arg14[%add3A_209] : memref<6400xi32, #tpu.memory_space<vmem>> -> memref<128xi32, #tpu.memory_space<vmem>>
        %dma_start3A_217 = arith.constant 0 : i32
        %dma_start3A_218 = arith.constant 0 : i32
        %dma_start3A_219 = tpu.memref_slice %arg8[%dma_start3A_217, %dma_start3A_218] : memref<1000002x64xf32, #tpu.memory_space<hbm>> -> memref<1000002x64xf32, #tpu.memory_space<hbm>>
        %dma_start3A_220 = tpu.memref_slice %arg24[%dma_start3A_211] : memref<6x!tpu.dma_semaphore, #tpu.memory_space<semaphore_mem>> -> memref<1x!tpu.dma_semaphore, #tpu.memory_space<semaphore_mem>>
        %dma_start3A_221 = tpu.memref_squeeze %dma_start3A_220 : memref<1x!tpu.dma_semaphore, #tpu.memory_space<semaphore_mem>> -> memref<!tpu.dma_semaphore, #tpu.memory_space<semaphore_mem>>
        tpu.enqueue_indirect_dma source(%dma_start3A_219 : memref<1000002x64xf32, #tpu.memory_space<hbm>>) target(%dma_start3A_215 : memref<128x64xf32, #tpu.memory_space<vmem>>) offsets(%dma_start3A_216 : memref<128xi32, #tpu.memory_space<vmem>>) semaphore(%dma_start3A_221 : memref<!tpu.dma_semaphore, #tpu.memory_space<semaphore_mem>>)
        %mul3A_222 = arith.constant 128 : i32
        %mul3A_223 = arith.muli %add3A_84, %mul3A_222 : i32
        %scan3A_224 = arith.constant 0 : i32
        %scan3A_225 = arith.constant 0 : i32
        %scan3A_226 = arith.constant 8 : i32
        %scan3A_227 = arith.addi %scan3A_225, %scan3A_226 : i32
        %scan3A_228 = arith.constant 1 : i32
        scf.for %scan3A_230 = %scan3A_225 to %scan3A_227 step %scan3A_228  : i32 {
          %mul3A_231 = arith.constant 16 : i32
          %mul3A_232 = arith.muli %scan3A_230, %mul3A_231 : i32
          %add3A_233 = arith.addi %mul3A_223, %mul3A_232 : i32
          %get3A = arith.index_cast %add3A_233 : i32 to index
          %get3A_234 = tpu.vector_load %arg17[%get3A] {strides = array<i32>} : memref<6400xi32, #tpu.memory_space<vmem>>, vector<16xi32>,
          %get3A_235 = arith.index_cast %add3A_233 : i32 to index
          %get3A_236 = tpu.vector_load %arg15[%get3A_235] {strides = array<i32>} : memref<6400xi32, #tpu.memory_space<vmem>>, vector<16xi32>,
          %mul3A_237 = arith.muli %get3A_236, %get3A_234 : vector<16xi32>
          %get3A_238 = arith.index_cast %add3A_233 : i32 to index
          %get3A_239 = tpu.vector_load %arg16[%get3A_238] {strides = array<i32>} : memref<6400xi32, #tpu.memory_space<vmem>>, vector<16xi32>,
          %mul3A_240 = arith.muli %get3A_239, %get3A_234 : vector<16xi32>
          %mul3A_241 = arith.constant 16 : i32
          %mul3A_242 = arith.muli %scan3A_230, %mul3A_241 : i32
          %add3A_243 = vector.broadcast %mul3A_242 : i32 to vector<16xi32>
          %add3A_244 = arith.addi %iota3A, %add3A_243 : vector<16xi32>
          %broadcast_in_dim3A = arith.constant 0 : i32
          %broadcast_in_dim3A_245 = vector.broadcast %broadcast_in_dim3A : i32 to vector<16xi32>
          %gather3A = tpu.vector_load_idx %arg20[%mul3A_237, %broadcast_in_dim3A_245] : memref<80x17xf32, #tpu.memory_space<vmem>>[vector<16xi32>, vector<16xi32>], vector<16xf32>,
          %scatter3A = arith.constant 1 : i32
          %scatter3A_246 = arith.constant 0 : i32
          %scatter3A_247 = arith.constant 0 : i32
          %scatter3A_248 = tpu.memref_slice %arg19[%scatter3A, %scatter3A_246, %scatter3A_247] : memref<6x128x33xf32, #tpu.memory_space<vmem>> -> memref<1x128x33xf32, #tpu.memory_space<vmem>>
          %scatter3A_249 = tpu.memref_squeeze %scatter3A_248 : memref<1x128x33xf32, #tpu.memory_space<vmem>> -> memref<128x33xf32, #tpu.memory_space<vmem>>
          tpu.vector_store_idx %scatter3A_249[%add3A_244, %broadcast_in_dim3A_245], %gather3A : memref<128x33xf32, #tpu.memory_space<vmem>>[vector<16xi32>, vector<16xi32>], vector<16xf32>,
          %gather3A_250 = tpu.vector_load_idx %arg21[%mul3A_240, %broadcast_in_dim3A_245] : memref<80x17xf32, #tpu.memory_space<vmem>>[vector<16xi32>, vector<16xi32>], vector<16xf32>,
          %add3A_251 = arith.constant 16 : i32
          %add3A_252 = vector.broadcast %add3A_251 : i32 to vector<16xi32>
          %add3A_253 = arith.addi %broadcast_in_dim3A_245, %add3A_252 : vector<16xi32>
          %scatter3A_254 = arith.constant 1 : i32
          %scatter3A_255 = arith.constant 0 : i32
          %scatter3A_256 = arith.constant 0 : i32
          %scatter3A_257 = tpu.memref_slice %arg19[%scatter3A_254, %scatter3A_255, %scatter3A_256] : memref<6x128x33xf32, #tpu.memory_space<vmem>> -> memref<1x128x33xf32, #tpu.memory_space<vmem>>
          %scatter3A_258 = tpu.memref_squeeze %scatter3A_257 : memref<1x128x33xf32, #tpu.memory_space<vmem>> -> memref<128x33xf32, #tpu.memory_space<vmem>>
          tpu.vector_store_idx %scatter3A_258[%add3A_244, %add3A_253], %gather3A_250 : memref<128x33xf32, #tpu.memory_space<vmem>>[vector<16xi32>, vector<16xi32>], vector<16xf32>,
          %broadcast_in_dim3A_259 = arith.constant 1 : i32
          %broadcast_in_dim3A_260 = vector.broadcast %broadcast_in_dim3A_259 : i32 to vector<16xi32>
          %gather3A_261 = tpu.vector_load_idx %arg20[%mul3A_237, %broadcast_in_dim3A_260] : memref<80x17xf32, #tpu.memory_space<vmem>>[vector<16xi32>, vector<16xi32>], vector<16xf32>,
          %scatter3A_262 = arith.constant 1 : i32
          %scatter3A_263 = arith.constant 0 : i32
          %scatter3A_264 = arith.constant 0 : i32
          %scatter3A_265 = tpu.memref_slice %arg19[%scatter3A_262, %scatter3A_263, %scatter3A_264] : memref<6x128x33xf32, #tpu.memory_space<vmem>> -> memref<1x128x33xf32, #tpu.memory_space<vmem>>
          %scatter3A_266 = tpu.memref_squeeze %scatter3A_265 : memref<1x128x33xf32, #tpu.memory_space<vmem>> -> memref<128x33xf32, #tpu.memory_space<vmem>>
          tpu.vector_store_idx %scatter3A_266[%add3A_244, %broadcast_in_dim3A_260], %gather3A_261 : memref<128x33xf32, #tpu.memory_space<vmem>>[vector<16xi32>, vector<16xi32>], vector<16xf32>,
          %gather3A_267 = tpu.vector_load_idx %arg21[%mul3A_240, %broadcast_in_dim3A_260] : memref<80x17xf32, #tpu.memory_space<vmem>>[vector<16xi32>, vector<16xi32>], vector<16xf32>,
          %add3A_268 = arith.constant 16 : i32
          %add3A_269 = vector.broadcast %add3A_268 : i32 to vector<16xi32>
          %add3A_270 = arith.addi %broadcast_in_dim3A_260, %add3A_269 : vector<16xi32>
          %scatter3A_271 = arith.constant 1 : i32
          %scatter3A_272 = arith.constant 0 : i32
          %scatter3A_273 = arith.constant 0 : i32
          %scatter3A_274 = tpu.memref_slice %arg19[%scatter3A_271, %scatter3A_272, %scatter3A_273] : memref<6x128x33xf32, #tpu.memory_space<vmem>> -> memref<1x128x33xf32, #tpu.memory_space<vmem>>
          %scatter3A_275 = tpu.memref_squeeze %scatter3A_274 : memref<1x128x33xf32, #tpu.memory_space<vmem>> -> memref<128x33xf32, #tpu.memory_space<vmem>>
          tpu.vector_store_idx %scatter3A_275[%add3A_244, %add3A_270], %gather3A_267 : memref<128x33xf32, #tpu.memory_space<vmem>>[vector<16xi32>, vector<16xi32>], vector<16xf32>,
          %broadcast_in_dim3A_276 = arith.constant 2 : i32
          %broadcast_in_dim3A_277 = vector.broadcast %broadcast_in_dim3A_276 : i32 to vector<16xi32>
          %gather3A_278 = tpu.vector_load_idx %arg20[%mul3A_237, %broadcast_in_dim3A_277] : memref<80x17xf32, #tpu.memory_space<vmem>>[vector<16xi32>, vector<16xi32>], vector<16xf32>,
          %scatter3A_279 = arith.constant 1 : i32
          %scatter3A_280 = arith.constant 0 : i32
          %scatter3A_281 = arith.constant 0 : i32
          %scatter3A_282 = tpu.memref_slice %arg19[%scatter3A_279, %scatter3A_280, %scatter3A_281] : memref<6x128x33xf32, #tpu.memory_space<vmem>> -> memref<1x128x33xf32, #tpu.memory_space<vmem>>
          %scatter3A_283 = tpu.memref_squeeze %scatter3A_282 : memref<1x128x33xf32, #tpu.memory_space<vmem>> -> memref<128x33xf32, #tpu.memory_space<vmem>>
          tpu.vector_store_idx %scatter3A_283[%add3A_244, %broadcast_in_dim3A_277], %gather3A_278 : memref<128x33xf32, #tpu.memory_space<vmem>>[vector<16xi32>, vector<16xi32>], vector<16xf32>,
          %gather3A_284 = tpu.vector_load_idx %arg21[%mul3A_240, %broadcast_in_dim3A_277] : memref<80x17xf32, #tpu.memory_space<vmem>>[vector<16xi32>, vector<16xi32>], vector<16xf32>,
          %add3A_285 = arith.constant 16 : i32
          %add3A_286 = vector.broadcast %add3A_285 : i32 to vector<16xi32>
          %add3A_287 = arith.addi %broadcast_in_dim3A_277, %add3A_286 : vector<16xi32>
          %scatter3A_288 = arith.constant 1 : i32
          %scatter3A_289 = arith.constant 0 : i32
          %scatter3A_290 = arith.constant 0 : i32
          %scatter3A_291 = tpu.memref_slice %arg19[%scatter3A_288, %scatter3A_289, %scatter3A_290] : memref<6x128x33xf32, #tpu.memory_space<vmem>> -> memref<1x128x33xf32, #tpu.memory_space<vmem>>
          %scatter3A_292 = tpu.memref_squeeze %scatter3A_291 : memref<1x128x33xf32, #tpu.memory_space<vmem>> -> memref<128x33xf32, #tpu.memory_space<vmem>>
          tpu.vector_store_idx %scatter3A_292[%add3A_244, %add3A_287], %gather3A_284 : memref<128x33xf32, #tpu.memory_space<vmem>>[vector<16xi32>, vector<16xi32>], vector<16xf32>,
          %broadcast_in_dim3A_293 = arith.constant 3 : i32
          %broadcast_in_dim3A_294 = vector.broadcast %broadcast_in_dim3A_293 : i32 to vector<16xi32>
          %gather3A_295 = tpu.vector_load_idx %arg20[%mul3A_237, %broadcast_in_dim3A_294] : memref<80x17xf32, #tpu.memory_space<vmem>>[vector<16xi32>, vector<16xi32>], vector<16xf32>,
          %scatter3A_296 = arith.constant 1 : i32
          %scatter3A_297 = arith.constant 0 : i32
          %scatter3A_298 = arith.constant 0 : i32
          %scatter3A_299 = tpu.memref_slice %arg19[%scatter3A_296, %scatter3A_297, %scatter3A_298] : memref<6x128x33xf32, #tpu.memory_space<vmem>> -> memref<1x128x33xf32, #tpu.memory_space<vmem>>
          %scatter3A_300 = tpu.memref_squeeze %scatter3A_299 : memref<1x128x33xf32, #tpu.memory_space<vmem>> -> memref<128x33xf32, #tpu.memory_space<vmem>>
          tpu.vector_store_idx %scatter3A_300[%add3A_244, %broadcast_in_dim3A_294], %gather3A_295 : memref<128x33xf32, #tpu.memory_space<vmem>>[vector<16xi32>, vector<16xi32>], vector<16xf32>,
          %gather3A_301 = tpu.vector_load_idx %arg21[%mul3A_240, %broadcast_in_dim3A_294] : memref<80x17xf32, #tpu.memory_space<vmem>>[vector<16xi32>, vector<16xi32>], vector<16xf32>,
          %add3A_302 = arith.constant 16 : i32
          %add3A_303 = vector.broadcast %add3A_302 : i32 to vector<16xi32>
          %add3A_304 = arith.addi %broadcast_in_dim3A_294, %add3A_303 : vector<16xi32>
          %scatter3A_305 = arith.constant 1 : i32
          %scatter3A_306 = arith.constant 0 : i32
          %scatter3A_307 = arith.constant 0 : i32
          %scatter3A_308 = tpu.memref_slice %arg19[%scatter3A_305, %scatter3A_306, %scatter3A_307] : memref<6x128x33xf32, #tpu.memory_space<vmem>> -> memref<1x128x33xf32, #tpu.memory_space<vmem>>
          %scatter3A_309 = tpu.memref_squeeze %scatter3A_308 : memref<1x128x33xf32, #tpu.memory_space<vmem>> -> memref<128x33xf32, #tpu.memory_space<vmem>>
          tpu.vector_store_idx %scatter3A_309[%add3A_244, %add3A_304], %gather3A_301 : memref<128x33xf32, #tpu.memory_space<vmem>>[vector<16xi32>, vector<16xi32>], vector<16xf32>,
          %broadcast_in_dim3A_310 = arith.constant 4 : i32
          %broadcast_in_dim3A_311 = vector.broadcast %broadcast_in_dim3A_310 : i32 to vector<16xi32>
          %gather3A_312 = tpu.vector_load_idx %arg20[%mul3A_237, %broadcast_in_dim3A_311] : memref<80x17xf32, #tpu.memory_space<vmem>>[vector<16xi32>, vector<16xi32>], vector<16xf32>,
          %scatter3A_313 = arith.constant 1 : i32
          %scatter3A_314 = arith.constant 0 : i32
          %scatter3A_315 = arith.constant 0 : i32
          %scatter3A_316 = tpu.memref_slice %arg19[%scatter3A_313, %scatter3A_314, %scatter3A_315] : memref<6x128x33xf32, #tpu.memory_space<vmem>> -> memref<1x128x33xf32, #tpu.memory_space<vmem>>
          %scatter3A_317 = tpu.memref_squeeze %scatter3A_316 : memref<1x128x33xf32, #tpu.memory_space<vmem>> -> memref<128x33xf32, #tpu.memory_space<vmem>>
          tpu.vector_store_idx %scatter3A_317[%add3A_244, %broadcast_in_dim3A_311], %gather3A_312 : memref<128x33xf32, #tpu.memory_space<vmem>>[vector<16xi32>, vector<16xi32>], vector<16xf32>,
          %gather3A_318 = tpu.vector_load_idx %arg21[%mul3A_240, %broadcast_in_dim3A_311] : memref<80x17xf32, #tpu.memory_space<vmem>>[vector<16xi32>, vector<16xi32>], vector<16xf32>,
          %add3A_319 = arith.constant 16 : i32
          %add3A_320 = vector.broadcast %add3A_319 : i32 to vector<16xi32>
          %add3A_321 = arith.addi %broadcast_in_dim3A_311, %add3A_320 : vector<16xi32>
          %scatter3A_322 = arith.constant 1 : i32
          %scatter3A_323 = arith.constant 0 : i32
          %scatter3A_324 = arith.constant 0 : i32
          %scatter3A_325 = tpu.memref_slice %arg19[%scatter3A_322, %scatter3A_323, %scatter3A_324] : memref<6x128x33xf32, #tpu.memory_space<vmem>> -> memref<1x128x33xf32, #tpu.memory_space<vmem>>
          %scatter3A_326 = tpu.memref_squeeze %scatter3A_325 : memref<1x128x33xf32, #tpu.memory_space<vmem>> -> memref<128x33xf32, #tpu.memory_space<vmem>>
          tpu.vector_store_idx %scatter3A_326[%add3A_244, %add3A_321], %gather3A_318 : memref<128x33xf32, #tpu.memory_space<vmem>>[vector<16xi32>, vector<16xi32>], vector<16xf32>,
          %broadcast_in_dim3A_327 = arith.constant 5 : i32
          %broadcast_in_dim3A_328 = vector.broadcast %broadcast_in_dim3A_327 : i32 to vector<16xi32>
          %gather3A_329 = tpu.vector_load_idx %arg20[%mul3A_237, %broadcast_in_dim3A_328] : memref<80x17xf32, #tpu.memory_space<vmem>>[vector<16xi32>, vector<16xi32>], vector<16xf32>,
          %scatter3A_330 = arith.constant 1 : i32
          %scatter3A_331 = arith.constant 0 : i32
          %scatter3A_332 = arith.constant 0 : i32
          %scatter3A_333 = tpu.memref_slice %arg19[%scatter3A_330, %scatter3A_331, %scatter3A_332] : memref<6x128x33xf32, #tpu.memory_space<vmem>> -> memref<1x128x33xf32, #tpu.memory_space<vmem>>
          %scatter3A_334 = tpu.memref_squeeze %scatter3A_333 : memref<1x128x33xf32, #tpu.memory_space<vmem>> -> memref<128x33xf32, #tpu.memory_space<vmem>>
          tpu.vector_store_idx %scatter3A_334[%add3A_244, %broadcast_in_dim3A_328], %gather3A_329 : memref<128x33xf32, #tpu.memory_space<vmem>>[vector<16xi32>, vector<16xi32>], vector<16xf32>,
          %gather3A_335 = tpu.vector_load_idx %arg21[%mul3A_240, %broadcast_in_dim3A_328] : memref<80x17xf32, #tpu.memory_space<vmem>>[vector<16xi32>, vector<16xi32>], vector<16xf32>,
          %add3A_336 = arith.constant 16 : i32
          %add3A_337 = vector.broadcast %add3A_336 : i32 to vector<16xi32>
          %add3A_338 = arith.addi %broadcast_in_dim3A_328, %add3A_337 : vector<16xi32>
          %scatter3A_339 = arith.constant 1 : i32
          %scatter3A_340 = arith.constant 0 : i32
          %scatter3A_341 = arith.constant 0 : i32
          %scatter3A_342 = tpu.memref_slice %arg19[%scatter3A_339, %scatter3A_340, %scatter3A_341] : memref<6x128x33xf32, #tpu.memory_space<vmem>> -> memref<1x128x33xf32, #tpu.memory_space<vmem>>
          %scatter3A_343 = tpu.memref_squeeze %scatter3A_342 : memref<1x128x33xf32, #tpu.memory_space<vmem>> -> memref<128x33xf32, #tpu.memory_space<vmem>>
          tpu.vector_store_idx %scatter3A_343[%add3A_244, %add3A_338], %gather3A_335 : memref<128x33xf32, #tpu.memory_space<vmem>>[vector<16xi32>, vector<16xi32>], vector<16xf32>,
          %broadcast_in_dim3A_344 = arith.constant 6 : i32
          %broadcast_in_dim3A_345 = vector.broadcast %broadcast_in_dim3A_344 : i32 to vector<16xi32>
          %gather3A_346 = tpu.vector_load_idx %arg20[%mul3A_237, %broadcast_in_dim3A_345] : memref<80x17xf32, #tpu.memory_space<vmem>>[vector<16xi32>, vector<16xi32>], vector<16xf32>,
          %scatter3A_347 = arith.constant 1 : i32
          %scatter3A_348 = arith.constant 0 : i32
          %scatter3A_349 = arith.constant 0 : i32
          %scatter3A_350 = tpu.memref_slice %arg19[%scatter3A_347, %scatter3A_348, %scatter3A_349] : memref<6x128x33xf32, #tpu.memory_space<vmem>> -> memref<1x128x33xf32, #tpu.memory_space<vmem>>
          %scatter3A_351 = tpu.memref_squeeze %scatter3A_350 : memref<1x128x33xf32, #tpu.memory_space<vmem>> -> memref<128x33xf32, #tpu.memory_space<vmem>>
          tpu.vector_store_idx %scatter3A_351[%add3A_244, %broadcast_in_dim3A_345], %gather3A_346 : memref<128x33xf32, #tpu.memory_space<vmem>>[vector<16xi32>, vector<16xi32>], vector<16xf32>,
          %gather3A_352 = tpu.vector_load_idx %arg21[%mul3A_240, %broadcast_in_dim3A_345] : memref<80x17xf32, #tpu.memory_space<vmem>>[vector<16xi32>, vector<16xi32>], vector<16xf32>,
          %add3A_353 = arith.constant 16 : i32
          %add3A_354 = vector.broadcast %add3A_353 : i32 to vector<16xi32>
          %add3A_355 = arith.addi %broadcast_in_dim3A_345, %add3A_354 : vector<16xi32>
          %scatter3A_356 = arith.constant 1 : i32
          %scatter3A_357 = arith.constant 0 : i32
          %scatter3A_358 = arith.constant 0 : i32
          %scatter3A_359 = tpu.memref_slice %arg19[%scatter3A_356, %scatter3A_357, %scatter3A_358] : memref<6x128x33xf32, #tpu.memory_space<vmem>> -> memref<1x128x33xf32, #tpu.memory_space<vmem>>
          %scatter3A_360 = tpu.memref_squeeze %scatter3A_359 : memref<1x128x33xf32, #tpu.memory_space<vmem>> -> memref<128x33xf32, #tpu.memory_space<vmem>>
          tpu.vector_store_idx %scatter3A_360[%add3A_244, %add3A_355], %gather3A_352 : memref<128x33xf32, #tpu.memory_space<vmem>>[vector<16xi32>, vector<16xi32>], vector<16xf32>,
          %broadcast_in_dim3A_361 = arith.constant 7 : i32
          %broadcast_in_dim3A_362 = vector.broadcast %broadcast_in_dim3A_361 : i32 to vector<16xi32>
          %gather3A_363 = tpu.vector_load_idx %arg20[%mul3A_237, %broadcast_in_dim3A_362] : memref<80x17xf32, #tpu.memory_space<vmem>>[vector<16xi32>, vector<16xi32>], vector<16xf32>,
          %scatter3A_364 = arith.constant 1 : i32
          %scatter3A_365 = arith.constant 0 : i32
          %scatter3A_366 = arith.constant 0 : i32
          %scatter3A_367 = tpu.memref_slice %arg19[%scatter3A_364, %scatter3A_365, %scatter3A_366] : memref<6x128x33xf32, #tpu.memory_space<vmem>> -> memref<1x128x33xf32, #tpu.memory_space<vmem>>
          %scatter3A_368 = tpu.memref_squeeze %scatter3A_367 : memref<1x128x33xf32, #tpu.memory_space<vmem>> -> memref<128x33xf32, #tpu.memory_space<vmem>>
          tpu.vector_store_idx %scatter3A_368[%add3A_244, %broadcast_in_dim3A_362], %gather3A_363 : memref<128x33xf32, #tpu.memory_space<vmem>>[vector<16xi32>, vector<16xi32>], vector<16xf32>,
          %gather3A_369 = tpu.vector_load_idx %arg21[%mul3A_240, %broadcast_in_dim3A_362] : memref<80x17xf32, #tpu.memory_space<vmem>>[vector<16xi32>, vector<16xi32>], vector<16xf32>,
          %add3A_370 = arith.constant 16 : i32
          %add3A_371 = vector.broadcast %add3A_370 : i32 to vector<16xi32>
          %add3A_372 = arith.addi %broadcast_in_dim3A_362, %add3A_371 : vector<16xi32>
          %scatter3A_373 = arith.constant 1 : i32
          %scatter3A_374 = arith.constant 0 : i32
          %scatter3A_375 = arith.constant 0 : i32
          %scatter3A_376 = tpu.memref_slice %arg19[%scatter3A_373, %scatter3A_374, %scatter3A_375] : memref<6x128x33xf32, #tpu.memory_space<vmem>> -> memref<1x128x33xf32, #tpu.memory_space<vmem>>
          %scatter3A_377 = tpu.memref_squeeze %scatter3A_376 : memref<1x128x33xf32, #tpu.memory_space<vmem>> -> memref<128x33xf32, #tpu.memory_space<vmem>>
          tpu.vector_store_idx %scatter3A_377[%add3A_244, %add3A_372], %gather3A_369 : memref<128x33xf32, #tpu.memory_space<vmem>>[vector<16xi32>, vector<16xi32>], vector<16xf32>,
          %broadcast_in_dim3A_378 = arith.constant 8 : i32
          %broadcast_in_dim3A_379 = vector.broadcast %broadcast_in_dim3A_378 : i32 to vector<16xi32>
          %gather3A_380 = tpu.vector_load_idx %arg20[%mul3A_237, %broadcast_in_dim3A_379] : memref<80x17xf32, #tpu.memory_space<vmem>>[vector<16xi32>, vector<16xi32>], vector<16xf32>,
          %scatter3A_381 = arith.constant 1 : i32
          %scatter3A_382 = arith.constant 0 : i32
          %scatter3A_383 = arith.constant 0 : i32
          %scatter3A_384 = tpu.memref_slice %arg19[%scatter3A_381, %scatter3A_382, %scatter3A_383] : memref<6x128x33xf32, #tpu.memory_space<vmem>> -> memref<1x128x33xf32, #tpu.memory_space<vmem>>
          %scatter3A_385 = tpu.memref_squeeze %scatter3A_384 : memref<1x128x33xf32, #tpu.memory_space<vmem>> -> memref<128x33xf32, #tpu.memory_space<vmem>>
          tpu.vector_store_idx %scatter3A_385[%add3A_244, %broadcast_in_dim3A_379], %gather3A_380 : memref<128x33xf32, #tpu.memory_space<vmem>>[vector<16xi32>, vector<16xi32>], vector<16xf32>,
          %gather3A_386 = tpu.vector_load_idx %arg21[%mul3A_240, %broadcast_in_dim3A_379] : memref<80x17xf32, #tpu.memory_space<vmem>>[vector<16xi32>, vector<16xi32>], vector<16xf32>,
          %add3A_387 = arith.constant 16 : i32
          %add3A_388 = vector.broadcast %add3A_387 : i32 to vector<16xi32>
          %add3A_389 = arith.addi %broadcast_in_dim3A_379, %add3A_388 : vector<16xi32>
          %scatter3A_390 = arith.constant 1 : i32
          %scatter3A_391 = arith.constant 0 : i32
          %scatter3A_392 = arith.constant 0 : i32
          %scatter3A_393 = tpu.memref_slice %arg19[%scatter3A_390, %scatter3A_391, %scatter3A_392] : memref<6x128x33xf32, #tpu.memory_space<vmem>> -> memref<1x128x33xf32, #tpu.memory_space<vmem>>
          %scatter3A_394 = tpu.memref_squeeze %scatter3A_393 : memref<1x128x33xf32, #tpu.memory_space<vmem>> -> memref<128x33xf32, #tpu.memory_space<vmem>>
          tpu.vector_store_idx %scatter3A_394[%add3A_244, %add3A_389], %gather3A_386 : memref<128x33xf32, #tpu.memory_space<vmem>>[vector<16xi32>, vector<16xi32>], vector<16xf32>,
          %broadcast_in_dim3A_395 = arith.constant 9 : i32
          %broadcast_in_dim3A_396 = vector.broadcast %broadcast_in_dim3A_395 : i32 to vector<16xi32>
          %gather3A_397 = tpu.vector_load_idx %arg20[%mul3A_237, %broadcast_in_dim3A_396] : memref<80x17xf32, #tpu.memory_space<vmem>>[vector<16xi32>, vector<16xi32>], vector<16xf32>,
          %scatter3A_398 = arith.constant 1 : i32
          %scatter3A_399 = arith.constant 0 : i32
          %scatter3A_400 = arith.constant 0 : i32
          %scatter3A_401 = tpu.memref_slice %arg19[%scatter3A_398, %scatter3A_399, %scatter3A_400] : memref<6x128x33xf32, #tpu.memory_space<vmem>> -> memref<1x128x33xf32, #tpu.memory_space<vmem>>
          %scatter3A_402 = tpu.memref_squeeze %scatter3A_401 : memref<1x128x33xf32, #tpu.memory_space<vmem>> -> memref<128x33xf32, #tpu.memory_space<vmem>>
          tpu.vector_store_idx %scatter3A_402[%add3A_244, %broadcast_in_dim3A_396], %gather3A_397 : memref<128x33xf32, #tpu.memory_space<vmem>>[vector<16xi32>, vector<16xi32>], vector<16xf32>,
          %gather3A_403 = tpu.vector_load_idx %arg21[%mul3A_240, %broadcast_in_dim3A_396] : memref<80x17xf32, #tpu.memory_space<vmem>>[vector<16xi32>, vector<16xi32>], vector<16xf32>,
          %add3A_404 = arith.constant 16 : i32
          %add3A_405 = vector.broadcast %add3A_404 : i32 to vector<16xi32>
          %add3A_406 = arith.addi %broadcast_in_dim3A_396, %add3A_405 : vector<16xi32>
          %scatter3A_407 = arith.constant 1 : i32
          %scatter3A_408 = arith.constant 0 : i32
          %scatter3A_409 = arith.constant 0 : i32
          %scatter3A_410 = tpu.memref_slice %arg19[%scatter3A_407, %scatter3A_408, %scatter3A_409] : memref<6x128x33xf32, #tpu.memory_space<vmem>> -> memref<1x128x33xf32, #tpu.memory_space<vmem>>
          %scatter3A_411 = tpu.memref_squeeze %scatter3A_410 : memref<1x128x33xf32, #tpu.memory_space<vmem>> -> memref<128x33xf32, #tpu.memory_space<vmem>>
          tpu.vector_store_idx %scatter3A_411[%add3A_244, %add3A_406], %gather3A_403 : memref<128x33xf32, #tpu.memory_space<vmem>>[vector<16xi32>, vector<16xi32>], vector<16xf32>,
          %broadcast_in_dim3A_412 = arith.constant 10 : i32
          %broadcast_in_dim3A_413 = vector.broadcast %broadcast_in_dim3A_412 : i32 to vector<16xi32>
          %gather3A_414 = tpu.vector_load_idx %arg20[%mul3A_237, %broadcast_in_dim3A_413] : memref<80x17xf32, #tpu.memory_space<vmem>>[vector<16xi32>, vector<16xi32>], vector<16xf32>,
          %scatter3A_415 = arith.constant 1 : i32
          %scatter3A_416 = arith.constant 0 : i32
          %scatter3A_417 = arith.constant 0 : i32
          %scatter3A_418 = tpu.memref_slice %arg19[%scatter3A_415, %scatter3A_416, %scatter3A_417] : memref<6x128x33xf32, #tpu.memory_space<vmem>> -> memref<1x128x33xf32, #tpu.memory_space<vmem>>
          %scatter3A_419 = tpu.memref_squeeze %scatter3A_418 : memref<1x128x33xf32, #tpu.memory_space<vmem>> -> memref<128x33xf32, #tpu.memory_space<vmem>>
          tpu.vector_store_idx %scatter3A_419[%add3A_244, %broadcast_in_dim3A_413], %gather3A_414 : memref<128x33xf32, #tpu.memory_space<vmem>>[vector<16xi32>, vector<16xi32>], vector<16xf32>,
          %gather3A_420 = tpu.vector_load_idx %arg21[%mul3A_240, %broadcast_in_dim3A_413] : memref<80x17xf32, #tpu.memory_space<vmem>>[vector<16xi32>, vector<16xi32>], vector<16xf32>,
          %add3A_421 = arith.constant 16 : i32
          %add3A_422 = vector.broadcast %add3A_421 : i32 to vector<16xi32>
          %add3A_423 = arith.addi %broadcast_in_dim3A_413, %add3A_422 : vector<16xi32>
          %scatter3A_424 = arith.constant 1 : i32
          %scatter3A_425 = arith.constant 0 : i32
          %scatter3A_426 = arith.constant 0 : i32
          %scatter3A_427 = tpu.memref_slice %arg19[%scatter3A_424, %scatter3A_425, %scatter3A_426] : memref<6x128x33xf32, #tpu.memory_space<vmem>> -> memref<1x128x33xf32, #tpu.memory_space<vmem>>
          %scatter3A_428 = tpu.memref_squeeze %scatter3A_427 : memref<1x128x33xf32, #tpu.memory_space<vmem>> -> memref<128x33xf32, #tpu.memory_space<vmem>>
          tpu.vector_store_idx %scatter3A_428[%add3A_244, %add3A_423], %gather3A_420 : memref<128x33xf32, #tpu.memory_space<vmem>>[vector<16xi32>, vector<16xi32>], vector<16xf32>,
          %broadcast_in_dim3A_429 = arith.constant 11 : i32
          %broadcast_in_dim3A_430 = vector.broadcast %broadcast_in_dim3A_429 : i32 to vector<16xi32>
          %gather3A_431 = tpu.vector_load_idx %arg20[%mul3A_237, %broadcast_in_dim3A_430] : memref<80x17xf32, #tpu.memory_space<vmem>>[vector<16xi32>, vector<16xi32>], vector<16xf32>,
          %scatter3A_432 = arith.constant 1 : i32
          %scatter3A_433 = arith.constant 0 : i32
          %scatter3A_434 = arith.constant 0 : i32
          %scatter3A_435 = tpu.memref_slice %arg19[%scatter3A_432, %scatter3A_433, %scatter3A_434] : memref<6x128x33xf32, #tpu.memory_space<vmem>> -> memref<1x128x33xf32, #tpu.memory_space<vmem>>
          %scatter3A_436 = tpu.memref_squeeze %scatter3A_435 : memref<1x128x33xf32, #tpu.memory_space<vmem>> -> memref<128x33xf32, #tpu.memory_space<vmem>>
          tpu.vector_store_idx %scatter3A_436[%add3A_244, %broadcast_in_dim3A_430], %gather3A_431 : memref<128x33xf32, #tpu.memory_space<vmem>>[vector<16xi32>, vector<16xi32>], vector<16xf32>,
          %gather3A_437 = tpu.vector_load_idx %arg21[%mul3A_240, %broadcast_in_dim3A_430] : memref<80x17xf32, #tpu.memory_space<vmem>>[vector<16xi32>, vector<16xi32>], vector<16xf32>,
          %add3A_438 = arith.constant 16 : i32
          %add3A_439 = vector.broadcast %add3A_438 : i32 to vector<16xi32>
          %add3A_440 = arith.addi %broadcast_in_dim3A_430, %add3A_439 : vector<16xi32>
          %scatter3A_441 = arith.constant 1 : i32
          %scatter3A_442 = arith.constant 0 : i32
          %scatter3A_443 = arith.constant 0 : i32
          %scatter3A_444 = tpu.memref_slice %arg19[%scatter3A_441, %scatter3A_442, %scatter3A_443] : memref<6x128x33xf32, #tpu.memory_space<vmem>> -> memref<1x128x33xf32, #tpu.memory_space<vmem>>
          %scatter3A_445 = tpu.memref_squeeze %scatter3A_444 : memref<1x128x33xf32, #tpu.memory_space<vmem>> -> memref<128x33xf32, #tpu.memory_space<vmem>>
          tpu.vector_store_idx %scatter3A_445[%add3A_244, %add3A_440], %gather3A_437 : memref<128x33xf32, #tpu.memory_space<vmem>>[vector<16xi32>, vector<16xi32>], vector<16xf32>,
          %broadcast_in_dim3A_446 = arith.constant 12 : i32
          %broadcast_in_dim3A_447 = vector.broadcast %broadcast_in_dim3A_446 : i32 to vector<16xi32>
          %gather3A_448 = tpu.vector_load_idx %arg20[%mul3A_237, %broadcast_in_dim3A_447] : memref<80x17xf32, #tpu.memory_space<vmem>>[vector<16xi32>, vector<16xi32>], vector<16xf32>,
          %scatter3A_449 = arith.constant 1 : i32
          %scatter3A_450 = arith.constant 0 : i32
          %scatter3A_451 = arith.constant 0 : i32
          %scatter3A_452 = tpu.memref_slice %arg19[%scatter3A_449, %scatter3A_450, %scatter3A_451] : memref<6x128x33xf32, #tpu.memory_space<vmem>> -> memref<1x128x33xf32, #tpu.memory_space<vmem>>
          %scatter3A_453 = tpu.memref_squeeze %scatter3A_452 : memref<1x128x33xf32, #tpu.memory_space<vmem>> -> memref<128x33xf32, #tpu.memory_space<vmem>>
          tpu.vector_store_idx %scatter3A_453[%add3A_244, %broadcast_in_dim3A_447], %gather3A_448 : memref<128x33xf32, #tpu.memory_space<vmem>>[vector<16xi32>, vector<16xi32>], vector<16xf32>,
          %gather3A_454 = tpu.vector_load_idx %arg21[%mul3A_240, %broadcast_in_dim3A_447] : memref<80x17xf32, #tpu.memory_space<vmem>>[vector<16xi32>, vector<16xi32>], vector<16xf32>,
          %add3A_455 = arith.constant 16 : i32
          %add3A_456 = vector.broadcast %add3A_455 : i32 to vector<16xi32>
          %add3A_457 = arith.addi %broadcast_in_dim3A_447, %add3A_456 : vector<16xi32>
          %scatter3A_458 = arith.constant 1 : i32
          %scatter3A_459 = arith.constant 0 : i32
          %scatter3A_460 = arith.constant 0 : i32
          %scatter3A_461 = tpu.memref_slice %arg19[%scatter3A_458, %scatter3A_459, %scatter3A_460] : memref<6x128x33xf32, #tpu.memory_space<vmem>> -> memref<1x128x33xf32, #tpu.memory_space<vmem>>
          %scatter3A_462 = tpu.memref_squeeze %scatter3A_461 : memref<1x128x33xf32, #tpu.memory_space<vmem>> -> memref<128x33xf32, #tpu.memory_space<vmem>>
          tpu.vector_store_idx %scatter3A_462[%add3A_244, %add3A_457], %gather3A_454 : memref<128x33xf32, #tpu.memory_space<vmem>>[vector<16xi32>, vector<16xi32>], vector<16xf32>,
          %broadcast_in_dim3A_463 = arith.constant 13 : i32
          %broadcast_in_dim3A_464 = vector.broadcast %broadcast_in_dim3A_463 : i32 to vector<16xi32>
          %gather3A_465 = tpu.vector_load_idx %arg20[%mul3A_237, %broadcast_in_dim3A_464] : memref<80x17xf32, #tpu.memory_space<vmem>>[vector<16xi32>, vector<16xi32>], vector<16xf32>,
          %scatter3A_466 = arith.constant 1 : i32
          %scatter3A_467 = arith.constant 0 : i32
          %scatter3A_468 = arith.constant 0 : i32
          %scatter3A_469 = tpu.memref_slice %arg19[%scatter3A_466, %scatter3A_467, %scatter3A_468] : memref<6x128x33xf32, #tpu.memory_space<vmem>> -> memref<1x128x33xf32, #tpu.memory_space<vmem>>
          %scatter3A_470 = tpu.memref_squeeze %scatter3A_469 : memref<1x128x33xf32, #tpu.memory_space<vmem>> -> memref<128x33xf32, #tpu.memory_space<vmem>>
          tpu.vector_store_idx %scatter3A_470[%add3A_244, %broadcast_in_dim3A_464], %gather3A_465 : memref<128x33xf32, #tpu.memory_space<vmem>>[vector<16xi32>, vector<16xi32>], vector<16xf32>,
          %gather3A_471 = tpu.vector_load_idx %arg21[%mul3A_240, %broadcast_in_dim3A_464] : memref<80x17xf32, #tpu.memory_space<vmem>>[vector<16xi32>, vector<16xi32>], vector<16xf32>,
          %add3A_472 = arith.constant 16 : i32
          %add3A_473 = vector.broadcast %add3A_472 : i32 to vector<16xi32>
          %add3A_474 = arith.addi %broadcast_in_dim3A_464, %add3A_473 : vector<16xi32>
          %scatter3A_475 = arith.constant 1 : i32
          %scatter3A_476 = arith.constant 0 : i32
          %scatter3A_477 = arith.constant 0 : i32
          %scatter3A_478 = tpu.memref_slice %arg19[%scatter3A_475, %scatter3A_476, %scatter3A_477] : memref<6x128x33xf32, #tpu.memory_space<vmem>> -> memref<1x128x33xf32, #tpu.memory_space<vmem>>
          %scatter3A_479 = tpu.memref_squeeze %scatter3A_478 : memref<1x128x33xf32, #tpu.memory_space<vmem>> -> memref<128x33xf32, #tpu.memory_space<vmem>>
          tpu.vector_store_idx %scatter3A_479[%add3A_244, %add3A_474], %gather3A_471 : memref<128x33xf32, #tpu.memory_space<vmem>>[vector<16xi32>, vector<16xi32>], vector<16xf32>,
          %broadcast_in_dim3A_480 = arith.constant 14 : i32
          %broadcast_in_dim3A_481 = vector.broadcast %broadcast_in_dim3A_480 : i32 to vector<16xi32>
          %gather3A_482 = tpu.vector_load_idx %arg20[%mul3A_237, %broadcast_in_dim3A_481] : memref<80x17xf32, #tpu.memory_space<vmem>>[vector<16xi32>, vector<16xi32>], vector<16xf32>,
          %scatter3A_483 = arith.constant 1 : i32
          %scatter3A_484 = arith.constant 0 : i32
          %scatter3A_485 = arith.constant 0 : i32
          %scatter3A_486 = tpu.memref_slice %arg19[%scatter3A_483, %scatter3A_484, %scatter3A_485] : memref<6x128x33xf32, #tpu.memory_space<vmem>> -> memref<1x128x33xf32, #tpu.memory_space<vmem>>
          %scatter3A_487 = tpu.memref_squeeze %scatter3A_486 : memref<1x128x33xf32, #tpu.memory_space<vmem>> -> memref<128x33xf32, #tpu.memory_space<vmem>>
          tpu.vector_store_idx %scatter3A_487[%add3A_244, %broadcast_in_dim3A_481], %gather3A_482 : memref<128x33xf32, #tpu.memory_space<vmem>>[vector<16xi32>, vector<16xi32>], vector<16xf32>,
          %gather3A_488 = tpu.vector_load_idx %arg21[%mul3A_240, %broadcast_in_dim3A_481] : memref<80x17xf32, #tpu.memory_space<vmem>>[vector<16xi32>, vector<16xi32>], vector<16xf32>,
          %add3A_489 = arith.constant 16 : i32
          %add3A_490 = vector.broadcast %add3A_489 : i32 to vector<16xi32>
          %add3A_491 = arith.addi %broadcast_in_dim3A_481, %add3A_490 : vector<16xi32>
          %scatter3A_492 = arith.constant 1 : i32
          %scatter3A_493 = arith.constant 0 : i32
          %scatter3A_494 = arith.constant 0 : i32
          %scatter3A_495 = tpu.memref_slice %arg19[%scatter3A_492, %scatter3A_493, %scatter3A_494] : memref<6x128x33xf32, #tpu.memory_space<vmem>> -> memref<1x128x33xf32, #tpu.memory_space<vmem>>
          %scatter3A_496 = tpu.memref_squeeze %scatter3A_495 : memref<1x128x33xf32, #tpu.memory_space<vmem>> -> memref<128x33xf32, #tpu.memory_space<vmem>>
          tpu.vector_store_idx %scatter3A_496[%add3A_244, %add3A_491], %gather3A_488 : memref<128x33xf32, #tpu.memory_space<vmem>>[vector<16xi32>, vector<16xi32>], vector<16xf32>,
          %broadcast_in_dim3A_497 = arith.constant 15 : i32
          %broadcast_in_dim3A_498 = vector.broadcast %broadcast_in_dim3A_497 : i32 to vector<16xi32>
          %gather3A_499 = tpu.vector_load_idx %arg20[%mul3A_237, %broadcast_in_dim3A_498] : memref<80x17xf32, #tpu.memory_space<vmem>>[vector<16xi32>, vector<16xi32>], vector<16xf32>,
          %scatter3A_500 = arith.constant 1 : i32
          %scatter3A_501 = arith.constant 0 : i32
          %scatter3A_502 = arith.constant 0 : i32
          %scatter3A_503 = tpu.memref_slice %arg19[%scatter3A_500, %scatter3A_501, %scatter3A_502] : memref<6x128x33xf32, #tpu.memory_space<vmem>> -> memref<1x128x33xf32, #tpu.memory_space<vmem>>
          %scatter3A_504 = tpu.memref_squeeze %scatter3A_503 : memref<1x128x33xf32, #tpu.memory_space<vmem>> -> memref<128x33xf32, #tpu.memory_space<vmem>>
          tpu.vector_store_idx %scatter3A_504[%add3A_244, %broadcast_in_dim3A_498], %gather3A_499 : memref<128x33xf32, #tpu.memory_space<vmem>>[vector<16xi32>, vector<16xi32>], vector<16xf32>,
          %gather3A_505 = tpu.vector_load_idx %arg21[%mul3A_240, %broadcast_in_dim3A_498] : memref<80x17xf32, #tpu.memory_space<vmem>>[vector<16xi32>, vector<16xi32>], vector<16xf32>,
          %add3A_506 = arith.constant 16 : i32
          %add3A_507 = vector.broadcast %add3A_506 : i32 to vector<16xi32>
          %add3A_508 = arith.addi %broadcast_in_dim3A_498, %add3A_507 : vector<16xi32>
          %scatter3A_509 = arith.constant 1 : i32
          %scatter3A_510 = arith.constant 0 : i32
          %scatter3A_511 = arith.constant 0 : i32
          %scatter3A_512 = tpu.memref_slice %arg19[%scatter3A_509, %scatter3A_510, %scatter3A_511] : memref<6x128x33xf32, #tpu.memory_space<vmem>> -> memref<1x128x33xf32, #tpu.memory_space<vmem>>
          %scatter3A_513 = tpu.memref_squeeze %scatter3A_512 : memref<1x128x33xf32, #tpu.memory_space<vmem>> -> memref<128x33xf32, #tpu.memory_space<vmem>>
          tpu.vector_store_idx %scatter3A_513[%add3A_244, %add3A_508], %gather3A_505 : memref<128x33xf32, #tpu.memory_space<vmem>>[vector<16xi32>, vector<16xi32>], vector<16xf32>,
        }
        %scan3A_229 = arith.constant 8 : i32
      } else {
      }
      %ge3A_98 = arith.constant 2 : i32
      %ge3A_99 = arith.cmpi sge, %add3A_84, %ge3A_98 : i32
      %lt3A_100 = arith.constant 52 : i32
      %lt3A_101 = arith.cmpi slt, %add3A_84, %lt3A_100 : i32
      %and3A_102 = arith.andi %ge3A_99, %lt3A_101 : i1
      %convert_element_type3A_103 = arith.extui %and3A_102 : i1 to i32
      %cond3A_104 = arith.constant 0 : i32
      %cond3A_105 = arith.cmpi ne, %convert_element_type3A_103, %cond3A_104 : i32
      scf.if %cond3A_105 {
        %sub3A = arith.constant 2 : i32
        %sub3A_206 = arith.subi %add3A_84, %sub3A : i32
        %mul3A_207 = arith.constant 128 : i32
        %mul3A_208 = arith.muli %sub3A_206, %mul3A_207 : i32
        %add3A_209 = arith.constant 0 : i32
        %add3A_210 = arith.addi %mul3A_208, %add3A_209 : i32
        %dma_wait3A_211 = arith.constant 5 : i32
        %dma_wait3A_212 = arith.constant 5 : i32
        %dma_wait3A_213 = arith.constant 0 : i32
        %dma_wait3A_214 = arith.constant 0 : i32
        %dma_wait3A_215 = tpu.memref_slice %arg18[%dma_wait3A_211, %dma_wait3A_213, %dma_wait3A_214] : memref<6x128x64xf32, #tpu.memory_space<vmem>> -> memref<1x128x64xf32, #tpu.memory_space<vmem>>
        %dma_wait3A_216 = tpu.memref_squeeze %dma_wait3A_215 : memref<1x128x64xf32, #tpu.memory_space<vmem>> -> memref<128x64xf32, #tpu.memory_space<vmem>>
        %dma_wait3A_217 = tpu.memref_slice %arg14[%add3A_210] : memref<6400xi32, #tpu.memory_space<vmem>> -> memref<128xi32, #tpu.memory_space<vmem>>
        %dma_wait3A_218 = arith.constant 0 : i32
        %dma_wait3A_219 = arith.constant 0 : i32
        %dma_wait3A_220 = tpu.memref_slice %arg8[%dma_wait3A_218, %dma_wait3A_219] : memref<1000002x64xf32, #tpu.memory_space<hbm>> -> memref<1000002x64xf32, #tpu.memory_space<hbm>>
        %dma_wait3A_221 = tpu.memref_slice %arg24[%dma_wait3A_212] : memref<6x!tpu.dma_semaphore, #tpu.memory_space<semaphore_mem>> -> memref<1x!tpu.dma_semaphore, #tpu.memory_space<semaphore_mem>>
        %dma_wait3A_222 = tpu.memref_squeeze %dma_wait3A_221 : memref<1x!tpu.dma_semaphore, #tpu.memory_space<semaphore_mem>> -> memref<!tpu.dma_semaphore, #tpu.memory_space<semaphore_mem>>
        tpu.wait_indirect_dma semaphore(%dma_wait3A_222 : memref<!tpu.dma_semaphore, #tpu.memory_space<semaphore_mem>>) src(%dma_wait3A_220 : memref<1000002x64xf32, #tpu.memory_space<hbm>>) dst(%dma_wait3A_216 : memref<128x64xf32, #tpu.memory_space<vmem>>)
        %sub3A_223 = arith.constant 2 : i32
        %sub3A_224 = arith.subi %add3A_84, %sub3A_223 : i32
        %mul3A_225 = arith.constant 128 : i32
        %mul3A_226 = arith.muli %sub3A_224, %mul3A_225 : i32
        %add3A_227 = arith.addi %mul3A_2, %mul3A_226 : i32
        %dma_start3A_228 = arith.constant 5 : i32
        %dma_start3A_229 = arith.constant 5 : i32
        %dma_start3A_230 = arith.constant 0 : i32
        %dma_start3A_231 = arith.constant 0 : i32
        %dma_start3A_232 = tpu.memref_slice %arg18[%dma_start3A_228, %dma_start3A_230, %dma_start3A_231] : memref<6x128x64xf32, #tpu.memory_space<vmem>> -> memref<1x128x64xf32, #tpu.memory_space<vmem>>
        %dma_start3A_233 = tpu.memref_squeeze %dma_start3A_232 : memref<1x128x64xf32, #tpu.memory_space<vmem>> -> memref<128x64xf32, #tpu.memory_space<vmem>>
        %dma_start3A_234 = arith.constant 0 : i32
        %dma_start3A_235 = tpu.memref_slice %arg11[%add3A_227, %dma_start3A_234] : memref<204800x96xf32, #tpu.memory_space<hbm>> -> memref<128x64xf32, #tpu.memory_space<hbm>>
        %dma_start3A_236 = tpu.memref_slice %arg25[%dma_start3A_229] : memref<6x!tpu.dma_semaphore, #tpu.memory_space<semaphore_mem>> -> memref<1x!tpu.dma_semaphore, #tpu.memory_space<semaphore_mem>>
        %dma_start3A_237 = tpu.memref_squeeze %dma_start3A_236 : memref<1x!tpu.dma_semaphore, #tpu.memory_space<semaphore_mem>> -> memref<!tpu.dma_semaphore, #tpu.memory_space<semaphore_mem>>
        %dma_start3A_238 = arith.constant 0 : i32
        %dma_start3A_239 = tpu.memref_slice %arg11[%add3A_227, %dma_start3A_238] : memref<204800x96xf32, #tpu.memory_space<hbm>> -> memref<128x64xf32, #tpu.memory_space<hbm>>
        %dma_start3A_240 = arith.constant 0 : i32
        %dma_start3A_241 = arith.constant 0 : i32
        %dma_start3A_242 = tpu.memref_slice %arg18[%dma_start3A_228, %dma_start3A_240, %dma_start3A_241] : memref<6x128x64xf32, #tpu.memory_space<vmem>> -> memref<1x128x64xf32, #tpu.memory_space<vmem>>
        %dma_start3A_243 = tpu.memref_squeeze %dma_start3A_242 : memref<1x128x64xf32, #tpu.memory_space<vmem>> -> memref<128x64xf32, #tpu.memory_space<vmem>>
        tpu.enqueue_dma source(%dma_start3A_243 : memref<128x64xf32, #tpu.memory_space<vmem>>) target(%dma_start3A_239 : memref<128x64xf32, #tpu.memory_space<hbm>>) target_semaphore(%dma_start3A_237 : memref<!tpu.dma_semaphore, #tpu.memory_space<semaphore_mem>>)
        %dma_start3A_244 = arith.constant 5 : i32
        %dma_start3A_245 = arith.constant 5 : i32
        %dma_start3A_246 = arith.constant 0 : i32
        %dma_start3A_247 = arith.constant 0 : i32
        %dma_start3A_248 = tpu.memref_slice %arg19[%dma_start3A_244, %dma_start3A_246, %dma_start3A_247] : memref<6x128x33xf32, #tpu.memory_space<vmem>> -> memref<1x128x32xf32, #tpu.memory_space<vmem>>
        %dma_start3A_249 = tpu.memref_squeeze %dma_start3A_248 : memref<1x128x32xf32, #tpu.memory_space<vmem>> -> memref<128x32xf32, #tpu.memory_space<vmem>>
        %dma_start3A_250 = arith.constant 64 : i32
        %dma_start3A_251 = tpu.memref_slice %arg11[%add3A_227, %dma_start3A_250] : memref<204800x96xf32, #tpu.memory_space<hbm>> -> memref<128x32xf32, #tpu.memory_space<hbm>>
        %dma_start3A_252 = tpu.memref_slice %arg25[%dma_start3A_245] : memref<6x!tpu.dma_semaphore, #tpu.memory_space<semaphore_mem>> -> memref<1x!tpu.dma_semaphore, #tpu.memory_space<semaphore_mem>>
        %dma_start3A_253 = tpu.memref_squeeze %dma_start3A_252 : memref<1x!tpu.dma_semaphore, #tpu.memory_space<semaphore_mem>> -> memref<!tpu.dma_semaphore, #tpu.memory_space<semaphore_mem>>
        %dma_start3A_254 = arith.constant 64 : i32
        %dma_start3A_255 = tpu.memref_slice %arg11[%add3A_227, %dma_start3A_254] : memref<204800x96xf32, #tpu.memory_space<hbm>> -> memref<128x32xf32, #tpu.memory_space<hbm>>
        %dma_start3A_256 = arith.constant 0 : i32
        %dma_start3A_257 = arith.constant 0 : i32
        %dma_start3A_258 = tpu.memref_slice %arg19[%dma_start3A_244, %dma_start3A_256, %dma_start3A_257] : memref<6x128x33xf32, #tpu.memory_space<vmem>> -> memref<1x128x32xf32, #tpu.memory_space<vmem>>
        %dma_start3A_259 = tpu.memref_squeeze %dma_start3A_258 : memref<1x128x32xf32, #tpu.memory_space<vmem>> -> memref<128x32xf32, #tpu.memory_space<vmem>>
        tpu.enqueue_dma source(%dma_start3A_259 : memref<128x32xf32, #tpu.memory_space<vmem>>) target(%dma_start3A_255 : memref<128x32xf32, #tpu.memory_space<hbm>>) target_semaphore(%dma_start3A_253 : memref<!tpu.dma_semaphore, #tpu.memory_space<semaphore_mem>>)
      } else {
      }
      %mul3A_106 = arith.constant 6 : i32
      %mul3A_107 = arith.muli %scan3A_60, %mul3A_106 : i32
      %add3A_108 = arith.constant 2 : i32
      %add3A_109 = arith.addi %mul3A_107, %add3A_108 : i32
      %ge3A_110 = arith.constant 6 : i32
      %ge3A_111 = arith.cmpi sge, %add3A_109, %ge3A_110 : i32
      %lt3A_112 = arith.constant 56 : i32
      %lt3A_113 = arith.cmpi slt, %add3A_109, %lt3A_112 : i32
      %and3A_114 = arith.andi %ge3A_111, %lt3A_113 : i1
      %convert_element_type3A_115 = arith.extui %and3A_114 : i1 to i32
      %cond3A_116 = arith.constant 0 : i32
      %cond3A_117 = arith.cmpi ne, %convert_element_type3A_115, %cond3A_116 : i32
      scf.if %cond3A_117 {
        %sub3A = arith.constant 6 : i32
        %sub3A_206 = arith.subi %add3A_109, %sub3A : i32
        %mul3A_207 = arith.constant 128 : i32
        %mul3A_208 = arith.muli %sub3A_206, %mul3A_207 : i32
        %add3A_209 = arith.addi %mul3A_2, %mul3A_208 : i32
        %dma_wait3A_210 = arith.constant 2 : i32
        %dma_wait3A_211 = arith.constant 2 : i32
        %dma_wait3A_212 = arith.constant 0 : i32
        %dma_wait3A_213 = arith.constant 0 : i32
        %dma_wait3A_214 = tpu.memref_slice %arg18[%dma_wait3A_210, %dma_wait3A_212, %dma_wait3A_213] : memref<6x128x64xf32, #tpu.memory_space<vmem>> -> memref<1x128x64xf32, #tpu.memory_space<vmem>>
        %dma_wait3A_215 = tpu.memref_squeeze %dma_wait3A_214 : memref<1x128x64xf32, #tpu.memory_space<vmem>> -> memref<128x64xf32, #tpu.memory_space<vmem>>
        %dma_wait3A_216 = arith.constant 0 : i32
        %dma_wait3A_217 = tpu.memref_slice %arg11[%add3A_209, %dma_wait3A_216] : memref<204800x96xf32, #tpu.memory_space<hbm>> -> memref<128x64xf32, #tpu.memory_space<hbm>>
        %dma_wait3A_218 = tpu.memref_slice %arg25[%dma_wait3A_211] : memref<6x!tpu.dma_semaphore, #tpu.memory_space<semaphore_mem>> -> memref<1x!tpu.dma_semaphore, #tpu.memory_space<semaphore_mem>>
        %dma_wait3A_219 = tpu.memref_squeeze %dma_wait3A_218 : memref<1x!tpu.dma_semaphore, #tpu.memory_space<semaphore_mem>> -> memref<!tpu.dma_semaphore, #tpu.memory_space<semaphore_mem>>
        %dma_wait3A_220 = arith.constant 0 : i32
        %dma_wait3A_221 = tpu.memref_slice %arg11[%add3A_209, %dma_wait3A_220] : memref<204800x96xf32, #tpu.memory_space<hbm>> -> memref<128x64xf32, #tpu.memory_space<hbm>>
        %dma_wait3A_222 = arith.constant 0 : i32
        %dma_wait3A_223 = arith.constant 0 : i32
        %dma_wait3A_224 = tpu.memref_slice %arg18[%dma_wait3A_210, %dma_wait3A_222, %dma_wait3A_223] : memref<6x128x64xf32, #tpu.memory_space<vmem>> -> memref<1x128x64xf32, #tpu.memory_space<vmem>>
        %dma_wait3A_225 = tpu.memref_squeeze %dma_wait3A_224 : memref<1x128x64xf32, #tpu.memory_space<vmem>> -> memref<128x64xf32, #tpu.memory_space<vmem>>
        tpu.wait_dma2 semaphore(%dma_wait3A_219 : memref<!tpu.dma_semaphore, #tpu.memory_space<semaphore_mem>>) src(%dma_wait3A_225 : memref<128x64xf32, #tpu.memory_space<vmem>>) dst(%dma_wait3A_221 : memref<128x64xf32, #tpu.memory_space<hbm>>)
        %dma_wait3A_226 = arith.constant 2 : i32
        %dma_wait3A_227 = arith.constant 2 : i32
        %dma_wait3A_228 = arith.constant 0 : i32
        %dma_wait3A_229 = arith.constant 0 : i32
        %dma_wait3A_230 = tpu.memref_slice %arg19[%dma_wait3A_226, %dma_wait3A_228, %dma_wait3A_229] : memref<6x128x33xf32, #tpu.memory_space<vmem>> -> memref<1x128x32xf32, #tpu.memory_space<vmem>>
        %dma_wait3A_231 = tpu.memref_squeeze %dma_wait3A_230 : memref<1x128x32xf32, #tpu.memory_space<vmem>> -> memref<128x32xf32, #tpu.memory_space<vmem>>
        %dma_wait3A_232 = arith.constant 64 : i32
        %dma_wait3A_233 = tpu.memref_slice %arg11[%add3A_209, %dma_wait3A_232] : memref<204800x96xf32, #tpu.memory_space<hbm>> -> memref<128x32xf32, #tpu.memory_space<hbm>>
        %dma_wait3A_234 = tpu.memref_slice %arg25[%dma_wait3A_227] : memref<6x!tpu.dma_semaphore, #tpu.memory_space<semaphore_mem>> -> memref<1x!tpu.dma_semaphore, #tpu.memory_space<semaphore_mem>>
        %dma_wait3A_235 = tpu.memref_squeeze %dma_wait3A_234 : memref<1x!tpu.dma_semaphore, #tpu.memory_space<semaphore_mem>> -> memref<!tpu.dma_semaphore, #tpu.memory_space<semaphore_mem>>
        %dma_wait3A_236 = arith.constant 64 : i32
        %dma_wait3A_237 = tpu.memref_slice %arg11[%add3A_209, %dma_wait3A_236] : memref<204800x96xf32, #tpu.memory_space<hbm>> -> memref<128x32xf32, #tpu.memory_space<hbm>>
        %dma_wait3A_238 = arith.constant 0 : i32
        %dma_wait3A_239 = arith.constant 0 : i32
        %dma_wait3A_240 = tpu.memref_slice %arg19[%dma_wait3A_226, %dma_wait3A_238, %dma_wait3A_239] : memref<6x128x33xf32, #tpu.memory_space<vmem>> -> memref<1x128x32xf32, #tpu.memory_space<vmem>>
        %dma_wait3A_241 = tpu.memref_squeeze %dma_wait3A_240 : memref<1x128x32xf32, #tpu.memory_space<vmem>> -> memref<128x32xf32, #tpu.memory_space<vmem>>
        tpu.wait_dma2 semaphore(%dma_wait3A_235 : memref<!tpu.dma_semaphore, #tpu.memory_space<semaphore_mem>>) src(%dma_wait3A_241 : memref<128x32xf32, #tpu.memory_space<vmem>>) dst(%dma_wait3A_237 : memref<128x32xf32, #tpu.memory_space<hbm>>)
      } else {
      }
      %lt3A_118 = arith.constant 50 : i32
      %lt3A_119 = arith.cmpi slt, %add3A_109, %lt3A_118 : i32
      %convert_element_type3A_120 = arith.extui %lt3A_119 : i1 to i32
      %cond3A_121 = arith.constant 0 : i32
      %cond3A_122 = arith.cmpi ne, %convert_element_type3A_120, %cond3A_121 : i32
      scf.if %cond3A_122 {
        %mul3A_206 = arith.constant 128 : i32
        %mul3A_207 = arith.muli %add3A_109, %mul3A_206 : i32
        %add3A_208 = arith.constant 0 : i32
        %add3A_209 = arith.addi %mul3A_207, %add3A_208 : i32
        %dma_start3A_210 = arith.constant 2 : i32
        %dma_start3A_211 = arith.constant 2 : i32
        %dma_start3A_212 = arith.constant 0 : i32
        %dma_start3A_213 = arith.constant 0 : i32
        %dma_start3A_214 = tpu.memref_slice %arg18[%dma_start3A_210, %dma_start3A_212, %dma_start3A_213] : memref<6x128x64xf32, #tpu.memory_space<vmem>> -> memref<1x128x64xf32, #tpu.memory_space<vmem>>
        %dma_start3A_215 = tpu.memref_squeeze %dma_start3A_214 : memref<1x128x64xf32, #tpu.memory_space<vmem>> -> memref<128x64xf32, #tpu.memory_space<vmem>>
        %dma_start3A_216 = tpu.memref_slice %arg14[%add3A_209] : memref<6400xi32, #tpu.memory_space<vmem>> -> memref<128xi32, #tpu.memory_space<vmem>>
        %dma_start3A_217 = arith.constant 0 : i32
        %dma_start3A_218 = arith.constant 0 : i32
        %dma_start3A_219 = tpu.memref_slice %arg8[%dma_start3A_217, %dma_start3A_218] : memref<1000002x64xf32, #tpu.memory_space<hbm>> -> memref<1000002x64xf32, #tpu.memory_space<hbm>>
        %dma_start3A_220 = tpu.memref_slice %arg24[%dma_start3A_211] : memref<6x!tpu.dma_semaphore, #tpu.memory_space<semaphore_mem>> -> memref<1x!tpu.dma_semaphore, #tpu.memory_space<semaphore_mem>>
        %dma_start3A_221 = tpu.memref_squeeze %dma_start3A_220 : memref<1x!tpu.dma_semaphore, #tpu.memory_space<semaphore_mem>> -> memref<!tpu.dma_semaphore, #tpu.memory_space<semaphore_mem>>
        tpu.enqueue_indirect_dma source(%dma_start3A_219 : memref<1000002x64xf32, #tpu.memory_space<hbm>>) target(%dma_start3A_215 : memref<128x64xf32, #tpu.memory_space<vmem>>) offsets(%dma_start3A_216 : memref<128xi32, #tpu.memory_space<vmem>>) semaphore(%dma_start3A_221 : memref<!tpu.dma_semaphore, #tpu.memory_space<semaphore_mem>>)
        %mul3A_222 = arith.constant 128 : i32
        %mul3A_223 = arith.muli %add3A_109, %mul3A_222 : i32
        %scan3A_224 = arith.constant 0 : i32
        %scan3A_225 = arith.constant 0 : i32
        %scan3A_226 = arith.constant 8 : i32
        %scan3A_227 = arith.addi %scan3A_225, %scan3A_226 : i32
        %scan3A_228 = arith.constant 1 : i32
        scf.for %scan3A_230 = %scan3A_225 to %scan3A_227 step %scan3A_228  : i32 {
          %mul3A_231 = arith.constant 16 : i32
          %mul3A_232 = arith.muli %scan3A_230, %mul3A_231 : i32
          %add3A_233 = arith.addi %mul3A_223, %mul3A_232 : i32
          %get3A = arith.index_cast %add3A_233 : i32 to index
          %get3A_234 = tpu.vector_load %arg17[%get3A] {strides = array<i32>} : memref<6400xi32, #tpu.memory_space<vmem>>, vector<16xi32>,
          %get3A_235 = arith.index_cast %add3A_233 : i32 to index
          %get3A_236 = tpu.vector_load %arg15[%get3A_235] {strides = array<i32>} : memref<6400xi32, #tpu.memory_space<vmem>>, vector<16xi32>,
          %mul3A_237 = arith.muli %get3A_236, %get3A_234 : vector<16xi32>
          %get3A_238 = arith.index_cast %add3A_233 : i32 to index
          %get3A_239 = tpu.vector_load %arg16[%get3A_238] {strides = array<i32>} : memref<6400xi32, #tpu.memory_space<vmem>>, vector<16xi32>,
          %mul3A_240 = arith.muli %get3A_239, %get3A_234 : vector<16xi32>
          %mul3A_241 = arith.constant 16 : i32
          %mul3A_242 = arith.muli %scan3A_230, %mul3A_241 : i32
          %add3A_243 = vector.broadcast %mul3A_242 : i32 to vector<16xi32>
          %add3A_244 = arith.addi %iota3A, %add3A_243 : vector<16xi32>
          %broadcast_in_dim3A = arith.constant 0 : i32
          %broadcast_in_dim3A_245 = vector.broadcast %broadcast_in_dim3A : i32 to vector<16xi32>
          %gather3A = tpu.vector_load_idx %arg20[%mul3A_237, %broadcast_in_dim3A_245] : memref<80x17xf32, #tpu.memory_space<vmem>>[vector<16xi32>, vector<16xi32>], vector<16xf32>,
          %scatter3A = arith.constant 2 : i32
          %scatter3A_246 = arith.constant 0 : i32
          %scatter3A_247 = arith.constant 0 : i32
          %scatter3A_248 = tpu.memref_slice %arg19[%scatter3A, %scatter3A_246, %scatter3A_247] : memref<6x128x33xf32, #tpu.memory_space<vmem>> -> memref<1x128x33xf32, #tpu.memory_space<vmem>>
          %scatter3A_249 = tpu.memref_squeeze %scatter3A_248 : memref<1x128x33xf32, #tpu.memory_space<vmem>> -> memref<128x33xf32, #tpu.memory_space<vmem>>
          tpu.vector_store_idx %scatter3A_249[%add3A_244, %broadcast_in_dim3A_245], %gather3A : memref<128x33xf32, #tpu.memory_space<vmem>>[vector<16xi32>, vector<16xi32>], vector<16xf32>,
          %gather3A_250 = tpu.vector_load_idx %arg21[%mul3A_240, %broadcast_in_dim3A_245] : memref<80x17xf32, #tpu.memory_space<vmem>>[vector<16xi32>, vector<16xi32>], vector<16xf32>,
          %add3A_251 = arith.constant 16 : i32
          %add3A_252 = vector.broadcast %add3A_251 : i32 to vector<16xi32>
          %add3A_253 = arith.addi %broadcast_in_dim3A_245, %add3A_252 : vector<16xi32>
          %scatter3A_254 = arith.constant 2 : i32
          %scatter3A_255 = arith.constant 0 : i32
          %scatter3A_256 = arith.constant 0 : i32
          %scatter3A_257 = tpu.memref_slice %arg19[%scatter3A_254, %scatter3A_255, %scatter3A_256] : memref<6x128x33xf32, #tpu.memory_space<vmem>> -> memref<1x128x33xf32, #tpu.memory_space<vmem>>
          %scatter3A_258 = tpu.memref_squeeze %scatter3A_257 : memref<1x128x33xf32, #tpu.memory_space<vmem>> -> memref<128x33xf32, #tpu.memory_space<vmem>>
          tpu.vector_store_idx %scatter3A_258[%add3A_244, %add3A_253], %gather3A_250 : memref<128x33xf32, #tpu.memory_space<vmem>>[vector<16xi32>, vector<16xi32>], vector<16xf32>,
          %broadcast_in_dim3A_259 = arith.constant 1 : i32
          %broadcast_in_dim3A_260 = vector.broadcast %broadcast_in_dim3A_259 : i32 to vector<16xi32>
          %gather3A_261 = tpu.vector_load_idx %arg20[%mul3A_237, %broadcast_in_dim3A_260] : memref<80x17xf32, #tpu.memory_space<vmem>>[vector<16xi32>, vector<16xi32>], vector<16xf32>,
          %scatter3A_262 = arith.constant 2 : i32
          %scatter3A_263 = arith.constant 0 : i32
          %scatter3A_264 = arith.constant 0 : i32
          %scatter3A_265 = tpu.memref_slice %arg19[%scatter3A_262, %scatter3A_263, %scatter3A_264] : memref<6x128x33xf32, #tpu.memory_space<vmem>> -> memref<1x128x33xf32, #tpu.memory_space<vmem>>
          %scatter3A_266 = tpu.memref_squeeze %scatter3A_265 : memref<1x128x33xf32, #tpu.memory_space<vmem>> -> memref<128x33xf32, #tpu.memory_space<vmem>>
          tpu.vector_store_idx %scatter3A_266[%add3A_244, %broadcast_in_dim3A_260], %gather3A_261 : memref<128x33xf32, #tpu.memory_space<vmem>>[vector<16xi32>, vector<16xi32>], vector<16xf32>,
          %gather3A_267 = tpu.vector_load_idx %arg21[%mul3A_240, %broadcast_in_dim3A_260] : memref<80x17xf32, #tpu.memory_space<vmem>>[vector<16xi32>, vector<16xi32>], vector<16xf32>,
          %add3A_268 = arith.constant 16 : i32
          %add3A_269 = vector.broadcast %add3A_268 : i32 to vector<16xi32>
          %add3A_270 = arith.addi %broadcast_in_dim3A_260, %add3A_269 : vector<16xi32>
          %scatter3A_271 = arith.constant 2 : i32
          %scatter3A_272 = arith.constant 0 : i32
          %scatter3A_273 = arith.constant 0 : i32
          %scatter3A_274 = tpu.memref_slice %arg19[%scatter3A_271, %scatter3A_272, %scatter3A_273] : memref<6x128x33xf32, #tpu.memory_space<vmem>> -> memref<1x128x33xf32, #tpu.memory_space<vmem>>
          %scatter3A_275 = tpu.memref_squeeze %scatter3A_274 : memref<1x128x33xf32, #tpu.memory_space<vmem>> -> memref<128x33xf32, #tpu.memory_space<vmem>>
          tpu.vector_store_idx %scatter3A_275[%add3A_244, %add3A_270], %gather3A_267 : memref<128x33xf32, #tpu.memory_space<vmem>>[vector<16xi32>, vector<16xi32>], vector<16xf32>,
          %broadcast_in_dim3A_276 = arith.constant 2 : i32
          %broadcast_in_dim3A_277 = vector.broadcast %broadcast_in_dim3A_276 : i32 to vector<16xi32>
          %gather3A_278 = tpu.vector_load_idx %arg20[%mul3A_237, %broadcast_in_dim3A_277] : memref<80x17xf32, #tpu.memory_space<vmem>>[vector<16xi32>, vector<16xi32>], vector<16xf32>,
          %scatter3A_279 = arith.constant 2 : i32
          %scatter3A_280 = arith.constant 0 : i32
          %scatter3A_281 = arith.constant 0 : i32
          %scatter3A_282 = tpu.memref_slice %arg19[%scatter3A_279, %scatter3A_280, %scatter3A_281] : memref<6x128x33xf32, #tpu.memory_space<vmem>> -> memref<1x128x33xf32, #tpu.memory_space<vmem>>
          %scatter3A_283 = tpu.memref_squeeze %scatter3A_282 : memref<1x128x33xf32, #tpu.memory_space<vmem>> -> memref<128x33xf32, #tpu.memory_space<vmem>>
          tpu.vector_store_idx %scatter3A_283[%add3A_244, %broadcast_in_dim3A_277], %gather3A_278 : memref<128x33xf32, #tpu.memory_space<vmem>>[vector<16xi32>, vector<16xi32>], vector<16xf32>,
          %gather3A_284 = tpu.vector_load_idx %arg21[%mul3A_240, %broadcast_in_dim3A_277] : memref<80x17xf32, #tpu.memory_space<vmem>>[vector<16xi32>, vector<16xi32>], vector<16xf32>,
          %add3A_285 = arith.constant 16 : i32
          %add3A_286 = vector.broadcast %add3A_285 : i32 to vector<16xi32>
          %add3A_287 = arith.addi %broadcast_in_dim3A_277, %add3A_286 : vector<16xi32>
          %scatter3A_288 = arith.constant 2 : i32
          %scatter3A_289 = arith.constant 0 : i32
          %scatter3A_290 = arith.constant 0 : i32
          %scatter3A_291 = tpu.memref_slice %arg19[%scatter3A_288, %scatter3A_289, %scatter3A_290] : memref<6x128x33xf32, #tpu.memory_space<vmem>> -> memref<1x128x33xf32, #tpu.memory_space<vmem>>
          %scatter3A_292 = tpu.memref_squeeze %scatter3A_291 : memref<1x128x33xf32, #tpu.memory_space<vmem>> -> memref<128x33xf32, #tpu.memory_space<vmem>>
          tpu.vector_store_idx %scatter3A_292[%add3A_244, %add3A_287], %gather3A_284 : memref<128x33xf32, #tpu.memory_space<vmem>>[vector<16xi32>, vector<16xi32>], vector<16xf32>,
          %broadcast_in_dim3A_293 = arith.constant 3 : i32
          %broadcast_in_dim3A_294 = vector.broadcast %broadcast_in_dim3A_293 : i32 to vector<16xi32>
          %gather3A_295 = tpu.vector_load_idx %arg20[%mul3A_237, %broadcast_in_dim3A_294] : memref<80x17xf32, #tpu.memory_space<vmem>>[vector<16xi32>, vector<16xi32>], vector<16xf32>,
          %scatter3A_296 = arith.constant 2 : i32
          %scatter3A_297 = arith.constant 0 : i32
          %scatter3A_298 = arith.constant 0 : i32
          %scatter3A_299 = tpu.memref_slice %arg19[%scatter3A_296, %scatter3A_297, %scatter3A_298] : memref<6x128x33xf32, #tpu.memory_space<vmem>> -> memref<1x128x33xf32, #tpu.memory_space<vmem>>
          %scatter3A_300 = tpu.memref_squeeze %scatter3A_299 : memref<1x128x33xf32, #tpu.memory_space<vmem>> -> memref<128x33xf32, #tpu.memory_space<vmem>>
          tpu.vector_store_idx %scatter3A_300[%add3A_244, %broadcast_in_dim3A_294], %gather3A_295 : memref<128x33xf32, #tpu.memory_space<vmem>>[vector<16xi32>, vector<16xi32>], vector<16xf32>,
          %gather3A_301 = tpu.vector_load_idx %arg21[%mul3A_240, %broadcast_in_dim3A_294] : memref<80x17xf32, #tpu.memory_space<vmem>>[vector<16xi32>, vector<16xi32>], vector<16xf32>,
          %add3A_302 = arith.constant 16 : i32
          %add3A_303 = vector.broadcast %add3A_302 : i32 to vector<16xi32>
          %add3A_304 = arith.addi %broadcast_in_dim3A_294, %add3A_303 : vector<16xi32>
          %scatter3A_305 = arith.constant 2 : i32
          %scatter3A_306 = arith.constant 0 : i32
          %scatter3A_307 = arith.constant 0 : i32
          %scatter3A_308 = tpu.memref_slice %arg19[%scatter3A_305, %scatter3A_306, %scatter3A_307] : memref<6x128x33xf32, #tpu.memory_space<vmem>> -> memref<1x128x33xf32, #tpu.memory_space<vmem>>
          %scatter3A_309 = tpu.memref_squeeze %scatter3A_308 : memref<1x128x33xf32, #tpu.memory_space<vmem>> -> memref<128x33xf32, #tpu.memory_space<vmem>>
          tpu.vector_store_idx %scatter3A_309[%add3A_244, %add3A_304], %gather3A_301 : memref<128x33xf32, #tpu.memory_space<vmem>>[vector<16xi32>, vector<16xi32>], vector<16xf32>,
          %broadcast_in_dim3A_310 = arith.constant 4 : i32
          %broadcast_in_dim3A_311 = vector.broadcast %broadcast_in_dim3A_310 : i32 to vector<16xi32>
          %gather3A_312 = tpu.vector_load_idx %arg20[%mul3A_237, %broadcast_in_dim3A_311] : memref<80x17xf32, #tpu.memory_space<vmem>>[vector<16xi32>, vector<16xi32>], vector<16xf32>,
          %scatter3A_313 = arith.constant 2 : i32
          %scatter3A_314 = arith.constant 0 : i32
          %scatter3A_315 = arith.constant 0 : i32
          %scatter3A_316 = tpu.memref_slice %arg19[%scatter3A_313, %scatter3A_314, %scatter3A_315] : memref<6x128x33xf32, #tpu.memory_space<vmem>> -> memref<1x128x33xf32, #tpu.memory_space<vmem>>
          %scatter3A_317 = tpu.memref_squeeze %scatter3A_316 : memref<1x128x33xf32, #tpu.memory_space<vmem>> -> memref<128x33xf32, #tpu.memory_space<vmem>>
          tpu.vector_store_idx %scatter3A_317[%add3A_244, %broadcast_in_dim3A_311], %gather3A_312 : memref<128x33xf32, #tpu.memory_space<vmem>>[vector<16xi32>, vector<16xi32>], vector<16xf32>,
          %gather3A_318 = tpu.vector_load_idx %arg21[%mul3A_240, %broadcast_in_dim3A_311] : memref<80x17xf32, #tpu.memory_space<vmem>>[vector<16xi32>, vector<16xi32>], vector<16xf32>,
          %add3A_319 = arith.constant 16 : i32
          %add3A_320 = vector.broadcast %add3A_319 : i32 to vector<16xi32>
          %add3A_321 = arith.addi %broadcast_in_dim3A_311, %add3A_320 : vector<16xi32>
          %scatter3A_322 = arith.constant 2 : i32
          %scatter3A_323 = arith.constant 0 : i32
          %scatter3A_324 = arith.constant 0 : i32
          %scatter3A_325 = tpu.memref_slice %arg19[%scatter3A_322, %scatter3A_323, %scatter3A_324] : memref<6x128x33xf32, #tpu.memory_space<vmem>> -> memref<1x128x33xf32, #tpu.memory_space<vmem>>
          %scatter3A_326 = tpu.memref_squeeze %scatter3A_325 : memref<1x128x33xf32, #tpu.memory_space<vmem>> -> memref<128x33xf32, #tpu.memory_space<vmem>>
          tpu.vector_store_idx %scatter3A_326[%add3A_244, %add3A_321], %gather3A_318 : memref<128x33xf32, #tpu.memory_space<vmem>>[vector<16xi32>, vector<16xi32>], vector<16xf32>,
          %broadcast_in_dim3A_327 = arith.constant 5 : i32
          %broadcast_in_dim3A_328 = vector.broadcast %broadcast_in_dim3A_327 : i32 to vector<16xi32>
          %gather3A_329 = tpu.vector_load_idx %arg20[%mul3A_237, %broadcast_in_dim3A_328] : memref<80x17xf32, #tpu.memory_space<vmem>>[vector<16xi32>, vector<16xi32>], vector<16xf32>,
          %scatter3A_330 = arith.constant 2 : i32
          %scatter3A_331 = arith.constant 0 : i32
          %scatter3A_332 = arith.constant 0 : i32
          %scatter3A_333 = tpu.memref_slice %arg19[%scatter3A_330, %scatter3A_331, %scatter3A_332] : memref<6x128x33xf32, #tpu.memory_space<vmem>> -> memref<1x128x33xf32, #tpu.memory_space<vmem>>
          %scatter3A_334 = tpu.memref_squeeze %scatter3A_333 : memref<1x128x33xf32, #tpu.memory_space<vmem>> -> memref<128x33xf32, #tpu.memory_space<vmem>>
          tpu.vector_store_idx %scatter3A_334[%add3A_244, %broadcast_in_dim3A_328], %gather3A_329 : memref<128x33xf32, #tpu.memory_space<vmem>>[vector<16xi32>, vector<16xi32>], vector<16xf32>,
          %gather3A_335 = tpu.vector_load_idx %arg21[%mul3A_240, %broadcast_in_dim3A_328] : memref<80x17xf32, #tpu.memory_space<vmem>>[vector<16xi32>, vector<16xi32>], vector<16xf32>,
          %add3A_336 = arith.constant 16 : i32
          %add3A_337 = vector.broadcast %add3A_336 : i32 to vector<16xi32>
          %add3A_338 = arith.addi %broadcast_in_dim3A_328, %add3A_337 : vector<16xi32>
          %scatter3A_339 = arith.constant 2 : i32
          %scatter3A_340 = arith.constant 0 : i32
          %scatter3A_341 = arith.constant 0 : i32
          %scatter3A_342 = tpu.memref_slice %arg19[%scatter3A_339, %scatter3A_340, %scatter3A_341] : memref<6x128x33xf32, #tpu.memory_space<vmem>> -> memref<1x128x33xf32, #tpu.memory_space<vmem>>
          %scatter3A_343 = tpu.memref_squeeze %scatter3A_342 : memref<1x128x33xf32, #tpu.memory_space<vmem>> -> memref<128x33xf32, #tpu.memory_space<vmem>>
          tpu.vector_store_idx %scatter3A_343[%add3A_244, %add3A_338], %gather3A_335 : memref<128x33xf32, #tpu.memory_space<vmem>>[vector<16xi32>, vector<16xi32>], vector<16xf32>,
          %broadcast_in_dim3A_344 = arith.constant 6 : i32
          %broadcast_in_dim3A_345 = vector.broadcast %broadcast_in_dim3A_344 : i32 to vector<16xi32>
          %gather3A_346 = tpu.vector_load_idx %arg20[%mul3A_237, %broadcast_in_dim3A_345] : memref<80x17xf32, #tpu.memory_space<vmem>>[vector<16xi32>, vector<16xi32>], vector<16xf32>,
          %scatter3A_347 = arith.constant 2 : i32
          %scatter3A_348 = arith.constant 0 : i32
          %scatter3A_349 = arith.constant 0 : i32
          %scatter3A_350 = tpu.memref_slice %arg19[%scatter3A_347, %scatter3A_348, %scatter3A_349] : memref<6x128x33xf32, #tpu.memory_space<vmem>> -> memref<1x128x33xf32, #tpu.memory_space<vmem>>
          %scatter3A_351 = tpu.memref_squeeze %scatter3A_350 : memref<1x128x33xf32, #tpu.memory_space<vmem>> -> memref<128x33xf32, #tpu.memory_space<vmem>>
          tpu.vector_store_idx %scatter3A_351[%add3A_244, %broadcast_in_dim3A_345], %gather3A_346 : memref<128x33xf32, #tpu.memory_space<vmem>>[vector<16xi32>, vector<16xi32>], vector<16xf32>,
          %gather3A_352 = tpu.vector_load_idx %arg21[%mul3A_240, %broadcast_in_dim3A_345] : memref<80x17xf32, #tpu.memory_space<vmem>>[vector<16xi32>, vector<16xi32>], vector<16xf32>,
          %add3A_353 = arith.constant 16 : i32
          %add3A_354 = vector.broadcast %add3A_353 : i32 to vector<16xi32>
          %add3A_355 = arith.addi %broadcast_in_dim3A_345, %add3A_354 : vector<16xi32>
          %scatter3A_356 = arith.constant 2 : i32
          %scatter3A_357 = arith.constant 0 : i32
          %scatter3A_358 = arith.constant 0 : i32
          %scatter3A_359 = tpu.memref_slice %arg19[%scatter3A_356, %scatter3A_357, %scatter3A_358] : memref<6x128x33xf32, #tpu.memory_space<vmem>> -> memref<1x128x33xf32, #tpu.memory_space<vmem>>
          %scatter3A_360 = tpu.memref_squeeze %scatter3A_359 : memref<1x128x33xf32, #tpu.memory_space<vmem>> -> memref<128x33xf32, #tpu.memory_space<vmem>>
          tpu.vector_store_idx %scatter3A_360[%add3A_244, %add3A_355], %gather3A_352 : memref<128x33xf32, #tpu.memory_space<vmem>>[vector<16xi32>, vector<16xi32>], vector<16xf32>,
          %broadcast_in_dim3A_361 = arith.constant 7 : i32
          %broadcast_in_dim3A_362 = vector.broadcast %broadcast_in_dim3A_361 : i32 to vector<16xi32>
          %gather3A_363 = tpu.vector_load_idx %arg20[%mul3A_237, %broadcast_in_dim3A_362] : memref<80x17xf32, #tpu.memory_space<vmem>>[vector<16xi32>, vector<16xi32>], vector<16xf32>,
          %scatter3A_364 = arith.constant 2 : i32
          %scatter3A_365 = arith.constant 0 : i32
          %scatter3A_366 = arith.constant 0 : i32
          %scatter3A_367 = tpu.memref_slice %arg19[%scatter3A_364, %scatter3A_365, %scatter3A_366] : memref<6x128x33xf32, #tpu.memory_space<vmem>> -> memref<1x128x33xf32, #tpu.memory_space<vmem>>
          %scatter3A_368 = tpu.memref_squeeze %scatter3A_367 : memref<1x128x33xf32, #tpu.memory_space<vmem>> -> memref<128x33xf32, #tpu.memory_space<vmem>>
          tpu.vector_store_idx %scatter3A_368[%add3A_244, %broadcast_in_dim3A_362], %gather3A_363 : memref<128x33xf32, #tpu.memory_space<vmem>>[vector<16xi32>, vector<16xi32>], vector<16xf32>,
          %gather3A_369 = tpu.vector_load_idx %arg21[%mul3A_240, %broadcast_in_dim3A_362] : memref<80x17xf32, #tpu.memory_space<vmem>>[vector<16xi32>, vector<16xi32>], vector<16xf32>,
          %add3A_370 = arith.constant 16 : i32
          %add3A_371 = vector.broadcast %add3A_370 : i32 to vector<16xi32>
          %add3A_372 = arith.addi %broadcast_in_dim3A_362, %add3A_371 : vector<16xi32>
          %scatter3A_373 = arith.constant 2 : i32
          %scatter3A_374 = arith.constant 0 : i32
          %scatter3A_375 = arith.constant 0 : i32
          %scatter3A_376 = tpu.memref_slice %arg19[%scatter3A_373, %scatter3A_374, %scatter3A_375] : memref<6x128x33xf32, #tpu.memory_space<vmem>> -> memref<1x128x33xf32, #tpu.memory_space<vmem>>
          %scatter3A_377 = tpu.memref_squeeze %scatter3A_376 : memref<1x128x33xf32, #tpu.memory_space<vmem>> -> memref<128x33xf32, #tpu.memory_space<vmem>>
          tpu.vector_store_idx %scatter3A_377[%add3A_244, %add3A_372], %gather3A_369 : memref<128x33xf32, #tpu.memory_space<vmem>>[vector<16xi32>, vector<16xi32>], vector<16xf32>,
          %broadcast_in_dim3A_378 = arith.constant 8 : i32
          %broadcast_in_dim3A_379 = vector.broadcast %broadcast_in_dim3A_378 : i32 to vector<16xi32>
          %gather3A_380 = tpu.vector_load_idx %arg20[%mul3A_237, %broadcast_in_dim3A_379] : memref<80x17xf32, #tpu.memory_space<vmem>>[vector<16xi32>, vector<16xi32>], vector<16xf32>,
          %scatter3A_381 = arith.constant 2 : i32
          %scatter3A_382 = arith.constant 0 : i32
          %scatter3A_383 = arith.constant 0 : i32
          %scatter3A_384 = tpu.memref_slice %arg19[%scatter3A_381, %scatter3A_382, %scatter3A_383] : memref<6x128x33xf32, #tpu.memory_space<vmem>> -> memref<1x128x33xf32, #tpu.memory_space<vmem>>
          %scatter3A_385 = tpu.memref_squeeze %scatter3A_384 : memref<1x128x33xf32, #tpu.memory_space<vmem>> -> memref<128x33xf32, #tpu.memory_space<vmem>>
          tpu.vector_store_idx %scatter3A_385[%add3A_244, %broadcast_in_dim3A_379], %gather3A_380 : memref<128x33xf32, #tpu.memory_space<vmem>>[vector<16xi32>, vector<16xi32>], vector<16xf32>,
          %gather3A_386 = tpu.vector_load_idx %arg21[%mul3A_240, %broadcast_in_dim3A_379] : memref<80x17xf32, #tpu.memory_space<vmem>>[vector<16xi32>, vector<16xi32>], vector<16xf32>,
          %add3A_387 = arith.constant 16 : i32
          %add3A_388 = vector.broadcast %add3A_387 : i32 to vector<16xi32>
          %add3A_389 = arith.addi %broadcast_in_dim3A_379, %add3A_388 : vector<16xi32>
          %scatter3A_390 = arith.constant 2 : i32
          %scatter3A_391 = arith.constant 0 : i32
          %scatter3A_392 = arith.constant 0 : i32
          %scatter3A_393 = tpu.memref_slice %arg19[%scatter3A_390, %scatter3A_391, %scatter3A_392] : memref<6x128x33xf32, #tpu.memory_space<vmem>> -> memref<1x128x33xf32, #tpu.memory_space<vmem>>
          %scatter3A_394 = tpu.memref_squeeze %scatter3A_393 : memref<1x128x33xf32, #tpu.memory_space<vmem>> -> memref<128x33xf32, #tpu.memory_space<vmem>>
          tpu.vector_store_idx %scatter3A_394[%add3A_244, %add3A_389], %gather3A_386 : memref<128x33xf32, #tpu.memory_space<vmem>>[vector<16xi32>, vector<16xi32>], vector<16xf32>,
          %broadcast_in_dim3A_395 = arith.constant 9 : i32
          %broadcast_in_dim3A_396 = vector.broadcast %broadcast_in_dim3A_395 : i32 to vector<16xi32>
          %gather3A_397 = tpu.vector_load_idx %arg20[%mul3A_237, %broadcast_in_dim3A_396] : memref<80x17xf32, #tpu.memory_space<vmem>>[vector<16xi32>, vector<16xi32>], vector<16xf32>,
          %scatter3A_398 = arith.constant 2 : i32
          %scatter3A_399 = arith.constant 0 : i32
          %scatter3A_400 = arith.constant 0 : i32
          %scatter3A_401 = tpu.memref_slice %arg19[%scatter3A_398, %scatter3A_399, %scatter3A_400] : memref<6x128x33xf32, #tpu.memory_space<vmem>> -> memref<1x128x33xf32, #tpu.memory_space<vmem>>
          %scatter3A_402 = tpu.memref_squeeze %scatter3A_401 : memref<1x128x33xf32, #tpu.memory_space<vmem>> -> memref<128x33xf32, #tpu.memory_space<vmem>>
          tpu.vector_store_idx %scatter3A_402[%add3A_244, %broadcast_in_dim3A_396], %gather3A_397 : memref<128x33xf32, #tpu.memory_space<vmem>>[vector<16xi32>, vector<16xi32>], vector<16xf32>,
          %gather3A_403 = tpu.vector_load_idx %arg21[%mul3A_240, %broadcast_in_dim3A_396] : memref<80x17xf32, #tpu.memory_space<vmem>>[vector<16xi32>, vector<16xi32>], vector<16xf32>,
          %add3A_404 = arith.constant 16 : i32
          %add3A_405 = vector.broadcast %add3A_404 : i32 to vector<16xi32>
          %add3A_406 = arith.addi %broadcast_in_dim3A_396, %add3A_405 : vector<16xi32>
          %scatter3A_407 = arith.constant 2 : i32
          %scatter3A_408 = arith.constant 0 : i32
          %scatter3A_409 = arith.constant 0 : i32
          %scatter3A_410 = tpu.memref_slice %arg19[%scatter3A_407, %scatter3A_408, %scatter3A_409] : memref<6x128x33xf32, #tpu.memory_space<vmem>> -> memref<1x128x33xf32, #tpu.memory_space<vmem>>
          %scatter3A_411 = tpu.memref_squeeze %scatter3A_410 : memref<1x128x33xf32, #tpu.memory_space<vmem>> -> memref<128x33xf32, #tpu.memory_space<vmem>>
          tpu.vector_store_idx %scatter3A_411[%add3A_244, %add3A_406], %gather3A_403 : memref<128x33xf32, #tpu.memory_space<vmem>>[vector<16xi32>, vector<16xi32>], vector<16xf32>,
          %broadcast_in_dim3A_412 = arith.constant 10 : i32
          %broadcast_in_dim3A_413 = vector.broadcast %broadcast_in_dim3A_412 : i32 to vector<16xi32>
          %gather3A_414 = tpu.vector_load_idx %arg20[%mul3A_237, %broadcast_in_dim3A_413] : memref<80x17xf32, #tpu.memory_space<vmem>>[vector<16xi32>, vector<16xi32>], vector<16xf32>,
          %scatter3A_415 = arith.constant 2 : i32
          %scatter3A_416 = arith.constant 0 : i32
          %scatter3A_417 = arith.constant 0 : i32
          %scatter3A_418 = tpu.memref_slice %arg19[%scatter3A_415, %scatter3A_416, %scatter3A_417] : memref<6x128x33xf32, #tpu.memory_space<vmem>> -> memref<1x128x33xf32, #tpu.memory_space<vmem>>
          %scatter3A_419 = tpu.memref_squeeze %scatter3A_418 : memref<1x128x33xf32, #tpu.memory_space<vmem>> -> memref<128x33xf32, #tpu.memory_space<vmem>>
          tpu.vector_store_idx %scatter3A_419[%add3A_244, %broadcast_in_dim3A_413], %gather3A_414 : memref<128x33xf32, #tpu.memory_space<vmem>>[vector<16xi32>, vector<16xi32>], vector<16xf32>,
          %gather3A_420 = tpu.vector_load_idx %arg21[%mul3A_240, %broadcast_in_dim3A_413] : memref<80x17xf32, #tpu.memory_space<vmem>>[vector<16xi32>, vector<16xi32>], vector<16xf32>,
          %add3A_421 = arith.constant 16 : i32
          %add3A_422 = vector.broadcast %add3A_421 : i32 to vector<16xi32>
          %add3A_423 = arith.addi %broadcast_in_dim3A_413, %add3A_422 : vector<16xi32>
          %scatter3A_424 = arith.constant 2 : i32
          %scatter3A_425 = arith.constant 0 : i32
          %scatter3A_426 = arith.constant 0 : i32
          %scatter3A_427 = tpu.memref_slice %arg19[%scatter3A_424, %scatter3A_425, %scatter3A_426] : memref<6x128x33xf32, #tpu.memory_space<vmem>> -> memref<1x128x33xf32, #tpu.memory_space<vmem>>
          %scatter3A_428 = tpu.memref_squeeze %scatter3A_427 : memref<1x128x33xf32, #tpu.memory_space<vmem>> -> memref<128x33xf32, #tpu.memory_space<vmem>>
          tpu.vector_store_idx %scatter3A_428[%add3A_244, %add3A_423], %gather3A_420 : memref<128x33xf32, #tpu.memory_space<vmem>>[vector<16xi32>, vector<16xi32>], vector<16xf32>,
          %broadcast_in_dim3A_429 = arith.constant 11 : i32
          %broadcast_in_dim3A_430 = vector.broadcast %broadcast_in_dim3A_429 : i32 to vector<16xi32>
          %gather3A_431 = tpu.vector_load_idx %arg20[%mul3A_237, %broadcast_in_dim3A_430] : memref<80x17xf32, #tpu.memory_space<vmem>>[vector<16xi32>, vector<16xi32>], vector<16xf32>,
          %scatter3A_432 = arith.constant 2 : i32
          %scatter3A_433 = arith.constant 0 : i32
          %scatter3A_434 = arith.constant 0 : i32
          %scatter3A_435 = tpu.memref_slice %arg19[%scatter3A_432, %scatter3A_433, %scatter3A_434] : memref<6x128x33xf32, #tpu.memory_space<vmem>> -> memref<1x128x33xf32, #tpu.memory_space<vmem>>
          %scatter3A_436 = tpu.memref_squeeze %scatter3A_435 : memref<1x128x33xf32, #tpu.memory_space<vmem>> -> memref<128x33xf32, #tpu.memory_space<vmem>>
          tpu.vector_store_idx %scatter3A_436[%add3A_244, %broadcast_in_dim3A_430], %gather3A_431 : memref<128x33xf32, #tpu.memory_space<vmem>>[vector<16xi32>, vector<16xi32>], vector<16xf32>,
          %gather3A_437 = tpu.vector_load_idx %arg21[%mul3A_240, %broadcast_in_dim3A_430] : memref<80x17xf32, #tpu.memory_space<vmem>>[vector<16xi32>, vector<16xi32>], vector<16xf32>,
          %add3A_438 = arith.constant 16 : i32
          %add3A_439 = vector.broadcast %add3A_438 : i32 to vector<16xi32>
          %add3A_440 = arith.addi %broadcast_in_dim3A_430, %add3A_439 : vector<16xi32>
          %scatter3A_441 = arith.constant 2 : i32
          %scatter3A_442 = arith.constant 0 : i32
          %scatter3A_443 = arith.constant 0 : i32
          %scatter3A_444 = tpu.memref_slice %arg19[%scatter3A_441, %scatter3A_442, %scatter3A_443] : memref<6x128x33xf32, #tpu.memory_space<vmem>> -> memref<1x128x33xf32, #tpu.memory_space<vmem>>
          %scatter3A_445 = tpu.memref_squeeze %scatter3A_444 : memref<1x128x33xf32, #tpu.memory_space<vmem>> -> memref<128x33xf32, #tpu.memory_space<vmem>>
          tpu.vector_store_idx %scatter3A_445[%add3A_244, %add3A_440], %gather3A_437 : memref<128x33xf32, #tpu.memory_space<vmem>>[vector<16xi32>, vector<16xi32>], vector<16xf32>,
          %broadcast_in_dim3A_446 = arith.constant 12 : i32
          %broadcast_in_dim3A_447 = vector.broadcast %broadcast_in_dim3A_446 : i32 to vector<16xi32>
          %gather3A_448 = tpu.vector_load_idx %arg20[%mul3A_237, %broadcast_in_dim3A_447] : memref<80x17xf32, #tpu.memory_space<vmem>>[vector<16xi32>, vector<16xi32>], vector<16xf32>,
          %scatter3A_449 = arith.constant 2 : i32
          %scatter3A_450 = arith.constant 0 : i32
          %scatter3A_451 = arith.constant 0 : i32
          %scatter3A_452 = tpu.memref_slice %arg19[%scatter3A_449, %scatter3A_450, %scatter3A_451] : memref<6x128x33xf32, #tpu.memory_space<vmem>> -> memref<1x128x33xf32, #tpu.memory_space<vmem>>
          %scatter3A_453 = tpu.memref_squeeze %scatter3A_452 : memref<1x128x33xf32, #tpu.memory_space<vmem>> -> memref<128x33xf32, #tpu.memory_space<vmem>>
          tpu.vector_store_idx %scatter3A_453[%add3A_244, %broadcast_in_dim3A_447], %gather3A_448 : memref<128x33xf32, #tpu.memory_space<vmem>>[vector<16xi32>, vector<16xi32>], vector<16xf32>,
          %gather3A_454 = tpu.vector_load_idx %arg21[%mul3A_240, %broadcast_in_dim3A_447] : memref<80x17xf32, #tpu.memory_space<vmem>>[vector<16xi32>, vector<16xi32>], vector<16xf32>,
          %add3A_455 = arith.constant 16 : i32
          %add3A_456 = vector.broadcast %add3A_455 : i32 to vector<16xi32>
          %add3A_457 = arith.addi %broadcast_in_dim3A_447, %add3A_456 : vector<16xi32>
          %scatter3A_458 = arith.constant 2 : i32
          %scatter3A_459 = arith.constant 0 : i32
          %scatter3A_460 = arith.constant 0 : i32
          %scatter3A_461 = tpu.memref_slice %arg19[%scatter3A_458, %scatter3A_459, %scatter3A_460] : memref<6x128x33xf32, #tpu.memory_space<vmem>> -> memref<1x128x33xf32, #tpu.memory_space<vmem>>
          %scatter3A_462 = tpu.memref_squeeze %scatter3A_461 : memref<1x128x33xf32, #tpu.memory_space<vmem>> -> memref<128x33xf32, #tpu.memory_space<vmem>>
          tpu.vector_store_idx %scatter3A_462[%add3A_244, %add3A_457], %gather3A_454 : memref<128x33xf32, #tpu.memory_space<vmem>>[vector<16xi32>, vector<16xi32>], vector<16xf32>,
          %broadcast_in_dim3A_463 = arith.constant 13 : i32
          %broadcast_in_dim3A_464 = vector.broadcast %broadcast_in_dim3A_463 : i32 to vector<16xi32>
          %gather3A_465 = tpu.vector_load_idx %arg20[%mul3A_237, %broadcast_in_dim3A_464] : memref<80x17xf32, #tpu.memory_space<vmem>>[vector<16xi32>, vector<16xi32>], vector<16xf32>,
          %scatter3A_466 = arith.constant 2 : i32
          %scatter3A_467 = arith.constant 0 : i32
          %scatter3A_468 = arith.constant 0 : i32
          %scatter3A_469 = tpu.memref_slice %arg19[%scatter3A_466, %scatter3A_467, %scatter3A_468] : memref<6x128x33xf32, #tpu.memory_space<vmem>> -> memref<1x128x33xf32, #tpu.memory_space<vmem>>
          %scatter3A_470 = tpu.memref_squeeze %scatter3A_469 : memref<1x128x33xf32, #tpu.memory_space<vmem>> -> memref<128x33xf32, #tpu.memory_space<vmem>>
          tpu.vector_store_idx %scatter3A_470[%add3A_244, %broadcast_in_dim3A_464], %gather3A_465 : memref<128x33xf32, #tpu.memory_space<vmem>>[vector<16xi32>, vector<16xi32>], vector<16xf32>,
          %gather3A_471 = tpu.vector_load_idx %arg21[%mul3A_240, %broadcast_in_dim3A_464] : memref<80x17xf32, #tpu.memory_space<vmem>>[vector<16xi32>, vector<16xi32>], vector<16xf32>,
          %add3A_472 = arith.constant 16 : i32
          %add3A_473 = vector.broadcast %add3A_472 : i32 to vector<16xi32>
          %add3A_474 = arith.addi %broadcast_in_dim3A_464, %add3A_473 : vector<16xi32>
          %scatter3A_475 = arith.constant 2 : i32
          %scatter3A_476 = arith.constant 0 : i32
          %scatter3A_477 = arith.constant 0 : i32
          %scatter3A_478 = tpu.memref_slice %arg19[%scatter3A_475, %scatter3A_476, %scatter3A_477] : memref<6x128x33xf32, #tpu.memory_space<vmem>> -> memref<1x128x33xf32, #tpu.memory_space<vmem>>
          %scatter3A_479 = tpu.memref_squeeze %scatter3A_478 : memref<1x128x33xf32, #tpu.memory_space<vmem>> -> memref<128x33xf32, #tpu.memory_space<vmem>>
          tpu.vector_store_idx %scatter3A_479[%add3A_244, %add3A_474], %gather3A_471 : memref<128x33xf32, #tpu.memory_space<vmem>>[vector<16xi32>, vector<16xi32>], vector<16xf32>,
          %broadcast_in_dim3A_480 = arith.constant 14 : i32
          %broadcast_in_dim3A_481 = vector.broadcast %broadcast_in_dim3A_480 : i32 to vector<16xi32>
          %gather3A_482 = tpu.vector_load_idx %arg20[%mul3A_237, %broadcast_in_dim3A_481] : memref<80x17xf32, #tpu.memory_space<vmem>>[vector<16xi32>, vector<16xi32>], vector<16xf32>,
          %scatter3A_483 = arith.constant 2 : i32
          %scatter3A_484 = arith.constant 0 : i32
          %scatter3A_485 = arith.constant 0 : i32
          %scatter3A_486 = tpu.memref_slice %arg19[%scatter3A_483, %scatter3A_484, %scatter3A_485] : memref<6x128x33xf32, #tpu.memory_space<vmem>> -> memref<1x128x33xf32, #tpu.memory_space<vmem>>
          %scatter3A_487 = tpu.memref_squeeze %scatter3A_486 : memref<1x128x33xf32, #tpu.memory_space<vmem>> -> memref<128x33xf32, #tpu.memory_space<vmem>>
          tpu.vector_store_idx %scatter3A_487[%add3A_244, %broadcast_in_dim3A_481], %gather3A_482 : memref<128x33xf32, #tpu.memory_space<vmem>>[vector<16xi32>, vector<16xi32>], vector<16xf32>,
          %gather3A_488 = tpu.vector_load_idx %arg21[%mul3A_240, %broadcast_in_dim3A_481] : memref<80x17xf32, #tpu.memory_space<vmem>>[vector<16xi32>, vector<16xi32>], vector<16xf32>,
          %add3A_489 = arith.constant 16 : i32
          %add3A_490 = vector.broadcast %add3A_489 : i32 to vector<16xi32>
          %add3A_491 = arith.addi %broadcast_in_dim3A_481, %add3A_490 : vector<16xi32>
          %scatter3A_492 = arith.constant 2 : i32
          %scatter3A_493 = arith.constant 0 : i32
          %scatter3A_494 = arith.constant 0 : i32
          %scatter3A_495 = tpu.memref_slice %arg19[%scatter3A_492, %scatter3A_493, %scatter3A_494] : memref<6x128x33xf32, #tpu.memory_space<vmem>> -> memref<1x128x33xf32, #tpu.memory_space<vmem>>
          %scatter3A_496 = tpu.memref_squeeze %scatter3A_495 : memref<1x128x33xf32, #tpu.memory_space<vmem>> -> memref<128x33xf32, #tpu.memory_space<vmem>>
          tpu.vector_store_idx %scatter3A_496[%add3A_244, %add3A_491], %gather3A_488 : memref<128x33xf32, #tpu.memory_space<vmem>>[vector<16xi32>, vector<16xi32>], vector<16xf32>,
          %broadcast_in_dim3A_497 = arith.constant 15 : i32
          %broadcast_in_dim3A_498 = vector.broadcast %broadcast_in_dim3A_497 : i32 to vector<16xi32>
          %gather3A_499 = tpu.vector_load_idx %arg20[%mul3A_237, %broadcast_in_dim3A_498] : memref<80x17xf32, #tpu.memory_space<vmem>>[vector<16xi32>, vector<16xi32>], vector<16xf32>,
          %scatter3A_500 = arith.constant 2 : i32
          %scatter3A_501 = arith.constant 0 : i32
          %scatter3A_502 = arith.constant 0 : i32
          %scatter3A_503 = tpu.memref_slice %arg19[%scatter3A_500, %scatter3A_501, %scatter3A_502] : memref<6x128x33xf32, #tpu.memory_space<vmem>> -> memref<1x128x33xf32, #tpu.memory_space<vmem>>
          %scatter3A_504 = tpu.memref_squeeze %scatter3A_503 : memref<1x128x33xf32, #tpu.memory_space<vmem>> -> memref<128x33xf32, #tpu.memory_space<vmem>>
          tpu.vector_store_idx %scatter3A_504[%add3A_244, %broadcast_in_dim3A_498], %gather3A_499 : memref<128x33xf32, #tpu.memory_space<vmem>>[vector<16xi32>, vector<16xi32>], vector<16xf32>,
          %gather3A_505 = tpu.vector_load_idx %arg21[%mul3A_240, %broadcast_in_dim3A_498] : memref<80x17xf32, #tpu.memory_space<vmem>>[vector<16xi32>, vector<16xi32>], vector<16xf32>,
          %add3A_506 = arith.constant 16 : i32
          %add3A_507 = vector.broadcast %add3A_506 : i32 to vector<16xi32>
          %add3A_508 = arith.addi %broadcast_in_dim3A_498, %add3A_507 : vector<16xi32>
          %scatter3A_509 = arith.constant 2 : i32
          %scatter3A_510 = arith.constant 0 : i32
          %scatter3A_511 = arith.constant 0 : i32
          %scatter3A_512 = tpu.memref_slice %arg19[%scatter3A_509, %scatter3A_510, %scatter3A_511] : memref<6x128x33xf32, #tpu.memory_space<vmem>> -> memref<1x128x33xf32, #tpu.memory_space<vmem>>
          %scatter3A_513 = tpu.memref_squeeze %scatter3A_512 : memref<1x128x33xf32, #tpu.memory_space<vmem>> -> memref<128x33xf32, #tpu.memory_space<vmem>>
          tpu.vector_store_idx %scatter3A_513[%add3A_244, %add3A_508], %gather3A_505 : memref<128x33xf32, #tpu.memory_space<vmem>>[vector<16xi32>, vector<16xi32>], vector<16xf32>,
        }
        %scan3A_229 = arith.constant 8 : i32
      } else {
      }
      %ge3A_123 = arith.constant 2 : i32
      %ge3A_124 = arith.cmpi sge, %add3A_109, %ge3A_123 : i32
      %lt3A_125 = arith.constant 52 : i32
      %lt3A_126 = arith.cmpi slt, %add3A_109, %lt3A_125 : i32
      %and3A_127 = arith.andi %ge3A_124, %lt3A_126 : i1
      %convert_element_type3A_128 = arith.extui %and3A_127 : i1 to i32
      %cond3A_129 = arith.constant 0 : i32
      %cond3A_130 = arith.cmpi ne, %convert_element_type3A_128, %cond3A_129 : i32
      scf.if %cond3A_130 {
        %sub3A = arith.constant 2 : i32
        %sub3A_206 = arith.subi %add3A_109, %sub3A : i32
        %mul3A_207 = arith.constant 128 : i32
        %mul3A_208 = arith.muli %sub3A_206, %mul3A_207 : i32
        %add3A_209 = arith.constant 0 : i32
        %add3A_210 = arith.addi %mul3A_208, %add3A_209 : i32
        %dma_wait3A_211 = arith.constant 0 : i32
        %dma_wait3A_212 = arith.constant 0 : i32
        %dma_wait3A_213 = arith.constant 0 : i32
        %dma_wait3A_214 = arith.constant 0 : i32
        %dma_wait3A_215 = tpu.memref_slice %arg18[%dma_wait3A_211, %dma_wait3A_213, %dma_wait3A_214] : memref<6x128x64xf32, #tpu.memory_space<vmem>> -> memref<1x128x64xf32, #tpu.memory_space<vmem>>
        %dma_wait3A_216 = tpu.memref_squeeze %dma_wait3A_215 : memref<1x128x64xf32, #tpu.memory_space<vmem>> -> memref<128x64xf32, #tpu.memory_space<vmem>>
        %dma_wait3A_217 = tpu.memref_slice %arg14[%add3A_210] : memref<6400xi32, #tpu.memory_space<vmem>> -> memref<128xi32, #tpu.memory_space<vmem>>
        %dma_wait3A_218 = arith.constant 0 : i32
        %dma_wait3A_219 = arith.constant 0 : i32
        %dma_wait3A_220 = tpu.memref_slice %arg8[%dma_wait3A_218, %dma_wait3A_219] : memref<1000002x64xf32, #tpu.memory_space<hbm>> -> memref<1000002x64xf32, #tpu.memory_space<hbm>>
        %dma_wait3A_221 = tpu.memref_slice %arg24[%dma_wait3A_212] : memref<6x!tpu.dma_semaphore, #tpu.memory_space<semaphore_mem>> -> memref<1x!tpu.dma_semaphore, #tpu.memory_space<semaphore_mem>>
        %dma_wait3A_222 = tpu.memref_squeeze %dma_wait3A_221 : memref<1x!tpu.dma_semaphore, #tpu.memory_space<semaphore_mem>> -> memref<!tpu.dma_semaphore, #tpu.memory_space<semaphore_mem>>
        tpu.wait_indirect_dma semaphore(%dma_wait3A_222 : memref<!tpu.dma_semaphore, #tpu.memory_space<semaphore_mem>>) src(%dma_wait3A_220 : memref<1000002x64xf32, #tpu.memory_space<hbm>>) dst(%dma_wait3A_216 : memref<128x64xf32, #tpu.memory_space<vmem>>)
        %sub3A_223 = arith.constant 2 : i32
        %sub3A_224 = arith.subi %add3A_109, %sub3A_223 : i32
        %mul3A_225 = arith.constant 128 : i32
        %mul3A_226 = arith.muli %sub3A_224, %mul3A_225 : i32
        %add3A_227 = arith.addi %mul3A_2, %mul3A_226 : i32
        %dma_start3A_228 = arith.constant 0 : i32
        %dma_start3A_229 = arith.constant 0 : i32
        %dma_start3A_230 = arith.constant 0 : i32
        %dma_start3A_231 = arith.constant 0 : i32
        %dma_start3A_232 = tpu.memref_slice %arg18[%dma_start3A_228, %dma_start3A_230, %dma_start3A_231] : memref<6x128x64xf32, #tpu.memory_space<vmem>> -> memref<1x128x64xf32, #tpu.memory_space<vmem>>
        %dma_start3A_233 = tpu.memref_squeeze %dma_start3A_232 : memref<1x128x64xf32, #tpu.memory_space<vmem>> -> memref<128x64xf32, #tpu.memory_space<vmem>>
        %dma_start3A_234 = arith.constant 0 : i32
        %dma_start3A_235 = tpu.memref_slice %arg11[%add3A_227, %dma_start3A_234] : memref<204800x96xf32, #tpu.memory_space<hbm>> -> memref<128x64xf32, #tpu.memory_space<hbm>>
        %dma_start3A_236 = tpu.memref_slice %arg25[%dma_start3A_229] : memref<6x!tpu.dma_semaphore, #tpu.memory_space<semaphore_mem>> -> memref<1x!tpu.dma_semaphore, #tpu.memory_space<semaphore_mem>>
        %dma_start3A_237 = tpu.memref_squeeze %dma_start3A_236 : memref<1x!tpu.dma_semaphore, #tpu.memory_space<semaphore_mem>> -> memref<!tpu.dma_semaphore, #tpu.memory_space<semaphore_mem>>
        %dma_start3A_238 = arith.constant 0 : i32
        %dma_start3A_239 = tpu.memref_slice %arg11[%add3A_227, %dma_start3A_238] : memref<204800x96xf32, #tpu.memory_space<hbm>> -> memref<128x64xf32, #tpu.memory_space<hbm>>
        %dma_start3A_240 = arith.constant 0 : i32
        %dma_start3A_241 = arith.constant 0 : i32
        %dma_start3A_242 = tpu.memref_slice %arg18[%dma_start3A_228, %dma_start3A_240, %dma_start3A_241] : memref<6x128x64xf32, #tpu.memory_space<vmem>> -> memref<1x128x64xf32, #tpu.memory_space<vmem>>
        %dma_start3A_243 = tpu.memref_squeeze %dma_start3A_242 : memref<1x128x64xf32, #tpu.memory_space<vmem>> -> memref<128x64xf32, #tpu.memory_space<vmem>>
        tpu.enqueue_dma source(%dma_start3A_243 : memref<128x64xf32, #tpu.memory_space<vmem>>) target(%dma_start3A_239 : memref<128x64xf32, #tpu.memory_space<hbm>>) target_semaphore(%dma_start3A_237 : memref<!tpu.dma_semaphore, #tpu.memory_space<semaphore_mem>>)
        %dma_start3A_244 = arith.constant 0 : i32
        %dma_start3A_245 = arith.constant 0 : i32
        %dma_start3A_246 = arith.constant 0 : i32
        %dma_start3A_247 = arith.constant 0 : i32
        %dma_start3A_248 = tpu.memref_slice %arg19[%dma_start3A_244, %dma_start3A_246, %dma_start3A_247] : memref<6x128x33xf32, #tpu.memory_space<vmem>> -> memref<1x128x32xf32, #tpu.memory_space<vmem>>
        %dma_start3A_249 = tpu.memref_squeeze %dma_start3A_248 : memref<1x128x32xf32, #tpu.memory_space<vmem>> -> memref<128x32xf32, #tpu.memory_space<vmem>>
        %dma_start3A_250 = arith.constant 64 : i32
        %dma_start3A_251 = tpu.memref_slice %arg11[%add3A_227, %dma_start3A_250] : memref<204800x96xf32, #tpu.memory_space<hbm>> -> memref<128x32xf32, #tpu.memory_space<hbm>>
        %dma_start3A_252 = tpu.memref_slice %arg25[%dma_start3A_245] : memref<6x!tpu.dma_semaphore, #tpu.memory_space<semaphore_mem>> -> memref<1x!tpu.dma_semaphore, #tpu.memory_space<semaphore_mem>>
        %dma_start3A_253 = tpu.memref_squeeze %dma_start3A_252 : memref<1x!tpu.dma_semaphore, #tpu.memory_space<semaphore_mem>> -> memref<!tpu.dma_semaphore, #tpu.memory_space<semaphore_mem>>
        %dma_start3A_254 = arith.constant 64 : i32
        %dma_start3A_255 = tpu.memref_slice %arg11[%add3A_227, %dma_start3A_254] : memref<204800x96xf32, #tpu.memory_space<hbm>> -> memref<128x32xf32, #tpu.memory_space<hbm>>
        %dma_start3A_256 = arith.constant 0 : i32
        %dma_start3A_257 = arith.constant 0 : i32
        %dma_start3A_258 = tpu.memref_slice %arg19[%dma_start3A_244, %dma_start3A_256, %dma_start3A_257] : memref<6x128x33xf32, #tpu.memory_space<vmem>> -> memref<1x128x32xf32, #tpu.memory_space<vmem>>
        %dma_start3A_259 = tpu.memref_squeeze %dma_start3A_258 : memref<1x128x32xf32, #tpu.memory_space<vmem>> -> memref<128x32xf32, #tpu.memory_space<vmem>>
        tpu.enqueue_dma source(%dma_start3A_259 : memref<128x32xf32, #tpu.memory_space<vmem>>) target(%dma_start3A_255 : memref<128x32xf32, #tpu.memory_space<hbm>>) target_semaphore(%dma_start3A_253 : memref<!tpu.dma_semaphore, #tpu.memory_space<semaphore_mem>>)
      } else {
      }
      %mul3A_131 = arith.constant 6 : i32
      %mul3A_132 = arith.muli %scan3A_60, %mul3A_131 : i32
      %add3A_133 = arith.constant 3 : i32
      %add3A_134 = arith.addi %mul3A_132, %add3A_133 : i32
      %ge3A_135 = arith.constant 6 : i32
      %ge3A_136 = arith.cmpi sge, %add3A_134, %ge3A_135 : i32
      %lt3A_137 = arith.constant 56 : i32
      %lt3A_138 = arith.cmpi slt, %add3A_134, %lt3A_137 : i32
      %and3A_139 = arith.andi %ge3A_136, %lt3A_138 : i1
      %convert_element_type3A_140 = arith.extui %and3A_139 : i1 to i32
      %cond3A_141 = arith.constant 0 : i32
      %cond3A_142 = arith.cmpi ne, %convert_element_type3A_140, %cond3A_141 : i32
      scf.if %cond3A_142 {
        %sub3A = arith.constant 6 : i32
        %sub3A_206 = arith.subi %add3A_134, %sub3A : i32
        %mul3A_207 = arith.constant 128 : i32
        %mul3A_208 = arith.muli %sub3A_206, %mul3A_207 : i32
        %add3A_209 = arith.addi %mul3A_2, %mul3A_208 : i32
        %dma_wait3A_210 = arith.constant 3 : i32
        %dma_wait3A_211 = arith.constant 3 : i32
        %dma_wait3A_212 = arith.constant 0 : i32
        %dma_wait3A_213 = arith.constant 0 : i32
        %dma_wait3A_214 = tpu.memref_slice %arg18[%dma_wait3A_210, %dma_wait3A_212, %dma_wait3A_213] : memref<6x128x64xf32, #tpu.memory_space<vmem>> -> memref<1x128x64xf32, #tpu.memory_space<vmem>>
        %dma_wait3A_215 = tpu.memref_squeeze %dma_wait3A_214 : memref<1x128x64xf32, #tpu.memory_space<vmem>> -> memref<128x64xf32, #tpu.memory_space<vmem>>
        %dma_wait3A_216 = arith.constant 0 : i32
        %dma_wait3A_217 = tpu.memref_slice %arg11[%add3A_209, %dma_wait3A_216] : memref<204800x96xf32, #tpu.memory_space<hbm>> -> memref<128x64xf32, #tpu.memory_space<hbm>>
        %dma_wait3A_218 = tpu.memref_slice %arg25[%dma_wait3A_211] : memref<6x!tpu.dma_semaphore, #tpu.memory_space<semaphore_mem>> -> memref<1x!tpu.dma_semaphore, #tpu.memory_space<semaphore_mem>>
        %dma_wait3A_219 = tpu.memref_squeeze %dma_wait3A_218 : memref<1x!tpu.dma_semaphore, #tpu.memory_space<semaphore_mem>> -> memref<!tpu.dma_semaphore, #tpu.memory_space<semaphore_mem>>
        %dma_wait3A_220 = arith.constant 0 : i32
        %dma_wait3A_221 = tpu.memref_slice %arg11[%add3A_209, %dma_wait3A_220] : memref<204800x96xf32, #tpu.memory_space<hbm>> -> memref<128x64xf32, #tpu.memory_space<hbm>>
        %dma_wait3A_222 = arith.constant 0 : i32
        %dma_wait3A_223 = arith.constant 0 : i32
        %dma_wait3A_224 = tpu.memref_slice %arg18[%dma_wait3A_210, %dma_wait3A_222, %dma_wait3A_223] : memref<6x128x64xf32, #tpu.memory_space<vmem>> -> memref<1x128x64xf32, #tpu.memory_space<vmem>>
        %dma_wait3A_225 = tpu.memref_squeeze %dma_wait3A_224 : memref<1x128x64xf32, #tpu.memory_space<vmem>> -> memref<128x64xf32, #tpu.memory_space<vmem>>
        tpu.wait_dma2 semaphore(%dma_wait3A_219 : memref<!tpu.dma_semaphore, #tpu.memory_space<semaphore_mem>>) src(%dma_wait3A_225 : memref<128x64xf32, #tpu.memory_space<vmem>>) dst(%dma_wait3A_221 : memref<128x64xf32, #tpu.memory_space<hbm>>)
        %dma_wait3A_226 = arith.constant 3 : i32
        %dma_wait3A_227 = arith.constant 3 : i32
        %dma_wait3A_228 = arith.constant 0 : i32
        %dma_wait3A_229 = arith.constant 0 : i32
        %dma_wait3A_230 = tpu.memref_slice %arg19[%dma_wait3A_226, %dma_wait3A_228, %dma_wait3A_229] : memref<6x128x33xf32, #tpu.memory_space<vmem>> -> memref<1x128x32xf32, #tpu.memory_space<vmem>>
        %dma_wait3A_231 = tpu.memref_squeeze %dma_wait3A_230 : memref<1x128x32xf32, #tpu.memory_space<vmem>> -> memref<128x32xf32, #tpu.memory_space<vmem>>
        %dma_wait3A_232 = arith.constant 64 : i32
        %dma_wait3A_233 = tpu.memref_slice %arg11[%add3A_209, %dma_wait3A_232] : memref<204800x96xf32, #tpu.memory_space<hbm>> -> memref<128x32xf32, #tpu.memory_space<hbm>>
        %dma_wait3A_234 = tpu.memref_slice %arg25[%dma_wait3A_227] : memref<6x!tpu.dma_semaphore, #tpu.memory_space<semaphore_mem>> -> memref<1x!tpu.dma_semaphore, #tpu.memory_space<semaphore_mem>>
        %dma_wait3A_235 = tpu.memref_squeeze %dma_wait3A_234 : memref<1x!tpu.dma_semaphore, #tpu.memory_space<semaphore_mem>> -> memref<!tpu.dma_semaphore, #tpu.memory_space<semaphore_mem>>
        %dma_wait3A_236 = arith.constant 64 : i32
        %dma_wait3A_237 = tpu.memref_slice %arg11[%add3A_209, %dma_wait3A_236] : memref<204800x96xf32, #tpu.memory_space<hbm>> -> memref<128x32xf32, #tpu.memory_space<hbm>>
        %dma_wait3A_238 = arith.constant 0 : i32
        %dma_wait3A_239 = arith.constant 0 : i32
        %dma_wait3A_240 = tpu.memref_slice %arg19[%dma_wait3A_226, %dma_wait3A_238, %dma_wait3A_239] : memref<6x128x33xf32, #tpu.memory_space<vmem>> -> memref<1x128x32xf32, #tpu.memory_space<vmem>>
        %dma_wait3A_241 = tpu.memref_squeeze %dma_wait3A_240 : memref<1x128x32xf32, #tpu.memory_space<vmem>> -> memref<128x32xf32, #tpu.memory_space<vmem>>
        tpu.wait_dma2 semaphore(%dma_wait3A_235 : memref<!tpu.dma_semaphore, #tpu.memory_space<semaphore_mem>>) src(%dma_wait3A_241 : memref<128x32xf32, #tpu.memory_space<vmem>>) dst(%dma_wait3A_237 : memref<128x32xf32, #tpu.memory_space<hbm>>)
      } else {
      }
      %lt3A_143 = arith.constant 50 : i32
      %lt3A_144 = arith.cmpi slt, %add3A_134, %lt3A_143 : i32
      %convert_element_type3A_145 = arith.extui %lt3A_144 : i1 to i32
      %cond3A_146 = arith.constant 0 : i32
      %cond3A_147 = arith.cmpi ne, %convert_element_type3A_145, %cond3A_146 : i32
      scf.if %cond3A_147 {
        %mul3A_206 = arith.constant 128 : i32
        %mul3A_207 = arith.muli %add3A_134, %mul3A_206 : i32
        %add3A_208 = arith.constant 0 : i32
        %add3A_209 = arith.addi %mul3A_207, %add3A_208 : i32
        %dma_start3A_210 = arith.constant 3 : i32
        %dma_start3A_211 = arith.constant 3 : i32
        %dma_start3A_212 = arith.constant 0 : i32
        %dma_start3A_213 = arith.constant 0 : i32
        %dma_start3A_214 = tpu.memref_slice %arg18[%dma_start3A_210, %dma_start3A_212, %dma_start3A_213] : memref<6x128x64xf32, #tpu.memory_space<vmem>> -> memref<1x128x64xf32, #tpu.memory_space<vmem>>
        %dma_start3A_215 = tpu.memref_squeeze %dma_start3A_214 : memref<1x128x64xf32, #tpu.memory_space<vmem>> -> memref<128x64xf32, #tpu.memory_space<vmem>>
        %dma_start3A_216 = tpu.memref_slice %arg14[%add3A_209] : memref<6400xi32, #tpu.memory_space<vmem>> -> memref<128xi32, #tpu.memory_space<vmem>>
        %dma_start3A_217 = arith.constant 0 : i32
        %dma_start3A_218 = arith.constant 0 : i32
        %dma_start3A_219 = tpu.memref_slice %arg8[%dma_start3A_217, %dma_start3A_218] : memref<1000002x64xf32, #tpu.memory_space<hbm>> -> memref<1000002x64xf32, #tpu.memory_space<hbm>>
        %dma_start3A_220 = tpu.memref_slice %arg24[%dma_start3A_211] : memref<6x!tpu.dma_semaphore, #tpu.memory_space<semaphore_mem>> -> memref<1x!tpu.dma_semaphore, #tpu.memory_space<semaphore_mem>>
        %dma_start3A_221 = tpu.memref_squeeze %dma_start3A_220 : memref<1x!tpu.dma_semaphore, #tpu.memory_space<semaphore_mem>> -> memref<!tpu.dma_semaphore, #tpu.memory_space<semaphore_mem>>
        tpu.enqueue_indirect_dma source(%dma_start3A_219 : memref<1000002x64xf32, #tpu.memory_space<hbm>>) target(%dma_start3A_215 : memref<128x64xf32, #tpu.memory_space<vmem>>) offsets(%dma_start3A_216 : memref<128xi32, #tpu.memory_space<vmem>>) semaphore(%dma_start3A_221 : memref<!tpu.dma_semaphore, #tpu.memory_space<semaphore_mem>>)
        %mul3A_222 = arith.constant 128 : i32
        %mul3A_223 = arith.muli %add3A_134, %mul3A_222 : i32
        %scan3A_224 = arith.constant 0 : i32
        %scan3A_225 = arith.constant 0 : i32
        %scan3A_226 = arith.constant 8 : i32
        %scan3A_227 = arith.addi %scan3A_225, %scan3A_226 : i32
        %scan3A_228 = arith.constant 1 : i32
        scf.for %scan3A_230 = %scan3A_225 to %scan3A_227 step %scan3A_228  : i32 {
          %mul3A_231 = arith.constant 16 : i32
          %mul3A_232 = arith.muli %scan3A_230, %mul3A_231 : i32
          %add3A_233 = arith.addi %mul3A_223, %mul3A_232 : i32
          %get3A = arith.index_cast %add3A_233 : i32 to index
          %get3A_234 = tpu.vector_load %arg17[%get3A] {strides = array<i32>} : memref<6400xi32, #tpu.memory_space<vmem>>, vector<16xi32>,
          %get3A_235 = arith.index_cast %add3A_233 : i32 to index
          %get3A_236 = tpu.vector_load %arg15[%get3A_235] {strides = array<i32>} : memref<6400xi32, #tpu.memory_space<vmem>>, vector<16xi32>,
          %mul3A_237 = arith.muli %get3A_236, %get3A_234 : vector<16xi32>
          %get3A_238 = arith.index_cast %add3A_233 : i32 to index
          %get3A_239 = tpu.vector_load %arg16[%get3A_238] {strides = array<i32>} : memref<6400xi32, #tpu.memory_space<vmem>>, vector<16xi32>,
          %mul3A_240 = arith.muli %get3A_239, %get3A_234 : vector<16xi32>
          %mul3A_241 = arith.constant 16 : i32
          %mul3A_242 = arith.muli %scan3A_230, %mul3A_241 : i32
          %add3A_243 = vector.broadcast %mul3A_242 : i32 to vector<16xi32>
          %add3A_244 = arith.addi %iota3A, %add3A_243 : vector<16xi32>
          %broadcast_in_dim3A = arith.constant 0 : i32
          %broadcast_in_dim3A_245 = vector.broadcast %broadcast_in_dim3A : i32 to vector<16xi32>
          %gather3A = tpu.vector_load_idx %arg20[%mul3A_237, %broadcast_in_dim3A_245] : memref<80x17xf32, #tpu.memory_space<vmem>>[vector<16xi32>, vector<16xi32>], vector<16xf32>,
          %scatter3A = arith.constant 3 : i32
          %scatter3A_246 = arith.constant 0 : i32
          %scatter3A_247 = arith.constant 0 : i32
          %scatter3A_248 = tpu.memref_slice %arg19[%scatter3A, %scatter3A_246, %scatter3A_247] : memref<6x128x33xf32, #tpu.memory_space<vmem>> -> memref<1x128x33xf32, #tpu.memory_space<vmem>>
          %scatter3A_249 = tpu.memref_squeeze %scatter3A_248 : memref<1x128x33xf32, #tpu.memory_space<vmem>> -> memref<128x33xf32, #tpu.memory_space<vmem>>
          tpu.vector_store_idx %scatter3A_249[%add3A_244, %broadcast_in_dim3A_245], %gather3A : memref<128x33xf32, #tpu.memory_space<vmem>>[vector<16xi32>, vector<16xi32>], vector<16xf32>,
          %gather3A_250 = tpu.vector_load_idx %arg21[%mul3A_240, %broadcast_in_dim3A_245] : memref<80x17xf32, #tpu.memory_space<vmem>>[vector<16xi32>, vector<16xi32>], vector<16xf32>,
          %add3A_251 = arith.constant 16 : i32
          %add3A_252 = vector.broadcast %add3A_251 : i32 to vector<16xi32>
          %add3A_253 = arith.addi %broadcast_in_dim3A_245, %add3A_252 : vector<16xi32>
          %scatter3A_254 = arith.constant 3 : i32
          %scatter3A_255 = arith.constant 0 : i32
          %scatter3A_256 = arith.constant 0 : i32
          %scatter3A_257 = tpu.memref_slice %arg19[%scatter3A_254, %scatter3A_255, %scatter3A_256] : memref<6x128x33xf32, #tpu.memory_space<vmem>> -> memref<1x128x33xf32, #tpu.memory_space<vmem>>
          %scatter3A_258 = tpu.memref_squeeze %scatter3A_257 : memref<1x128x33xf32, #tpu.memory_space<vmem>> -> memref<128x33xf32, #tpu.memory_space<vmem>>
          tpu.vector_store_idx %scatter3A_258[%add3A_244, %add3A_253], %gather3A_250 : memref<128x33xf32, #tpu.memory_space<vmem>>[vector<16xi32>, vector<16xi32>], vector<16xf32>,
          %broadcast_in_dim3A_259 = arith.constant 1 : i32
          %broadcast_in_dim3A_260 = vector.broadcast %broadcast_in_dim3A_259 : i32 to vector<16xi32>
          %gather3A_261 = tpu.vector_load_idx %arg20[%mul3A_237, %broadcast_in_dim3A_260] : memref<80x17xf32, #tpu.memory_space<vmem>>[vector<16xi32>, vector<16xi32>], vector<16xf32>,
          %scatter3A_262 = arith.constant 3 : i32
          %scatter3A_263 = arith.constant 0 : i32
          %scatter3A_264 = arith.constant 0 : i32
          %scatter3A_265 = tpu.memref_slice %arg19[%scatter3A_262, %scatter3A_263, %scatter3A_264] : memref<6x128x33xf32, #tpu.memory_space<vmem>> -> memref<1x128x33xf32, #tpu.memory_space<vmem>>
          %scatter3A_266 = tpu.memref_squeeze %scatter3A_265 : memref<1x128x33xf32, #tpu.memory_space<vmem>> -> memref<128x33xf32, #tpu.memory_space<vmem>>
          tpu.vector_store_idx %scatter3A_266[%add3A_244, %broadcast_in_dim3A_260], %gather3A_261 : memref<128x33xf32, #tpu.memory_space<vmem>>[vector<16xi32>, vector<16xi32>], vector<16xf32>,
          %gather3A_267 = tpu.vector_load_idx %arg21[%mul3A_240, %broadcast_in_dim3A_260] : memref<80x17xf32, #tpu.memory_space<vmem>>[vector<16xi32>, vector<16xi32>], vector<16xf32>,
          %add3A_268 = arith.constant 16 : i32
          %add3A_269 = vector.broadcast %add3A_268 : i32 to vector<16xi32>
          %add3A_270 = arith.addi %broadcast_in_dim3A_260, %add3A_269 : vector<16xi32>
          %scatter3A_271 = arith.constant 3 : i32
          %scatter3A_272 = arith.constant 0 : i32
          %scatter3A_273 = arith.constant 0 : i32
          %scatter3A_274 = tpu.memref_slice %arg19[%scatter3A_271, %scatter3A_272, %scatter3A_273] : memref<6x128x33xf32, #tpu.memory_space<vmem>> -> memref<1x128x33xf32, #tpu.memory_space<vmem>>
          %scatter3A_275 = tpu.memref_squeeze %scatter3A_274 : memref<1x128x33xf32, #tpu.memory_space<vmem>> -> memref<128x33xf32, #tpu.memory_space<vmem>>
          tpu.vector_store_idx %scatter3A_275[%add3A_244, %add3A_270], %gather3A_267 : memref<128x33xf32, #tpu.memory_space<vmem>>[vector<16xi32>, vector<16xi32>], vector<16xf32>,
          %broadcast_in_dim3A_276 = arith.constant 2 : i32
          %broadcast_in_dim3A_277 = vector.broadcast %broadcast_in_dim3A_276 : i32 to vector<16xi32>
          %gather3A_278 = tpu.vector_load_idx %arg20[%mul3A_237, %broadcast_in_dim3A_277] : memref<80x17xf32, #tpu.memory_space<vmem>>[vector<16xi32>, vector<16xi32>], vector<16xf32>,
          %scatter3A_279 = arith.constant 3 : i32
          %scatter3A_280 = arith.constant 0 : i32
          %scatter3A_281 = arith.constant 0 : i32
          %scatter3A_282 = tpu.memref_slice %arg19[%scatter3A_279, %scatter3A_280, %scatter3A_281] : memref<6x128x33xf32, #tpu.memory_space<vmem>> -> memref<1x128x33xf32, #tpu.memory_space<vmem>>
          %scatter3A_283 = tpu.memref_squeeze %scatter3A_282 : memref<1x128x33xf32, #tpu.memory_space<vmem>> -> memref<128x33xf32, #tpu.memory_space<vmem>>
          tpu.vector_store_idx %scatter3A_283[%add3A_244, %broadcast_in_dim3A_277], %gather3A_278 : memref<128x33xf32, #tpu.memory_space<vmem>>[vector<16xi32>, vector<16xi32>], vector<16xf32>,
          %gather3A_284 = tpu.vector_load_idx %arg21[%mul3A_240, %broadcast_in_dim3A_277] : memref<80x17xf32, #tpu.memory_space<vmem>>[vector<16xi32>, vector<16xi32>], vector<16xf32>,
          %add3A_285 = arith.constant 16 : i32
          %add3A_286 = vector.broadcast %add3A_285 : i32 to vector<16xi32>
          %add3A_287 = arith.addi %broadcast_in_dim3A_277, %add3A_286 : vector<16xi32>
          %scatter3A_288 = arith.constant 3 : i32
          %scatter3A_289 = arith.constant 0 : i32
          %scatter3A_290 = arith.constant 0 : i32
          %scatter3A_291 = tpu.memref_slice %arg19[%scatter3A_288, %scatter3A_289, %scatter3A_290] : memref<6x128x33xf32, #tpu.memory_space<vmem>> -> memref<1x128x33xf32, #tpu.memory_space<vmem>>
          %scatter3A_292 = tpu.memref_squeeze %scatter3A_291 : memref<1x128x33xf32, #tpu.memory_space<vmem>> -> memref<128x33xf32, #tpu.memory_space<vmem>>
          tpu.vector_store_idx %scatter3A_292[%add3A_244, %add3A_287], %gather3A_284 : memref<128x33xf32, #tpu.memory_space<vmem>>[vector<16xi32>, vector<16xi32>], vector<16xf32>,
          %broadcast_in_dim3A_293 = arith.constant 3 : i32
          %broadcast_in_dim3A_294 = vector.broadcast %broadcast_in_dim3A_293 : i32 to vector<16xi32>
          %gather3A_295 = tpu.vector_load_idx %arg20[%mul3A_237, %broadcast_in_dim3A_294] : memref<80x17xf32, #tpu.memory_space<vmem>>[vector<16xi32>, vector<16xi32>], vector<16xf32>,
          %scatter3A_296 = arith.constant 3 : i32
          %scatter3A_297 = arith.constant 0 : i32
          %scatter3A_298 = arith.constant 0 : i32
          %scatter3A_299 = tpu.memref_slice %arg19[%scatter3A_296, %scatter3A_297, %scatter3A_298] : memref<6x128x33xf32, #tpu.memory_space<vmem>> -> memref<1x128x33xf32, #tpu.memory_space<vmem>>
          %scatter3A_300 = tpu.memref_squeeze %scatter3A_299 : memref<1x128x33xf32, #tpu.memory_space<vmem>> -> memref<128x33xf32, #tpu.memory_space<vmem>>
          tpu.vector_store_idx %scatter3A_300[%add3A_244, %broadcast_in_dim3A_294], %gather3A_295 : memref<128x33xf32, #tpu.memory_space<vmem>>[vector<16xi32>, vector<16xi32>], vector<16xf32>,
          %gather3A_301 = tpu.vector_load_idx %arg21[%mul3A_240, %broadcast_in_dim3A_294] : memref<80x17xf32, #tpu.memory_space<vmem>>[vector<16xi32>, vector<16xi32>], vector<16xf32>,
          %add3A_302 = arith.constant 16 : i32
          %add3A_303 = vector.broadcast %add3A_302 : i32 to vector<16xi32>
          %add3A_304 = arith.addi %broadcast_in_dim3A_294, %add3A_303 : vector<16xi32>
          %scatter3A_305 = arith.constant 3 : i32
          %scatter3A_306 = arith.constant 0 : i32
          %scatter3A_307 = arith.constant 0 : i32
          %scatter3A_308 = tpu.memref_slice %arg19[%scatter3A_305, %scatter3A_306, %scatter3A_307] : memref<6x128x33xf32, #tpu.memory_space<vmem>> -> memref<1x128x33xf32, #tpu.memory_space<vmem>>
          %scatter3A_309 = tpu.memref_squeeze %scatter3A_308 : memref<1x128x33xf32, #tpu.memory_space<vmem>> -> memref<128x33xf32, #tpu.memory_space<vmem>>
          tpu.vector_store_idx %scatter3A_309[%add3A_244, %add3A_304], %gather3A_301 : memref<128x33xf32, #tpu.memory_space<vmem>>[vector<16xi32>, vector<16xi32>], vector<16xf32>,
          %broadcast_in_dim3A_310 = arith.constant 4 : i32
          %broadcast_in_dim3A_311 = vector.broadcast %broadcast_in_dim3A_310 : i32 to vector<16xi32>
          %gather3A_312 = tpu.vector_load_idx %arg20[%mul3A_237, %broadcast_in_dim3A_311] : memref<80x17xf32, #tpu.memory_space<vmem>>[vector<16xi32>, vector<16xi32>], vector<16xf32>,
          %scatter3A_313 = arith.constant 3 : i32
          %scatter3A_314 = arith.constant 0 : i32
          %scatter3A_315 = arith.constant 0 : i32
          %scatter3A_316 = tpu.memref_slice %arg19[%scatter3A_313, %scatter3A_314, %scatter3A_315] : memref<6x128x33xf32, #tpu.memory_space<vmem>> -> memref<1x128x33xf32, #tpu.memory_space<vmem>>
          %scatter3A_317 = tpu.memref_squeeze %scatter3A_316 : memref<1x128x33xf32, #tpu.memory_space<vmem>> -> memref<128x33xf32, #tpu.memory_space<vmem>>
          tpu.vector_store_idx %scatter3A_317[%add3A_244, %broadcast_in_dim3A_311], %gather3A_312 : memref<128x33xf32, #tpu.memory_space<vmem>>[vector<16xi32>, vector<16xi32>], vector<16xf32>,
          %gather3A_318 = tpu.vector_load_idx %arg21[%mul3A_240, %broadcast_in_dim3A_311] : memref<80x17xf32, #tpu.memory_space<vmem>>[vector<16xi32>, vector<16xi32>], vector<16xf32>,
          %add3A_319 = arith.constant 16 : i32
          %add3A_320 = vector.broadcast %add3A_319 : i32 to vector<16xi32>
          %add3A_321 = arith.addi %broadcast_in_dim3A_311, %add3A_320 : vector<16xi32>
          %scatter3A_322 = arith.constant 3 : i32
          %scatter3A_323 = arith.constant 0 : i32
          %scatter3A_324 = arith.constant 0 : i32
          %scatter3A_325 = tpu.memref_slice %arg19[%scatter3A_322, %scatter3A_323, %scatter3A_324] : memref<6x128x33xf32, #tpu.memory_space<vmem>> -> memref<1x128x33xf32, #tpu.memory_space<vmem>>
          %scatter3A_326 = tpu.memref_squeeze %scatter3A_325 : memref<1x128x33xf32, #tpu.memory_space<vmem>> -> memref<128x33xf32, #tpu.memory_space<vmem>>
          tpu.vector_store_idx %scatter3A_326[%add3A_244, %add3A_321], %gather3A_318 : memref<128x33xf32, #tpu.memory_space<vmem>>[vector<16xi32>, vector<16xi32>], vector<16xf32>,
          %broadcast_in_dim3A_327 = arith.constant 5 : i32
          %broadcast_in_dim3A_328 = vector.broadcast %broadcast_in_dim3A_327 : i32 to vector<16xi32>
          %gather3A_329 = tpu.vector_load_idx %arg20[%mul3A_237, %broadcast_in_dim3A_328] : memref<80x17xf32, #tpu.memory_space<vmem>>[vector<16xi32>, vector<16xi32>], vector<16xf32>,
          %scatter3A_330 = arith.constant 3 : i32
          %scatter3A_331 = arith.constant 0 : i32
          %scatter3A_332 = arith.constant 0 : i32
          %scatter3A_333 = tpu.memref_slice %arg19[%scatter3A_330, %scatter3A_331, %scatter3A_332] : memref<6x128x33xf32, #tpu.memory_space<vmem>> -> memref<1x128x33xf32, #tpu.memory_space<vmem>>
          %scatter3A_334 = tpu.memref_squeeze %scatter3A_333 : memref<1x128x33xf32, #tpu.memory_space<vmem>> -> memref<128x33xf32, #tpu.memory_space<vmem>>
          tpu.vector_store_idx %scatter3A_334[%add3A_244, %broadcast_in_dim3A_328], %gather3A_329 : memref<128x33xf32, #tpu.memory_space<vmem>>[vector<16xi32>, vector<16xi32>], vector<16xf32>,
          %gather3A_335 = tpu.vector_load_idx %arg21[%mul3A_240, %broadcast_in_dim3A_328] : memref<80x17xf32, #tpu.memory_space<vmem>>[vector<16xi32>, vector<16xi32>], vector<16xf32>,
          %add3A_336 = arith.constant 16 : i32
          %add3A_337 = vector.broadcast %add3A_336 : i32 to vector<16xi32>
          %add3A_338 = arith.addi %broadcast_in_dim3A_328, %add3A_337 : vector<16xi32>
          %scatter3A_339 = arith.constant 3 : i32
          %scatter3A_340 = arith.constant 0 : i32
          %scatter3A_341 = arith.constant 0 : i32
          %scatter3A_342 = tpu.memref_slice %arg19[%scatter3A_339, %scatter3A_340, %scatter3A_341] : memref<6x128x33xf32, #tpu.memory_space<vmem>> -> memref<1x128x33xf32, #tpu.memory_space<vmem>>
          %scatter3A_343 = tpu.memref_squeeze %scatter3A_342 : memref<1x128x33xf32, #tpu.memory_space<vmem>> -> memref<128x33xf32, #tpu.memory_space<vmem>>
          tpu.vector_store_idx %scatter3A_343[%add3A_244, %add3A_338], %gather3A_335 : memref<128x33xf32, #tpu.memory_space<vmem>>[vector<16xi32>, vector<16xi32>], vector<16xf32>,
          %broadcast_in_dim3A_344 = arith.constant 6 : i32
          %broadcast_in_dim3A_345 = vector.broadcast %broadcast_in_dim3A_344 : i32 to vector<16xi32>
          %gather3A_346 = tpu.vector_load_idx %arg20[%mul3A_237, %broadcast_in_dim3A_345] : memref<80x17xf32, #tpu.memory_space<vmem>>[vector<16xi32>, vector<16xi32>], vector<16xf32>,
          %scatter3A_347 = arith.constant 3 : i32
          %scatter3A_348 = arith.constant 0 : i32
          %scatter3A_349 = arith.constant 0 : i32
          %scatter3A_350 = tpu.memref_slice %arg19[%scatter3A_347, %scatter3A_348, %scatter3A_349] : memref<6x128x33xf32, #tpu.memory_space<vmem>> -> memref<1x128x33xf32, #tpu.memory_space<vmem>>
          %scatter3A_351 = tpu.memref_squeeze %scatter3A_350 : memref<1x128x33xf32, #tpu.memory_space<vmem>> -> memref<128x33xf32, #tpu.memory_space<vmem>>
          tpu.vector_store_idx %scatter3A_351[%add3A_244, %broadcast_in_dim3A_345], %gather3A_346 : memref<128x33xf32, #tpu.memory_space<vmem>>[vector<16xi32>, vector<16xi32>], vector<16xf32>,
          %gather3A_352 = tpu.vector_load_idx %arg21[%mul3A_240, %broadcast_in_dim3A_345] : memref<80x17xf32, #tpu.memory_space<vmem>>[vector<16xi32>, vector<16xi32>], vector<16xf32>,
          %add3A_353 = arith.constant 16 : i32
          %add3A_354 = vector.broadcast %add3A_353 : i32 to vector<16xi32>
          %add3A_355 = arith.addi %broadcast_in_dim3A_345, %add3A_354 : vector<16xi32>
          %scatter3A_356 = arith.constant 3 : i32
          %scatter3A_357 = arith.constant 0 : i32
          %scatter3A_358 = arith.constant 0 : i32
          %scatter3A_359 = tpu.memref_slice %arg19[%scatter3A_356, %scatter3A_357, %scatter3A_358] : memref<6x128x33xf32, #tpu.memory_space<vmem>> -> memref<1x128x33xf32, #tpu.memory_space<vmem>>
          %scatter3A_360 = tpu.memref_squeeze %scatter3A_359 : memref<1x128x33xf32, #tpu.memory_space<vmem>> -> memref<128x33xf32, #tpu.memory_space<vmem>>
          tpu.vector_store_idx %scatter3A_360[%add3A_244, %add3A_355], %gather3A_352 : memref<128x33xf32, #tpu.memory_space<vmem>>[vector<16xi32>, vector<16xi32>], vector<16xf32>,
          %broadcast_in_dim3A_361 = arith.constant 7 : i32
          %broadcast_in_dim3A_362 = vector.broadcast %broadcast_in_dim3A_361 : i32 to vector<16xi32>
          %gather3A_363 = tpu.vector_load_idx %arg20[%mul3A_237, %broadcast_in_dim3A_362] : memref<80x17xf32, #tpu.memory_space<vmem>>[vector<16xi32>, vector<16xi32>], vector<16xf32>,
          %scatter3A_364 = arith.constant 3 : i32
          %scatter3A_365 = arith.constant 0 : i32
          %scatter3A_366 = arith.constant 0 : i32
          %scatter3A_367 = tpu.memref_slice %arg19[%scatter3A_364, %scatter3A_365, %scatter3A_366] : memref<6x128x33xf32, #tpu.memory_space<vmem>> -> memref<1x128x33xf32, #tpu.memory_space<vmem>>
          %scatter3A_368 = tpu.memref_squeeze %scatter3A_367 : memref<1x128x33xf32, #tpu.memory_space<vmem>> -> memref<128x33xf32, #tpu.memory_space<vmem>>
          tpu.vector_store_idx %scatter3A_368[%add3A_244, %broadcast_in_dim3A_362], %gather3A_363 : memref<128x33xf32, #tpu.memory_space<vmem>>[vector<16xi32>, vector<16xi32>], vector<16xf32>,
          %gather3A_369 = tpu.vector_load_idx %arg21[%mul3A_240, %broadcast_in_dim3A_362] : memref<80x17xf32, #tpu.memory_space<vmem>>[vector<16xi32>, vector<16xi32>], vector<16xf32>,
          %add3A_370 = arith.constant 16 : i32
          %add3A_371 = vector.broadcast %add3A_370 : i32 to vector<16xi32>
          %add3A_372 = arith.addi %broadcast_in_dim3A_362, %add3A_371 : vector<16xi32>
          %scatter3A_373 = arith.constant 3 : i32
          %scatter3A_374 = arith.constant 0 : i32
          %scatter3A_375 = arith.constant 0 : i32
          %scatter3A_376 = tpu.memref_slice %arg19[%scatter3A_373, %scatter3A_374, %scatter3A_375] : memref<6x128x33xf32, #tpu.memory_space<vmem>> -> memref<1x128x33xf32, #tpu.memory_space<vmem>>
          %scatter3A_377 = tpu.memref_squeeze %scatter3A_376 : memref<1x128x33xf32, #tpu.memory_space<vmem>> -> memref<128x33xf32, #tpu.memory_space<vmem>>
          tpu.vector_store_idx %scatter3A_377[%add3A_244, %add3A_372], %gather3A_369 : memref<128x33xf32, #tpu.memory_space<vmem>>[vector<16xi32>, vector<16xi32>], vector<16xf32>,
          %broadcast_in_dim3A_378 = arith.constant 8 : i32
          %broadcast_in_dim3A_379 = vector.broadcast %broadcast_in_dim3A_378 : i32 to vector<16xi32>
          %gather3A_380 = tpu.vector_load_idx %arg20[%mul3A_237, %broadcast_in_dim3A_379] : memref<80x17xf32, #tpu.memory_space<vmem>>[vector<16xi32>, vector<16xi32>], vector<16xf32>,
          %scatter3A_381 = arith.constant 3 : i32
          %scatter3A_382 = arith.constant 0 : i32
          %scatter3A_383 = arith.constant 0 : i32
          %scatter3A_384 = tpu.memref_slice %arg19[%scatter3A_381, %scatter3A_382, %scatter3A_383] : memref<6x128x33xf32, #tpu.memory_space<vmem>> -> memref<1x128x33xf32, #tpu.memory_space<vmem>>
          %scatter3A_385 = tpu.memref_squeeze %scatter3A_384 : memref<1x128x33xf32, #tpu.memory_space<vmem>> -> memref<128x33xf32, #tpu.memory_space<vmem>>
          tpu.vector_store_idx %scatter3A_385[%add3A_244, %broadcast_in_dim3A_379], %gather3A_380 : memref<128x33xf32, #tpu.memory_space<vmem>>[vector<16xi32>, vector<16xi32>], vector<16xf32>,
          %gather3A_386 = tpu.vector_load_idx %arg21[%mul3A_240, %broadcast_in_dim3A_379] : memref<80x17xf32, #tpu.memory_space<vmem>>[vector<16xi32>, vector<16xi32>], vector<16xf32>,
          %add3A_387 = arith.constant 16 : i32
          %add3A_388 = vector.broadcast %add3A_387 : i32 to vector<16xi32>
          %add3A_389 = arith.addi %broadcast_in_dim3A_379, %add3A_388 : vector<16xi32>
          %scatter3A_390 = arith.constant 3 : i32
          %scatter3A_391 = arith.constant 0 : i32
          %scatter3A_392 = arith.constant 0 : i32
          %scatter3A_393 = tpu.memref_slice %arg19[%scatter3A_390, %scatter3A_391, %scatter3A_392] : memref<6x128x33xf32, #tpu.memory_space<vmem>> -> memref<1x128x33xf32, #tpu.memory_space<vmem>>
          %scatter3A_394 = tpu.memref_squeeze %scatter3A_393 : memref<1x128x33xf32, #tpu.memory_space<vmem>> -> memref<128x33xf32, #tpu.memory_space<vmem>>
          tpu.vector_store_idx %scatter3A_394[%add3A_244, %add3A_389], %gather3A_386 : memref<128x33xf32, #tpu.memory_space<vmem>>[vector<16xi32>, vector<16xi32>], vector<16xf32>,
          %broadcast_in_dim3A_395 = arith.constant 9 : i32
          %broadcast_in_dim3A_396 = vector.broadcast %broadcast_in_dim3A_395 : i32 to vector<16xi32>
          %gather3A_397 = tpu.vector_load_idx %arg20[%mul3A_237, %broadcast_in_dim3A_396] : memref<80x17xf32, #tpu.memory_space<vmem>>[vector<16xi32>, vector<16xi32>], vector<16xf32>,
          %scatter3A_398 = arith.constant 3 : i32
          %scatter3A_399 = arith.constant 0 : i32
          %scatter3A_400 = arith.constant 0 : i32
          %scatter3A_401 = tpu.memref_slice %arg19[%scatter3A_398, %scatter3A_399, %scatter3A_400] : memref<6x128x33xf32, #tpu.memory_space<vmem>> -> memref<1x128x33xf32, #tpu.memory_space<vmem>>
          %scatter3A_402 = tpu.memref_squeeze %scatter3A_401 : memref<1x128x33xf32, #tpu.memory_space<vmem>> -> memref<128x33xf32, #tpu.memory_space<vmem>>
          tpu.vector_store_idx %scatter3A_402[%add3A_244, %broadcast_in_dim3A_396], %gather3A_397 : memref<128x33xf32, #tpu.memory_space<vmem>>[vector<16xi32>, vector<16xi32>], vector<16xf32>,
          %gather3A_403 = tpu.vector_load_idx %arg21[%mul3A_240, %broadcast_in_dim3A_396] : memref<80x17xf32, #tpu.memory_space<vmem>>[vector<16xi32>, vector<16xi32>], vector<16xf32>,
          %add3A_404 = arith.constant 16 : i32
          %add3A_405 = vector.broadcast %add3A_404 : i32 to vector<16xi32>
          %add3A_406 = arith.addi %broadcast_in_dim3A_396, %add3A_405 : vector<16xi32>
          %scatter3A_407 = arith.constant 3 : i32
          %scatter3A_408 = arith.constant 0 : i32
          %scatter3A_409 = arith.constant 0 : i32
          %scatter3A_410 = tpu.memref_slice %arg19[%scatter3A_407, %scatter3A_408, %scatter3A_409] : memref<6x128x33xf32, #tpu.memory_space<vmem>> -> memref<1x128x33xf32, #tpu.memory_space<vmem>>
          %scatter3A_411 = tpu.memref_squeeze %scatter3A_410 : memref<1x128x33xf32, #tpu.memory_space<vmem>> -> memref<128x33xf32, #tpu.memory_space<vmem>>
          tpu.vector_store_idx %scatter3A_411[%add3A_244, %add3A_406], %gather3A_403 : memref<128x33xf32, #tpu.memory_space<vmem>>[vector<16xi32>, vector<16xi32>], vector<16xf32>,
          %broadcast_in_dim3A_412 = arith.constant 10 : i32
          %broadcast_in_dim3A_413 = vector.broadcast %broadcast_in_dim3A_412 : i32 to vector<16xi32>
          %gather3A_414 = tpu.vector_load_idx %arg20[%mul3A_237, %broadcast_in_dim3A_413] : memref<80x17xf32, #tpu.memory_space<vmem>>[vector<16xi32>, vector<16xi32>], vector<16xf32>,
          %scatter3A_415 = arith.constant 3 : i32
          %scatter3A_416 = arith.constant 0 : i32
          %scatter3A_417 = arith.constant 0 : i32
          %scatter3A_418 = tpu.memref_slice %arg19[%scatter3A_415, %scatter3A_416, %scatter3A_417] : memref<6x128x33xf32, #tpu.memory_space<vmem>> -> memref<1x128x33xf32, #tpu.memory_space<vmem>>
          %scatter3A_419 = tpu.memref_squeeze %scatter3A_418 : memref<1x128x33xf32, #tpu.memory_space<vmem>> -> memref<128x33xf32, #tpu.memory_space<vmem>>
          tpu.vector_store_idx %scatter3A_419[%add3A_244, %broadcast_in_dim3A_413], %gather3A_414 : memref<128x33xf32, #tpu.memory_space<vmem>>[vector<16xi32>, vector<16xi32>], vector<16xf32>,
          %gather3A_420 = tpu.vector_load_idx %arg21[%mul3A_240, %broadcast_in_dim3A_413] : memref<80x17xf32, #tpu.memory_space<vmem>>[vector<16xi32>, vector<16xi32>], vector<16xf32>,
          %add3A_421 = arith.constant 16 : i32
          %add3A_422 = vector.broadcast %add3A_421 : i32 to vector<16xi32>
          %add3A_423 = arith.addi %broadcast_in_dim3A_413, %add3A_422 : vector<16xi32>
          %scatter3A_424 = arith.constant 3 : i32
          %scatter3A_425 = arith.constant 0 : i32
          %scatter3A_426 = arith.constant 0 : i32
          %scatter3A_427 = tpu.memref_slice %arg19[%scatter3A_424, %scatter3A_425, %scatter3A_426] : memref<6x128x33xf32, #tpu.memory_space<vmem>> -> memref<1x128x33xf32, #tpu.memory_space<vmem>>
          %scatter3A_428 = tpu.memref_squeeze %scatter3A_427 : memref<1x128x33xf32, #tpu.memory_space<vmem>> -> memref<128x33xf32, #tpu.memory_space<vmem>>
          tpu.vector_store_idx %scatter3A_428[%add3A_244, %add3A_423], %gather3A_420 : memref<128x33xf32, #tpu.memory_space<vmem>>[vector<16xi32>, vector<16xi32>], vector<16xf32>,
          %broadcast_in_dim3A_429 = arith.constant 11 : i32
          %broadcast_in_dim3A_430 = vector.broadcast %broadcast_in_dim3A_429 : i32 to vector<16xi32>
          %gather3A_431 = tpu.vector_load_idx %arg20[%mul3A_237, %broadcast_in_dim3A_430] : memref<80x17xf32, #tpu.memory_space<vmem>>[vector<16xi32>, vector<16xi32>], vector<16xf32>,
          %scatter3A_432 = arith.constant 3 : i32
          %scatter3A_433 = arith.constant 0 : i32
          %scatter3A_434 = arith.constant 0 : i32
          %scatter3A_435 = tpu.memref_slice %arg19[%scatter3A_432, %scatter3A_433, %scatter3A_434] : memref<6x128x33xf32, #tpu.memory_space<vmem>> -> memref<1x128x33xf32, #tpu.memory_space<vmem>>
          %scatter3A_436 = tpu.memref_squeeze %scatter3A_435 : memref<1x128x33xf32, #tpu.memory_space<vmem>> -> memref<128x33xf32, #tpu.memory_space<vmem>>
          tpu.vector_store_idx %scatter3A_436[%add3A_244, %broadcast_in_dim3A_430], %gather3A_431 : memref<128x33xf32, #tpu.memory_space<vmem>>[vector<16xi32>, vector<16xi32>], vector<16xf32>,
          %gather3A_437 = tpu.vector_load_idx %arg21[%mul3A_240, %broadcast_in_dim3A_430] : memref<80x17xf32, #tpu.memory_space<vmem>>[vector<16xi32>, vector<16xi32>], vector<16xf32>,
          %add3A_438 = arith.constant 16 : i32
          %add3A_439 = vector.broadcast %add3A_438 : i32 to vector<16xi32>
          %add3A_440 = arith.addi %broadcast_in_dim3A_430, %add3A_439 : vector<16xi32>
          %scatter3A_441 = arith.constant 3 : i32
          %scatter3A_442 = arith.constant 0 : i32
          %scatter3A_443 = arith.constant 0 : i32
          %scatter3A_444 = tpu.memref_slice %arg19[%scatter3A_441, %scatter3A_442, %scatter3A_443] : memref<6x128x33xf32, #tpu.memory_space<vmem>> -> memref<1x128x33xf32, #tpu.memory_space<vmem>>
          %scatter3A_445 = tpu.memref_squeeze %scatter3A_444 : memref<1x128x33xf32, #tpu.memory_space<vmem>> -> memref<128x33xf32, #tpu.memory_space<vmem>>
          tpu.vector_store_idx %scatter3A_445[%add3A_244, %add3A_440], %gather3A_437 : memref<128x33xf32, #tpu.memory_space<vmem>>[vector<16xi32>, vector<16xi32>], vector<16xf32>,
          %broadcast_in_dim3A_446 = arith.constant 12 : i32
          %broadcast_in_dim3A_447 = vector.broadcast %broadcast_in_dim3A_446 : i32 to vector<16xi32>
          %gather3A_448 = tpu.vector_load_idx %arg20[%mul3A_237, %broadcast_in_dim3A_447] : memref<80x17xf32, #tpu.memory_space<vmem>>[vector<16xi32>, vector<16xi32>], vector<16xf32>,
          %scatter3A_449 = arith.constant 3 : i32
          %scatter3A_450 = arith.constant 0 : i32
          %scatter3A_451 = arith.constant 0 : i32
          %scatter3A_452 = tpu.memref_slice %arg19[%scatter3A_449, %scatter3A_450, %scatter3A_451] : memref<6x128x33xf32, #tpu.memory_space<vmem>> -> memref<1x128x33xf32, #tpu.memory_space<vmem>>
          %scatter3A_453 = tpu.memref_squeeze %scatter3A_452 : memref<1x128x33xf32, #tpu.memory_space<vmem>> -> memref<128x33xf32, #tpu.memory_space<vmem>>
          tpu.vector_store_idx %scatter3A_453[%add3A_244, %broadcast_in_dim3A_447], %gather3A_448 : memref<128x33xf32, #tpu.memory_space<vmem>>[vector<16xi32>, vector<16xi32>], vector<16xf32>,
          %gather3A_454 = tpu.vector_load_idx %arg21[%mul3A_240, %broadcast_in_dim3A_447] : memref<80x17xf32, #tpu.memory_space<vmem>>[vector<16xi32>, vector<16xi32>], vector<16xf32>,
          %add3A_455 = arith.constant 16 : i32
          %add3A_456 = vector.broadcast %add3A_455 : i32 to vector<16xi32>
          %add3A_457 = arith.addi %broadcast_in_dim3A_447, %add3A_456 : vector<16xi32>
          %scatter3A_458 = arith.constant 3 : i32
          %scatter3A_459 = arith.constant 0 : i32
          %scatter3A_460 = arith.constant 0 : i32
          %scatter3A_461 = tpu.memref_slice %arg19[%scatter3A_458, %scatter3A_459, %scatter3A_460] : memref<6x128x33xf32, #tpu.memory_space<vmem>> -> memref<1x128x33xf32, #tpu.memory_space<vmem>>
          %scatter3A_462 = tpu.memref_squeeze %scatter3A_461 : memref<1x128x33xf32, #tpu.memory_space<vmem>> -> memref<128x33xf32, #tpu.memory_space<vmem>>
          tpu.vector_store_idx %scatter3A_462[%add3A_244, %add3A_457], %gather3A_454 : memref<128x33xf32, #tpu.memory_space<vmem>>[vector<16xi32>, vector<16xi32>], vector<16xf32>,
          %broadcast_in_dim3A_463 = arith.constant 13 : i32
          %broadcast_in_dim3A_464 = vector.broadcast %broadcast_in_dim3A_463 : i32 to vector<16xi32>
          %gather3A_465 = tpu.vector_load_idx %arg20[%mul3A_237, %broadcast_in_dim3A_464] : memref<80x17xf32, #tpu.memory_space<vmem>>[vector<16xi32>, vector<16xi32>], vector<16xf32>,
          %scatter3A_466 = arith.constant 3 : i32
          %scatter3A_467 = arith.constant 0 : i32
          %scatter3A_468 = arith.constant 0 : i32
          %scatter3A_469 = tpu.memref_slice %arg19[%scatter3A_466, %scatter3A_467, %scatter3A_468] : memref<6x128x33xf32, #tpu.memory_space<vmem>> -> memref<1x128x33xf32, #tpu.memory_space<vmem>>
          %scatter3A_470 = tpu.memref_squeeze %scatter3A_469 : memref<1x128x33xf32, #tpu.memory_space<vmem>> -> memref<128x33xf32, #tpu.memory_space<vmem>>
          tpu.vector_store_idx %scatter3A_470[%add3A_244, %broadcast_in_dim3A_464], %gather3A_465 : memref<128x33xf32, #tpu.memory_space<vmem>>[vector<16xi32>, vector<16xi32>], vector<16xf32>,
          %gather3A_471 = tpu.vector_load_idx %arg21[%mul3A_240, %broadcast_in_dim3A_464] : memref<80x17xf32, #tpu.memory_space<vmem>>[vector<16xi32>, vector<16xi32>], vector<16xf32>,
          %add3A_472 = arith.constant 16 : i32
          %add3A_473 = vector.broadcast %add3A_472 : i32 to vector<16xi32>
          %add3A_474 = arith.addi %broadcast_in_dim3A_464, %add3A_473 : vector<16xi32>
          %scatter3A_475 = arith.constant 3 : i32
          %scatter3A_476 = arith.constant 0 : i32
          %scatter3A_477 = arith.constant 0 : i32
          %scatter3A_478 = tpu.memref_slice %arg19[%scatter3A_475, %scatter3A_476, %scatter3A_477] : memref<6x128x33xf32, #tpu.memory_space<vmem>> -> memref<1x128x33xf32, #tpu.memory_space<vmem>>
          %scatter3A_479 = tpu.memref_squeeze %scatter3A_478 : memref<1x128x33xf32, #tpu.memory_space<vmem>> -> memref<128x33xf32, #tpu.memory_space<vmem>>
          tpu.vector_store_idx %scatter3A_479[%add3A_244, %add3A_474], %gather3A_471 : memref<128x33xf32, #tpu.memory_space<vmem>>[vector<16xi32>, vector<16xi32>], vector<16xf32>,
          %broadcast_in_dim3A_480 = arith.constant 14 : i32
          %broadcast_in_dim3A_481 = vector.broadcast %broadcast_in_dim3A_480 : i32 to vector<16xi32>
          %gather3A_482 = tpu.vector_load_idx %arg20[%mul3A_237, %broadcast_in_dim3A_481] : memref<80x17xf32, #tpu.memory_space<vmem>>[vector<16xi32>, vector<16xi32>], vector<16xf32>,
          %scatter3A_483 = arith.constant 3 : i32
          %scatter3A_484 = arith.constant 0 : i32
          %scatter3A_485 = arith.constant 0 : i32
          %scatter3A_486 = tpu.memref_slice %arg19[%scatter3A_483, %scatter3A_484, %scatter3A_485] : memref<6x128x33xf32, #tpu.memory_space<vmem>> -> memref<1x128x33xf32, #tpu.memory_space<vmem>>
          %scatter3A_487 = tpu.memref_squeeze %scatter3A_486 : memref<1x128x33xf32, #tpu.memory_space<vmem>> -> memref<128x33xf32, #tpu.memory_space<vmem>>
          tpu.vector_store_idx %scatter3A_487[%add3A_244, %broadcast_in_dim3A_481], %gather3A_482 : memref<128x33xf32, #tpu.memory_space<vmem>>[vector<16xi32>, vector<16xi32>], vector<16xf32>,
          %gather3A_488 = tpu.vector_load_idx %arg21[%mul3A_240, %broadcast_in_dim3A_481] : memref<80x17xf32, #tpu.memory_space<vmem>>[vector<16xi32>, vector<16xi32>], vector<16xf32>,
          %add3A_489 = arith.constant 16 : i32
          %add3A_490 = vector.broadcast %add3A_489 : i32 to vector<16xi32>
          %add3A_491 = arith.addi %broadcast_in_dim3A_481, %add3A_490 : vector<16xi32>
          %scatter3A_492 = arith.constant 3 : i32
          %scatter3A_493 = arith.constant 0 : i32
          %scatter3A_494 = arith.constant 0 : i32
          %scatter3A_495 = tpu.memref_slice %arg19[%scatter3A_492, %scatter3A_493, %scatter3A_494] : memref<6x128x33xf32, #tpu.memory_space<vmem>> -> memref<1x128x33xf32, #tpu.memory_space<vmem>>
          %scatter3A_496 = tpu.memref_squeeze %scatter3A_495 : memref<1x128x33xf32, #tpu.memory_space<vmem>> -> memref<128x33xf32, #tpu.memory_space<vmem>>
          tpu.vector_store_idx %scatter3A_496[%add3A_244, %add3A_491], %gather3A_488 : memref<128x33xf32, #tpu.memory_space<vmem>>[vector<16xi32>, vector<16xi32>], vector<16xf32>,
          %broadcast_in_dim3A_497 = arith.constant 15 : i32
          %broadcast_in_dim3A_498 = vector.broadcast %broadcast_in_dim3A_497 : i32 to vector<16xi32>
          %gather3A_499 = tpu.vector_load_idx %arg20[%mul3A_237, %broadcast_in_dim3A_498] : memref<80x17xf32, #tpu.memory_space<vmem>>[vector<16xi32>, vector<16xi32>], vector<16xf32>,
          %scatter3A_500 = arith.constant 3 : i32
          %scatter3A_501 = arith.constant 0 : i32
          %scatter3A_502 = arith.constant 0 : i32
          %scatter3A_503 = tpu.memref_slice %arg19[%scatter3A_500, %scatter3A_501, %scatter3A_502] : memref<6x128x33xf32, #tpu.memory_space<vmem>> -> memref<1x128x33xf32, #tpu.memory_space<vmem>>
          %scatter3A_504 = tpu.memref_squeeze %scatter3A_503 : memref<1x128x33xf32, #tpu.memory_space<vmem>> -> memref<128x33xf32, #tpu.memory_space<vmem>>
          tpu.vector_store_idx %scatter3A_504[%add3A_244, %broadcast_in_dim3A_498], %gather3A_499 : memref<128x33xf32, #tpu.memory_space<vmem>>[vector<16xi32>, vector<16xi32>], vector<16xf32>,
          %gather3A_505 = tpu.vector_load_idx %arg21[%mul3A_240, %broadcast_in_dim3A_498] : memref<80x17xf32, #tpu.memory_space<vmem>>[vector<16xi32>, vector<16xi32>], vector<16xf32>,
          %add3A_506 = arith.constant 16 : i32
          %add3A_507 = vector.broadcast %add3A_506 : i32 to vector<16xi32>
          %add3A_508 = arith.addi %broadcast_in_dim3A_498, %add3A_507 : vector<16xi32>
          %scatter3A_509 = arith.constant 3 : i32
          %scatter3A_510 = arith.constant 0 : i32
          %scatter3A_511 = arith.constant 0 : i32
          %scatter3A_512 = tpu.memref_slice %arg19[%scatter3A_509, %scatter3A_510, %scatter3A_511] : memref<6x128x33xf32, #tpu.memory_space<vmem>> -> memref<1x128x33xf32, #tpu.memory_space<vmem>>
          %scatter3A_513 = tpu.memref_squeeze %scatter3A_512 : memref<1x128x33xf32, #tpu.memory_space<vmem>> -> memref<128x33xf32, #tpu.memory_space<vmem>>
          tpu.vector_store_idx %scatter3A_513[%add3A_244, %add3A_508], %gather3A_505 : memref<128x33xf32, #tpu.memory_space<vmem>>[vector<16xi32>, vector<16xi32>], vector<16xf32>,
        }
        %scan3A_229 = arith.constant 8 : i32
      } else {
      }
      %ge3A_148 = arith.constant 2 : i32
      %ge3A_149 = arith.cmpi sge, %add3A_134, %ge3A_148 : i32
      %lt3A_150 = arith.constant 52 : i32
      %lt3A_151 = arith.cmpi slt, %add3A_134, %lt3A_150 : i32
      %and3A_152 = arith.andi %ge3A_149, %lt3A_151 : i1
      %convert_element_type3A_153 = arith.extui %and3A_152 : i1 to i32
      %cond3A_154 = arith.constant 0 : i32
      %cond3A_155 = arith.cmpi ne, %convert_element_type3A_153, %cond3A_154 : i32
      scf.if %cond3A_155 {
        %sub3A = arith.constant 2 : i32
        %sub3A_206 = arith.subi %add3A_134, %sub3A : i32
        %mul3A_207 = arith.constant 128 : i32
        %mul3A_208 = arith.muli %sub3A_206, %mul3A_207 : i32
        %add3A_209 = arith.constant 0 : i32
        %add3A_210 = arith.addi %mul3A_208, %add3A_209 : i32
        %dma_wait3A_211 = arith.constant 1 : i32
        %dma_wait3A_212 = arith.constant 1 : i32
        %dma_wait3A_213 = arith.constant 0 : i32
        %dma_wait3A_214 = arith.constant 0 : i32
        %dma_wait3A_215 = tpu.memref_slice %arg18[%dma_wait3A_211, %dma_wait3A_213, %dma_wait3A_214] : memref<6x128x64xf32, #tpu.memory_space<vmem>> -> memref<1x128x64xf32, #tpu.memory_space<vmem>>
        %dma_wait3A_216 = tpu.memref_squeeze %dma_wait3A_215 : memref<1x128x64xf32, #tpu.memory_space<vmem>> -> memref<128x64xf32, #tpu.memory_space<vmem>>
        %dma_wait3A_217 = tpu.memref_slice %arg14[%add3A_210] : memref<6400xi32, #tpu.memory_space<vmem>> -> memref<128xi32, #tpu.memory_space<vmem>>
        %dma_wait3A_218 = arith.constant 0 : i32
        %dma_wait3A_219 = arith.constant 0 : i32
        %dma_wait3A_220 = tpu.memref_slice %arg8[%dma_wait3A_218, %dma_wait3A_219] : memref<1000002x64xf32, #tpu.memory_space<hbm>> -> memref<1000002x64xf32, #tpu.memory_space<hbm>>
        %dma_wait3A_221 = tpu.memref_slice %arg24[%dma_wait3A_212] : memref<6x!tpu.dma_semaphore, #tpu.memory_space<semaphore_mem>> -> memref<1x!tpu.dma_semaphore, #tpu.memory_space<semaphore_mem>>
        %dma_wait3A_222 = tpu.memref_squeeze %dma_wait3A_221 : memref<1x!tpu.dma_semaphore, #tpu.memory_space<semaphore_mem>> -> memref<!tpu.dma_semaphore, #tpu.memory_space<semaphore_mem>>
        tpu.wait_indirect_dma semaphore(%dma_wait3A_222 : memref<!tpu.dma_semaphore, #tpu.memory_space<semaphore_mem>>) src(%dma_wait3A_220 : memref<1000002x64xf32, #tpu.memory_space<hbm>>) dst(%dma_wait3A_216 : memref<128x64xf32, #tpu.memory_space<vmem>>)
        %sub3A_223 = arith.constant 2 : i32
        %sub3A_224 = arith.subi %add3A_134, %sub3A_223 : i32
        %mul3A_225 = arith.constant 128 : i32
        %mul3A_226 = arith.muli %sub3A_224, %mul3A_225 : i32
        %add3A_227 = arith.addi %mul3A_2, %mul3A_226 : i32
        %dma_start3A_228 = arith.constant 1 : i32
        %dma_start3A_229 = arith.constant 1 : i32
        %dma_start3A_230 = arith.constant 0 : i32
        %dma_start3A_231 = arith.constant 0 : i32
        %dma_start3A_232 = tpu.memref_slice %arg18[%dma_start3A_228, %dma_start3A_230, %dma_start3A_231] : memref<6x128x64xf32, #tpu.memory_space<vmem>> -> memref<1x128x64xf32, #tpu.memory_space<vmem>>
        %dma_start3A_233 = tpu.memref_squeeze %dma_start3A_232 : memref<1x128x64xf32, #tpu.memory_space<vmem>> -> memref<128x64xf32, #tpu.memory_space<vmem>>
        %dma_start3A_234 = arith.constant 0 : i32
        %dma_start3A_235 = tpu.memref_slice %arg11[%add3A_227, %dma_start3A_234] : memref<204800x96xf32, #tpu.memory_space<hbm>> -> memref<128x64xf32, #tpu.memory_space<hbm>>
        %dma_start3A_236 = tpu.memref_slice %arg25[%dma_start3A_229] : memref<6x!tpu.dma_semaphore, #tpu.memory_space<semaphore_mem>> -> memref<1x!tpu.dma_semaphore, #tpu.memory_space<semaphore_mem>>
        %dma_start3A_237 = tpu.memref_squeeze %dma_start3A_236 : memref<1x!tpu.dma_semaphore, #tpu.memory_space<semaphore_mem>> -> memref<!tpu.dma_semaphore, #tpu.memory_space<semaphore_mem>>
        %dma_start3A_238 = arith.constant 0 : i32
        %dma_start3A_239 = tpu.memref_slice %arg11[%add3A_227, %dma_start3A_238] : memref<204800x96xf32, #tpu.memory_space<hbm>> -> memref<128x64xf32, #tpu.memory_space<hbm>>
        %dma_start3A_240 = arith.constant 0 : i32
        %dma_start3A_241 = arith.constant 0 : i32
        %dma_start3A_242 = tpu.memref_slice %arg18[%dma_start3A_228, %dma_start3A_240, %dma_start3A_241] : memref<6x128x64xf32, #tpu.memory_space<vmem>> -> memref<1x128x64xf32, #tpu.memory_space<vmem>>
        %dma_start3A_243 = tpu.memref_squeeze %dma_start3A_242 : memref<1x128x64xf32, #tpu.memory_space<vmem>> -> memref<128x64xf32, #tpu.memory_space<vmem>>
        tpu.enqueue_dma source(%dma_start3A_243 : memref<128x64xf32, #tpu.memory_space<vmem>>) target(%dma_start3A_239 : memref<128x64xf32, #tpu.memory_space<hbm>>) target_semaphore(%dma_start3A_237 : memref<!tpu.dma_semaphore, #tpu.memory_space<semaphore_mem>>)
        %dma_start3A_244 = arith.constant 1 : i32
        %dma_start3A_245 = arith.constant 1 : i32
        %dma_start3A_246 = arith.constant 0 : i32
        %dma_start3A_247 = arith.constant 0 : i32
        %dma_start3A_248 = tpu.memref_slice %arg19[%dma_start3A_244, %dma_start3A_246, %dma_start3A_247] : memref<6x128x33xf32, #tpu.memory_space<vmem>> -> memref<1x128x32xf32, #tpu.memory_space<vmem>>
        %dma_start3A_249 = tpu.memref_squeeze %dma_start3A_248 : memref<1x128x32xf32, #tpu.memory_space<vmem>> -> memref<128x32xf32, #tpu.memory_space<vmem>>
        %dma_start3A_250 = arith.constant 64 : i32
        %dma_start3A_251 = tpu.memref_slice %arg11[%add3A_227, %dma_start3A_250] : memref<204800x96xf32, #tpu.memory_space<hbm>> -> memref<128x32xf32, #tpu.memory_space<hbm>>
        %dma_start3A_252 = tpu.memref_slice %arg25[%dma_start3A_245] : memref<6x!tpu.dma_semaphore, #tpu.memory_space<semaphore_mem>> -> memref<1x!tpu.dma_semaphore, #tpu.memory_space<semaphore_mem>>
        %dma_start3A_253 = tpu.memref_squeeze %dma_start3A_252 : memref<1x!tpu.dma_semaphore, #tpu.memory_space<semaphore_mem>> -> memref<!tpu.dma_semaphore, #tpu.memory_space<semaphore_mem>>
        %dma_start3A_254 = arith.constant 64 : i32
        %dma_start3A_255 = tpu.memref_slice %arg11[%add3A_227, %dma_start3A_254] : memref<204800x96xf32, #tpu.memory_space<hbm>> -> memref<128x32xf32, #tpu.memory_space<hbm>>
        %dma_start3A_256 = arith.constant 0 : i32
        %dma_start3A_257 = arith.constant 0 : i32
        %dma_start3A_258 = tpu.memref_slice %arg19[%dma_start3A_244, %dma_start3A_256, %dma_start3A_257] : memref<6x128x33xf32, #tpu.memory_space<vmem>> -> memref<1x128x32xf32, #tpu.memory_space<vmem>>
        %dma_start3A_259 = tpu.memref_squeeze %dma_start3A_258 : memref<1x128x32xf32, #tpu.memory_space<vmem>> -> memref<128x32xf32, #tpu.memory_space<vmem>>
        tpu.enqueue_dma source(%dma_start3A_259 : memref<128x32xf32, #tpu.memory_space<vmem>>) target(%dma_start3A_255 : memref<128x32xf32, #tpu.memory_space<hbm>>) target_semaphore(%dma_start3A_253 : memref<!tpu.dma_semaphore, #tpu.memory_space<semaphore_mem>>)
      } else {
      }
      %mul3A_156 = arith.constant 6 : i32
      %mul3A_157 = arith.muli %scan3A_60, %mul3A_156 : i32
      %add3A_158 = arith.constant 4 : i32
      %add3A_159 = arith.addi %mul3A_157, %add3A_158 : i32
      %ge3A_160 = arith.constant 6 : i32
      %ge3A_161 = arith.cmpi sge, %add3A_159, %ge3A_160 : i32
      %lt3A_162 = arith.constant 56 : i32
      %lt3A_163 = arith.cmpi slt, %add3A_159, %lt3A_162 : i32
      %and3A_164 = arith.andi %ge3A_161, %lt3A_163 : i1
      %convert_element_type3A_165 = arith.extui %and3A_164 : i1 to i32
      %cond3A_166 = arith.constant 0 : i32
      %cond3A_167 = arith.cmpi ne, %convert_element_type3A_165, %cond3A_166 : i32
      scf.if %cond3A_167 {
        %sub3A = arith.constant 6 : i32
        %sub3A_206 = arith.subi %add3A_159, %sub3A : i32
        %mul3A_207 = arith.constant 128 : i32
        %mul3A_208 = arith.muli %sub3A_206, %mul3A_207 : i32
        %add3A_209 = arith.addi %mul3A_2, %mul3A_208 : i32
        %dma_wait3A_210 = arith.constant 4 : i32
        %dma_wait3A_211 = arith.constant 4 : i32
        %dma_wait3A_212 = arith.constant 0 : i32
        %dma_wait3A_213 = arith.constant 0 : i32
        %dma_wait3A_214 = tpu.memref_slice %arg18[%dma_wait3A_210, %dma_wait3A_212, %dma_wait3A_213] : memref<6x128x64xf32, #tpu.memory_space<vmem>> -> memref<1x128x64xf32, #tpu.memory_space<vmem>>
        %dma_wait3A_215 = tpu.memref_squeeze %dma_wait3A_214 : memref<1x128x64xf32, #tpu.memory_space<vmem>> -> memref<128x64xf32, #tpu.memory_space<vmem>>
        %dma_wait3A_216 = arith.constant 0 : i32
        %dma_wait3A_217 = tpu.memref_slice %arg11[%add3A_209, %dma_wait3A_216] : memref<204800x96xf32, #tpu.memory_space<hbm>> -> memref<128x64xf32, #tpu.memory_space<hbm>>
        %dma_wait3A_218 = tpu.memref_slice %arg25[%dma_wait3A_211] : memref<6x!tpu.dma_semaphore, #tpu.memory_space<semaphore_mem>> -> memref<1x!tpu.dma_semaphore, #tpu.memory_space<semaphore_mem>>
        %dma_wait3A_219 = tpu.memref_squeeze %dma_wait3A_218 : memref<1x!tpu.dma_semaphore, #tpu.memory_space<semaphore_mem>> -> memref<!tpu.dma_semaphore, #tpu.memory_space<semaphore_mem>>
        %dma_wait3A_220 = arith.constant 0 : i32
        %dma_wait3A_221 = tpu.memref_slice %arg11[%add3A_209, %dma_wait3A_220] : memref<204800x96xf32, #tpu.memory_space<hbm>> -> memref<128x64xf32, #tpu.memory_space<hbm>>
        %dma_wait3A_222 = arith.constant 0 : i32
        %dma_wait3A_223 = arith.constant 0 : i32
        %dma_wait3A_224 = tpu.memref_slice %arg18[%dma_wait3A_210, %dma_wait3A_222, %dma_wait3A_223] : memref<6x128x64xf32, #tpu.memory_space<vmem>> -> memref<1x128x64xf32, #tpu.memory_space<vmem>>
        %dma_wait3A_225 = tpu.memref_squeeze %dma_wait3A_224 : memref<1x128x64xf32, #tpu.memory_space<vmem>> -> memref<128x64xf32, #tpu.memory_space<vmem>>
        tpu.wait_dma2 semaphore(%dma_wait3A_219 : memref<!tpu.dma_semaphore, #tpu.memory_space<semaphore_mem>>) src(%dma_wait3A_225 : memref<128x64xf32, #tpu.memory_space<vmem>>) dst(%dma_wait3A_221 : memref<128x64xf32, #tpu.memory_space<hbm>>)
        %dma_wait3A_226 = arith.constant 4 : i32
        %dma_wait3A_227 = arith.constant 4 : i32
        %dma_wait3A_228 = arith.constant 0 : i32
        %dma_wait3A_229 = arith.constant 0 : i32
        %dma_wait3A_230 = tpu.memref_slice %arg19[%dma_wait3A_226, %dma_wait3A_228, %dma_wait3A_229] : memref<6x128x33xf32, #tpu.memory_space<vmem>> -> memref<1x128x32xf32, #tpu.memory_space<vmem>>
        %dma_wait3A_231 = tpu.memref_squeeze %dma_wait3A_230 : memref<1x128x32xf32, #tpu.memory_space<vmem>> -> memref<128x32xf32, #tpu.memory_space<vmem>>
        %dma_wait3A_232 = arith.constant 64 : i32
        %dma_wait3A_233 = tpu.memref_slice %arg11[%add3A_209, %dma_wait3A_232] : memref<204800x96xf32, #tpu.memory_space<hbm>> -> memref<128x32xf32, #tpu.memory_space<hbm>>
        %dma_wait3A_234 = tpu.memref_slice %arg25[%dma_wait3A_227] : memref<6x!tpu.dma_semaphore, #tpu.memory_space<semaphore_mem>> -> memref<1x!tpu.dma_semaphore, #tpu.memory_space<semaphore_mem>>
        %dma_wait3A_235 = tpu.memref_squeeze %dma_wait3A_234 : memref<1x!tpu.dma_semaphore, #tpu.memory_space<semaphore_mem>> -> memref<!tpu.dma_semaphore, #tpu.memory_space<semaphore_mem>>
        %dma_wait3A_236 = arith.constant 64 : i32
        %dma_wait3A_237 = tpu.memref_slice %arg11[%add3A_209, %dma_wait3A_236] : memref<204800x96xf32, #tpu.memory_space<hbm>> -> memref<128x32xf32, #tpu.memory_space<hbm>>
        %dma_wait3A_238 = arith.constant 0 : i32
        %dma_wait3A_239 = arith.constant 0 : i32
        %dma_wait3A_240 = tpu.memref_slice %arg19[%dma_wait3A_226, %dma_wait3A_238, %dma_wait3A_239] : memref<6x128x33xf32, #tpu.memory_space<vmem>> -> memref<1x128x32xf32, #tpu.memory_space<vmem>>
        %dma_wait3A_241 = tpu.memref_squeeze %dma_wait3A_240 : memref<1x128x32xf32, #tpu.memory_space<vmem>> -> memref<128x32xf32, #tpu.memory_space<vmem>>
        tpu.wait_dma2 semaphore(%dma_wait3A_235 : memref<!tpu.dma_semaphore, #tpu.memory_space<semaphore_mem>>) src(%dma_wait3A_241 : memref<128x32xf32, #tpu.memory_space<vmem>>) dst(%dma_wait3A_237 : memref<128x32xf32, #tpu.memory_space<hbm>>)
      } else {
      }
      %lt3A_168 = arith.constant 50 : i32
      %lt3A_169 = arith.cmpi slt, %add3A_159, %lt3A_168 : i32
      %convert_element_type3A_170 = arith.extui %lt3A_169 : i1 to i32
      %cond3A_171 = arith.constant 0 : i32
      %cond3A_172 = arith.cmpi ne, %convert_element_type3A_170, %cond3A_171 : i32
      scf.if %cond3A_172 {
        %mul3A_206 = arith.constant 128 : i32
        %mul3A_207 = arith.muli %add3A_159, %mul3A_206 : i32
        %add3A_208 = arith.constant 0 : i32
        %add3A_209 = arith.addi %mul3A_207, %add3A_208 : i32
        %dma_start3A_210 = arith.constant 4 : i32
        %dma_start3A_211 = arith.constant 4 : i32
        %dma_start3A_212 = arith.constant 0 : i32
        %dma_start3A_213 = arith.constant 0 : i32
        %dma_start3A_214 = tpu.memref_slice %arg18[%dma_start3A_210, %dma_start3A_212, %dma_start3A_213] : memref<6x128x64xf32, #tpu.memory_space<vmem>> -> memref<1x128x64xf32, #tpu.memory_space<vmem>>
        %dma_start3A_215 = tpu.memref_squeeze %dma_start3A_214 : memref<1x128x64xf32, #tpu.memory_space<vmem>> -> memref<128x64xf32, #tpu.memory_space<vmem>>
        %dma_start3A_216 = tpu.memref_slice %arg14[%add3A_209] : memref<6400xi32, #tpu.memory_space<vmem>> -> memref<128xi32, #tpu.memory_space<vmem>>
        %dma_start3A_217 = arith.constant 0 : i32
        %dma_start3A_218 = arith.constant 0 : i32
        %dma_start3A_219 = tpu.memref_slice %arg8[%dma_start3A_217, %dma_start3A_218] : memref<1000002x64xf32, #tpu.memory_space<hbm>> -> memref<1000002x64xf32, #tpu.memory_space<hbm>>
        %dma_start3A_220 = tpu.memref_slice %arg24[%dma_start3A_211] : memref<6x!tpu.dma_semaphore, #tpu.memory_space<semaphore_mem>> -> memref<1x!tpu.dma_semaphore, #tpu.memory_space<semaphore_mem>>
        %dma_start3A_221 = tpu.memref_squeeze %dma_start3A_220 : memref<1x!tpu.dma_semaphore, #tpu.memory_space<semaphore_mem>> -> memref<!tpu.dma_semaphore, #tpu.memory_space<semaphore_mem>>
        tpu.enqueue_indirect_dma source(%dma_start3A_219 : memref<1000002x64xf32, #tpu.memory_space<hbm>>) target(%dma_start3A_215 : memref<128x64xf32, #tpu.memory_space<vmem>>) offsets(%dma_start3A_216 : memref<128xi32, #tpu.memory_space<vmem>>) semaphore(%dma_start3A_221 : memref<!tpu.dma_semaphore, #tpu.memory_space<semaphore_mem>>)
        %mul3A_222 = arith.constant 128 : i32
        %mul3A_223 = arith.muli %add3A_159, %mul3A_222 : i32
        %scan3A_224 = arith.constant 0 : i32
        %scan3A_225 = arith.constant 0 : i32
        %scan3A_226 = arith.constant 8 : i32
        %scan3A_227 = arith.addi %scan3A_225, %scan3A_226 : i32
        %scan3A_228 = arith.constant 1 : i32
        scf.for %scan3A_230 = %scan3A_225 to %scan3A_227 step %scan3A_228  : i32 {
          %mul3A_231 = arith.constant 16 : i32
          %mul3A_232 = arith.muli %scan3A_230, %mul3A_231 : i32
          %add3A_233 = arith.addi %mul3A_223, %mul3A_232 : i32
          %get3A = arith.index_cast %add3A_233 : i32 to index
          %get3A_234 = tpu.vector_load %arg17[%get3A] {strides = array<i32>} : memref<6400xi32, #tpu.memory_space<vmem>>, vector<16xi32>,
          %get3A_235 = arith.index_cast %add3A_233 : i32 to index
          %get3A_236 = tpu.vector_load %arg15[%get3A_235] {strides = array<i32>} : memref<6400xi32, #tpu.memory_space<vmem>>, vector<16xi32>,
          %mul3A_237 = arith.muli %get3A_236, %get3A_234 : vector<16xi32>
          %get3A_238 = arith.index_cast %add3A_233 : i32 to index
          %get3A_239 = tpu.vector_load %arg16[%get3A_238] {strides = array<i32>} : memref<6400xi32, #tpu.memory_space<vmem>>, vector<16xi32>,
          %mul3A_240 = arith.muli %get3A_239, %get3A_234 : vector<16xi32>
          %mul3A_241 = arith.constant 16 : i32
          %mul3A_242 = arith.muli %scan3A_230, %mul3A_241 : i32
          %add3A_243 = vector.broadcast %mul3A_242 : i32 to vector<16xi32>
          %add3A_244 = arith.addi %iota3A, %add3A_243 : vector<16xi32>
          %broadcast_in_dim3A = arith.constant 0 : i32
          %broadcast_in_dim3A_245 = vector.broadcast %broadcast_in_dim3A : i32 to vector<16xi32>
          %gather3A = tpu.vector_load_idx %arg20[%mul3A_237, %broadcast_in_dim3A_245] : memref<80x17xf32, #tpu.memory_space<vmem>>[vector<16xi32>, vector<16xi32>], vector<16xf32>,
          %scatter3A = arith.constant 4 : i32
          %scatter3A_246 = arith.constant 0 : i32
          %scatter3A_247 = arith.constant 0 : i32
          %scatter3A_248 = tpu.memref_slice %arg19[%scatter3A, %scatter3A_246, %scatter3A_247] : memref<6x128x33xf32, #tpu.memory_space<vmem>> -> memref<1x128x33xf32, #tpu.memory_space<vmem>>
          %scatter3A_249 = tpu.memref_squeeze %scatter3A_248 : memref<1x128x33xf32, #tpu.memory_space<vmem>> -> memref<128x33xf32, #tpu.memory_space<vmem>>
          tpu.vector_store_idx %scatter3A_249[%add3A_244, %broadcast_in_dim3A_245], %gather3A : memref<128x33xf32, #tpu.memory_space<vmem>>[vector<16xi32>, vector<16xi32>], vector<16xf32>,
          %gather3A_250 = tpu.vector_load_idx %arg21[%mul3A_240, %broadcast_in_dim3A_245] : memref<80x17xf32, #tpu.memory_space<vmem>>[vector<16xi32>, vector<16xi32>], vector<16xf32>,
          %add3A_251 = arith.constant 16 : i32
          %add3A_252 = vector.broadcast %add3A_251 : i32 to vector<16xi32>
          %add3A_253 = arith.addi %broadcast_in_dim3A_245, %add3A_252 : vector<16xi32>
          %scatter3A_254 = arith.constant 4 : i32
          %scatter3A_255 = arith.constant 0 : i32
          %scatter3A_256 = arith.constant 0 : i32
          %scatter3A_257 = tpu.memref_slice %arg19[%scatter3A_254, %scatter3A_255, %scatter3A_256] : memref<6x128x33xf32, #tpu.memory_space<vmem>> -> memref<1x128x33xf32, #tpu.memory_space<vmem>>
          %scatter3A_258 = tpu.memref_squeeze %scatter3A_257 : memref<1x128x33xf32, #tpu.memory_space<vmem>> -> memref<128x33xf32, #tpu.memory_space<vmem>>
          tpu.vector_store_idx %scatter3A_258[%add3A_244, %add3A_253], %gather3A_250 : memref<128x33xf32, #tpu.memory_space<vmem>>[vector<16xi32>, vector<16xi32>], vector<16xf32>,
          %broadcast_in_dim3A_259 = arith.constant 1 : i32
          %broadcast_in_dim3A_260 = vector.broadcast %broadcast_in_dim3A_259 : i32 to vector<16xi32>
          %gather3A_261 = tpu.vector_load_idx %arg20[%mul3A_237, %broadcast_in_dim3A_260] : memref<80x17xf32, #tpu.memory_space<vmem>>[vector<16xi32>, vector<16xi32>], vector<16xf32>,
          %scatter3A_262 = arith.constant 4 : i32
          %scatter3A_263 = arith.constant 0 : i32
          %scatter3A_264 = arith.constant 0 : i32
          %scatter3A_265 = tpu.memref_slice %arg19[%scatter3A_262, %scatter3A_263, %scatter3A_264] : memref<6x128x33xf32, #tpu.memory_space<vmem>> -> memref<1x128x33xf32, #tpu.memory_space<vmem>>
          %scatter3A_266 = tpu.memref_squeeze %scatter3A_265 : memref<1x128x33xf32, #tpu.memory_space<vmem>> -> memref<128x33xf32, #tpu.memory_space<vmem>>
          tpu.vector_store_idx %scatter3A_266[%add3A_244, %broadcast_in_dim3A_260], %gather3A_261 : memref<128x33xf32, #tpu.memory_space<vmem>>[vector<16xi32>, vector<16xi32>], vector<16xf32>,
          %gather3A_267 = tpu.vector_load_idx %arg21[%mul3A_240, %broadcast_in_dim3A_260] : memref<80x17xf32, #tpu.memory_space<vmem>>[vector<16xi32>, vector<16xi32>], vector<16xf32>,
          %add3A_268 = arith.constant 16 : i32
          %add3A_269 = vector.broadcast %add3A_268 : i32 to vector<16xi32>
          %add3A_270 = arith.addi %broadcast_in_dim3A_260, %add3A_269 : vector<16xi32>
          %scatter3A_271 = arith.constant 4 : i32
          %scatter3A_272 = arith.constant 0 : i32
          %scatter3A_273 = arith.constant 0 : i32
          %scatter3A_274 = tpu.memref_slice %arg19[%scatter3A_271, %scatter3A_272, %scatter3A_273] : memref<6x128x33xf32, #tpu.memory_space<vmem>> -> memref<1x128x33xf32, #tpu.memory_space<vmem>>
          %scatter3A_275 = tpu.memref_squeeze %scatter3A_274 : memref<1x128x33xf32, #tpu.memory_space<vmem>> -> memref<128x33xf32, #tpu.memory_space<vmem>>
          tpu.vector_store_idx %scatter3A_275[%add3A_244, %add3A_270], %gather3A_267 : memref<128x33xf32, #tpu.memory_space<vmem>>[vector<16xi32>, vector<16xi32>], vector<16xf32>,
          %broadcast_in_dim3A_276 = arith.constant 2 : i32
          %broadcast_in_dim3A_277 = vector.broadcast %broadcast_in_dim3A_276 : i32 to vector<16xi32>
          %gather3A_278 = tpu.vector_load_idx %arg20[%mul3A_237, %broadcast_in_dim3A_277] : memref<80x17xf32, #tpu.memory_space<vmem>>[vector<16xi32>, vector<16xi32>], vector<16xf32>,
          %scatter3A_279 = arith.constant 4 : i32
          %scatter3A_280 = arith.constant 0 : i32
          %scatter3A_281 = arith.constant 0 : i32
          %scatter3A_282 = tpu.memref_slice %arg19[%scatter3A_279, %scatter3A_280, %scatter3A_281] : memref<6x128x33xf32, #tpu.memory_space<vmem>> -> memref<1x128x33xf32, #tpu.memory_space<vmem>>
          %scatter3A_283 = tpu.memref_squeeze %scatter3A_282 : memref<1x128x33xf32, #tpu.memory_space<vmem>> -> memref<128x33xf32, #tpu.memory_space<vmem>>
          tpu.vector_store_idx %scatter3A_283[%add3A_244, %broadcast_in_dim3A_277], %gather3A_278 : memref<128x33xf32, #tpu.memory_space<vmem>>[vector<16xi32>, vector<16xi32>], vector<16xf32>,
          %gather3A_284 = tpu.vector_load_idx %arg21[%mul3A_240, %broadcast_in_dim3A_277] : memref<80x17xf32, #tpu.memory_space<vmem>>[vector<16xi32>, vector<16xi32>], vector<16xf32>,
          %add3A_285 = arith.constant 16 : i32
          %add3A_286 = vector.broadcast %add3A_285 : i32 to vector<16xi32>
          %add3A_287 = arith.addi %broadcast_in_dim3A_277, %add3A_286 : vector<16xi32>
          %scatter3A_288 = arith.constant 4 : i32
          %scatter3A_289 = arith.constant 0 : i32
          %scatter3A_290 = arith.constant 0 : i32
          %scatter3A_291 = tpu.memref_slice %arg19[%scatter3A_288, %scatter3A_289, %scatter3A_290] : memref<6x128x33xf32, #tpu.memory_space<vmem>> -> memref<1x128x33xf32, #tpu.memory_space<vmem>>
          %scatter3A_292 = tpu.memref_squeeze %scatter3A_291 : memref<1x128x33xf32, #tpu.memory_space<vmem>> -> memref<128x33xf32, #tpu.memory_space<vmem>>
          tpu.vector_store_idx %scatter3A_292[%add3A_244, %add3A_287], %gather3A_284 : memref<128x33xf32, #tpu.memory_space<vmem>>[vector<16xi32>, vector<16xi32>], vector<16xf32>,
          %broadcast_in_dim3A_293 = arith.constant 3 : i32
          %broadcast_in_dim3A_294 = vector.broadcast %broadcast_in_dim3A_293 : i32 to vector<16xi32>
          %gather3A_295 = tpu.vector_load_idx %arg20[%mul3A_237, %broadcast_in_dim3A_294] : memref<80x17xf32, #tpu.memory_space<vmem>>[vector<16xi32>, vector<16xi32>], vector<16xf32>,
          %scatter3A_296 = arith.constant 4 : i32
          %scatter3A_297 = arith.constant 0 : i32
          %scatter3A_298 = arith.constant 0 : i32
          %scatter3A_299 = tpu.memref_slice %arg19[%scatter3A_296, %scatter3A_297, %scatter3A_298] : memref<6x128x33xf32, #tpu.memory_space<vmem>> -> memref<1x128x33xf32, #tpu.memory_space<vmem>>
          %scatter3A_300 = tpu.memref_squeeze %scatter3A_299 : memref<1x128x33xf32, #tpu.memory_space<vmem>> -> memref<128x33xf32, #tpu.memory_space<vmem>>
          tpu.vector_store_idx %scatter3A_300[%add3A_244, %broadcast_in_dim3A_294], %gather3A_295 : memref<128x33xf32, #tpu.memory_space<vmem>>[vector<16xi32>, vector<16xi32>], vector<16xf32>,
          %gather3A_301 = tpu.vector_load_idx %arg21[%mul3A_240, %broadcast_in_dim3A_294] : memref<80x17xf32, #tpu.memory_space<vmem>>[vector<16xi32>, vector<16xi32>], vector<16xf32>,
          %add3A_302 = arith.constant 16 : i32
          %add3A_303 = vector.broadcast %add3A_302 : i32 to vector<16xi32>
          %add3A_304 = arith.addi %broadcast_in_dim3A_294, %add3A_303 : vector<16xi32>
          %scatter3A_305 = arith.constant 4 : i32
          %scatter3A_306 = arith.constant 0 : i32
          %scatter3A_307 = arith.constant 0 : i32
          %scatter3A_308 = tpu.memref_slice %arg19[%scatter3A_305, %scatter3A_306, %scatter3A_307] : memref<6x128x33xf32, #tpu.memory_space<vmem>> -> memref<1x128x33xf32, #tpu.memory_space<vmem>>
          %scatter3A_309 = tpu.memref_squeeze %scatter3A_308 : memref<1x128x33xf32, #tpu.memory_space<vmem>> -> memref<128x33xf32, #tpu.memory_space<vmem>>
          tpu.vector_store_idx %scatter3A_309[%add3A_244, %add3A_304], %gather3A_301 : memref<128x33xf32, #tpu.memory_space<vmem>>[vector<16xi32>, vector<16xi32>], vector<16xf32>,
          %broadcast_in_dim3A_310 = arith.constant 4 : i32
          %broadcast_in_dim3A_311 = vector.broadcast %broadcast_in_dim3A_310 : i32 to vector<16xi32>
          %gather3A_312 = tpu.vector_load_idx %arg20[%mul3A_237, %broadcast_in_dim3A_311] : memref<80x17xf32, #tpu.memory_space<vmem>>[vector<16xi32>, vector<16xi32>], vector<16xf32>,
          %scatter3A_313 = arith.constant 4 : i32
          %scatter3A_314 = arith.constant 0 : i32
          %scatter3A_315 = arith.constant 0 : i32
          %scatter3A_316 = tpu.memref_slice %arg19[%scatter3A_313, %scatter3A_314, %scatter3A_315] : memref<6x128x33xf32, #tpu.memory_space<vmem>> -> memref<1x128x33xf32, #tpu.memory_space<vmem>>
          %scatter3A_317 = tpu.memref_squeeze %scatter3A_316 : memref<1x128x33xf32, #tpu.memory_space<vmem>> -> memref<128x33xf32, #tpu.memory_space<vmem>>
          tpu.vector_store_idx %scatter3A_317[%add3A_244, %broadcast_in_dim3A_311], %gather3A_312 : memref<128x33xf32, #tpu.memory_space<vmem>>[vector<16xi32>, vector<16xi32>], vector<16xf32>,
          %gather3A_318 = tpu.vector_load_idx %arg21[%mul3A_240, %broadcast_in_dim3A_311] : memref<80x17xf32, #tpu.memory_space<vmem>>[vector<16xi32>, vector<16xi32>], vector<16xf32>,
          %add3A_319 = arith.constant 16 : i32
          %add3A_320 = vector.broadcast %add3A_319 : i32 to vector<16xi32>
          %add3A_321 = arith.addi %broadcast_in_dim3A_311, %add3A_320 : vector<16xi32>
          %scatter3A_322 = arith.constant 4 : i32
          %scatter3A_323 = arith.constant 0 : i32
          %scatter3A_324 = arith.constant 0 : i32
          %scatter3A_325 = tpu.memref_slice %arg19[%scatter3A_322, %scatter3A_323, %scatter3A_324] : memref<6x128x33xf32, #tpu.memory_space<vmem>> -> memref<1x128x33xf32, #tpu.memory_space<vmem>>
          %scatter3A_326 = tpu.memref_squeeze %scatter3A_325 : memref<1x128x33xf32, #tpu.memory_space<vmem>> -> memref<128x33xf32, #tpu.memory_space<vmem>>
          tpu.vector_store_idx %scatter3A_326[%add3A_244, %add3A_321], %gather3A_318 : memref<128x33xf32, #tpu.memory_space<vmem>>[vector<16xi32>, vector<16xi32>], vector<16xf32>,
          %broadcast_in_dim3A_327 = arith.constant 5 : i32
          %broadcast_in_dim3A_328 = vector.broadcast %broadcast_in_dim3A_327 : i32 to vector<16xi32>
          %gather3A_329 = tpu.vector_load_idx %arg20[%mul3A_237, %broadcast_in_dim3A_328] : memref<80x17xf32, #tpu.memory_space<vmem>>[vector<16xi32>, vector<16xi32>], vector<16xf32>,
          %scatter3A_330 = arith.constant 4 : i32
          %scatter3A_331 = arith.constant 0 : i32
          %scatter3A_332 = arith.constant 0 : i32
          %scatter3A_333 = tpu.memref_slice %arg19[%scatter3A_330, %scatter3A_331, %scatter3A_332] : memref<6x128x33xf32, #tpu.memory_space<vmem>> -> memref<1x128x33xf32, #tpu.memory_space<vmem>>
          %scatter3A_334 = tpu.memref_squeeze %scatter3A_333 : memref<1x128x33xf32, #tpu.memory_space<vmem>> -> memref<128x33xf32, #tpu.memory_space<vmem>>
          tpu.vector_store_idx %scatter3A_334[%add3A_244, %broadcast_in_dim3A_328], %gather3A_329 : memref<128x33xf32, #tpu.memory_space<vmem>>[vector<16xi32>, vector<16xi32>], vector<16xf32>,
          %gather3A_335 = tpu.vector_load_idx %arg21[%mul3A_240, %broadcast_in_dim3A_328] : memref<80x17xf32, #tpu.memory_space<vmem>>[vector<16xi32>, vector<16xi32>], vector<16xf32>,
          %add3A_336 = arith.constant 16 : i32
          %add3A_337 = vector.broadcast %add3A_336 : i32 to vector<16xi32>
          %add3A_338 = arith.addi %broadcast_in_dim3A_328, %add3A_337 : vector<16xi32>
          %scatter3A_339 = arith.constant 4 : i32
          %scatter3A_340 = arith.constant 0 : i32
          %scatter3A_341 = arith.constant 0 : i32
          %scatter3A_342 = tpu.memref_slice %arg19[%scatter3A_339, %scatter3A_340, %scatter3A_341] : memref<6x128x33xf32, #tpu.memory_space<vmem>> -> memref<1x128x33xf32, #tpu.memory_space<vmem>>
          %scatter3A_343 = tpu.memref_squeeze %scatter3A_342 : memref<1x128x33xf32, #tpu.memory_space<vmem>> -> memref<128x33xf32, #tpu.memory_space<vmem>>
          tpu.vector_store_idx %scatter3A_343[%add3A_244, %add3A_338], %gather3A_335 : memref<128x33xf32, #tpu.memory_space<vmem>>[vector<16xi32>, vector<16xi32>], vector<16xf32>,
          %broadcast_in_dim3A_344 = arith.constant 6 : i32
          %broadcast_in_dim3A_345 = vector.broadcast %broadcast_in_dim3A_344 : i32 to vector<16xi32>
          %gather3A_346 = tpu.vector_load_idx %arg20[%mul3A_237, %broadcast_in_dim3A_345] : memref<80x17xf32, #tpu.memory_space<vmem>>[vector<16xi32>, vector<16xi32>], vector<16xf32>,
          %scatter3A_347 = arith.constant 4 : i32
          %scatter3A_348 = arith.constant 0 : i32
          %scatter3A_349 = arith.constant 0 : i32
          %scatter3A_350 = tpu.memref_slice %arg19[%scatter3A_347, %scatter3A_348, %scatter3A_349] : memref<6x128x33xf32, #tpu.memory_space<vmem>> -> memref<1x128x33xf32, #tpu.memory_space<vmem>>
          %scatter3A_351 = tpu.memref_squeeze %scatter3A_350 : memref<1x128x33xf32, #tpu.memory_space<vmem>> -> memref<128x33xf32, #tpu.memory_space<vmem>>
          tpu.vector_store_idx %scatter3A_351[%add3A_244, %broadcast_in_dim3A_345], %gather3A_346 : memref<128x33xf32, #tpu.memory_space<vmem>>[vector<16xi32>, vector<16xi32>], vector<16xf32>,
          %gather3A_352 = tpu.vector_load_idx %arg21[%mul3A_240, %broadcast_in_dim3A_345] : memref<80x17xf32, #tpu.memory_space<vmem>>[vector<16xi32>, vector<16xi32>], vector<16xf32>,
          %add3A_353 = arith.constant 16 : i32
          %add3A_354 = vector.broadcast %add3A_353 : i32 to vector<16xi32>
          %add3A_355 = arith.addi %broadcast_in_dim3A_345, %add3A_354 : vector<16xi32>
          %scatter3A_356 = arith.constant 4 : i32
          %scatter3A_357 = arith.constant 0 : i32
          %scatter3A_358 = arith.constant 0 : i32
          %scatter3A_359 = tpu.memref_slice %arg19[%scatter3A_356, %scatter3A_357, %scatter3A_358] : memref<6x128x33xf32, #tpu.memory_space<vmem>> -> memref<1x128x33xf32, #tpu.memory_space<vmem>>
          %scatter3A_360 = tpu.memref_squeeze %scatter3A_359 : memref<1x128x33xf32, #tpu.memory_space<vmem>> -> memref<128x33xf32, #tpu.memory_space<vmem>>
          tpu.vector_store_idx %scatter3A_360[%add3A_244, %add3A_355], %gather3A_352 : memref<128x33xf32, #tpu.memory_space<vmem>>[vector<16xi32>, vector<16xi32>], vector<16xf32>,
          %broadcast_in_dim3A_361 = arith.constant 7 : i32
          %broadcast_in_dim3A_362 = vector.broadcast %broadcast_in_dim3A_361 : i32 to vector<16xi32>
          %gather3A_363 = tpu.vector_load_idx %arg20[%mul3A_237, %broadcast_in_dim3A_362] : memref<80x17xf32, #tpu.memory_space<vmem>>[vector<16xi32>, vector<16xi32>], vector<16xf32>,
          %scatter3A_364 = arith.constant 4 : i32
          %scatter3A_365 = arith.constant 0 : i32
          %scatter3A_366 = arith.constant 0 : i32
          %scatter3A_367 = tpu.memref_slice %arg19[%scatter3A_364, %scatter3A_365, %scatter3A_366] : memref<6x128x33xf32, #tpu.memory_space<vmem>> -> memref<1x128x33xf32, #tpu.memory_space<vmem>>
          %scatter3A_368 = tpu.memref_squeeze %scatter3A_367 : memref<1x128x33xf32, #tpu.memory_space<vmem>> -> memref<128x33xf32, #tpu.memory_space<vmem>>
          tpu.vector_store_idx %scatter3A_368[%add3A_244, %broadcast_in_dim3A_362], %gather3A_363 : memref<128x33xf32, #tpu.memory_space<vmem>>[vector<16xi32>, vector<16xi32>], vector<16xf32>,
          %gather3A_369 = tpu.vector_load_idx %arg21[%mul3A_240, %broadcast_in_dim3A_362] : memref<80x17xf32, #tpu.memory_space<vmem>>[vector<16xi32>, vector<16xi32>], vector<16xf32>,
          %add3A_370 = arith.constant 16 : i32
          %add3A_371 = vector.broadcast %add3A_370 : i32 to vector<16xi32>
          %add3A_372 = arith.addi %broadcast_in_dim3A_362, %add3A_371 : vector<16xi32>
          %scatter3A_373 = arith.constant 4 : i32
          %scatter3A_374 = arith.constant 0 : i32
          %scatter3A_375 = arith.constant 0 : i32
          %scatter3A_376 = tpu.memref_slice %arg19[%scatter3A_373, %scatter3A_374, %scatter3A_375] : memref<6x128x33xf32, #tpu.memory_space<vmem>> -> memref<1x128x33xf32, #tpu.memory_space<vmem>>
          %scatter3A_377 = tpu.memref_squeeze %scatter3A_376 : memref<1x128x33xf32, #tpu.memory_space<vmem>> -> memref<128x33xf32, #tpu.memory_space<vmem>>
          tpu.vector_store_idx %scatter3A_377[%add3A_244, %add3A_372], %gather3A_369 : memref<128x33xf32, #tpu.memory_space<vmem>>[vector<16xi32>, vector<16xi32>], vector<16xf32>,
          %broadcast_in_dim3A_378 = arith.constant 8 : i32
          %broadcast_in_dim3A_379 = vector.broadcast %broadcast_in_dim3A_378 : i32 to vector<16xi32>
          %gather3A_380 = tpu.vector_load_idx %arg20[%mul3A_237, %broadcast_in_dim3A_379] : memref<80x17xf32, #tpu.memory_space<vmem>>[vector<16xi32>, vector<16xi32>], vector<16xf32>,
          %scatter3A_381 = arith.constant 4 : i32
          %scatter3A_382 = arith.constant 0 : i32
          %scatter3A_383 = arith.constant 0 : i32
          %scatter3A_384 = tpu.memref_slice %arg19[%scatter3A_381, %scatter3A_382, %scatter3A_383] : memref<6x128x33xf32, #tpu.memory_space<vmem>> -> memref<1x128x33xf32, #tpu.memory_space<vmem>>
          %scatter3A_385 = tpu.memref_squeeze %scatter3A_384 : memref<1x128x33xf32, #tpu.memory_space<vmem>> -> memref<128x33xf32, #tpu.memory_space<vmem>>
          tpu.vector_store_idx %scatter3A_385[%add3A_244, %broadcast_in_dim3A_379], %gather3A_380 : memref<128x33xf32, #tpu.memory_space<vmem>>[vector<16xi32>, vector<16xi32>], vector<16xf32>,
          %gather3A_386 = tpu.vector_load_idx %arg21[%mul3A_240, %broadcast_in_dim3A_379] : memref<80x17xf32, #tpu.memory_space<vmem>>[vector<16xi32>, vector<16xi32>], vector<16xf32>,
          %add3A_387 = arith.constant 16 : i32
          %add3A_388 = vector.broadcast %add3A_387 : i32 to vector<16xi32>
          %add3A_389 = arith.addi %broadcast_in_dim3A_379, %add3A_388 : vector<16xi32>
          %scatter3A_390 = arith.constant 4 : i32
          %scatter3A_391 = arith.constant 0 : i32
          %scatter3A_392 = arith.constant 0 : i32
          %scatter3A_393 = tpu.memref_slice %arg19[%scatter3A_390, %scatter3A_391, %scatter3A_392] : memref<6x128x33xf32, #tpu.memory_space<vmem>> -> memref<1x128x33xf32, #tpu.memory_space<vmem>>
          %scatter3A_394 = tpu.memref_squeeze %scatter3A_393 : memref<1x128x33xf32, #tpu.memory_space<vmem>> -> memref<128x33xf32, #tpu.memory_space<vmem>>
          tpu.vector_store_idx %scatter3A_394[%add3A_244, %add3A_389], %gather3A_386 : memref<128x33xf32, #tpu.memory_space<vmem>>[vector<16xi32>, vector<16xi32>], vector<16xf32>,
          %broadcast_in_dim3A_395 = arith.constant 9 : i32
          %broadcast_in_dim3A_396 = vector.broadcast %broadcast_in_dim3A_395 : i32 to vector<16xi32>
          %gather3A_397 = tpu.vector_load_idx %arg20[%mul3A_237, %broadcast_in_dim3A_396] : memref<80x17xf32, #tpu.memory_space<vmem>>[vector<16xi32>, vector<16xi32>], vector<16xf32>,
          %scatter3A_398 = arith.constant 4 : i32
          %scatter3A_399 = arith.constant 0 : i32
          %scatter3A_400 = arith.constant 0 : i32
          %scatter3A_401 = tpu.memref_slice %arg19[%scatter3A_398, %scatter3A_399, %scatter3A_400] : memref<6x128x33xf32, #tpu.memory_space<vmem>> -> memref<1x128x33xf32, #tpu.memory_space<vmem>>
          %scatter3A_402 = tpu.memref_squeeze %scatter3A_401 : memref<1x128x33xf32, #tpu.memory_space<vmem>> -> memref<128x33xf32, #tpu.memory_space<vmem>>
          tpu.vector_store_idx %scatter3A_402[%add3A_244, %broadcast_in_dim3A_396], %gather3A_397 : memref<128x33xf32, #tpu.memory_space<vmem>>[vector<16xi32>, vector<16xi32>], vector<16xf32>,
          %gather3A_403 = tpu.vector_load_idx %arg21[%mul3A_240, %broadcast_in_dim3A_396] : memref<80x17xf32, #tpu.memory_space<vmem>>[vector<16xi32>, vector<16xi32>], vector<16xf32>,
          %add3A_404 = arith.constant 16 : i32
          %add3A_405 = vector.broadcast %add3A_404 : i32 to vector<16xi32>
          %add3A_406 = arith.addi %broadcast_in_dim3A_396, %add3A_405 : vector<16xi32>
          %scatter3A_407 = arith.constant 4 : i32
          %scatter3A_408 = arith.constant 0 : i32
          %scatter3A_409 = arith.constant 0 : i32
          %scatter3A_410 = tpu.memref_slice %arg19[%scatter3A_407, %scatter3A_408, %scatter3A_409] : memref<6x128x33xf32, #tpu.memory_space<vmem>> -> memref<1x128x33xf32, #tpu.memory_space<vmem>>
          %scatter3A_411 = tpu.memref_squeeze %scatter3A_410 : memref<1x128x33xf32, #tpu.memory_space<vmem>> -> memref<128x33xf32, #tpu.memory_space<vmem>>
          tpu.vector_store_idx %scatter3A_411[%add3A_244, %add3A_406], %gather3A_403 : memref<128x33xf32, #tpu.memory_space<vmem>>[vector<16xi32>, vector<16xi32>], vector<16xf32>,
          %broadcast_in_dim3A_412 = arith.constant 10 : i32
          %broadcast_in_dim3A_413 = vector.broadcast %broadcast_in_dim3A_412 : i32 to vector<16xi32>
          %gather3A_414 = tpu.vector_load_idx %arg20[%mul3A_237, %broadcast_in_dim3A_413] : memref<80x17xf32, #tpu.memory_space<vmem>>[vector<16xi32>, vector<16xi32>], vector<16xf32>,
          %scatter3A_415 = arith.constant 4 : i32
          %scatter3A_416 = arith.constant 0 : i32
          %scatter3A_417 = arith.constant 0 : i32
          %scatter3A_418 = tpu.memref_slice %arg19[%scatter3A_415, %scatter3A_416, %scatter3A_417] : memref<6x128x33xf32, #tpu.memory_space<vmem>> -> memref<1x128x33xf32, #tpu.memory_space<vmem>>
          %scatter3A_419 = tpu.memref_squeeze %scatter3A_418 : memref<1x128x33xf32, #tpu.memory_space<vmem>> -> memref<128x33xf32, #tpu.memory_space<vmem>>
          tpu.vector_store_idx %scatter3A_419[%add3A_244, %broadcast_in_dim3A_413], %gather3A_414 : memref<128x33xf32, #tpu.memory_space<vmem>>[vector<16xi32>, vector<16xi32>], vector<16xf32>,
          %gather3A_420 = tpu.vector_load_idx %arg21[%mul3A_240, %broadcast_in_dim3A_413] : memref<80x17xf32, #tpu.memory_space<vmem>>[vector<16xi32>, vector<16xi32>], vector<16xf32>,
          %add3A_421 = arith.constant 16 : i32
          %add3A_422 = vector.broadcast %add3A_421 : i32 to vector<16xi32>
          %add3A_423 = arith.addi %broadcast_in_dim3A_413, %add3A_422 : vector<16xi32>
          %scatter3A_424 = arith.constant 4 : i32
          %scatter3A_425 = arith.constant 0 : i32
          %scatter3A_426 = arith.constant 0 : i32
          %scatter3A_427 = tpu.memref_slice %arg19[%scatter3A_424, %scatter3A_425, %scatter3A_426] : memref<6x128x33xf32, #tpu.memory_space<vmem>> -> memref<1x128x33xf32, #tpu.memory_space<vmem>>
          %scatter3A_428 = tpu.memref_squeeze %scatter3A_427 : memref<1x128x33xf32, #tpu.memory_space<vmem>> -> memref<128x33xf32, #tpu.memory_space<vmem>>
          tpu.vector_store_idx %scatter3A_428[%add3A_244, %add3A_423], %gather3A_420 : memref<128x33xf32, #tpu.memory_space<vmem>>[vector<16xi32>, vector<16xi32>], vector<16xf32>,
          %broadcast_in_dim3A_429 = arith.constant 11 : i32
          %broadcast_in_dim3A_430 = vector.broadcast %broadcast_in_dim3A_429 : i32 to vector<16xi32>
          %gather3A_431 = tpu.vector_load_idx %arg20[%mul3A_237, %broadcast_in_dim3A_430] : memref<80x17xf32, #tpu.memory_space<vmem>>[vector<16xi32>, vector<16xi32>], vector<16xf32>,
          %scatter3A_432 = arith.constant 4 : i32
          %scatter3A_433 = arith.constant 0 : i32
          %scatter3A_434 = arith.constant 0 : i32
          %scatter3A_435 = tpu.memref_slice %arg19[%scatter3A_432, %scatter3A_433, %scatter3A_434] : memref<6x128x33xf32, #tpu.memory_space<vmem>> -> memref<1x128x33xf32, #tpu.memory_space<vmem>>
          %scatter3A_436 = tpu.memref_squeeze %scatter3A_435 : memref<1x128x33xf32, #tpu.memory_space<vmem>> -> memref<128x33xf32, #tpu.memory_space<vmem>>
          tpu.vector_store_idx %scatter3A_436[%add3A_244, %broadcast_in_dim3A_430], %gather3A_431 : memref<128x33xf32, #tpu.memory_space<vmem>>[vector<16xi32>, vector<16xi32>], vector<16xf32>,
          %gather3A_437 = tpu.vector_load_idx %arg21[%mul3A_240, %broadcast_in_dim3A_430] : memref<80x17xf32, #tpu.memory_space<vmem>>[vector<16xi32>, vector<16xi32>], vector<16xf32>,
          %add3A_438 = arith.constant 16 : i32
          %add3A_439 = vector.broadcast %add3A_438 : i32 to vector<16xi32>
          %add3A_440 = arith.addi %broadcast_in_dim3A_430, %add3A_439 : vector<16xi32>
          %scatter3A_441 = arith.constant 4 : i32
          %scatter3A_442 = arith.constant 0 : i32
          %scatter3A_443 = arith.constant 0 : i32
          %scatter3A_444 = tpu.memref_slice %arg19[%scatter3A_441, %scatter3A_442, %scatter3A_443] : memref<6x128x33xf32, #tpu.memory_space<vmem>> -> memref<1x128x33xf32, #tpu.memory_space<vmem>>
          %scatter3A_445 = tpu.memref_squeeze %scatter3A_444 : memref<1x128x33xf32, #tpu.memory_space<vmem>> -> memref<128x33xf32, #tpu.memory_space<vmem>>
          tpu.vector_store_idx %scatter3A_445[%add3A_244, %add3A_440], %gather3A_437 : memref<128x33xf32, #tpu.memory_space<vmem>>[vector<16xi32>, vector<16xi32>], vector<16xf32>,
          %broadcast_in_dim3A_446 = arith.constant 12 : i32
          %broadcast_in_dim3A_447 = vector.broadcast %broadcast_in_dim3A_446 : i32 to vector<16xi32>
          %gather3A_448 = tpu.vector_load_idx %arg20[%mul3A_237, %broadcast_in_dim3A_447] : memref<80x17xf32, #tpu.memory_space<vmem>>[vector<16xi32>, vector<16xi32>], vector<16xf32>,
          %scatter3A_449 = arith.constant 4 : i32
          %scatter3A_450 = arith.constant 0 : i32
          %scatter3A_451 = arith.constant 0 : i32
          %scatter3A_452 = tpu.memref_slice %arg19[%scatter3A_449, %scatter3A_450, %scatter3A_451] : memref<6x128x33xf32, #tpu.memory_space<vmem>> -> memref<1x128x33xf32, #tpu.memory_space<vmem>>
          %scatter3A_453 = tpu.memref_squeeze %scatter3A_452 : memref<1x128x33xf32, #tpu.memory_space<vmem>> -> memref<128x33xf32, #tpu.memory_space<vmem>>
          tpu.vector_store_idx %scatter3A_453[%add3A_244, %broadcast_in_dim3A_447], %gather3A_448 : memref<128x33xf32, #tpu.memory_space<vmem>>[vector<16xi32>, vector<16xi32>], vector<16xf32>,
          %gather3A_454 = tpu.vector_load_idx %arg21[%mul3A_240, %broadcast_in_dim3A_447] : memref<80x17xf32, #tpu.memory_space<vmem>>[vector<16xi32>, vector<16xi32>], vector<16xf32>,
          %add3A_455 = arith.constant 16 : i32
          %add3A_456 = vector.broadcast %add3A_455 : i32 to vector<16xi32>
          %add3A_457 = arith.addi %broadcast_in_dim3A_447, %add3A_456 : vector<16xi32>
          %scatter3A_458 = arith.constant 4 : i32
          %scatter3A_459 = arith.constant 0 : i32
          %scatter3A_460 = arith.constant 0 : i32
          %scatter3A_461 = tpu.memref_slice %arg19[%scatter3A_458, %scatter3A_459, %scatter3A_460] : memref<6x128x33xf32, #tpu.memory_space<vmem>> -> memref<1x128x33xf32, #tpu.memory_space<vmem>>
          %scatter3A_462 = tpu.memref_squeeze %scatter3A_461 : memref<1x128x33xf32, #tpu.memory_space<vmem>> -> memref<128x33xf32, #tpu.memory_space<vmem>>
          tpu.vector_store_idx %scatter3A_462[%add3A_244, %add3A_457], %gather3A_454 : memref<128x33xf32, #tpu.memory_space<vmem>>[vector<16xi32>, vector<16xi32>], vector<16xf32>,
          %broadcast_in_dim3A_463 = arith.constant 13 : i32
          %broadcast_in_dim3A_464 = vector.broadcast %broadcast_in_dim3A_463 : i32 to vector<16xi32>
          %gather3A_465 = tpu.vector_load_idx %arg20[%mul3A_237, %broadcast_in_dim3A_464] : memref<80x17xf32, #tpu.memory_space<vmem>>[vector<16xi32>, vector<16xi32>], vector<16xf32>,
          %scatter3A_466 = arith.constant 4 : i32
          %scatter3A_467 = arith.constant 0 : i32
          %scatter3A_468 = arith.constant 0 : i32
          %scatter3A_469 = tpu.memref_slice %arg19[%scatter3A_466, %scatter3A_467, %scatter3A_468] : memref<6x128x33xf32, #tpu.memory_space<vmem>> -> memref<1x128x33xf32, #tpu.memory_space<vmem>>
          %scatter3A_470 = tpu.memref_squeeze %scatter3A_469 : memref<1x128x33xf32, #tpu.memory_space<vmem>> -> memref<128x33xf32, #tpu.memory_space<vmem>>
          tpu.vector_store_idx %scatter3A_470[%add3A_244, %broadcast_in_dim3A_464], %gather3A_465 : memref<128x33xf32, #tpu.memory_space<vmem>>[vector<16xi32>, vector<16xi32>], vector<16xf32>,
          %gather3A_471 = tpu.vector_load_idx %arg21[%mul3A_240, %broadcast_in_dim3A_464] : memref<80x17xf32, #tpu.memory_space<vmem>>[vector<16xi32>, vector<16xi32>], vector<16xf32>,
          %add3A_472 = arith.constant 16 : i32
          %add3A_473 = vector.broadcast %add3A_472 : i32 to vector<16xi32>
          %add3A_474 = arith.addi %broadcast_in_dim3A_464, %add3A_473 : vector<16xi32>
          %scatter3A_475 = arith.constant 4 : i32
          %scatter3A_476 = arith.constant 0 : i32
          %scatter3A_477 = arith.constant 0 : i32
          %scatter3A_478 = tpu.memref_slice %arg19[%scatter3A_475, %scatter3A_476, %scatter3A_477] : memref<6x128x33xf32, #tpu.memory_space<vmem>> -> memref<1x128x33xf32, #tpu.memory_space<vmem>>
          %scatter3A_479 = tpu.memref_squeeze %scatter3A_478 : memref<1x128x33xf32, #tpu.memory_space<vmem>> -> memref<128x33xf32, #tpu.memory_space<vmem>>
          tpu.vector_store_idx %scatter3A_479[%add3A_244, %add3A_474], %gather3A_471 : memref<128x33xf32, #tpu.memory_space<vmem>>[vector<16xi32>, vector<16xi32>], vector<16xf32>,
          %broadcast_in_dim3A_480 = arith.constant 14 : i32
          %broadcast_in_dim3A_481 = vector.broadcast %broadcast_in_dim3A_480 : i32 to vector<16xi32>
          %gather3A_482 = tpu.vector_load_idx %arg20[%mul3A_237, %broadcast_in_dim3A_481] : memref<80x17xf32, #tpu.memory_space<vmem>>[vector<16xi32>, vector<16xi32>], vector<16xf32>,
          %scatter3A_483 = arith.constant 4 : i32
          %scatter3A_484 = arith.constant 0 : i32
          %scatter3A_485 = arith.constant 0 : i32
          %scatter3A_486 = tpu.memref_slice %arg19[%scatter3A_483, %scatter3A_484, %scatter3A_485] : memref<6x128x33xf32, #tpu.memory_space<vmem>> -> memref<1x128x33xf32, #tpu.memory_space<vmem>>
          %scatter3A_487 = tpu.memref_squeeze %scatter3A_486 : memref<1x128x33xf32, #tpu.memory_space<vmem>> -> memref<128x33xf32, #tpu.memory_space<vmem>>
          tpu.vector_store_idx %scatter3A_487[%add3A_244, %broadcast_in_dim3A_481], %gather3A_482 : memref<128x33xf32, #tpu.memory_space<vmem>>[vector<16xi32>, vector<16xi32>], vector<16xf32>,
          %gather3A_488 = tpu.vector_load_idx %arg21[%mul3A_240, %broadcast_in_dim3A_481] : memref<80x17xf32, #tpu.memory_space<vmem>>[vector<16xi32>, vector<16xi32>], vector<16xf32>,
          %add3A_489 = arith.constant 16 : i32
          %add3A_490 = vector.broadcast %add3A_489 : i32 to vector<16xi32>
          %add3A_491 = arith.addi %broadcast_in_dim3A_481, %add3A_490 : vector<16xi32>
          %scatter3A_492 = arith.constant 4 : i32
          %scatter3A_493 = arith.constant 0 : i32
          %scatter3A_494 = arith.constant 0 : i32
          %scatter3A_495 = tpu.memref_slice %arg19[%scatter3A_492, %scatter3A_493, %scatter3A_494] : memref<6x128x33xf32, #tpu.memory_space<vmem>> -> memref<1x128x33xf32, #tpu.memory_space<vmem>>
          %scatter3A_496 = tpu.memref_squeeze %scatter3A_495 : memref<1x128x33xf32, #tpu.memory_space<vmem>> -> memref<128x33xf32, #tpu.memory_space<vmem>>
          tpu.vector_store_idx %scatter3A_496[%add3A_244, %add3A_491], %gather3A_488 : memref<128x33xf32, #tpu.memory_space<vmem>>[vector<16xi32>, vector<16xi32>], vector<16xf32>,
          %broadcast_in_dim3A_497 = arith.constant 15 : i32
          %broadcast_in_dim3A_498 = vector.broadcast %broadcast_in_dim3A_497 : i32 to vector<16xi32>
          %gather3A_499 = tpu.vector_load_idx %arg20[%mul3A_237, %broadcast_in_dim3A_498] : memref<80x17xf32, #tpu.memory_space<vmem>>[vector<16xi32>, vector<16xi32>], vector<16xf32>,
          %scatter3A_500 = arith.constant 4 : i32
          %scatter3A_501 = arith.constant 0 : i32
          %scatter3A_502 = arith.constant 0 : i32
          %scatter3A_503 = tpu.memref_slice %arg19[%scatter3A_500, %scatter3A_501, %scatter3A_502] : memref<6x128x33xf32, #tpu.memory_space<vmem>> -> memref<1x128x33xf32, #tpu.memory_space<vmem>>
          %scatter3A_504 = tpu.memref_squeeze %scatter3A_503 : memref<1x128x33xf32, #tpu.memory_space<vmem>> -> memref<128x33xf32, #tpu.memory_space<vmem>>
          tpu.vector_store_idx %scatter3A_504[%add3A_244, %broadcast_in_dim3A_498], %gather3A_499 : memref<128x33xf32, #tpu.memory_space<vmem>>[vector<16xi32>, vector<16xi32>], vector<16xf32>,
          %gather3A_505 = tpu.vector_load_idx %arg21[%mul3A_240, %broadcast_in_dim3A_498] : memref<80x17xf32, #tpu.memory_space<vmem>>[vector<16xi32>, vector<16xi32>], vector<16xf32>,
          %add3A_506 = arith.constant 16 : i32
          %add3A_507 = vector.broadcast %add3A_506 : i32 to vector<16xi32>
          %add3A_508 = arith.addi %broadcast_in_dim3A_498, %add3A_507 : vector<16xi32>
          %scatter3A_509 = arith.constant 4 : i32
          %scatter3A_510 = arith.constant 0 : i32
          %scatter3A_511 = arith.constant 0 : i32
          %scatter3A_512 = tpu.memref_slice %arg19[%scatter3A_509, %scatter3A_510, %scatter3A_511] : memref<6x128x33xf32, #tpu.memory_space<vmem>> -> memref<1x128x33xf32, #tpu.memory_space<vmem>>
          %scatter3A_513 = tpu.memref_squeeze %scatter3A_512 : memref<1x128x33xf32, #tpu.memory_space<vmem>> -> memref<128x33xf32, #tpu.memory_space<vmem>>
          tpu.vector_store_idx %scatter3A_513[%add3A_244, %add3A_508], %gather3A_505 : memref<128x33xf32, #tpu.memory_space<vmem>>[vector<16xi32>, vector<16xi32>], vector<16xf32>,
        }
        %scan3A_229 = arith.constant 8 : i32
      } else {
      }
      %ge3A_173 = arith.constant 2 : i32
      %ge3A_174 = arith.cmpi sge, %add3A_159, %ge3A_173 : i32
      %lt3A_175 = arith.constant 52 : i32
      %lt3A_176 = arith.cmpi slt, %add3A_159, %lt3A_175 : i32
      %and3A_177 = arith.andi %ge3A_174, %lt3A_176 : i1
      %convert_element_type3A_178 = arith.extui %and3A_177 : i1 to i32
      %cond3A_179 = arith.constant 0 : i32
      %cond3A_180 = arith.cmpi ne, %convert_element_type3A_178, %cond3A_179 : i32
      scf.if %cond3A_180 {
        %sub3A = arith.constant 2 : i32
        %sub3A_206 = arith.subi %add3A_159, %sub3A : i32
        %mul3A_207 = arith.constant 128 : i32
        %mul3A_208 = arith.muli %sub3A_206, %mul3A_207 : i32
        %add3A_209 = arith.constant 0 : i32
        %add3A_210 = arith.addi %mul3A_208, %add3A_209 : i32
        %dma_wait3A_211 = arith.constant 2 : i32
        %dma_wait3A_212 = arith.constant 2 : i32
        %dma_wait3A_213 = arith.constant 0 : i32
        %dma_wait3A_214 = arith.constant 0 : i32
        %dma_wait3A_215 = tpu.memref_slice %arg18[%dma_wait3A_211, %dma_wait3A_213, %dma_wait3A_214] : memref<6x128x64xf32, #tpu.memory_space<vmem>> -> memref<1x128x64xf32, #tpu.memory_space<vmem>>
        %dma_wait3A_216 = tpu.memref_squeeze %dma_wait3A_215 : memref<1x128x64xf32, #tpu.memory_space<vmem>> -> memref<128x64xf32, #tpu.memory_space<vmem>>
        %dma_wait3A_217 = tpu.memref_slice %arg14[%add3A_210] : memref<6400xi32, #tpu.memory_space<vmem>> -> memref<128xi32, #tpu.memory_space<vmem>>
        %dma_wait3A_218 = arith.constant 0 : i32
        %dma_wait3A_219 = arith.constant 0 : i32
        %dma_wait3A_220 = tpu.memref_slice %arg8[%dma_wait3A_218, %dma_wait3A_219] : memref<1000002x64xf32, #tpu.memory_space<hbm>> -> memref<1000002x64xf32, #tpu.memory_space<hbm>>
        %dma_wait3A_221 = tpu.memref_slice %arg24[%dma_wait3A_212] : memref<6x!tpu.dma_semaphore, #tpu.memory_space<semaphore_mem>> -> memref<1x!tpu.dma_semaphore, #tpu.memory_space<semaphore_mem>>
        %dma_wait3A_222 = tpu.memref_squeeze %dma_wait3A_221 : memref<1x!tpu.dma_semaphore, #tpu.memory_space<semaphore_mem>> -> memref<!tpu.dma_semaphore, #tpu.memory_space<semaphore_mem>>
        tpu.wait_indirect_dma semaphore(%dma_wait3A_222 : memref<!tpu.dma_semaphore, #tpu.memory_space<semaphore_mem>>) src(%dma_wait3A_220 : memref<1000002x64xf32, #tpu.memory_space<hbm>>) dst(%dma_wait3A_216 : memref<128x64xf32, #tpu.memory_space<vmem>>)
        %sub3A_223 = arith.constant 2 : i32
        %sub3A_224 = arith.subi %add3A_159, %sub3A_223 : i32
        %mul3A_225 = arith.constant 128 : i32
        %mul3A_226 = arith.muli %sub3A_224, %mul3A_225 : i32
        %add3A_227 = arith.addi %mul3A_2, %mul3A_226 : i32
        %dma_start3A_228 = arith.constant 2 : i32
        %dma_start3A_229 = arith.constant 2 : i32
        %dma_start3A_230 = arith.constant 0 : i32
        %dma_start3A_231 = arith.constant 0 : i32
        %dma_start3A_232 = tpu.memref_slice %arg18[%dma_start3A_228, %dma_start3A_230, %dma_start3A_231] : memref<6x128x64xf32, #tpu.memory_space<vmem>> -> memref<1x128x64xf32, #tpu.memory_space<vmem>>
        %dma_start3A_233 = tpu.memref_squeeze %dma_start3A_232 : memref<1x128x64xf32, #tpu.memory_space<vmem>> -> memref<128x64xf32, #tpu.memory_space<vmem>>
        %dma_start3A_234 = arith.constant 0 : i32
        %dma_start3A_235 = tpu.memref_slice %arg11[%add3A_227, %dma_start3A_234] : memref<204800x96xf32, #tpu.memory_space<hbm>> -> memref<128x64xf32, #tpu.memory_space<hbm>>
        %dma_start3A_236 = tpu.memref_slice %arg25[%dma_start3A_229] : memref<6x!tpu.dma_semaphore, #tpu.memory_space<semaphore_mem>> -> memref<1x!tpu.dma_semaphore, #tpu.memory_space<semaphore_mem>>
        %dma_start3A_237 = tpu.memref_squeeze %dma_start3A_236 : memref<1x!tpu.dma_semaphore, #tpu.memory_space<semaphore_mem>> -> memref<!tpu.dma_semaphore, #tpu.memory_space<semaphore_mem>>
        %dma_start3A_238 = arith.constant 0 : i32
        %dma_start3A_239 = tpu.memref_slice %arg11[%add3A_227, %dma_start3A_238] : memref<204800x96xf32, #tpu.memory_space<hbm>> -> memref<128x64xf32, #tpu.memory_space<hbm>>
        %dma_start3A_240 = arith.constant 0 : i32
        %dma_start3A_241 = arith.constant 0 : i32
        %dma_start3A_242 = tpu.memref_slice %arg18[%dma_start3A_228, %dma_start3A_240, %dma_start3A_241] : memref<6x128x64xf32, #tpu.memory_space<vmem>> -> memref<1x128x64xf32, #tpu.memory_space<vmem>>
        %dma_start3A_243 = tpu.memref_squeeze %dma_start3A_242 : memref<1x128x64xf32, #tpu.memory_space<vmem>> -> memref<128x64xf32, #tpu.memory_space<vmem>>
        tpu.enqueue_dma source(%dma_start3A_243 : memref<128x64xf32, #tpu.memory_space<vmem>>) target(%dma_start3A_239 : memref<128x64xf32, #tpu.memory_space<hbm>>) target_semaphore(%dma_start3A_237 : memref<!tpu.dma_semaphore, #tpu.memory_space<semaphore_mem>>)
        %dma_start3A_244 = arith.constant 2 : i32
        %dma_start3A_245 = arith.constant 2 : i32
        %dma_start3A_246 = arith.constant 0 : i32
        %dma_start3A_247 = arith.constant 0 : i32
        %dma_start3A_248 = tpu.memref_slice %arg19[%dma_start3A_244, %dma_start3A_246, %dma_start3A_247] : memref<6x128x33xf32, #tpu.memory_space<vmem>> -> memref<1x128x32xf32, #tpu.memory_space<vmem>>
        %dma_start3A_249 = tpu.memref_squeeze %dma_start3A_248 : memref<1x128x32xf32, #tpu.memory_space<vmem>> -> memref<128x32xf32, #tpu.memory_space<vmem>>
        %dma_start3A_250 = arith.constant 64 : i32
        %dma_start3A_251 = tpu.memref_slice %arg11[%add3A_227, %dma_start3A_250] : memref<204800x96xf32, #tpu.memory_space<hbm>> -> memref<128x32xf32, #tpu.memory_space<hbm>>
        %dma_start3A_252 = tpu.memref_slice %arg25[%dma_start3A_245] : memref<6x!tpu.dma_semaphore, #tpu.memory_space<semaphore_mem>> -> memref<1x!tpu.dma_semaphore, #tpu.memory_space<semaphore_mem>>
        %dma_start3A_253 = tpu.memref_squeeze %dma_start3A_252 : memref<1x!tpu.dma_semaphore, #tpu.memory_space<semaphore_mem>> -> memref<!tpu.dma_semaphore, #tpu.memory_space<semaphore_mem>>
        %dma_start3A_254 = arith.constant 64 : i32
        %dma_start3A_255 = tpu.memref_slice %arg11[%add3A_227, %dma_start3A_254] : memref<204800x96xf32, #tpu.memory_space<hbm>> -> memref<128x32xf32, #tpu.memory_space<hbm>>
        %dma_start3A_256 = arith.constant 0 : i32
        %dma_start3A_257 = arith.constant 0 : i32
        %dma_start3A_258 = tpu.memref_slice %arg19[%dma_start3A_244, %dma_start3A_256, %dma_start3A_257] : memref<6x128x33xf32, #tpu.memory_space<vmem>> -> memref<1x128x32xf32, #tpu.memory_space<vmem>>
        %dma_start3A_259 = tpu.memref_squeeze %dma_start3A_258 : memref<1x128x32xf32, #tpu.memory_space<vmem>> -> memref<128x32xf32, #tpu.memory_space<vmem>>
        tpu.enqueue_dma source(%dma_start3A_259 : memref<128x32xf32, #tpu.memory_space<vmem>>) target(%dma_start3A_255 : memref<128x32xf32, #tpu.memory_space<hbm>>) target_semaphore(%dma_start3A_253 : memref<!tpu.dma_semaphore, #tpu.memory_space<semaphore_mem>>)
      } else {
      }
      %mul3A_181 = arith.constant 6 : i32
      %mul3A_182 = arith.muli %scan3A_60, %mul3A_181 : i32
      %add3A_183 = arith.constant 5 : i32
      %add3A_184 = arith.addi %mul3A_182, %add3A_183 : i32
      %ge3A_185 = arith.constant 6 : i32
      %ge3A_186 = arith.cmpi sge, %add3A_184, %ge3A_185 : i32
      %lt3A_187 = arith.constant 56 : i32
      %lt3A_188 = arith.cmpi slt, %add3A_184, %lt3A_187 : i32
      %and3A_189 = arith.andi %ge3A_186, %lt3A_188 : i1
      %convert_element_type3A_190 = arith.extui %and3A_189 : i1 to i32
      %cond3A_191 = arith.constant 0 : i32
      %cond3A_192 = arith.cmpi ne, %convert_element_type3A_190, %cond3A_191 : i32
      scf.if %cond3A_192 {
        %sub3A = arith.constant 6 : i32
        %sub3A_206 = arith.subi %add3A_184, %sub3A : i32
        %mul3A_207 = arith.constant 128 : i32
        %mul3A_208 = arith.muli %sub3A_206, %mul3A_207 : i32
        %add3A_209 = arith.addi %mul3A_2, %mul3A_208 : i32
        %dma_wait3A_210 = arith.constant 5 : i32
        %dma_wait3A_211 = arith.constant 5 : i32
        %dma_wait3A_212 = arith.constant 0 : i32
        %dma_wait3A_213 = arith.constant 0 : i32
        %dma_wait3A_214 = tpu.memref_slice %arg18[%dma_wait3A_210, %dma_wait3A_212, %dma_wait3A_213] : memref<6x128x64xf32, #tpu.memory_space<vmem>> -> memref<1x128x64xf32, #tpu.memory_space<vmem>>
        %dma_wait3A_215 = tpu.memref_squeeze %dma_wait3A_214 : memref<1x128x64xf32, #tpu.memory_space<vmem>> -> memref<128x64xf32, #tpu.memory_space<vmem>>
        %dma_wait3A_216 = arith.constant 0 : i32
        %dma_wait3A_217 = tpu.memref_slice %arg11[%add3A_209, %dma_wait3A_216] : memref<204800x96xf32, #tpu.memory_space<hbm>> -> memref<128x64xf32, #tpu.memory_space<hbm>>
        %dma_wait3A_218 = tpu.memref_slice %arg25[%dma_wait3A_211] : memref<6x!tpu.dma_semaphore, #tpu.memory_space<semaphore_mem>> -> memref<1x!tpu.dma_semaphore, #tpu.memory_space<semaphore_mem>>
        %dma_wait3A_219 = tpu.memref_squeeze %dma_wait3A_218 : memref<1x!tpu.dma_semaphore, #tpu.memory_space<semaphore_mem>> -> memref<!tpu.dma_semaphore, #tpu.memory_space<semaphore_mem>>
        %dma_wait3A_220 = arith.constant 0 : i32
        %dma_wait3A_221 = tpu.memref_slice %arg11[%add3A_209, %dma_wait3A_220] : memref<204800x96xf32, #tpu.memory_space<hbm>> -> memref<128x64xf32, #tpu.memory_space<hbm>>
        %dma_wait3A_222 = arith.constant 0 : i32
        %dma_wait3A_223 = arith.constant 0 : i32
        %dma_wait3A_224 = tpu.memref_slice %arg18[%dma_wait3A_210, %dma_wait3A_222, %dma_wait3A_223] : memref<6x128x64xf32, #tpu.memory_space<vmem>> -> memref<1x128x64xf32, #tpu.memory_space<vmem>>
        %dma_wait3A_225 = tpu.memref_squeeze %dma_wait3A_224 : memref<1x128x64xf32, #tpu.memory_space<vmem>> -> memref<128x64xf32, #tpu.memory_space<vmem>>
        tpu.wait_dma2 semaphore(%dma_wait3A_219 : memref<!tpu.dma_semaphore, #tpu.memory_space<semaphore_mem>>) src(%dma_wait3A_225 : memref<128x64xf32, #tpu.memory_space<vmem>>) dst(%dma_wait3A_221 : memref<128x64xf32, #tpu.memory_space<hbm>>)
        %dma_wait3A_226 = arith.constant 5 : i32
        %dma_wait3A_227 = arith.constant 5 : i32
        %dma_wait3A_228 = arith.constant 0 : i32
        %dma_wait3A_229 = arith.constant 0 : i32
        %dma_wait3A_230 = tpu.memref_slice %arg19[%dma_wait3A_226, %dma_wait3A_228, %dma_wait3A_229] : memref<6x128x33xf32, #tpu.memory_space<vmem>> -> memref<1x128x32xf32, #tpu.memory_space<vmem>>
        %dma_wait3A_231 = tpu.memref_squeeze %dma_wait3A_230 : memref<1x128x32xf32, #tpu.memory_space<vmem>> -> memref<128x32xf32, #tpu.memory_space<vmem>>
        %dma_wait3A_232 = arith.constant 64 : i32
        %dma_wait3A_233 = tpu.memref_slice %arg11[%add3A_209, %dma_wait3A_232] : memref<204800x96xf32, #tpu.memory_space<hbm>> -> memref<128x32xf32, #tpu.memory_space<hbm>>
        %dma_wait3A_234 = tpu.memref_slice %arg25[%dma_wait3A_227] : memref<6x!tpu.dma_semaphore, #tpu.memory_space<semaphore_mem>> -> memref<1x!tpu.dma_semaphore, #tpu.memory_space<semaphore_mem>>
        %dma_wait3A_235 = tpu.memref_squeeze %dma_wait3A_234 : memref<1x!tpu.dma_semaphore, #tpu.memory_space<semaphore_mem>> -> memref<!tpu.dma_semaphore, #tpu.memory_space<semaphore_mem>>
        %dma_wait3A_236 = arith.constant 64 : i32
        %dma_wait3A_237 = tpu.memref_slice %arg11[%add3A_209, %dma_wait3A_236] : memref<204800x96xf32, #tpu.memory_space<hbm>> -> memref<128x32xf32, #tpu.memory_space<hbm>>
        %dma_wait3A_238 = arith.constant 0 : i32
        %dma_wait3A_239 = arith.constant 0 : i32
        %dma_wait3A_240 = tpu.memref_slice %arg19[%dma_wait3A_226, %dma_wait3A_238, %dma_wait3A_239] : memref<6x128x33xf32, #tpu.memory_space<vmem>> -> memref<1x128x32xf32, #tpu.memory_space<vmem>>
        %dma_wait3A_241 = tpu.memref_squeeze %dma_wait3A_240 : memref<1x128x32xf32, #tpu.memory_space<vmem>> -> memref<128x32xf32, #tpu.memory_space<vmem>>
        tpu.wait_dma2 semaphore(%dma_wait3A_235 : memref<!tpu.dma_semaphore, #tpu.memory_space<semaphore_mem>>) src(%dma_wait3A_241 : memref<128x32xf32, #tpu.memory_space<vmem>>) dst(%dma_wait3A_237 : memref<128x32xf32, #tpu.memory_space<hbm>>)
      } else {
      }
      %lt3A_193 = arith.constant 50 : i32
      %lt3A_194 = arith.cmpi slt, %add3A_184, %lt3A_193 : i32
      %convert_element_type3A_195 = arith.extui %lt3A_194 : i1 to i32
      %cond3A_196 = arith.constant 0 : i32
      %cond3A_197 = arith.cmpi ne, %convert_element_type3A_195, %cond3A_196 : i32
      scf.if %cond3A_197 {
        %mul3A_206 = arith.constant 128 : i32
        %mul3A_207 = arith.muli %add3A_184, %mul3A_206 : i32
        %add3A_208 = arith.constant 0 : i32
        %add3A_209 = arith.addi %mul3A_207, %add3A_208 : i32
        %dma_start3A_210 = arith.constant 5 : i32
        %dma_start3A_211 = arith.constant 5 : i32
        %dma_start3A_212 = arith.constant 0 : i32
        %dma_start3A_213 = arith.constant 0 : i32
        %dma_start3A_214 = tpu.memref_slice %arg18[%dma_start3A_210, %dma_start3A_212, %dma_start3A_213] : memref<6x128x64xf32, #tpu.memory_space<vmem>> -> memref<1x128x64xf32, #tpu.memory_space<vmem>>
        %dma_start3A_215 = tpu.memref_squeeze %dma_start3A_214 : memref<1x128x64xf32, #tpu.memory_space<vmem>> -> memref<128x64xf32, #tpu.memory_space<vmem>>
        %dma_start3A_216 = tpu.memref_slice %arg14[%add3A_209] : memref<6400xi32, #tpu.memory_space<vmem>> -> memref<128xi32, #tpu.memory_space<vmem>>
        %dma_start3A_217 = arith.constant 0 : i32
        %dma_start3A_218 = arith.constant 0 : i32
        %dma_start3A_219 = tpu.memref_slice %arg8[%dma_start3A_217, %dma_start3A_218] : memref<1000002x64xf32, #tpu.memory_space<hbm>> -> memref<1000002x64xf32, #tpu.memory_space<hbm>>
        %dma_start3A_220 = tpu.memref_slice %arg24[%dma_start3A_211] : memref<6x!tpu.dma_semaphore, #tpu.memory_space<semaphore_mem>> -> memref<1x!tpu.dma_semaphore, #tpu.memory_space<semaphore_mem>>
        %dma_start3A_221 = tpu.memref_squeeze %dma_start3A_220 : memref<1x!tpu.dma_semaphore, #tpu.memory_space<semaphore_mem>> -> memref<!tpu.dma_semaphore, #tpu.memory_space<semaphore_mem>>
        tpu.enqueue_indirect_dma source(%dma_start3A_219 : memref<1000002x64xf32, #tpu.memory_space<hbm>>) target(%dma_start3A_215 : memref<128x64xf32, #tpu.memory_space<vmem>>) offsets(%dma_start3A_216 : memref<128xi32, #tpu.memory_space<vmem>>) semaphore(%dma_start3A_221 : memref<!tpu.dma_semaphore, #tpu.memory_space<semaphore_mem>>)
        %mul3A_222 = arith.constant 128 : i32
        %mul3A_223 = arith.muli %add3A_184, %mul3A_222 : i32
        %scan3A_224 = arith.constant 0 : i32
        %scan3A_225 = arith.constant 0 : i32
        %scan3A_226 = arith.constant 8 : i32
        %scan3A_227 = arith.addi %scan3A_225, %scan3A_226 : i32
        %scan3A_228 = arith.constant 1 : i32
        scf.for %scan3A_230 = %scan3A_225 to %scan3A_227 step %scan3A_228  : i32 {
          %mul3A_231 = arith.constant 16 : i32
          %mul3A_232 = arith.muli %scan3A_230, %mul3A_231 : i32
          %add3A_233 = arith.addi %mul3A_223, %mul3A_232 : i32
          %get3A = arith.index_cast %add3A_233 : i32 to index
          %get3A_234 = tpu.vector_load %arg17[%get3A] {strides = array<i32>} : memref<6400xi32, #tpu.memory_space<vmem>>, vector<16xi32>,
          %get3A_235 = arith.index_cast %add3A_233 : i32 to index
          %get3A_236 = tpu.vector_load %arg15[%get3A_235] {strides = array<i32>} : memref<6400xi32, #tpu.memory_space<vmem>>, vector<16xi32>,
          %mul3A_237 = arith.muli %get3A_236, %get3A_234 : vector<16xi32>
          %get3A_238 = arith.index_cast %add3A_233 : i32 to index
          %get3A_239 = tpu.vector_load %arg16[%get3A_238] {strides = array<i32>} : memref<6400xi32, #tpu.memory_space<vmem>>, vector<16xi32>,
          %mul3A_240 = arith.muli %get3A_239, %get3A_234 : vector<16xi32>
          %mul3A_241 = arith.constant 16 : i32
          %mul3A_242 = arith.muli %scan3A_230, %mul3A_241 : i32
          %add3A_243 = vector.broadcast %mul3A_242 : i32 to vector<16xi32>
          %add3A_244 = arith.addi %iota3A, %add3A_243 : vector<16xi32>
          %broadcast_in_dim3A = arith.constant 0 : i32
          %broadcast_in_dim3A_245 = vector.broadcast %broadcast_in_dim3A : i32 to vector<16xi32>
          %gather3A = tpu.vector_load_idx %arg20[%mul3A_237, %broadcast_in_dim3A_245] : memref<80x17xf32, #tpu.memory_space<vmem>>[vector<16xi32>, vector<16xi32>], vector<16xf32>,
          %scatter3A = arith.constant 5 : i32
          %scatter3A_246 = arith.constant 0 : i32
          %scatter3A_247 = arith.constant 0 : i32
          %scatter3A_248 = tpu.memref_slice %arg19[%scatter3A, %scatter3A_246, %scatter3A_247] : memref<6x128x33xf32, #tpu.memory_space<vmem>> -> memref<1x128x33xf32, #tpu.memory_space<vmem>>
          %scatter3A_249 = tpu.memref_squeeze %scatter3A_248 : memref<1x128x33xf32, #tpu.memory_space<vmem>> -> memref<128x33xf32, #tpu.memory_space<vmem>>
          tpu.vector_store_idx %scatter3A_249[%add3A_244, %broadcast_in_dim3A_245], %gather3A : memref<128x33xf32, #tpu.memory_space<vmem>>[vector<16xi32>, vector<16xi32>], vector<16xf32>,
          %gather3A_250 = tpu.vector_load_idx %arg21[%mul3A_240, %broadcast_in_dim3A_245] : memref<80x17xf32, #tpu.memory_space<vmem>>[vector<16xi32>, vector<16xi32>], vector<16xf32>,
          %add3A_251 = arith.constant 16 : i32
          %add3A_252 = vector.broadcast %add3A_251 : i32 to vector<16xi32>
          %add3A_253 = arith.addi %broadcast_in_dim3A_245, %add3A_252 : vector<16xi32>
          %scatter3A_254 = arith.constant 5 : i32
          %scatter3A_255 = arith.constant 0 : i32
          %scatter3A_256 = arith.constant 0 : i32
          %scatter3A_257 = tpu.memref_slice %arg19[%scatter3A_254, %scatter3A_255, %scatter3A_256] : memref<6x128x33xf32, #tpu.memory_space<vmem>> -> memref<1x128x33xf32, #tpu.memory_space<vmem>>
          %scatter3A_258 = tpu.memref_squeeze %scatter3A_257 : memref<1x128x33xf32, #tpu.memory_space<vmem>> -> memref<128x33xf32, #tpu.memory_space<vmem>>
          tpu.vector_store_idx %scatter3A_258[%add3A_244, %add3A_253], %gather3A_250 : memref<128x33xf32, #tpu.memory_space<vmem>>[vector<16xi32>, vector<16xi32>], vector<16xf32>,
          %broadcast_in_dim3A_259 = arith.constant 1 : i32
          %broadcast_in_dim3A_260 = vector.broadcast %broadcast_in_dim3A_259 : i32 to vector<16xi32>
          %gather3A_261 = tpu.vector_load_idx %arg20[%mul3A_237, %broadcast_in_dim3A_260] : memref<80x17xf32, #tpu.memory_space<vmem>>[vector<16xi32>, vector<16xi32>], vector<16xf32>,
          %scatter3A_262 = arith.constant 5 : i32
          %scatter3A_263 = arith.constant 0 : i32
          %scatter3A_264 = arith.constant 0 : i32
          %scatter3A_265 = tpu.memref_slice %arg19[%scatter3A_262, %scatter3A_263, %scatter3A_264] : memref<6x128x33xf32, #tpu.memory_space<vmem>> -> memref<1x128x33xf32, #tpu.memory_space<vmem>>
          %scatter3A_266 = tpu.memref_squeeze %scatter3A_265 : memref<1x128x33xf32, #tpu.memory_space<vmem>> -> memref<128x33xf32, #tpu.memory_space<vmem>>
          tpu.vector_store_idx %scatter3A_266[%add3A_244, %broadcast_in_dim3A_260], %gather3A_261 : memref<128x33xf32, #tpu.memory_space<vmem>>[vector<16xi32>, vector<16xi32>], vector<16xf32>,
          %gather3A_267 = tpu.vector_load_idx %arg21[%mul3A_240, %broadcast_in_dim3A_260] : memref<80x17xf32, #tpu.memory_space<vmem>>[vector<16xi32>, vector<16xi32>], vector<16xf32>,
          %add3A_268 = arith.constant 16 : i32
          %add3A_269 = vector.broadcast %add3A_268 : i32 to vector<16xi32>
          %add3A_270 = arith.addi %broadcast_in_dim3A_260, %add3A_269 : vector<16xi32>
          %scatter3A_271 = arith.constant 5 : i32
          %scatter3A_272 = arith.constant 0 : i32
          %scatter3A_273 = arith.constant 0 : i32
          %scatter3A_274 = tpu.memref_slice %arg19[%scatter3A_271, %scatter3A_272, %scatter3A_273] : memref<6x128x33xf32, #tpu.memory_space<vmem>> -> memref<1x128x33xf32, #tpu.memory_space<vmem>>
          %scatter3A_275 = tpu.memref_squeeze %scatter3A_274 : memref<1x128x33xf32, #tpu.memory_space<vmem>> -> memref<128x33xf32, #tpu.memory_space<vmem>>
          tpu.vector_store_idx %scatter3A_275[%add3A_244, %add3A_270], %gather3A_267 : memref<128x33xf32, #tpu.memory_space<vmem>>[vector<16xi32>, vector<16xi32>], vector<16xf32>,
          %broadcast_in_dim3A_276 = arith.constant 2 : i32
          %broadcast_in_dim3A_277 = vector.broadcast %broadcast_in_dim3A_276 : i32 to vector<16xi32>
          %gather3A_278 = tpu.vector_load_idx %arg20[%mul3A_237, %broadcast_in_dim3A_277] : memref<80x17xf32, #tpu.memory_space<vmem>>[vector<16xi32>, vector<16xi32>], vector<16xf32>,
          %scatter3A_279 = arith.constant 5 : i32
          %scatter3A_280 = arith.constant 0 : i32
          %scatter3A_281 = arith.constant 0 : i32
          %scatter3A_282 = tpu.memref_slice %arg19[%scatter3A_279, %scatter3A_280, %scatter3A_281] : memref<6x128x33xf32, #tpu.memory_space<vmem>> -> memref<1x128x33xf32, #tpu.memory_space<vmem>>
          %scatter3A_283 = tpu.memref_squeeze %scatter3A_282 : memref<1x128x33xf32, #tpu.memory_space<vmem>> -> memref<128x33xf32, #tpu.memory_space<vmem>>
          tpu.vector_store_idx %scatter3A_283[%add3A_244, %broadcast_in_dim3A_277], %gather3A_278 : memref<128x33xf32, #tpu.memory_space<vmem>>[vector<16xi32>, vector<16xi32>], vector<16xf32>,
          %gather3A_284 = tpu.vector_load_idx %arg21[%mul3A_240, %broadcast_in_dim3A_277] : memref<80x17xf32, #tpu.memory_space<vmem>>[vector<16xi32>, vector<16xi32>], vector<16xf32>,
          %add3A_285 = arith.constant 16 : i32
          %add3A_286 = vector.broadcast %add3A_285 : i32 to vector<16xi32>
          %add3A_287 = arith.addi %broadcast_in_dim3A_277, %add3A_286 : vector<16xi32>
          %scatter3A_288 = arith.constant 5 : i32
          %scatter3A_289 = arith.constant 0 : i32
          %scatter3A_290 = arith.constant 0 : i32
          %scatter3A_291 = tpu.memref_slice %arg19[%scatter3A_288, %scatter3A_289, %scatter3A_290] : memref<6x128x33xf32, #tpu.memory_space<vmem>> -> memref<1x128x33xf32, #tpu.memory_space<vmem>>
          %scatter3A_292 = tpu.memref_squeeze %scatter3A_291 : memref<1x128x33xf32, #tpu.memory_space<vmem>> -> memref<128x33xf32, #tpu.memory_space<vmem>>
          tpu.vector_store_idx %scatter3A_292[%add3A_244, %add3A_287], %gather3A_284 : memref<128x33xf32, #tpu.memory_space<vmem>>[vector<16xi32>, vector<16xi32>], vector<16xf32>,
          %broadcast_in_dim3A_293 = arith.constant 3 : i32
          %broadcast_in_dim3A_294 = vector.broadcast %broadcast_in_dim3A_293 : i32 to vector<16xi32>
          %gather3A_295 = tpu.vector_load_idx %arg20[%mul3A_237, %broadcast_in_dim3A_294] : memref<80x17xf32, #tpu.memory_space<vmem>>[vector<16xi32>, vector<16xi32>], vector<16xf32>,
          %scatter3A_296 = arith.constant 5 : i32
          %scatter3A_297 = arith.constant 0 : i32
          %scatter3A_298 = arith.constant 0 : i32
          %scatter3A_299 = tpu.memref_slice %arg19[%scatter3A_296, %scatter3A_297, %scatter3A_298] : memref<6x128x33xf32, #tpu.memory_space<vmem>> -> memref<1x128x33xf32, #tpu.memory_space<vmem>>
          %scatter3A_300 = tpu.memref_squeeze %scatter3A_299 : memref<1x128x33xf32, #tpu.memory_space<vmem>> -> memref<128x33xf32, #tpu.memory_space<vmem>>
          tpu.vector_store_idx %scatter3A_300[%add3A_244, %broadcast_in_dim3A_294], %gather3A_295 : memref<128x33xf32, #tpu.memory_space<vmem>>[vector<16xi32>, vector<16xi32>], vector<16xf32>,
          %gather3A_301 = tpu.vector_load_idx %arg21[%mul3A_240, %broadcast_in_dim3A_294] : memref<80x17xf32, #tpu.memory_space<vmem>>[vector<16xi32>, vector<16xi32>], vector<16xf32>,
          %add3A_302 = arith.constant 16 : i32
          %add3A_303 = vector.broadcast %add3A_302 : i32 to vector<16xi32>
          %add3A_304 = arith.addi %broadcast_in_dim3A_294, %add3A_303 : vector<16xi32>
          %scatter3A_305 = arith.constant 5 : i32
          %scatter3A_306 = arith.constant 0 : i32
          %scatter3A_307 = arith.constant 0 : i32
          %scatter3A_308 = tpu.memref_slice %arg19[%scatter3A_305, %scatter3A_306, %scatter3A_307] : memref<6x128x33xf32, #tpu.memory_space<vmem>> -> memref<1x128x33xf32, #tpu.memory_space<vmem>>
          %scatter3A_309 = tpu.memref_squeeze %scatter3A_308 : memref<1x128x33xf32, #tpu.memory_space<vmem>> -> memref<128x33xf32, #tpu.memory_space<vmem>>
          tpu.vector_store_idx %scatter3A_309[%add3A_244, %add3A_304], %gather3A_301 : memref<128x33xf32, #tpu.memory_space<vmem>>[vector<16xi32>, vector<16xi32>], vector<16xf32>,
          %broadcast_in_dim3A_310 = arith.constant 4 : i32
          %broadcast_in_dim3A_311 = vector.broadcast %broadcast_in_dim3A_310 : i32 to vector<16xi32>
          %gather3A_312 = tpu.vector_load_idx %arg20[%mul3A_237, %broadcast_in_dim3A_311] : memref<80x17xf32, #tpu.memory_space<vmem>>[vector<16xi32>, vector<16xi32>], vector<16xf32>,
          %scatter3A_313 = arith.constant 5 : i32
          %scatter3A_314 = arith.constant 0 : i32
          %scatter3A_315 = arith.constant 0 : i32
          %scatter3A_316 = tpu.memref_slice %arg19[%scatter3A_313, %scatter3A_314, %scatter3A_315] : memref<6x128x33xf32, #tpu.memory_space<vmem>> -> memref<1x128x33xf32, #tpu.memory_space<vmem>>
          %scatter3A_317 = tpu.memref_squeeze %scatter3A_316 : memref<1x128x33xf32, #tpu.memory_space<vmem>> -> memref<128x33xf32, #tpu.memory_space<vmem>>
          tpu.vector_store_idx %scatter3A_317[%add3A_244, %broadcast_in_dim3A_311], %gather3A_312 : memref<128x33xf32, #tpu.memory_space<vmem>>[vector<16xi32>, vector<16xi32>], vector<16xf32>,
          %gather3A_318 = tpu.vector_load_idx %arg21[%mul3A_240, %broadcast_in_dim3A_311] : memref<80x17xf32, #tpu.memory_space<vmem>>[vector<16xi32>, vector<16xi32>], vector<16xf32>,
          %add3A_319 = arith.constant 16 : i32
          %add3A_320 = vector.broadcast %add3A_319 : i32 to vector<16xi32>
          %add3A_321 = arith.addi %broadcast_in_dim3A_311, %add3A_320 : vector<16xi32>
          %scatter3A_322 = arith.constant 5 : i32
          %scatter3A_323 = arith.constant 0 : i32
          %scatter3A_324 = arith.constant 0 : i32
          %scatter3A_325 = tpu.memref_slice %arg19[%scatter3A_322, %scatter3A_323, %scatter3A_324] : memref<6x128x33xf32, #tpu.memory_space<vmem>> -> memref<1x128x33xf32, #tpu.memory_space<vmem>>
          %scatter3A_326 = tpu.memref_squeeze %scatter3A_325 : memref<1x128x33xf32, #tpu.memory_space<vmem>> -> memref<128x33xf32, #tpu.memory_space<vmem>>
          tpu.vector_store_idx %scatter3A_326[%add3A_244, %add3A_321], %gather3A_318 : memref<128x33xf32, #tpu.memory_space<vmem>>[vector<16xi32>, vector<16xi32>], vector<16xf32>,
          %broadcast_in_dim3A_327 = arith.constant 5 : i32
          %broadcast_in_dim3A_328 = vector.broadcast %broadcast_in_dim3A_327 : i32 to vector<16xi32>
          %gather3A_329 = tpu.vector_load_idx %arg20[%mul3A_237, %broadcast_in_dim3A_328] : memref<80x17xf32, #tpu.memory_space<vmem>>[vector<16xi32>, vector<16xi32>], vector<16xf32>,
          %scatter3A_330 = arith.constant 5 : i32
          %scatter3A_331 = arith.constant 0 : i32
          %scatter3A_332 = arith.constant 0 : i32
          %scatter3A_333 = tpu.memref_slice %arg19[%scatter3A_330, %scatter3A_331, %scatter3A_332] : memref<6x128x33xf32, #tpu.memory_space<vmem>> -> memref<1x128x33xf32, #tpu.memory_space<vmem>>
          %scatter3A_334 = tpu.memref_squeeze %scatter3A_333 : memref<1x128x33xf32, #tpu.memory_space<vmem>> -> memref<128x33xf32, #tpu.memory_space<vmem>>
          tpu.vector_store_idx %scatter3A_334[%add3A_244, %broadcast_in_dim3A_328], %gather3A_329 : memref<128x33xf32, #tpu.memory_space<vmem>>[vector<16xi32>, vector<16xi32>], vector<16xf32>,
          %gather3A_335 = tpu.vector_load_idx %arg21[%mul3A_240, %broadcast_in_dim3A_328] : memref<80x17xf32, #tpu.memory_space<vmem>>[vector<16xi32>, vector<16xi32>], vector<16xf32>,
          %add3A_336 = arith.constant 16 : i32
          %add3A_337 = vector.broadcast %add3A_336 : i32 to vector<16xi32>
          %add3A_338 = arith.addi %broadcast_in_dim3A_328, %add3A_337 : vector<16xi32>
          %scatter3A_339 = arith.constant 5 : i32
          %scatter3A_340 = arith.constant 0 : i32
          %scatter3A_341 = arith.constant 0 : i32
          %scatter3A_342 = tpu.memref_slice %arg19[%scatter3A_339, %scatter3A_340, %scatter3A_341] : memref<6x128x33xf32, #tpu.memory_space<vmem>> -> memref<1x128x33xf32, #tpu.memory_space<vmem>>
          %scatter3A_343 = tpu.memref_squeeze %scatter3A_342 : memref<1x128x33xf32, #tpu.memory_space<vmem>> -> memref<128x33xf32, #tpu.memory_space<vmem>>
          tpu.vector_store_idx %scatter3A_343[%add3A_244, %add3A_338], %gather3A_335 : memref<128x33xf32, #tpu.memory_space<vmem>>[vector<16xi32>, vector<16xi32>], vector<16xf32>,
          %broadcast_in_dim3A_344 = arith.constant 6 : i32
          %broadcast_in_dim3A_345 = vector.broadcast %broadcast_in_dim3A_344 : i32 to vector<16xi32>
          %gather3A_346 = tpu.vector_load_idx %arg20[%mul3A_237, %broadcast_in_dim3A_345] : memref<80x17xf32, #tpu.memory_space<vmem>>[vector<16xi32>, vector<16xi32>], vector<16xf32>,
          %scatter3A_347 = arith.constant 5 : i32
          %scatter3A_348 = arith.constant 0 : i32
          %scatter3A_349 = arith.constant 0 : i32
          %scatter3A_350 = tpu.memref_slice %arg19[%scatter3A_347, %scatter3A_348, %scatter3A_349] : memref<6x128x33xf32, #tpu.memory_space<vmem>> -> memref<1x128x33xf32, #tpu.memory_space<vmem>>
          %scatter3A_351 = tpu.memref_squeeze %scatter3A_350 : memref<1x128x33xf32, #tpu.memory_space<vmem>> -> memref<128x33xf32, #tpu.memory_space<vmem>>
          tpu.vector_store_idx %scatter3A_351[%add3A_244, %broadcast_in_dim3A_345], %gather3A_346 : memref<128x33xf32, #tpu.memory_space<vmem>>[vector<16xi32>, vector<16xi32>], vector<16xf32>,
          %gather3A_352 = tpu.vector_load_idx %arg21[%mul3A_240, %broadcast_in_dim3A_345] : memref<80x17xf32, #tpu.memory_space<vmem>>[vector<16xi32>, vector<16xi32>], vector<16xf32>,
          %add3A_353 = arith.constant 16 : i32
          %add3A_354 = vector.broadcast %add3A_353 : i32 to vector<16xi32>
          %add3A_355 = arith.addi %broadcast_in_dim3A_345, %add3A_354 : vector<16xi32>
          %scatter3A_356 = arith.constant 5 : i32
          %scatter3A_357 = arith.constant 0 : i32
          %scatter3A_358 = arith.constant 0 : i32
          %scatter3A_359 = tpu.memref_slice %arg19[%scatter3A_356, %scatter3A_357, %scatter3A_358] : memref<6x128x33xf32, #tpu.memory_space<vmem>> -> memref<1x128x33xf32, #tpu.memory_space<vmem>>
          %scatter3A_360 = tpu.memref_squeeze %scatter3A_359 : memref<1x128x33xf32, #tpu.memory_space<vmem>> -> memref<128x33xf32, #tpu.memory_space<vmem>>
          tpu.vector_store_idx %scatter3A_360[%add3A_244, %add3A_355], %gather3A_352 : memref<128x33xf32, #tpu.memory_space<vmem>>[vector<16xi32>, vector<16xi32>], vector<16xf32>,
          %broadcast_in_dim3A_361 = arith.constant 7 : i32
          %broadcast_in_dim3A_362 = vector.broadcast %broadcast_in_dim3A_361 : i32 to vector<16xi32>
          %gather3A_363 = tpu.vector_load_idx %arg20[%mul3A_237, %broadcast_in_dim3A_362] : memref<80x17xf32, #tpu.memory_space<vmem>>[vector<16xi32>, vector<16xi32>], vector<16xf32>,
          %scatter3A_364 = arith.constant 5 : i32
          %scatter3A_365 = arith.constant 0 : i32
          %scatter3A_366 = arith.constant 0 : i32
          %scatter3A_367 = tpu.memref_slice %arg19[%scatter3A_364, %scatter3A_365, %scatter3A_366] : memref<6x128x33xf32, #tpu.memory_space<vmem>> -> memref<1x128x33xf32, #tpu.memory_space<vmem>>
          %scatter3A_368 = tpu.memref_squeeze %scatter3A_367 : memref<1x128x33xf32, #tpu.memory_space<vmem>> -> memref<128x33xf32, #tpu.memory_space<vmem>>
          tpu.vector_store_idx %scatter3A_368[%add3A_244, %broadcast_in_dim3A_362], %gather3A_363 : memref<128x33xf32, #tpu.memory_space<vmem>>[vector<16xi32>, vector<16xi32>], vector<16xf32>,
          %gather3A_369 = tpu.vector_load_idx %arg21[%mul3A_240, %broadcast_in_dim3A_362] : memref<80x17xf32, #tpu.memory_space<vmem>>[vector<16xi32>, vector<16xi32>], vector<16xf32>,
          %add3A_370 = arith.constant 16 : i32
          %add3A_371 = vector.broadcast %add3A_370 : i32 to vector<16xi32>
          %add3A_372 = arith.addi %broadcast_in_dim3A_362, %add3A_371 : vector<16xi32>
          %scatter3A_373 = arith.constant 5 : i32
          %scatter3A_374 = arith.constant 0 : i32
          %scatter3A_375 = arith.constant 0 : i32
          %scatter3A_376 = tpu.memref_slice %arg19[%scatter3A_373, %scatter3A_374, %scatter3A_375] : memref<6x128x33xf32, #tpu.memory_space<vmem>> -> memref<1x128x33xf32, #tpu.memory_space<vmem>>
          %scatter3A_377 = tpu.memref_squeeze %scatter3A_376 : memref<1x128x33xf32, #tpu.memory_space<vmem>> -> memref<128x33xf32, #tpu.memory_space<vmem>>
          tpu.vector_store_idx %scatter3A_377[%add3A_244, %add3A_372], %gather3A_369 : memref<128x33xf32, #tpu.memory_space<vmem>>[vector<16xi32>, vector<16xi32>], vector<16xf32>,
          %broadcast_in_dim3A_378 = arith.constant 8 : i32
          %broadcast_in_dim3A_379 = vector.broadcast %broadcast_in_dim3A_378 : i32 to vector<16xi32>
          %gather3A_380 = tpu.vector_load_idx %arg20[%mul3A_237, %broadcast_in_dim3A_379] : memref<80x17xf32, #tpu.memory_space<vmem>>[vector<16xi32>, vector<16xi32>], vector<16xf32>,
          %scatter3A_381 = arith.constant 5 : i32
          %scatter3A_382 = arith.constant 0 : i32
          %scatter3A_383 = arith.constant 0 : i32
          %scatter3A_384 = tpu.memref_slice %arg19[%scatter3A_381, %scatter3A_382, %scatter3A_383] : memref<6x128x33xf32, #tpu.memory_space<vmem>> -> memref<1x128x33xf32, #tpu.memory_space<vmem>>
          %scatter3A_385 = tpu.memref_squeeze %scatter3A_384 : memref<1x128x33xf32, #tpu.memory_space<vmem>> -> memref<128x33xf32, #tpu.memory_space<vmem>>
          tpu.vector_store_idx %scatter3A_385[%add3A_244, %broadcast_in_dim3A_379], %gather3A_380 : memref<128x33xf32, #tpu.memory_space<vmem>>[vector<16xi32>, vector<16xi32>], vector<16xf32>,
          %gather3A_386 = tpu.vector_load_idx %arg21[%mul3A_240, %broadcast_in_dim3A_379] : memref<80x17xf32, #tpu.memory_space<vmem>>[vector<16xi32>, vector<16xi32>], vector<16xf32>,
          %add3A_387 = arith.constant 16 : i32
          %add3A_388 = vector.broadcast %add3A_387 : i32 to vector<16xi32>
          %add3A_389 = arith.addi %broadcast_in_dim3A_379, %add3A_388 : vector<16xi32>
          %scatter3A_390 = arith.constant 5 : i32
          %scatter3A_391 = arith.constant 0 : i32
          %scatter3A_392 = arith.constant 0 : i32
          %scatter3A_393 = tpu.memref_slice %arg19[%scatter3A_390, %scatter3A_391, %scatter3A_392] : memref<6x128x33xf32, #tpu.memory_space<vmem>> -> memref<1x128x33xf32, #tpu.memory_space<vmem>>
          %scatter3A_394 = tpu.memref_squeeze %scatter3A_393 : memref<1x128x33xf32, #tpu.memory_space<vmem>> -> memref<128x33xf32, #tpu.memory_space<vmem>>
          tpu.vector_store_idx %scatter3A_394[%add3A_244, %add3A_389], %gather3A_386 : memref<128x33xf32, #tpu.memory_space<vmem>>[vector<16xi32>, vector<16xi32>], vector<16xf32>,
          %broadcast_in_dim3A_395 = arith.constant 9 : i32
          %broadcast_in_dim3A_396 = vector.broadcast %broadcast_in_dim3A_395 : i32 to vector<16xi32>
          %gather3A_397 = tpu.vector_load_idx %arg20[%mul3A_237, %broadcast_in_dim3A_396] : memref<80x17xf32, #tpu.memory_space<vmem>>[vector<16xi32>, vector<16xi32>], vector<16xf32>,
          %scatter3A_398 = arith.constant 5 : i32
          %scatter3A_399 = arith.constant 0 : i32
          %scatter3A_400 = arith.constant 0 : i32
          %scatter3A_401 = tpu.memref_slice %arg19[%scatter3A_398, %scatter3A_399, %scatter3A_400] : memref<6x128x33xf32, #tpu.memory_space<vmem>> -> memref<1x128x33xf32, #tpu.memory_space<vmem>>
          %scatter3A_402 = tpu.memref_squeeze %scatter3A_401 : memref<1x128x33xf32, #tpu.memory_space<vmem>> -> memref<128x33xf32, #tpu.memory_space<vmem>>
          tpu.vector_store_idx %scatter3A_402[%add3A_244, %broadcast_in_dim3A_396], %gather3A_397 : memref<128x33xf32, #tpu.memory_space<vmem>>[vector<16xi32>, vector<16xi32>], vector<16xf32>,
          %gather3A_403 = tpu.vector_load_idx %arg21[%mul3A_240, %broadcast_in_dim3A_396] : memref<80x17xf32, #tpu.memory_space<vmem>>[vector<16xi32>, vector<16xi32>], vector<16xf32>,
          %add3A_404 = arith.constant 16 : i32
          %add3A_405 = vector.broadcast %add3A_404 : i32 to vector<16xi32>
          %add3A_406 = arith.addi %broadcast_in_dim3A_396, %add3A_405 : vector<16xi32>
          %scatter3A_407 = arith.constant 5 : i32
          %scatter3A_408 = arith.constant 0 : i32
          %scatter3A_409 = arith.constant 0 : i32
          %scatter3A_410 = tpu.memref_slice %arg19[%scatter3A_407, %scatter3A_408, %scatter3A_409] : memref<6x128x33xf32, #tpu.memory_space<vmem>> -> memref<1x128x33xf32, #tpu.memory_space<vmem>>
          %scatter3A_411 = tpu.memref_squeeze %scatter3A_410 : memref<1x128x33xf32, #tpu.memory_space<vmem>> -> memref<128x33xf32, #tpu.memory_space<vmem>>
          tpu.vector_store_idx %scatter3A_411[%add3A_244, %add3A_406], %gather3A_403 : memref<128x33xf32, #tpu.memory_space<vmem>>[vector<16xi32>, vector<16xi32>], vector<16xf32>,
          %broadcast_in_dim3A_412 = arith.constant 10 : i32
          %broadcast_in_dim3A_413 = vector.broadcast %broadcast_in_dim3A_412 : i32 to vector<16xi32>
          %gather3A_414 = tpu.vector_load_idx %arg20[%mul3A_237, %broadcast_in_dim3A_413] : memref<80x17xf32, #tpu.memory_space<vmem>>[vector<16xi32>, vector<16xi32>], vector<16xf32>,
          %scatter3A_415 = arith.constant 5 : i32
          %scatter3A_416 = arith.constant 0 : i32
          %scatter3A_417 = arith.constant 0 : i32
          %scatter3A_418 = tpu.memref_slice %arg19[%scatter3A_415, %scatter3A_416, %scatter3A_417] : memref<6x128x33xf32, #tpu.memory_space<vmem>> -> memref<1x128x33xf32, #tpu.memory_space<vmem>>
          %scatter3A_419 = tpu.memref_squeeze %scatter3A_418 : memref<1x128x33xf32, #tpu.memory_space<vmem>> -> memref<128x33xf32, #tpu.memory_space<vmem>>
          tpu.vector_store_idx %scatter3A_419[%add3A_244, %broadcast_in_dim3A_413], %gather3A_414 : memref<128x33xf32, #tpu.memory_space<vmem>>[vector<16xi32>, vector<16xi32>], vector<16xf32>,
          %gather3A_420 = tpu.vector_load_idx %arg21[%mul3A_240, %broadcast_in_dim3A_413] : memref<80x17xf32, #tpu.memory_space<vmem>>[vector<16xi32>, vector<16xi32>], vector<16xf32>,
          %add3A_421 = arith.constant 16 : i32
          %add3A_422 = vector.broadcast %add3A_421 : i32 to vector<16xi32>
          %add3A_423 = arith.addi %broadcast_in_dim3A_413, %add3A_422 : vector<16xi32>
          %scatter3A_424 = arith.constant 5 : i32
          %scatter3A_425 = arith.constant 0 : i32
          %scatter3A_426 = arith.constant 0 : i32
          %scatter3A_427 = tpu.memref_slice %arg19[%scatter3A_424, %scatter3A_425, %scatter3A_426] : memref<6x128x33xf32, #tpu.memory_space<vmem>> -> memref<1x128x33xf32, #tpu.memory_space<vmem>>
          %scatter3A_428 = tpu.memref_squeeze %scatter3A_427 : memref<1x128x33xf32, #tpu.memory_space<vmem>> -> memref<128x33xf32, #tpu.memory_space<vmem>>
          tpu.vector_store_idx %scatter3A_428[%add3A_244, %add3A_423], %gather3A_420 : memref<128x33xf32, #tpu.memory_space<vmem>>[vector<16xi32>, vector<16xi32>], vector<16xf32>,
          %broadcast_in_dim3A_429 = arith.constant 11 : i32
          %broadcast_in_dim3A_430 = vector.broadcast %broadcast_in_dim3A_429 : i32 to vector<16xi32>
          %gather3A_431 = tpu.vector_load_idx %arg20[%mul3A_237, %broadcast_in_dim3A_430] : memref<80x17xf32, #tpu.memory_space<vmem>>[vector<16xi32>, vector<16xi32>], vector<16xf32>,
          %scatter3A_432 = arith.constant 5 : i32
          %scatter3A_433 = arith.constant 0 : i32
          %scatter3A_434 = arith.constant 0 : i32
          %scatter3A_435 = tpu.memref_slice %arg19[%scatter3A_432, %scatter3A_433, %scatter3A_434] : memref<6x128x33xf32, #tpu.memory_space<vmem>> -> memref<1x128x33xf32, #tpu.memory_space<vmem>>
          %scatter3A_436 = tpu.memref_squeeze %scatter3A_435 : memref<1x128x33xf32, #tpu.memory_space<vmem>> -> memref<128x33xf32, #tpu.memory_space<vmem>>
          tpu.vector_store_idx %scatter3A_436[%add3A_244, %broadcast_in_dim3A_430], %gather3A_431 : memref<128x33xf32, #tpu.memory_space<vmem>>[vector<16xi32>, vector<16xi32>], vector<16xf32>,
          %gather3A_437 = tpu.vector_load_idx %arg21[%mul3A_240, %broadcast_in_dim3A_430] : memref<80x17xf32, #tpu.memory_space<vmem>>[vector<16xi32>, vector<16xi32>], vector<16xf32>,
          %add3A_438 = arith.constant 16 : i32
          %add3A_439 = vector.broadcast %add3A_438 : i32 to vector<16xi32>
          %add3A_440 = arith.addi %broadcast_in_dim3A_430, %add3A_439 : vector<16xi32>
          %scatter3A_441 = arith.constant 5 : i32
          %scatter3A_442 = arith.constant 0 : i32
          %scatter3A_443 = arith.constant 0 : i32
          %scatter3A_444 = tpu.memref_slice %arg19[%scatter3A_441, %scatter3A_442, %scatter3A_443] : memref<6x128x33xf32, #tpu.memory_space<vmem>> -> memref<1x128x33xf32, #tpu.memory_space<vmem>>
          %scatter3A_445 = tpu.memref_squeeze %scatter3A_444 : memref<1x128x33xf32, #tpu.memory_space<vmem>> -> memref<128x33xf32, #tpu.memory_space<vmem>>
          tpu.vector_store_idx %scatter3A_445[%add3A_244, %add3A_440], %gather3A_437 : memref<128x33xf32, #tpu.memory_space<vmem>>[vector<16xi32>, vector<16xi32>], vector<16xf32>,
          %broadcast_in_dim3A_446 = arith.constant 12 : i32
          %broadcast_in_dim3A_447 = vector.broadcast %broadcast_in_dim3A_446 : i32 to vector<16xi32>
          %gather3A_448 = tpu.vector_load_idx %arg20[%mul3A_237, %broadcast_in_dim3A_447] : memref<80x17xf32, #tpu.memory_space<vmem>>[vector<16xi32>, vector<16xi32>], vector<16xf32>,
          %scatter3A_449 = arith.constant 5 : i32
          %scatter3A_450 = arith.constant 0 : i32
          %scatter3A_451 = arith.constant 0 : i32
          %scatter3A_452 = tpu.memref_slice %arg19[%scatter3A_449, %scatter3A_450, %scatter3A_451] : memref<6x128x33xf32, #tpu.memory_space<vmem>> -> memref<1x128x33xf32, #tpu.memory_space<vmem>>
          %scatter3A_453 = tpu.memref_squeeze %scatter3A_452 : memref<1x128x33xf32, #tpu.memory_space<vmem>> -> memref<128x33xf32, #tpu.memory_space<vmem>>
          tpu.vector_store_idx %scatter3A_453[%add3A_244, %broadcast_in_dim3A_447], %gather3A_448 : memref<128x33xf32, #tpu.memory_space<vmem>>[vector<16xi32>, vector<16xi32>], vector<16xf32>,
          %gather3A_454 = tpu.vector_load_idx %arg21[%mul3A_240, %broadcast_in_dim3A_447] : memref<80x17xf32, #tpu.memory_space<vmem>>[vector<16xi32>, vector<16xi32>], vector<16xf32>,
          %add3A_455 = arith.constant 16 : i32
          %add3A_456 = vector.broadcast %add3A_455 : i32 to vector<16xi32>
          %add3A_457 = arith.addi %broadcast_in_dim3A_447, %add3A_456 : vector<16xi32>
          %scatter3A_458 = arith.constant 5 : i32
          %scatter3A_459 = arith.constant 0 : i32
          %scatter3A_460 = arith.constant 0 : i32
          %scatter3A_461 = tpu.memref_slice %arg19[%scatter3A_458, %scatter3A_459, %scatter3A_460] : memref<6x128x33xf32, #tpu.memory_space<vmem>> -> memref<1x128x33xf32, #tpu.memory_space<vmem>>
          %scatter3A_462 = tpu.memref_squeeze %scatter3A_461 : memref<1x128x33xf32, #tpu.memory_space<vmem>> -> memref<128x33xf32, #tpu.memory_space<vmem>>
          tpu.vector_store_idx %scatter3A_462[%add3A_244, %add3A_457], %gather3A_454 : memref<128x33xf32, #tpu.memory_space<vmem>>[vector<16xi32>, vector<16xi32>], vector<16xf32>,
          %broadcast_in_dim3A_463 = arith.constant 13 : i32
          %broadcast_in_dim3A_464 = vector.broadcast %broadcast_in_dim3A_463 : i32 to vector<16xi32>
          %gather3A_465 = tpu.vector_load_idx %arg20[%mul3A_237, %broadcast_in_dim3A_464] : memref<80x17xf32, #tpu.memory_space<vmem>>[vector<16xi32>, vector<16xi32>], vector<16xf32>,
          %scatter3A_466 = arith.constant 5 : i32
          %scatter3A_467 = arith.constant 0 : i32
          %scatter3A_468 = arith.constant 0 : i32
          %scatter3A_469 = tpu.memref_slice %arg19[%scatter3A_466, %scatter3A_467, %scatter3A_468] : memref<6x128x33xf32, #tpu.memory_space<vmem>> -> memref<1x128x33xf32, #tpu.memory_space<vmem>>
          %scatter3A_470 = tpu.memref_squeeze %scatter3A_469 : memref<1x128x33xf32, #tpu.memory_space<vmem>> -> memref<128x33xf32, #tpu.memory_space<vmem>>
          tpu.vector_store_idx %scatter3A_470[%add3A_244, %broadcast_in_dim3A_464], %gather3A_465 : memref<128x33xf32, #tpu.memory_space<vmem>>[vector<16xi32>, vector<16xi32>], vector<16xf32>,
          %gather3A_471 = tpu.vector_load_idx %arg21[%mul3A_240, %broadcast_in_dim3A_464] : memref<80x17xf32, #tpu.memory_space<vmem>>[vector<16xi32>, vector<16xi32>], vector<16xf32>,
          %add3A_472 = arith.constant 16 : i32
          %add3A_473 = vector.broadcast %add3A_472 : i32 to vector<16xi32>
          %add3A_474 = arith.addi %broadcast_in_dim3A_464, %add3A_473 : vector<16xi32>
          %scatter3A_475 = arith.constant 5 : i32
          %scatter3A_476 = arith.constant 0 : i32
          %scatter3A_477 = arith.constant 0 : i32
          %scatter3A_478 = tpu.memref_slice %arg19[%scatter3A_475, %scatter3A_476, %scatter3A_477] : memref<6x128x33xf32, #tpu.memory_space<vmem>> -> memref<1x128x33xf32, #tpu.memory_space<vmem>>
          %scatter3A_479 = tpu.memref_squeeze %scatter3A_478 : memref<1x128x33xf32, #tpu.memory_space<vmem>> -> memref<128x33xf32, #tpu.memory_space<vmem>>
          tpu.vector_store_idx %scatter3A_479[%add3A_244, %add3A_474], %gather3A_471 : memref<128x33xf32, #tpu.memory_space<vmem>>[vector<16xi32>, vector<16xi32>], vector<16xf32>,
          %broadcast_in_dim3A_480 = arith.constant 14 : i32
          %broadcast_in_dim3A_481 = vector.broadcast %broadcast_in_dim3A_480 : i32 to vector<16xi32>
          %gather3A_482 = tpu.vector_load_idx %arg20[%mul3A_237, %broadcast_in_dim3A_481] : memref<80x17xf32, #tpu.memory_space<vmem>>[vector<16xi32>, vector<16xi32>], vector<16xf32>,
          %scatter3A_483 = arith.constant 5 : i32
          %scatter3A_484 = arith.constant 0 : i32
          %scatter3A_485 = arith.constant 0 : i32
          %scatter3A_486 = tpu.memref_slice %arg19[%scatter3A_483, %scatter3A_484, %scatter3A_485] : memref<6x128x33xf32, #tpu.memory_space<vmem>> -> memref<1x128x33xf32, #tpu.memory_space<vmem>>
          %scatter3A_487 = tpu.memref_squeeze %scatter3A_486 : memref<1x128x33xf32, #tpu.memory_space<vmem>> -> memref<128x33xf32, #tpu.memory_space<vmem>>
          tpu.vector_store_idx %scatter3A_487[%add3A_244, %broadcast_in_dim3A_481], %gather3A_482 : memref<128x33xf32, #tpu.memory_space<vmem>>[vector<16xi32>, vector<16xi32>], vector<16xf32>,
          %gather3A_488 = tpu.vector_load_idx %arg21[%mul3A_240, %broadcast_in_dim3A_481] : memref<80x17xf32, #tpu.memory_space<vmem>>[vector<16xi32>, vector<16xi32>], vector<16xf32>,
          %add3A_489 = arith.constant 16 : i32
          %add3A_490 = vector.broadcast %add3A_489 : i32 to vector<16xi32>
          %add3A_491 = arith.addi %broadcast_in_dim3A_481, %add3A_490 : vector<16xi32>
          %scatter3A_492 = arith.constant 5 : i32
          %scatter3A_493 = arith.constant 0 : i32
          %scatter3A_494 = arith.constant 0 : i32
          %scatter3A_495 = tpu.memref_slice %arg19[%scatter3A_492, %scatter3A_493, %scatter3A_494] : memref<6x128x33xf32, #tpu.memory_space<vmem>> -> memref<1x128x33xf32, #tpu.memory_space<vmem>>
          %scatter3A_496 = tpu.memref_squeeze %scatter3A_495 : memref<1x128x33xf32, #tpu.memory_space<vmem>> -> memref<128x33xf32, #tpu.memory_space<vmem>>
          tpu.vector_store_idx %scatter3A_496[%add3A_244, %add3A_491], %gather3A_488 : memref<128x33xf32, #tpu.memory_space<vmem>>[vector<16xi32>, vector<16xi32>], vector<16xf32>,
          %broadcast_in_dim3A_497 = arith.constant 15 : i32
          %broadcast_in_dim3A_498 = vector.broadcast %broadcast_in_dim3A_497 : i32 to vector<16xi32>
          %gather3A_499 = tpu.vector_load_idx %arg20[%mul3A_237, %broadcast_in_dim3A_498] : memref<80x17xf32, #tpu.memory_space<vmem>>[vector<16xi32>, vector<16xi32>], vector<16xf32>,
          %scatter3A_500 = arith.constant 5 : i32
          %scatter3A_501 = arith.constant 0 : i32
          %scatter3A_502 = arith.constant 0 : i32
          %scatter3A_503 = tpu.memref_slice %arg19[%scatter3A_500, %scatter3A_501, %scatter3A_502] : memref<6x128x33xf32, #tpu.memory_space<vmem>> -> memref<1x128x33xf32, #tpu.memory_space<vmem>>
          %scatter3A_504 = tpu.memref_squeeze %scatter3A_503 : memref<1x128x33xf32, #tpu.memory_space<vmem>> -> memref<128x33xf32, #tpu.memory_space<vmem>>
          tpu.vector_store_idx %scatter3A_504[%add3A_244, %broadcast_in_dim3A_498], %gather3A_499 : memref<128x33xf32, #tpu.memory_space<vmem>>[vector<16xi32>, vector<16xi32>], vector<16xf32>,
          %gather3A_505 = tpu.vector_load_idx %arg21[%mul3A_240, %broadcast_in_dim3A_498] : memref<80x17xf32, #tpu.memory_space<vmem>>[vector<16xi32>, vector<16xi32>], vector<16xf32>,
          %add3A_506 = arith.constant 16 : i32
          %add3A_507 = vector.broadcast %add3A_506 : i32 to vector<16xi32>
          %add3A_508 = arith.addi %broadcast_in_dim3A_498, %add3A_507 : vector<16xi32>
          %scatter3A_509 = arith.constant 5 : i32
          %scatter3A_510 = arith.constant 0 : i32
          %scatter3A_511 = arith.constant 0 : i32
          %scatter3A_512 = tpu.memref_slice %arg19[%scatter3A_509, %scatter3A_510, %scatter3A_511] : memref<6x128x33xf32, #tpu.memory_space<vmem>> -> memref<1x128x33xf32, #tpu.memory_space<vmem>>
          %scatter3A_513 = tpu.memref_squeeze %scatter3A_512 : memref<1x128x33xf32, #tpu.memory_space<vmem>> -> memref<128x33xf32, #tpu.memory_space<vmem>>
          tpu.vector_store_idx %scatter3A_513[%add3A_244, %add3A_508], %gather3A_505 : memref<128x33xf32, #tpu.memory_space<vmem>>[vector<16xi32>, vector<16xi32>], vector<16xf32>,
        }
        %scan3A_229 = arith.constant 8 : i32
      } else {
      }
      %ge3A_198 = arith.constant 2 : i32
      %ge3A_199 = arith.cmpi sge, %add3A_184, %ge3A_198 : i32
      %lt3A_200 = arith.constant 52 : i32
      %lt3A_201 = arith.cmpi slt, %add3A_184, %lt3A_200 : i32
      %and3A_202 = arith.andi %ge3A_199, %lt3A_201 : i1
      %convert_element_type3A_203 = arith.extui %and3A_202 : i1 to i32
      %cond3A_204 = arith.constant 0 : i32
      %cond3A_205 = arith.cmpi ne, %convert_element_type3A_203, %cond3A_204 : i32
      scf.if %cond3A_205 {
        %sub3A = arith.constant 2 : i32
        %sub3A_206 = arith.subi %add3A_184, %sub3A : i32
        %mul3A_207 = arith.constant 128 : i32
        %mul3A_208 = arith.muli %sub3A_206, %mul3A_207 : i32
        %add3A_209 = arith.constant 0 : i32
        %add3A_210 = arith.addi %mul3A_208, %add3A_209 : i32
        %dma_wait3A_211 = arith.constant 3 : i32
        %dma_wait3A_212 = arith.constant 3 : i32
        %dma_wait3A_213 = arith.constant 0 : i32
        %dma_wait3A_214 = arith.constant 0 : i32
        %dma_wait3A_215 = tpu.memref_slice %arg18[%dma_wait3A_211, %dma_wait3A_213, %dma_wait3A_214] : memref<6x128x64xf32, #tpu.memory_space<vmem>> -> memref<1x128x64xf32, #tpu.memory_space<vmem>>
        %dma_wait3A_216 = tpu.memref_squeeze %dma_wait3A_215 : memref<1x128x64xf32, #tpu.memory_space<vmem>> -> memref<128x64xf32, #tpu.memory_space<vmem>>
        %dma_wait3A_217 = tpu.memref_slice %arg14[%add3A_210] : memref<6400xi32, #tpu.memory_space<vmem>> -> memref<128xi32, #tpu.memory_space<vmem>>
        %dma_wait3A_218 = arith.constant 0 : i32
        %dma_wait3A_219 = arith.constant 0 : i32
        %dma_wait3A_220 = tpu.memref_slice %arg8[%dma_wait3A_218, %dma_wait3A_219] : memref<1000002x64xf32, #tpu.memory_space<hbm>> -> memref<1000002x64xf32, #tpu.memory_space<hbm>>
        %dma_wait3A_221 = tpu.memref_slice %arg24[%dma_wait3A_212] : memref<6x!tpu.dma_semaphore, #tpu.memory_space<semaphore_mem>> -> memref<1x!tpu.dma_semaphore, #tpu.memory_space<semaphore_mem>>
        %dma_wait3A_222 = tpu.memref_squeeze %dma_wait3A_221 : memref<1x!tpu.dma_semaphore, #tpu.memory_space<semaphore_mem>> -> memref<!tpu.dma_semaphore, #tpu.memory_space<semaphore_mem>>
        tpu.wait_indirect_dma semaphore(%dma_wait3A_222 : memref<!tpu.dma_semaphore, #tpu.memory_space<semaphore_mem>>) src(%dma_wait3A_220 : memref<1000002x64xf32, #tpu.memory_space<hbm>>) dst(%dma_wait3A_216 : memref<128x64xf32, #tpu.memory_space<vmem>>)
        %sub3A_223 = arith.constant 2 : i32
        %sub3A_224 = arith.subi %add3A_184, %sub3A_223 : i32
        %mul3A_225 = arith.constant 128 : i32
        %mul3A_226 = arith.muli %sub3A_224, %mul3A_225 : i32
        %add3A_227 = arith.addi %mul3A_2, %mul3A_226 : i32
        %dma_start3A_228 = arith.constant 3 : i32
        %dma_start3A_229 = arith.constant 3 : i32
        %dma_start3A_230 = arith.constant 0 : i32
        %dma_start3A_231 = arith.constant 0 : i32
        %dma_start3A_232 = tpu.memref_slice %arg18[%dma_start3A_228, %dma_start3A_230, %dma_start3A_231] : memref<6x128x64xf32, #tpu.memory_space<vmem>> -> memref<1x128x64xf32, #tpu.memory_space<vmem>>
        %dma_start3A_233 = tpu.memref_squeeze %dma_start3A_232 : memref<1x128x64xf32, #tpu.memory_space<vmem>> -> memref<128x64xf32, #tpu.memory_space<vmem>>
        %dma_start3A_234 = arith.constant 0 : i32
        %dma_start3A_235 = tpu.memref_slice %arg11[%add3A_227, %dma_start3A_234] : memref<204800x96xf32, #tpu.memory_space<hbm>> -> memref<128x64xf32, #tpu.memory_space<hbm>>
        %dma_start3A_236 = tpu.memref_slice %arg25[%dma_start3A_229] : memref<6x!tpu.dma_semaphore, #tpu.memory_space<semaphore_mem>> -> memref<1x!tpu.dma_semaphore, #tpu.memory_space<semaphore_mem>>
        %dma_start3A_237 = tpu.memref_squeeze %dma_start3A_236 : memref<1x!tpu.dma_semaphore, #tpu.memory_space<semaphore_mem>> -> memref<!tpu.dma_semaphore, #tpu.memory_space<semaphore_mem>>
        %dma_start3A_238 = arith.constant 0 : i32
        %dma_start3A_239 = tpu.memref_slice %arg11[%add3A_227, %dma_start3A_238] : memref<204800x96xf32, #tpu.memory_space<hbm>> -> memref<128x64xf32, #tpu.memory_space<hbm>>
        %dma_start3A_240 = arith.constant 0 : i32
        %dma_start3A_241 = arith.constant 0 : i32
        %dma_start3A_242 = tpu.memref_slice %arg18[%dma_start3A_228, %dma_start3A_240, %dma_start3A_241] : memref<6x128x64xf32, #tpu.memory_space<vmem>> -> memref<1x128x64xf32, #tpu.memory_space<vmem>>
        %dma_start3A_243 = tpu.memref_squeeze %dma_start3A_242 : memref<1x128x64xf32, #tpu.memory_space<vmem>> -> memref<128x64xf32, #tpu.memory_space<vmem>>
        tpu.enqueue_dma source(%dma_start3A_243 : memref<128x64xf32, #tpu.memory_space<vmem>>) target(%dma_start3A_239 : memref<128x64xf32, #tpu.memory_space<hbm>>) target_semaphore(%dma_start3A_237 : memref<!tpu.dma_semaphore, #tpu.memory_space<semaphore_mem>>)
        %dma_start3A_244 = arith.constant 3 : i32
        %dma_start3A_245 = arith.constant 3 : i32
        %dma_start3A_246 = arith.constant 0 : i32
        %dma_start3A_247 = arith.constant 0 : i32
        %dma_start3A_248 = tpu.memref_slice %arg19[%dma_start3A_244, %dma_start3A_246, %dma_start3A_247] : memref<6x128x33xf32, #tpu.memory_space<vmem>> -> memref<1x128x32xf32, #tpu.memory_space<vmem>>
        %dma_start3A_249 = tpu.memref_squeeze %dma_start3A_248 : memref<1x128x32xf32, #tpu.memory_space<vmem>> -> memref<128x32xf32, #tpu.memory_space<vmem>>
        %dma_start3A_250 = arith.constant 64 : i32
        %dma_start3A_251 = tpu.memref_slice %arg11[%add3A_227, %dma_start3A_250] : memref<204800x96xf32, #tpu.memory_space<hbm>> -> memref<128x32xf32, #tpu.memory_space<hbm>>
        %dma_start3A_252 = tpu.memref_slice %arg25[%dma_start3A_245] : memref<6x!tpu.dma_semaphore, #tpu.memory_space<semaphore_mem>> -> memref<1x!tpu.dma_semaphore, #tpu.memory_space<semaphore_mem>>
        %dma_start3A_253 = tpu.memref_squeeze %dma_start3A_252 : memref<1x!tpu.dma_semaphore, #tpu.memory_space<semaphore_mem>> -> memref<!tpu.dma_semaphore, #tpu.memory_space<semaphore_mem>>
        %dma_start3A_254 = arith.constant 64 : i32
        %dma_start3A_255 = tpu.memref_slice %arg11[%add3A_227, %dma_start3A_254] : memref<204800x96xf32, #tpu.memory_space<hbm>> -> memref<128x32xf32, #tpu.memory_space<hbm>>
        %dma_start3A_256 = arith.constant 0 : i32
        %dma_start3A_257 = arith.constant 0 : i32
        %dma_start3A_258 = tpu.memref_slice %arg19[%dma_start3A_244, %dma_start3A_256, %dma_start3A_257] : memref<6x128x33xf32, #tpu.memory_space<vmem>> -> memref<1x128x32xf32, #tpu.memory_space<vmem>>
        %dma_start3A_259 = tpu.memref_squeeze %dma_start3A_258 : memref<1x128x32xf32, #tpu.memory_space<vmem>> -> memref<128x32xf32, #tpu.memory_space<vmem>>
        tpu.enqueue_dma source(%dma_start3A_259 : memref<128x32xf32, #tpu.memory_space<vmem>>) target(%dma_start3A_255 : memref<128x32xf32, #tpu.memory_space<hbm>>) target_semaphore(%dma_start3A_253 : memref<!tpu.dma_semaphore, #tpu.memory_space<semaphore_mem>>)
      } else {
      }
    }
    %scan3A_59 = arith.constant 10 : i32
    return
  }
}

</mosaic_0001>

<sc_bundles>
// kernel: kernel.3.cloned.1.call-start
scs
__scs_entry_jumppad:
0x0: {  	(pc) =	sbr.rel $0x88, $3  }
0x1: {  	(tag) =	ssettag $0x0;
	lr =	simm.s32 $0x1  }
0x2: {  	[smem:$0x3F98] =	sst lr;
	_ =	strace $0xD0000000  }
0x3: {  	_ = 	snop  }
0x4: {  	_ = 	snop  }
0x5: {  	_ = 	snop  }
0x6: {  	_ = 	snop  }
0x7: {  	_ = 	snop  }
__scs_overlays_trampoline_lowered:
0x8: {  	[smem:$0x3FA7] =	sst s0  }
0x9: {  	[smem:$0x3FA8] =	sst s1  }
0xa: {  	[smem:$0x3FA9] =	sst s2  }
0xb: {  	[smem:$0x3FAA] =	sst s3  }
0xc: {  	[smem:$0x3FAB] =	sst s4  }
0xd: {  	[smem:$0x3FAC] =	sst s5  }
0xe: {  	[smem:$0x3FAD] =	sst s6  }
0xf: {  	[smem:$0x3FAE] =	sst s7  }
0x10: {  	[smem:$0x3FAF] =	sst s8  }
0x11: {  	[smem:$0x3FB0] =	sst s9;
	s0 =	simm.s32 @!p0 $0x0  }
0x12: {  	s1 =	sld [smem:$0x3F96];
	s0 =	simm.s32 @p0 $0x1  }
0x13: {  	[smem:$0x3FB1] =	sst s0;
	s0 =	simm.s32 @!p1 $0x0  }
0x14: {  	s2 =	sld [smem:$0x3F95];
	s0 =	simm.s32 @p1 $0x1  }
0x15: {  	[smem:$0x3FB2] =	sst s0;
	s0 =	simm.s32 @!p2 $0x0  }
0x16: {  	s3 =	sld [smem:$0x3FDB];
	s0 =	simm.s32 @p2 $0x1  }
0x17: {  	s4 =	simm.s32 $0x1BF5;
	[smem:$0x3FB4] =	sst s0  }
0x18: {  	s0 =	sld [smem:$0x3F97];
	_ =	swait.ge [sflag:s4], $0x0  }
0x19: {  	s7 =	sld [smem:$0x3F98]  }
0x1a: {  	s8 =	sadd.s32 $0xFFFFE003, lr  }
0x1b: {  	s9 =	sadd.s32 $0xFFFFFEF7, lr;
	s5 =	simm.s32 $0xFFFFFFFF;
	p2 =	slt.u32 s8, $0xFFFFF086  }
0x1c: {  	p1 =	slt.u32 s9, $0xF7A;
	s5 =	simm.s32 @!p2 $0x0  }
0x1d: {  	s5 =	simm.s32 @p1 $0x1;
	p0 =	seq.s32 s7, s2  }
0x1e: {  	s7 =	smul.u32 @!p0 $0xF7A, s2;
	p2 =	seq.s32 @!p0 s5, $0x0  }
0x1f: {  	s9 =	smul.u32 $0xF7A, s1;
	s8 =	simm.s32 @!p0 $0x1BF5;
	p2 =	por !p2, p0  }
0x20: {  	[sflag:s8] =	ssyncset.s32 @!p0 $0xFFFFF086;
	s6 =	sadd.s32 @!p0 s3, s7;
	s7 =	simm.s32 @!p0 $0x108  }
0x21: {  	s3 =	sadd.s32 s3, s9;
	s6 =	sadd.s32 @!p0 $0x88, s6;
	s7 =	simm.s32 @p2 $0x1082  }
0x22: {  	[simem:s7], [sflag:s8] =	dma.local @!p0 [hbm:s6], $0xF7A  }
0x23: {  	s9 =	sor.u32 $0xD0000000, s2;
	s6 =	simm.s32 $0x108;
	_ =	swait.ge @!p0 [sflag:s8], $0x0  }
0x24: {  	s3 =	sadd.s32 $0x88, s3;
	s6 =	simm.s32 @!p1 $0x1082;
	[sflag:s4] =	ssyncset.s32 $0xFFFFF086  }
0x25: {  	[simem:s6], [sflag:s4] =	dma.local [hbm:s3], $0xF7A  }
0x26: {  	[smem:$0x3F98] =	sst s1;
	(tag) =	ssettag s2;
	_ =	strace s9  }
0x27: {  	s1 =	sld [smem:$0x3FA8]  }
0x28: {  	s2 =	sld [smem:$0x3FA9]  }
0x29: {  	s4 =	sld [smem:$0x3FAB]  }
0x2a: {  	p0 =	seq.s32 s5, $0x0;
	s5 =	sld [smem:$0x3FAC]  }
0x2b: {  	s6 =	sld [smem:$0x3FAD]  }
0x2c: {  	s7 =	sld [smem:$0x3FAE]  }
0x2d: {  	s3 =	simm.s32 $0x108;
	s8 =	sld [smem:$0x3FAF]  }
0x2e: {  	s3 =	simm.s32 @!p0 $0x1082;
	s9 =	sld [smem:$0x3FB0]  }
0x2f: {  	lr =	sadd.s32 s0, s3;
	s0 =	sld [smem:$0x3FA7]  }
0x30: {  	s3 =	sld [smem:$0x3FAA]  }
0x31: {  	[smem:$0x3FB3] =	sst s10  }
0x32: {  	s10 =	sld [smem:$0x3FB1];
	_ =	sdelay $0x3  }
0x33: {  	p0 =	seq.s32 s10, $0x1;
	s10 =	sld [smem:$0x3FB3];
	_ =	sdelay $0x3  }
0x34: {  	[smem:$0x3FB3] =	sst s10  }
0x35: {  	s10 =	sld [smem:$0x3FB2];
	_ =	sdelay $0x3  }
0x36: {  	p1 =	seq.s32 s10, $0x1;
	s10 =	sld [smem:$0x3FB3];
	_ =	sdelay $0x3  }
0x37: {  	[smem:$0x3FB3] =	sst s10  }
0x38: {  	s10 =	sld [smem:$0x3FB4]  }
0x39: {  	_ = 	snop;
	(pc) =	sbr.ind lr, $3  }
0x3a: {  	_ = 	snop  }
0x3b: {  	_ = 	snop  }
0x3c: {  	p2 =	seq.s32 s10, $0x1;
	s10 =	sld [smem:$0x3FB3]  }
0x3d: {  	_ =	shalt  }
0x3e: {  	_ =	shalt  }
0x3f: {  	_ =	shalt  }
0x40: {  	_ =	shalt  }
0x41: {  	_ =	shalt  }
0x42: {  	_ =	shalt  }
0x43: {  	_ =	shalt  }
0x44: {  	_ =	shalt  }
0x45: {  	_ =	shalt  }
0x46: {  	_ =	shalt  }
0x47: {  	_ =	shalt  }
0x48: {  	_ =	shalt  }
0x49: {  	_ =	shalt  }
0x4a: {  	_ =	shalt  }
0x4b: {  	_ =	shalt  }
0x4c: {  	_ =	shalt  }
0x4d: {  	_ =	shalt  }
0x4e: {  	_ =	shalt  }
0x4f: {  	_ =	shalt  }
0x50: {  	_ =	shalt  }
0x51: {  	_ =	shalt  }
0x52: {  	_ =	shalt  }
0x53: {  	_ =	shalt  }
0x54: {  	_ =	shalt  }
0x55: {  	_ =	shalt  }
0x56: {  	_ =	shalt  }
0x57: {  	_ =	shalt  }
0x58: {  	_ =	shalt  }
0x59: {  	_ =	shalt  }
0x5a: {  	_ =	shalt  }
0x5b: {  	_ =	shalt  }
0x5c: {  	_ =	shalt  }
0x5d: {  	_ =	shalt  }
0x5e: {  	_ =	shalt  }
0x5f: {  	_ =	shalt  }
0x60: {  	_ =	shalt  }
0x61: {  	_ =	shalt  }
0x62: {  	_ =	shalt  }
0x63: {  	_ =	shalt  }
0x64: {  	_ =	shalt  }
0x65: {  	_ =	shalt  }
0x66: {  	_ =	shalt  }
0x67: {  	_ =	shalt  }
0x68: {  	_ =	shalt  }
0x69: {  	_ =	shalt  }
0x6a: {  	_ =	shalt  }
0x6b: {  	_ =	shalt  }
0x6c: {  	_ =	shalt  }
0x6d: {  	_ =	shalt  }
0x6e: {  	_ =	shalt  }
0x6f: {  	_ =	shalt  }
0x70: {  	_ =	shalt  }
0x71: {  	_ =	shalt  }
0x72: {  	_ =	shalt  }
0x73: {  	_ =	shalt  }
0x74: {  	_ =	shalt  }
0x75: {  	_ =	shalt  }
0x76: {  	_ =	shalt  }
0x77: {  	_ =	shalt  }
0x78: {  	_ =	shalt  }
0x79: {  	_ =	shalt  }
0x7a: {  	_ =	shalt  }
0x7b: {  	_ =	shalt  }
0x7c: {  	_ =	shalt  }
0x7d: {  	_ =	shalt  }
0x7e: {  	_ =	shalt  }
0x7f: {  	_ =	shalt  }
0x80: {  	_ =	shalt  }
0x81: {  	_ =	shalt  }
0x82: {  	_ =	shalt  }
0x83: {  	_ =	shalt  }
0x84: {  	_ =	shalt  }
0x85: {  	_ =	shalt  }
0x86: {  	_ =	shalt  }
0x87: {  	_ =	shalt  }
.Lfunc_end0:
.L_simem_size_0:
called_computation.1_lowered:
.L_overlay_start_0:
0x88: {  	s2 =	sld [smem:$0x3FD9]  }
0x89: {  	s3 =	sld [smem:$0x3FFE];
	_ =	sdelay $0x1  }
0x8a: {  	s1 =	srdreg.scid  }
0x8b: {  	s0 =	sand.u32 $0x1, s1  }
0x8c: {  	s14 =	sshll.u32 s0, $0xA;
	s2 =	sadd.s32 s3, s2  }
0x8d: {  	s2 =	sadd.s32 s2, s14  }
0x8e: {  	[smem:$0x3FBF] =	sst s2  }
0x8f: {  	_ = 	snop  }
0x90: {  	s2 =	sld [smem:$0x3FD0];
	_ =	sdelay $0x1  }
0x91: {  	s15 =	sld [smem:$0x3FC5]  }
0x92: {  	s5 =	simm.s32 $0xA;
	s6 =	simm.s32 $0x10;
	s4 =	sld [smem:$0x3FC4]  }
0x93: {  	[smem:s6], [sflag:s5] =	dma.local [hbm:s2], $0x1  }
0x94: {  	_ =	swait.eq [sflag:s5], $0x1  }
0x95: {  	s16 =	sld [smem:$0x10];
	[sflag:s5] =	ssyncset.done $0x0  }
0x96: {  	s17 =	sld [smem:$0x11];
	[sflag:s5] =	ssyncadd.s32 $0xFFFFFFFF  }
0x97: {  	s18 =	sld [smem:$0x12];
	(tm) =	ssettm $0x1  }
0x98: {  	s7 =	sld [smem:$0x3FFB];
	_ =	sdelay $0x3  }
0x99: {  	_ =	strace s7  }
0x9a: {  	s7 =	sld [smem:$0x3FFC];
	_ =	sdelay $0x3  }
0x9b: {  	_ =	strace s7  }
0x9c: {  	s7 =	sld [smem:$0x3FFD];
	_ =	sdelay $0x3  }
0x9d: {  	_ =	strace s7  }
0x9e: {  	_ =	strace $0x8FFFFFFF  }
0x9f: {  	s19 =	sld [smem:$0x3FDB];
	_ =	sdelay $0x1  }
0xa0: {  	s8 =	simm.s32 $_scs_section_size  }
0xa1: {  	s9 =	simm.s32 $_size__tile_overlayer_lowered;
	s10 =	simm.s32 $_tile_overlayer_lowered  }
0xa2: {  	s22 =	simm.s32 $0x1BFF;
	s21 =	sshll.u32 s10, $0x1;
	s7 =	sadd.s32 s8, s19  }
0xa3: {  	s11 =	simm.s32 $0x0;
	s20 =	sshll.u32 s9, $0x1;
	s9 =	sadd.s32 s21, s7  }
0xa4: {  	[timem:s11], [sflag:s22] =	dma.local [hbm:s9], s20  }
0xa5: {  	_ =	swait.ge [sflag:s22], s20  }
0xa6: {  	s8 =	ssub.s32 $0x0, s20;
	[sflag:s22] =	ssyncset.done $0x0  }
0xa7: {  	[sflag:s22] =	ssyncadd.s32 s8;
	_ =	sdelay $0x1  }
0xa8: {  	s23 =	simm.s32 $0x1B8B  }
0xa9: {  	_ =	swait.ge [sflag:s23], $0x1  }
0xaa: {  	[sflag:s23] =	ssyncset.done $0x0  }
0xab: {  	s25 =	simm.s32 $0x1B8E;
	s24 =	sld [smem:$0x3FFE];
	[sflag:s23] =	ssyncadd.s32 $0xFFFFFFFF  }
0xac: {  	s26 =	simm.s32 $execute0_lowered;
	[smem:$0x3FD2] =	sst s25  }
0xad: {  	s9 =	sshll.u32 s26, $0x1;
	_ =	strace $0x80000046;
	[dreg:$0x1] =	wrdreg $0xFFFFFFFF  }
0xae: {  	s28 =	simm.s32 $_size_execute0_lowered;
	s7 =	sadd.s32 s7, s9;
	[dreg:$0x0] =	wrdreg $0x0  }
0xaf: {  	s9 =	sshll.u32 s28, $0x1;
	[dreg:$0x2] =	wrdreg s7  }
0xb0: {  	[dreg:$0x3] =	wrdreg s9  }
0xb1: {  	[dreg:$0x4] =	wrdreg $0xC0  }
0xb2: {  	_ =	task [dreg:s11], $0x5FFFF  }
0xb3: {  	[dreg:$0x1] =	wrdreg $0xFFFFFFFF  }
0xb4: {  	[dreg:$0x0] =	wrdreg $0x60  }
0xb5: {  	[dreg:$0x2] =	wrdreg s24  }
0xb6: {  	[dreg:$0x3] =	wrdreg s15  }
0xb7: {  	[dreg:$0x4] =	wrdreg s4  }
0xb8: {  	[dreg:$0x5] =	wrdreg s17  }
0xb9: {  	[dreg:$0x6] =	wrdreg s16  }
0xba: {  	[dreg:$0x7] =	wrdreg s18  }
0xbb: {  	[dreg:$0x8] =	wrdreg $0x9  }
0xbc: {  	_ =	task.clear_ibuf [dreg:s11], $0x9FFFF;
	_ =	strace $0x90000046  }
0xbd: {  	s29 =	simm.s32 $0x9;
	_ =	strace $0x80000048  }
0xbe: {  	_ =	swait.ge [sflag:s29], $0x1  }
0xbf: {  	[sflag:s29] =	ssyncadd.s32 $0xFFFFFFFF  }
0xc0: {  	_ =	strace $0x90000048  }
0xc1: {  	_ =	sfence  }
0xc2: {  	s30 =	sld [smem:$0x0];
	_ =	sdelay $0x2  }
0xc3: {  	s31 =	sshll.u32 s1, $0xD;
	s1 =	sshrl.u32 s1, $0x2  }
0xc4: {  	s3 =	sand.u32 $0x4000, s31;
	s1 =	sadd.s32 s1, s30  }
0xc5: {  	s0 =	sor.u32 s3, s0;
	s1 =	sshll.u32 s1, $0x11  }
0xc6: {  	s0 =	sor.u32 s1, s0  }
0xc7: {  	s0 =	sadd.s32 $0x8F2B, s0  }
0xc8: {  	[sflag:s0] =	ssyncadd.remote.s32 $0x1  }
0xc9: {  	_ =	sfence.sel $0xFFFF  }
0xca: {  	[dreg:$0x0] =	wrdreg $0xFFFFFFFF;
	(pc) =	sbr.abs _section_cstart, $3  }
0xcb: {  	[dreg:$0x1] =	wrdreg $0xFFFFFFFF  }
0xcc: {  	_ =	task.clear_ibuf [dreg:s11], $0x2FFFF;
	_ =	strace $0x9FFFFFFF  }
0xcd: {  	(tm) =	ssettm $0x7FFFFFFF  }
tec
execute0_lowered:
.L_overlay_start_1:
0x0: {  	(tag) =	ssettag $0x1  }
0x1: {  	s0 =	rddreg [dreg:$0x0]  }
0x2: {  	s1 =	rddreg [dreg:$0x1]  }
0x3: {  	s2 =	rddreg [dreg:$0x2]  }
0x4: {  	s11 =	rddreg [dreg:$0x3]  }
0x5: {  	s3 =	srdreg.scid;
	s12 =	rddreg [dreg:$0x4]  }
0x6: {  	s4 =	stileid.u32;
	s5 =	rddreg [dreg:$0x5];
	s30 =	simm.s32 $0x19C00  }
0x7: {  	s31 =	simm.s32 $0x17400;
	s14 =	simm.s32 $0x12400;
	s3 =	sand.u32 $0x1, s3  }
0x8: {  	s4 =	sshll.u32 s4, $0x1;
	s18 =	sadd.s32 $0xF44200, s0;
	s26 =	sadd.s32 $0x8, s12  }
0x9: {  	s12 =	simm.s32 $0x18800;
	s6 =	sor.u32 s3, s4;
	s4 =	simm.s32 $0x0  }
0xa: {  	s13 =	smul.u32 $0x1900, s6;
	[smem:$0x7FF] =	sst s4;
	s9 =	sshll.u32 s6, $0x8  }
0xb: {  	v0 =	vlaneseq.u32;
	s6 =	sshll.u32 s6, $0x2;
	_ =	strace $0x80000047;
	[dreg:$0x8] =	wrdreg s18  }
0xc: {  	v0 =	vmul.u32 $0x28, v0;
	s3 =	ssub.s32 $0x2, s3;
	s1 =	sadd.s32 s1, s6;
	[dreg:$0x12] =	wrdreg s26  }
0xd: {  	s10 =	sshrl.u32 s3, $0x1;
	s23 =	sadd.s32 s5, s9;
	[dreg:$0x9] =	wrdreg s1  }
0xe: {  	v1 =	vadd.s32 $0x10, v0;
	s3 =	ssub.s32 s3, s10;
	s24 =	sadd.s32 s2, s6;
	[dreg:$0xe] =	wrdreg s23  }
0xf: {  	v2 =	vor.u32 $0x1, v0;
	v3 =	vadd.s32 $0x11, v0;
	v4 =	vor.u32 $0x2, v0;
	s6 =	simm.s32 $0x1AB00;
	s2 =	simm.s32 $0x1A380;
	[dreg:$0xf] =	wrdreg s24  }
0x10: {  	v5 =	vadd.s32 $0x12, v0;
	v6 =	vor.u32 $0x3, v0;
	v7 =	vadd.s32 $0x13, v0;
	s18 =	simm.s32 $0x16000;
	s25 =	sadd.s32 $0xFFFFFF00, s13;
	[dreg:$0x7] =	wrdreg s13  }
0x11: {  	v8 =	vor.u32 $0x4, v0;
	v9 =	vadd.s32 $0x14, v0;
	v10 =	vor.u32 $0x5, v0;
	s7 =	sshrl.u32 s13, $0x3;
	s28 =	sadd.s32 $0xFFFFFF80, s13;
	[dreg:$0x11] =	wrdreg s25  }
0x12: {  	v11 =	vadd.s32 $0x15, v0;
	v12 =	vor.u32 $0x6, v0;
	v13 =	vadd.s32 $0x16, v0;
	s29 =	smax.u32 s3, $0x1;
	s8 =	sadd.s32 s7, s0;
	[dreg:$0x13] =	wrdreg s28  }
0x13: {  	v14 =	vor.u32 $0x7, v0;
	v15 =	vadd.s32 $0x17, v0;
	v16 =	vadd.s32 $0x8, v0;
	s1 =	simm.s32 $0x0;
	[dreg:$0x14] =	wrdreg s29;
	s19 =	sadd.s32 $0x8000, s8  }
.Ltmp0:
0x14: {  	v17 =	vadd.s32 $0x18, v0;
	v18 =	vadd.s32 $0x9, v0;
	v19 =	vadd.s32 $0x19, v0;
	s20 =	sadd.s32 $0x1C00, s8;
	[dreg:$0xa] =	wrdreg s19;
	(pc) =	sbr.rel .LBB2_1-.Ltmp0, $4  }
0x15: {  	v20 =	vadd.s32 $0xA, v0;
	v21 =	vadd.s32 $0x1A, v0;
	v22 =	vadd.s32 $0xB, v0;
	s7 =	sadd.s32 $0x1AC00, s0;
	s21 =	sadd.s32 $0x14800, s8;
	[dreg:$0xb] =	wrdreg s20  }
0x16: {  	v23 =	vadd.s32 $0x1B, v0;
	v24 =	vadd.s32 $0xC, v0;
	v25 =	vadd.s32 $0x1C, v0;
	s0 =	sadd.s32 s9, s0;
	s22 =	sadd.s32 $0xE400, s8;
	[dreg:$0xc] =	wrdreg s21  }
0x17: {  	v26 =	vadd.s32 $0xD, v0;
	v27 =	vadd.s32 $0x1D, v0;
	v28 =	vadd.s32 $0xE, v0;
	s0 =	sadd.s32 $0x1AE00, s0;
	s8 =	simm.s32 $0xE;
	[dreg:$0xd] =	wrdreg s22  }
0x18: {  	v29 =	vadd.s32 $0x1E, v0;
	v30 =	vadd.s32 $0xF, v0;
	v31 =	vadd.s32 $0x1F, v0;
	[dreg:$0x10] =	wrdreg s0;
	s19 =	simm.s32 $0x13800;
	s20 =	simm.s32 $0x14C00  }
.LBB2_54:
0x19: {  	s1 =	rddreg [dreg:$0x15]  }
0x1a: {  	s0 =	rddreg [dreg:$0x14];
	s1 =	sadd.s32 $0x1, s1  }
0x1b: {  	p0 =	sne.s32 s1, s0  }
.Ltmp1:
0x1c: {  	_ = 	snop;
	(pc) =	sbr.rel @!p0 .LBB2_55-.Ltmp1, $2  }
0x1d: {  	_ =	sdelay $0x2  }
0x1e: {  	s11 =	rddreg [dreg:$0x3];
	s6 =	simm.s32 $0x1AB00;
	s8 =	simm.s32 $0xE  }
.LBB2_1:
0x1f: {  	[dreg:$0x15] =	wrdreg s1  }
0x20: {  	s0 =	rddreg [dreg:$0x9]  }
0x21: {  	[tilespmem:s6], [sflag:$0xE] =	stream.linear.gather [hbm4b:s0+s4], $0x20, $0x38;
	[tilespmem:$0x1B320] =	vst v63  }
0x22: {  	_ =	swait.ge [sflag:s8], $0x20  }
0x23: {  	[sflag:s8] =	ssyncset.done $0x0  }
0x24: {  	s1 =	simm.s32 $0x0;
	s0 =	simm.s32 $0x19C00;
	[sflag:s8] =	ssyncadd.s32 $0xFFFFFFE0  }
.LBB2_2:
0x25: {  	p0 =	sne.s32 s1, $0x9E  }
.Ltmp2:
0x26: {  	_ = 	snop;
	(pc) =	sbr.rel @p0 .LBB2_2-.Ltmp2, $4  }
0x27: {  	_ = 	snop  }
0x28: {  	s3 =	sadd.s32 s1, s11;
	s5 =	simm.s32 $0x0  }
0x29: {  	[tilespmem:s0], [sflag:$0xD] =	stream.linear.gather [hbm4b:s3+s5], $0x10, $0x38;
	[tilespmem:$0x1B320] =	vst v63  }
0x2a: {  	s1 =	sadd.s32 $0x2, s1;
	s0 =	sadd.s32 $0x18, s0  }
0x2b: {  	s0 =	simm.s32 $0x1A380  }
0x2c: {  	s1 =	simm.s32 $0x2;
	s5 =	sadd.s32 $0x0, s7;
	s3 =	simm.s32 $0x1A398  }
.LBB2_4:
0x2d: {  	[tilespmem:s0], [sflag:$0xD] =	stream.linear.gather [hbm4b:s5+s4], $0x10, $0x38;
	[tilespmem:$0x1B320] =	vst v63  }
0x2e: {  	s5 =	smov.u32 s1;
	s0 =	smov.u32 s3;
	p0 =	sne.s32 s1, $0x9E  }
.Ltmp3:
0x2f: {  	s1 =	sadd.s32 $0x2, s1;
	(pc) =	sbr.rel @p0 .LBB2_4-.Ltmp3, $2  }
0x30: {  	_ =	sdelay $0x2  }
0x31: {  	s3 =	sadd.s32 $0x18, s3;
	s5 =	sadd.s32 s5, s7  }
0x32: {  	[tilespmem:s0], [sflag:$0xD] =	stream.linear.gather [hbm4b:s5+s4], $0x10, $0x38;
	[tilespmem:$0x1B320] =	vst v63  }
0x33: {  	s10 =	rddreg [dreg:$0xa]  }
0x34: {  	s11 =	simm.s32 $0x0;
	s13 =	rddreg [dreg:$0xb]  }
0x35: {  	[tilespmem:s11], [sflag:$0xD] =	stream.linear.gather [hbm4b:s10+s11], $0x1900, $0x38;
	[tilespmem:$0x1B320] =	vst v63  }
0x36: {  	s24 =	simm.s32 $0x1900;
	s15 =	rddreg [dreg:$0xc]  }
0x37: {  	[tilespmem:s24], [sflag:$0xD] =	stream.linear.gather [hbm4b:s13+s11], $0x1900, $0x38;
	[tilespmem:$0x1B320] =	vst v63  }
0x38: {  	s16 =	simm.s32 $0x3200;
	s17 =	rddreg [dreg:$0xd]  }
0x39: {  	[tilespmem:s16], [sflag:$0xD] =	stream.linear.gather [hbm4b:s15+s11], $0x1900, $0x38;
	[tilespmem:$0x1B320] =	vst v63  }
0x3a: {  	s9 =	simm.s32 $0x4B00;
	s21 =	rddreg [dreg:$0x8]  }
0x3b: {  	[tilespmem:s9], [sflag:$0xD] =	stream.linear.gather [hbm4b:s17+s11], $0x1900, $0x38;
	[tilespmem:$0x1B320] =	vst v63  }
0x3c: {  	s3 =	simm.s32 $0x20;
	s22 =	simm.s32 $0x1AB20;
	s10 =	simm.s32 $0xD  }
0x3d: {  	[tilespmem:s22], [sflag:$0xD] =	stream.indirect.gather [hbm4b:s21+s3], $0x40, s6, s3, $0xb8;
	[tilespmem:$0x1B320] =	vst v63  }
0x3e: {  	_ =	swait.ge [sflag:s10], $0x500  }
0x3f: {  	[sflag:s10] =	ssyncset.done $0x0  }
0x40: {  	[sflag:s10] =	ssyncadd.s32 $0xFFFFFB00  }
0x41: {  	_ =	swait.ge [sflag:s10], $0x500  }
0x42: {  	[sflag:s10] =	ssyncset.done $0x0  }
0x43: {  	[sflag:s10] =	ssyncadd.s32 $0xFFFFFB00  }
0x44: {  	_ =	swait.ge [sflag:s10], $0x1900  }
0x45: {  	[sflag:s10] =	ssyncset.done $0x0  }
0x46: {  	[sflag:s10] =	ssyncadd.s32 $0xFFFFE700  }
0x47: {  	_ =	swait.ge [sflag:s10], $0x1900  }
0x48: {  	[sflag:s10] =	ssyncset.done $0x0  }
0x49: {  	[sflag:s10] =	ssyncadd.s32 $0xFFFFE700  }
0x4a: {  	_ =	swait.ge [sflag:s10], $0x1900  }
0x4b: {  	[sflag:s10] =	ssyncset.done $0x0  }
0x4c: {  	[sflag:s10] =	ssyncadd.s32 $0xFFFFE700  }
0x4d: {  	_ =	swait.ge [sflag:s10], $0x1900  }
0x4e: {  	[sflag:s10] =	ssyncset.done $0x0  }
0x4f: {  	[sflag:s10] =	ssyncadd.s32 $0xFFFFE700  }
0x50: {  	_ =	swait.ge [sflag:s10], $0x800  }
0x51: {  	[sflag:s10] =	ssyncset.done $0x0  }
0x52: {  	s1 =	rddreg [dreg:$0xe];
	[sflag:s10] =	ssyncadd.s32 $0xFFFFF800  }
0x53: {  	[hbm4b:s1+s11] =	stream.linear.scatter [tilespmem:s22], [sflag:$0xE], $0x800, $0x38;
	[tilespmem:$0x1B320] =	vst v63  }
0x54: {  	_ =	swait.ge [sflag:s8], $0x800  }
0x55: {  	[sflag:s8] =	ssyncset.done $0x0  }
0x56: {  	s23 =	rddreg [dreg:$0xf];
	[sflag:s8] =	ssyncadd.s32 $0xFFFFF800  }
0x57: {  	[tilespmem:s6], [sflag:$0xE] =	stream.linear.gather [hbm4b:s23+s11], $0x20, $0x38;
	[tilespmem:$0x1B320] =	vst v63  }
0x58: {  	_ =	swait.ge [sflag:s8], $0x20  }
0x59: {  	s0 =	simm.s32 $0x4C00;
	s26 =	simm.s32 $0x3380;
	[sflag:s8] =	ssyncset.done $0x0  }
0x5a: {  	s28 =	simm.s32 $0x1A80;
	s29 =	simm.s32 $0x3400;
	[sflag:s8] =	ssyncadd.s32 $0xFFFFFFE0  }
0x5b: {  	[tilespmem:s22], [sflag:$0xD] =	stream.indirect.gather [hbm4b:s21+s3], $0x40, s6, s3, $0xb8;
	[tilespmem:$0x1B320] =	vst v63  }
0x5c: {  	s13 =	simm.s32 $0x1B00;
	s15 =	simm.s32 $0x3300;
	_ =	swait.ge [sflag:s10], $0x800  }
0x5d: {  	s1 =	simm.s32 $0x1A00;
	s23 =	simm.s32 $0x4D00;
	[sflag:s10] =	ssyncset.done $0x0  }
.Ltmp4:
0x5e: {  	s25 =	rddreg [dreg:$0x10];
	[sflag:s10] =	ssyncadd.s32 $0xFFFFF800;
	(pc) =	sbr.rel .LBB2_6-.Ltmp4, $4  }
0x5f: {  	[hbm4b:s25+s11] =	stream.linear.scatter [tilespmem:s22], [sflag:$0xE], $0x800, $0x38;
	[tilespmem:$0x1B320] =	vst v63  }
0x60: {  	s21 =	simm.s32 $0x4C80;
	s10 =	simm.s32 $0x4D80;
	_ =	swait.ge [sflag:s8], $0x800  }
0x61: {  	s22 =	simm.s32 $0x3480;
	[dreg:$0x16] =	wrdreg s26;
	[sflag:s8] =	ssyncset.done $0x0  }
0x62: {  	[dreg:$0x17] =	wrdreg s28;
	[sflag:s8] =	ssyncadd.s32 $0xFFFFF800;
	s8 =	simm.s32 $0x1B80  }
.LBB2_53:
0x63: {  	s11 =	sadd.s32 $0x1, s11  }
0x64: {  	s16 =	sadd.s32 $0x300, s16;
	s24 =	sadd.s32 $0x300, s24;
	s9 =	sadd.s32 $0x300, s9  }
0x65: {  	s15 =	sadd.s32 $0x300, s15;
	s1 =	sadd.s32 $0x300, s1;
	p0 =	sne.s32 s11, $0xA  }
.Ltmp5:
0x66: {  	s0 =	sadd.s32 $0x300, s0;
	s3 =	rddreg [dreg:$0x16];
	(pc) =	sbr.rel @!p0 .LBB2_54-.Ltmp5, $4  }
0x67: {  	s28 =	rddreg [dreg:$0x17];
	s21 =	sadd.s32 $0x300, s21;
	s29 =	sadd.s32 $0x300, s29  }
0x68: {  	s13 =	sadd.s32 $0x300, s13;
	s23 =	sadd.s32 $0x300, s23;
	s3 =	sadd.s32 $0x300, s3  }
0x69: {  	s22 =	sadd.s32 $0x300, s22;
	[dreg:$0x16] =	wrdreg s3;
	s3 =	sadd.s32 $0x300, s28  }
0x6a: {  	s8 =	sadd.s32 $0x300, s8;
	s10 =	sadd.s32 $0x300, s10;
	[dreg:$0x17] =	wrdreg s3  }
.LBB2_6:
0x6b: {  	s26 =	smul.u32 $0x6, s11;
	_ =	sdelay $0x1  }
0x6c: {  	s3 =	sadd.s32 $0xFFFFFFFA, s26  }
0x6d: {  	p0 =	sgt.u32 s3, $0x31  }
0x6e: {  	s3 =	simm.s32 @!p0 $0x7  }
0x6f: {  	p1 =	seq.s32 s11, $0x9;
	_ =	swait.ge @!p0 [sflag:s3], $0x2000  }
.Ltmp6:
0x70: {  	[sflag:s3] =	ssyncset.done @!p0 $0x0;
	(pc) =	sbr.rel @!p1 .LBB2_8-.Ltmp6, $4  }
0x71: {  	[sflag:s3] =	ssyncadd.s32 @!p0 $0xFFFFE000  }
0x72: {  	_ =	swait.ge @!p0 [sflag:s3], $0x1000  }
0x73: {  	[sflag:s3] =	ssyncset.done @!p0 $0x0  }
0x74: {  	[sflag:s3] =	ssyncadd.s32 @!p0 $0xFFFFF000  }
.Ltmp7:
0x75: {  	(pc) =	sbr.rel .LBB2_15-.Ltmp7, $2  }
0x76: {  	_ =	sdelay $0x2  }
0x77: {  	p0 =	por $0x0, $0x0;
	s3 =	simm.s32 $0x37  }
.LBB2_8:
0x78: {  	s5 =	smul.u32 $0x300, s11  }
0x79: {  	s3 =	rddreg [dreg:$0x8];
	s6 =	simm.s32 $0x80;
	s17 =	simm.s32 $0x6400  }
0x7a: {  	[tilespmem:s17], [sflag:$0x1] =	stream.indirect.gather [hbm4b:s3+s6], $0x40, s5, s6, $0xb8;
	[tilespmem:$0x1B320] =	vst v63  }
0x7b: {  	v32 =	vld [tilespmem:s9+$0x0];
	_ =	sdelay $0x1  }
0x7c: {  	v33 =	vld [tilespmem:s24+$0x0];
	_ =	sdelay $0x2  }
0x7d: {  	v32 =	vmul.u32 $0x18, v32;
	_ =	sdelay $0x1  }
0x7e: {  	s25 =	simm.s32 $0x0;
	v33 =	vmul.u32 v33, v32  }
0x7f: {  	v35 =	vmov s25;
	v34 =	vld [tilespmem:s16+$0x0]  }
0x80: {  	v35 =	vmul.u32 $0x28, v35;
	_ =	sdelay $0x1  }
0x81: {  	v35 =	vbroadcast v35, $0x0;
	_ =	sdelay $0x1  }
0x82: {  	v37 =	vadd.s32 v0, v35;
	v32 =	vmul.u32 v34, v32;
	v36 =	vld.idx.msk [tilespmem:v33+s30+$0x0], $0xffff;
	_ =	sdelay $0x4  }
0x83: {  	[tilespmem:v37+s14+$0x0] =	vst.idx.msk $0xffff, v36  }
0x84: {  	v54 =	vadd.s32 v1, v35;
	v34 =	vld.idx.msk [tilespmem:v32+s2+$0x0], $0xffff  }
0x85: {  	v55 =	vor.u32 $0x1, v33;
	_ =	sdelay $0x3  }
0x86: {  	[tilespmem:v54+s14+$0x0] =	vst.idx.msk $0xffff, v34  }
0x87: {  	v56 =	vadd.s32 v2, v35;
	v34 =	vld.idx.msk [tilespmem:v55+s30+$0x0], $0xffff  }
0x88: {  	v57 =	vor.u32 $0x1, v32;
	_ =	sdelay $0x3  }
0x89: {  	[tilespmem:v56+s14+$0x0] =	vst.idx.msk $0xffff, v34  }
0x8a: {  	v58 =	vadd.s32 v3, v35;
	v34 =	vld.idx.msk [tilespmem:v57+s2+$0x0], $0xffff  }
0x8b: {  	v59 =	vor.u32 $0x2, v33;
	_ =	sdelay $0x3  }
0x8c: {  	[tilespmem:v58+s14+$0x0] =	vst.idx.msk $0xffff, v34  }
0x8d: {  	v60 =	vadd.s32 v4, v35;
	v34 =	vld.idx.msk [tilespmem:v59+s30+$0x0], $0xffff  }
0x8e: {  	v61 =	vor.u32 $0x2, v32;
	_ =	sdelay $0x3  }
0x8f: {  	[tilespmem:v60+s14+$0x0] =	vst.idx.msk $0xffff, v34  }
0x90: {  	v62 =	vadd.s32 v5, v35;
	v34 =	vld.idx.msk [tilespmem:v61+s2+$0x0], $0xffff  }
0x91: {  	v63 =	vor.u32 $0x3, v33;
	_ =	sdelay $0x3  }
0x92: {  	[tilespmem:v62+s14+$0x0] =	vst.idx.msk $0xffff, v34  }
0x93: {  	v40 =	vadd.s32 v6, v35;
	v34 =	vld.idx.msk [tilespmem:v63+s30+$0x0], $0xffff  }
0x94: {  	v41 =	vor.u32 $0x3, v32;
	_ =	sdelay $0x3  }
0x95: {  	[tilespmem:v40+s14+$0x0] =	vst.idx.msk $0xffff, v34  }
0x96: {  	v42 =	vadd.s32 v7, v35;
	v34 =	vld.idx.msk [tilespmem:v41+s2+$0x0], $0xffff  }
0x97: {  	v43 =	vor.u32 $0x4, v33;
	_ =	sdelay $0x3  }
0x98: {  	[tilespmem:v42+s14+$0x0] =	vst.idx.msk $0xffff, v34  }
0x99: {  	v44 =	vadd.s32 v8, v35;
	v34 =	vld.idx.msk [tilespmem:v43+s30+$0x0], $0xffff  }
0x9a: {  	v45 =	vor.u32 $0x4, v32;
	_ =	sdelay $0x3  }
0x9b: {  	[tilespmem:v44+s14+$0x0] =	vst.idx.msk $0xffff, v34  }
0x9c: {  	v46 =	vadd.s32 v9, v35;
	v34 =	vld.idx.msk [tilespmem:v45+s2+$0x0], $0xffff  }
0x9d: {  	v47 =	vor.u32 $0x5, v33;
	_ =	sdelay $0x3  }
0x9e: {  	[tilespmem:v46+s14+$0x0] =	vst.idx.msk $0xffff, v34  }
0x9f: {  	v48 =	vadd.s32 v10, v35;
	v34 =	vld.idx.msk [tilespmem:v47+s30+$0x0], $0xffff  }
0xa0: {  	v49 =	vor.u32 $0x5, v32;
	_ =	sdelay $0x3  }
0xa1: {  	[tilespmem:v48+s14+$0x0] =	vst.idx.msk $0xffff, v34  }
0xa2: {  	v50 =	vadd.s32 v11, v35;
	v34 =	vld.idx.msk [tilespmem:v49+s2+$0x0], $0xffff  }
0xa3: {  	v51 =	vor.u32 $0x6, v33;
	_ =	sdelay $0x3  }
0xa4: {  	[tilespmem:v50+s14+$0x0] =	vst.idx.msk $0xffff, v34  }
0xa5: {  	v52 =	vadd.s32 v12, v35;
	v34 =	vld.idx.msk [tilespmem:v51+s30+$0x0], $0xffff  }
0xa6: {  	v53 =	vor.u32 $0x6, v32;
	_ =	sdelay $0x3  }
0xa7: {  	[tilespmem:v52+s14+$0x0] =	vst.idx.msk $0xffff, v34  }
0xa8: {  	v54 =	vadd.s32 v13, v35;
	v34 =	vld.idx.msk [tilespmem:v53+s2+$0x0], $0xffff  }
0xa9: {  	v55 =	vor.u32 $0x7, v33;
	_ =	sdelay $0x3  }
0xaa: {  	[tilespmem:v54+s14+$0x0] =	vst.idx.msk $0xffff, v34  }
0xab: {  	v56 =	vadd.s32 v14, v35;
	v34 =	vld.idx.msk [tilespmem:v55+s30+$0x0], $0xffff  }
0xac: {  	v57 =	vor.u32 $0x7, v32;
	_ =	sdelay $0x3  }
0xad: {  	[tilespmem:v56+s14+$0x0] =	vst.idx.msk $0xffff, v34  }
0xae: {  	v58 =	vadd.s32 v15, v35;
	v34 =	vld.idx.msk [tilespmem:v57+s2+$0x0], $0xffff  }
0xaf: {  	v59 =	vadd.s32 $0x8, v33;
	_ =	sdelay $0x3  }
0xb0: {  	[tilespmem:v58+s14+$0x0] =	vst.idx.msk $0xffff, v34  }
0xb1: {  	v60 =	vadd.s32 v16, v35;
	v34 =	vld.idx.msk [tilespmem:v59+s30+$0x0], $0xffff  }
0xb2: {  	v61 =	vadd.s32 $0x8, v32;
	_ =	sdelay $0x3  }
0xb3: {  	[tilespmem:v60+s14+$0x0] =	vst.idx.msk $0xffff, v34  }
0xb4: {  	v62 =	vadd.s32 v17, v35;
	v34 =	vld.idx.msk [tilespmem:v61+s2+$0x0], $0xffff  }
0xb5: {  	v63 =	vadd.s32 $0x9, v33;
	_ =	sdelay $0x3  }
0xb6: {  	[tilespmem:v62+s14+$0x0] =	vst.idx.msk $0xffff, v34  }
0xb7: {  	v40 =	vadd.s32 v18, v35;
	v34 =	vld.idx.msk [tilespmem:v63+s30+$0x0], $0xffff  }
0xb8: {  	v41 =	vadd.s32 $0x9, v32;
	_ =	sdelay $0x3  }
0xb9: {  	[tilespmem:v40+s14+$0x0] =	vst.idx.msk $0xffff, v34  }
0xba: {  	v42 =	vadd.s32 v19, v35;
	v34 =	vld.idx.msk [tilespmem:v41+s2+$0x0], $0xffff  }
0xbb: {  	v43 =	vadd.s32 $0xA, v33;
	_ =	sdelay $0x3  }
0xbc: {  	[tilespmem:v42+s14+$0x0] =	vst.idx.msk $0xffff, v34  }
0xbd: {  	v44 =	vadd.s32 v20, v35;
	v34 =	vld.idx.msk [tilespmem:v43+s30+$0x0], $0xffff  }
0xbe: {  	v45 =	vadd.s32 $0xA, v32;
	_ =	sdelay $0x3  }
0xbf: {  	[tilespmem:v44+s14+$0x0] =	vst.idx.msk $0xffff, v34  }
0xc0: {  	v46 =	vadd.s32 v21, v35;
	v34 =	vld.idx.msk [tilespmem:v45+s2+$0x0], $0xffff  }
0xc1: {  	v47 =	vadd.s32 $0xB, v33;
	_ =	sdelay $0x3  }
0xc2: {  	[tilespmem:v46+s14+$0x0] =	vst.idx.msk $0xffff, v34  }
0xc3: {  	v48 =	vadd.s32 v22, v35;
	v34 =	vld.idx.msk [tilespmem:v47+s30+$0x0], $0xffff  }
0xc4: {  	v49 =	vadd.s32 $0xB, v32;
	_ =	sdelay $0x3  }
0xc5: {  	[tilespmem:v48+s14+$0x0] =	vst.idx.msk $0xffff, v34  }
0xc6: {  	v50 =	vadd.s32 v23, v35;
	v34 =	vld.idx.msk [tilespmem:v49+s2+$0x0], $0xffff  }
0xc7: {  	v51 =	vadd.s32 $0xC, v33;
	_ =	sdelay $0x3  }
0xc8: {  	[tilespmem:v50+s14+$0x0] =	vst.idx.msk $0xffff, v34  }
0xc9: {  	v52 =	vadd.s32 v24, v35;
	v34 =	vld.idx.msk [tilespmem:v51+s30+$0x0], $0xffff  }
0xca: {  	v53 =	vadd.s32 $0xC, v32;
	_ =	sdelay $0x3  }
0xcb: {  	[tilespmem:v52+s14+$0x0] =	vst.idx.msk $0xffff, v34  }
0xcc: {  	v54 =	vadd.s32 v25, v35;
	v34 =	vld.idx.msk [tilespmem:v53+s2+$0x0], $0xffff  }
0xcd: {  	v55 =	vadd.s32 $0xD, v33;
	_ =	sdelay $0x3  }
0xce: {  	[tilespmem:v54+s14+$0x0] =	vst.idx.msk $0xffff, v34  }
0xcf: {  	v56 =	vadd.s32 v26, v35;
	v34 =	vld.idx.msk [tilespmem:v55+s30+$0x0], $0xffff  }
0xd0: {  	v57 =	vadd.s32 $0xD, v32;
	_ =	sdelay $0x3  }
0xd1: {  	[tilespmem:v56+s14+$0x0] =	vst.idx.msk $0xffff, v34  }
0xd2: {  	v58 =	vadd.s32 v27, v35;
	v34 =	vld.idx.msk [tilespmem:v57+s2+$0x0], $0xffff  }
0xd3: {  	v59 =	vadd.s32 $0xE, v33;
	_ =	sdelay $0x3  }
0xd4: {  	[tilespmem:v58+s14+$0x0] =	vst.idx.msk $0xffff, v34  }
0xd5: {  	v60 =	vadd.s32 v28, v35;
	v34 =	vld.idx.msk [tilespmem:v59+s30+$0x0], $0xffff  }
0xd6: {  	v61 =	vadd.s32 $0xE, v32;
	_ =	sdelay $0x3  }
0xd7: {  	[tilespmem:v60+s14+$0x0] =	vst.idx.msk $0xffff, v34  }
0xd8: {  	v62 =	vadd.s32 v29, v35;
	v34 =	vld.idx.msk [tilespmem:v61+s2+$0x0], $0xffff  }
0xd9: {  	v33 =	vadd.s32 $0xF, v33;
	_ =	sdelay $0x3  }
0xda: {  	[tilespmem:v62+s14+$0x0] =	vst.idx.msk $0xffff, v34  }
0xdb: {  	v63 =	vadd.s32 v30, v35;
	v33 =	vld.idx.msk [tilespmem:v33+s30+$0x0], $0xffff  }
0xdc: {  	v32 =	vadd.s32 $0xF, v32;
	_ =	sdelay $0x3  }
0xdd: {  	s28 =	smov.u32 s9;
	[tilespmem:v63+s14+$0x0] =	vst.idx.msk $0xffff, v33  }
0xde: {  	s25 =	smov.u32 s24;
	s6 =	simm.s32 $0x10;
	s17 =	smov.u32 s16;
	v33 =	vld.idx.msk [tilespmem:v32+s2+$0x0], $0xffff;
	v32 =	vadd.s32 v31, v35  }
.LBB2_9:
0xdf: {  	_ =	sdelay $0x3  }
0xe0: {  	s17 =	sadd.s32 $0x10, s17;
	s25 =	sadd.s32 $0x10, s25;
	s28 =	sadd.s32 $0x10, s28;
	[tilespmem:v32+s14+$0x0] =	vst.idx.msk $0xffff, v33  }
0xe1: {  	p0 =	sne.s32 s6, $0x70;
	s3 =	smov.u32 s6;
	s6 =	sadd.s32 $0x10, s6;
	v32 =	vld [tilespmem:s28+$0x0]  }
0xe2: {  	_ = 	snop  }
0xe3: {  	v33 =	vld [tilespmem:s25+$0x0];
	_ =	sdelay $0x2  }
0xe4: {  	v34 =	vmul.u32 $0x18, v32;
	_ =	sdelay $0x1  }
0xe5: {  	v33 =	vmul.u32 v33, v34;
	_ =	sdelay $0x1  }
0xe6: {  	v32 =	vmov s3;
	v35 =	vld [tilespmem:s17+$0x0]  }
0xe7: {  	v32 =	vmul.u32 $0x28, v32;
	_ =	sdelay $0x1  }
0xe8: {  	v32 =	vbroadcast v32, $0x0  }
0xe9: {  	v36 =	vld.idx.msk [tilespmem:v33+s30+$0x0], $0xffff  }
0xea: {  	v37 =	vadd.s32 v0, v32;
	v34 =	vmul.u32 v35, v34;
	_ =	sdelay $0x4  }
0xeb: {  	[tilespmem:v37+s14+$0x0] =	vst.idx.msk $0xffff, v36  }
0xec: {  	v35 =	vld.idx.msk [tilespmem:v34+s2+$0x0], $0xffff  }
0xed: {  	v36 =	vadd.s32 v1, v32  }
0xee: {  	v37 =	vor.u32 $0x1, v33;
	_ =	sdelay $0x3  }
0xef: {  	[tilespmem:v36+s14+$0x0] =	vst.idx.msk $0xffff, v35  }
0xf0: {  	v35 =	vld.idx.msk [tilespmem:v37+s30+$0x0], $0xffff  }
0xf1: {  	v36 =	vadd.s32 v2, v32  }
0xf2: {  	v37 =	vor.u32 $0x1, v34;
	_ =	sdelay $0x3  }
0xf3: {  	[tilespmem:v36+s14+$0x0] =	vst.idx.msk $0xffff, v35  }
0xf4: {  	v35 =	vld.idx.msk [tilespmem:v37+s2+$0x0], $0xffff  }
0xf5: {  	v36 =	vadd.s32 v3, v32  }
0xf6: {  	v37 =	vor.u32 $0x2, v33;
	_ =	sdelay $0x3  }
0xf7: {  	[tilespmem:v36+s14+$0x0] =	vst.idx.msk $0xffff, v35  }
0xf8: {  	v35 =	vld.idx.msk [tilespmem:v37+s30+$0x0], $0xffff  }
0xf9: {  	v36 =	vadd.s32 v4, v32  }
0xfa: {  	v37 =	vor.u32 $0x2, v34;
	_ =	sdelay $0x3  }
0xfb: {  	[tilespmem:v36+s14+$0x0] =	vst.idx.msk $0xffff, v35  }
0xfc: {  	v35 =	vld.idx.msk [tilespmem:v37+s2+$0x0], $0xffff  }
0xfd: {  	v36 =	vadd.s32 v5, v32  }
0xfe: {  	v37 =	vor.u32 $0x3, v33;
	_ =	sdelay $0x3  }
0xff: {  	[tilespmem:v36+s14+$0x0] =	vst.idx.msk $0xffff, v35  }
0x100: {  	v35 =	vld.idx.msk [tilespmem:v37+s30+$0x0], $0xffff  }
0x101: {  	v36 =	vadd.s32 v6, v32  }
0x102: {  	v37 =	vor.u32 $0x3, v34;
	_ =	sdelay $0x3  }
0x103: {  	[tilespmem:v36+s14+$0x0] =	vst.idx.msk $0xffff, v35  }
0x104: {  	v35 =	vld.idx.msk [tilespmem:v37+s2+$0x0], $0xffff  }
0x105: {  	v36 =	vadd.s32 v7, v32  }
0x106: {  	v37 =	vor.u32 $0x4, v33;
	_ =	sdelay $0x3  }
0x107: {  	[tilespmem:v36+s14+$0x0] =	vst.idx.msk $0xffff, v35  }
0x108: {  	v35 =	vld.idx.msk [tilespmem:v37+s30+$0x0], $0xffff  }
0x109: {  	v36 =	vadd.s32 v8, v32  }
0x10a: {  	v37 =	vor.u32 $0x4, v34;
	_ =	sdelay $0x3  }
0x10b: {  	[tilespmem:v36+s14+$0x0] =	vst.idx.msk $0xffff, v35  }
0x10c: {  	v35 =	vld.idx.msk [tilespmem:v37+s2+$0x0], $0xffff  }
0x10d: {  	v36 =	vadd.s32 v9, v32  }
0x10e: {  	v37 =	vor.u32 $0x5, v33;
	_ =	sdelay $0x3  }
0x10f: {  	[tilespmem:v36+s14+$0x0] =	vst.idx.msk $0xffff, v35  }
0x110: {  	v35 =	vld.idx.msk [tilespmem:v37+s30+$0x0], $0xffff  }
0x111: {  	v36 =	vadd.s32 v10, v32  }
0x112: {  	v37 =	vor.u32 $0x5, v34;
	_ =	sdelay $0x3  }
0x113: {  	[tilespmem:v36+s14+$0x0] =	vst.idx.msk $0xffff, v35  }
0x114: {  	v35 =	vld.idx.msk [tilespmem:v37+s2+$0x0], $0xffff  }
0x115: {  	v36 =	vadd.s32 v11, v32  }
0x116: {  	v37 =	vor.u32 $0x6, v33;
	_ =	sdelay $0x3  }
0x117: {  	[tilespmem:v36+s14+$0x0] =	vst.idx.msk $0xffff, v35  }
0x118: {  	v35 =	vld.idx.msk [tilespmem:v37+s30+$0x0], $0xffff  }
0x119: {  	v36 =	vadd.s32 v12, v32  }
0x11a: {  	v37 =	vor.u32 $0x6, v34;
	_ =	sdelay $0x3  }
0x11b: {  	[tilespmem:v36+s14+$0x0] =	vst.idx.msk $0xffff, v35  }
0x11c: {  	v35 =	vld.idx.msk [tilespmem:v37+s2+$0x0], $0xffff  }
0x11d: {  	v36 =	vadd.s32 v13, v32  }
0x11e: {  	v37 =	vor.u32 $0x7, v33;
	_ =	sdelay $0x3  }
0x11f: {  	[tilespmem:v36+s14+$0x0] =	vst.idx.msk $0xffff, v35  }
0x120: {  	v35 =	vld.idx.msk [tilespmem:v37+s30+$0x0], $0xffff  }
0x121: {  	v36 =	vadd.s32 v14, v32  }
0x122: {  	v37 =	vor.u32 $0x7, v34;
	_ =	sdelay $0x3  }
0x123: {  	[tilespmem:v36+s14+$0x0] =	vst.idx.msk $0xffff, v35  }
0x124: {  	v35 =	vld.idx.msk [tilespmem:v37+s2+$0x0], $0xffff  }
0x125: {  	v36 =	vadd.s32 v15, v32  }
0x126: {  	v37 =	vadd.s32 $0x8, v33;
	_ =	sdelay $0x3  }
0x127: {  	[tilespmem:v36+s14+$0x0] =	vst.idx.msk $0xffff, v35  }
0x128: {  	v35 =	vld.idx.msk [tilespmem:v37+s30+$0x0], $0xffff  }
0x129: {  	v36 =	vadd.s32 v16, v32  }
0x12a: {  	v37 =	vadd.s32 $0x8, v34;
	_ =	sdelay $0x3  }
0x12b: {  	[tilespmem:v36+s14+$0x0] =	vst.idx.msk $0xffff, v35  }
0x12c: {  	v35 =	vld.idx.msk [tilespmem:v37+s2+$0x0], $0xffff  }
0x12d: {  	v36 =	vadd.s32 v17, v32  }
0x12e: {  	v37 =	vadd.s32 $0x9, v33;
	_ =	sdelay $0x3  }
0x12f: {  	[tilespmem:v36+s14+$0x0] =	vst.idx.msk $0xffff, v35  }
0x130: {  	v35 =	vld.idx.msk [tilespmem:v37+s30+$0x0], $0xffff  }
0x131: {  	v36 =	vadd.s32 v18, v32  }
0x132: {  	v37 =	vadd.s32 $0x9, v34;
	_ =	sdelay $0x3  }
0x133: {  	[tilespmem:v36+s14+$0x0] =	vst.idx.msk $0xffff, v35  }
0x134: {  	v35 =	vld.idx.msk [tilespmem:v37+s2+$0x0], $0xffff  }
0x135: {  	v36 =	vadd.s32 v19, v32  }
0x136: {  	v37 =	vadd.s32 $0xA, v33;
	_ =	sdelay $0x3  }
0x137: {  	[tilespmem:v36+s14+$0x0] =	vst.idx.msk $0xffff, v35  }
0x138: {  	v35 =	vld.idx.msk [tilespmem:v37+s30+$0x0], $0xffff  }
0x139: {  	v36 =	vadd.s32 v20, v32  }
0x13a: {  	v37 =	vadd.s32 $0xA, v34;
	_ =	sdelay $0x3  }
0x13b: {  	[tilespmem:v36+s14+$0x0] =	vst.idx.msk $0xffff, v35  }
0x13c: {  	v35 =	vld.idx.msk [tilespmem:v37+s2+$0x0], $0xffff  }
0x13d: {  	v36 =	vadd.s32 v21, v32  }
0x13e: {  	v37 =	vadd.s32 $0xB, v33;
	_ =	sdelay $0x3  }
0x13f: {  	[tilespmem:v36+s14+$0x0] =	vst.idx.msk $0xffff, v35  }
0x140: {  	v35 =	vld.idx.msk [tilespmem:v37+s30+$0x0], $0xffff  }
0x141: {  	v36 =	vadd.s32 v22, v32  }
0x142: {  	v37 =	vadd.s32 $0xB, v34;
	_ =	sdelay $0x3  }
0x143: {  	[tilespmem:v36+s14+$0x0] =	vst.idx.msk $0xffff, v35  }
0x144: {  	v35 =	vld.idx.msk [tilespmem:v37+s2+$0x0], $0xffff  }
0x145: {  	v36 =	vadd.s32 v23, v32  }
0x146: {  	v37 =	vadd.s32 $0xC, v33;
	_ =	sdelay $0x3  }
0x147: {  	[tilespmem:v36+s14+$0x0] =	vst.idx.msk $0xffff, v35  }
0x148: {  	v35 =	vld.idx.msk [tilespmem:v37+s30+$0x0], $0xffff  }
0x149: {  	v36 =	vadd.s32 v24, v32  }
0x14a: {  	v37 =	vadd.s32 $0xC, v34;
	_ =	sdelay $0x3  }
0x14b: {  	[tilespmem:v36+s14+$0x0] =	vst.idx.msk $0xffff, v35  }
0x14c: {  	v35 =	vld.idx.msk [tilespmem:v37+s2+$0x0], $0xffff  }
0x14d: {  	v36 =	vadd.s32 v25, v32  }
0x14e: {  	v37 =	vadd.s32 $0xD, v33;
	_ =	sdelay $0x3  }
0x14f: {  	[tilespmem:v36+s14+$0x0] =	vst.idx.msk $0xffff, v35  }
0x150: {  	v35 =	vld.idx.msk [tilespmem:v37+s30+$0x0], $0xffff  }
0x151: {  	v36 =	vadd.s32 v26, v32  }
0x152: {  	v37 =	vadd.s32 $0xD, v34;
	_ =	sdelay $0x3  }
0x153: {  	[tilespmem:v36+s14+$0x0] =	vst.idx.msk $0xffff, v35  }
0x154: {  	v35 =	vld.idx.msk [tilespmem:v37+s2+$0x0], $0xffff  }
0x155: {  	v36 =	vadd.s32 v27, v32  }
0x156: {  	v37 =	vadd.s32 $0xE, v33;
	_ =	sdelay $0x3  }
0x157: {  	[tilespmem:v36+s14+$0x0] =	vst.idx.msk $0xffff, v35  }
0x158: {  	v35 =	vld.idx.msk [tilespmem:v37+s30+$0x0], $0xffff  }
0x159: {  	v36 =	vadd.s32 v28, v32  }
0x15a: {  	v37 =	vadd.s32 $0xE, v34;
	_ =	sdelay $0x3  }
0x15b: {  	[tilespmem:v36+s14+$0x0] =	vst.idx.msk $0xffff, v35  }
0x15c: {  	v35 =	vld.idx.msk [tilespmem:v37+s2+$0x0], $0xffff  }
0x15d: {  	v36 =	vadd.s32 v29, v32  }
0x15e: {  	v33 =	vadd.s32 $0xF, v33;
	_ =	sdelay $0x3  }
0x15f: {  	[tilespmem:v36+s14+$0x0] =	vst.idx.msk $0xffff, v35  }
0x160: {  	v33 =	vld.idx.msk [tilespmem:v33+s30+$0x0], $0xffff  }
0x161: {  	v35 =	vadd.s32 v30, v32  }
0x162: {  	v34 =	vadd.s32 $0xF, v34;
	_ =	sdelay $0x1  }
.Ltmp8:
0x163: {  	(pc) =	sbr.rel @p0 .LBB2_9-.Ltmp8, $4  }
0x164: {  	_ = 	snop  }
0x165: {  	[tilespmem:v35+s14+$0x0] =	vst.idx.msk $0xffff, v33  }
0x166: {  	v33 =	vld.idx.msk [tilespmem:v34+s2+$0x0], $0xffff  }
0x167: {  	v32 =	vadd.s32 v31, v32  }
0x168: {  	s3 =	sadd.s32 $0xFFFFFFFE, s26  }
0x169: {  	p0 =	sgt.u32 s3, $0x31  }
.Ltmp9:
0x16a: {  	_ = 	snop;
	(pc) =	sbr.rel @p0 .LBB2_14-.Ltmp9, $2  }
0x16b: {  	_ =	sdelay $0x2  }
0x16c: {  	[tilespmem:v32+s14+$0x0] =	vst.idx.msk $0xffff, v33  }
0x16d: {  	s6 =	rddreg [dreg:$0x11];
	s17 =	simm.s32 $0x5  }
0x16e: {  	s5 =	sadd.s32 s5, s6;
	_ =	swait.ge [sflag:s17], $0x2000  }
0x16f: {  	s5 =	smul.u32 $0x60, s5;
	[sflag:s17] =	ssyncset.done $0x0  }
0x170: {  	[sflag:s17] =	ssyncadd.s32 $0xFFFFE000  }
0x171: {  	s25 =	simm.s32 $0x40;
	s5 =	sshrl.u32 s5, $0x3;
	s6 =	rddreg [dreg:$0x4]  }
0x172: {  	s28 =	simm.s32 $0x60;
	s17 =	simm.s32 $0xE400;
	s6 =	sadd.s32 s6, s5  }
0x173: {  	[hbm4b:s6+s25] =	stream.strided.scatter [tilespmem:s17], [sflag:$0xB], $0x2000, s28, s25, $0x38;
	[tilespmem:$0x1B320] =	vst v63  }
0x174: {  	s25 =	rddreg [dreg:$0x12]  }
0x175: {  	s6 =	simm.s32 $0x17400;
	s5 =	sadd.s32 s5, s25  }
0x176: {  	s17 =	simm.s32 $0xC;
	s25 =	simm.s32 $0x17428;
	s28 =	sadd.s32 $0x0, s5  }
.LBB2_12:
0x177: {  	[hbm4b:s28+s4] =	stream.linear.scatter [tilespmem:s6], [sflag:$0xB], $0x20, $0x38;
	[tilespmem:$0x1B320] =	vst v63  }
0x178: {  	s28 =	smov.u32 s17;
	s6 =	smov.u32 s25;
	p0 =	sne.s32 s17, $0x5F4  }
.Ltmp10:
0x179: {  	s17 =	sadd.s32 $0xC, s17;
	(pc) =	sbr.rel @p0 .LBB2_12-.Ltmp10, $2  }
0x17a: {  	_ =	sdelay $0x2  }
0x17b: {  	s25 =	sadd.s32 $0x28, s25;
	s28 =	sadd.s32 s28, s5  }
0x17c: {  	[hbm4b:s28+s4] =	stream.linear.scatter [tilespmem:s6], [sflag:$0xB], $0x20, $0x38;
	[tilespmem:$0x1B320] =	vst v63  }
.LBB2_14:
0x17d: {  	p1 =	seq.s32 s11, $0x0  }
.Ltmp11:
0x17e: {  	_ = 	snop;
	(pc) =	sbr.rel @p1 .LBB2_18-.Ltmp11, $2  }
0x17f: {  	_ =	sdelay $0x2  }
0x180: {  	p0 =	slt.u32 s3, $0x32;
	s3 =	sor.u32 $0x1, s26  }
.LBB2_15:
0x181: {  	s5 =	simm.s32 $0x8  }
0x182: {  	p1 =	sne.s32 s11, $0x9;
	_ =	swait.ge [sflag:s5], $0x2000  }
.Ltmp12:
0x183: {  	[sflag:s5] =	ssyncset.done $0x0;
	(pc) =	sbr.rel @p1 .LBB2_18-.Ltmp12, $4  }
0x184: {  	[sflag:s5] =	ssyncadd.s32 $0xFFFFE000  }
0x185: {  	_ =	swait.ge [sflag:s5], $0x1000  }
0x186: {  	[sflag:s5] =	ssyncset.done $0x0  }
0x187: {  	[sflag:s5] =	ssyncadd.s32 $0xFFFFF000  }
.Ltmp13:
0x188: {  	(pc) =	sbr.rel @!p0 .LBB2_54-.Ltmp13, $1  }
0x189: {  	_ =	sdelay $0x3  }
.Ltmp14:
0x18a: {  	(pc) =	sbr.rel .LBB2_39-.Ltmp14, $3  }
0x18b: {  	_ =	sdelay $0x1  }
0x18c: {  	s3 =	simm.s32 $0x38  }
0x18d: {  	s26 =	simm.s32 $0x39;
	p1 =	por $0x0, $0x0;
	[dreg:$0x18] =	wrdreg s3  }
.LBB2_18:
0x18e: {  	s25 =	sshll.u32 s3, $0x7  }
0x18f: {  	s5 =	rddreg [dreg:$0x8];
	s6 =	simm.s32 $0x80;
	s17 =	simm.s32 $0x8400  }
0x190: {  	[tilespmem:s17], [sflag:$0x2] =	stream.indirect.gather [hbm4b:s5+s6], $0x40, s25, s6, $0xb8;
	[tilespmem:$0x1B320] =	vst v63  }
0x191: {  	[dreg:$0x19] =	wrdreg s25;
	s25 =	sshll.u32 s3, $0x9  }
0x192: {  	s3 =	sshra.s32 s25, $0x2  }
0x193: {  	s5 =	sadd.s32 $0x4B00, s3  }
0x194: {  	v32 =	vld [tilespmem:s5+$0x0]  }
0x195: {  	s6 =	sadd.s32 $0x1900, s3  }
0x196: {  	v33 =	vld [tilespmem:s6+$0x0];
	_ =	sdelay $0x2  }
0x197: {  	v32 =	vmul.u32 $0x18, v32;
	_ =	sdelay $0x1  }
0x198: {  	s28 =	simm.s32 $0x0;
	s17 =	sadd.s32 $0x3200, s3;
	v33 =	vmul.u32 v33, v32  }
0x199: {  	v35 =	vmov s28;
	v34 =	vld [tilespmem:s17+$0x0]  }
0x19a: {  	v35 =	vmul.u32 $0x28, v35;
	_ =	sdelay $0x1  }
0x19b: {  	v35 =	vbroadcast v35, $0x0;
	_ =	sdelay $0x1  }
0x19c: {  	v37 =	vadd.s32 v0, v35;
	v32 =	vmul.u32 v34, v32;
	v36 =	vld.idx.msk [tilespmem:v33+s30+$0x0], $0xffff;
	_ =	sdelay $0x4  }
0x19d: {  	[tilespmem:v37+s19+$0x0] =	vst.idx.msk $0xffff, v36  }
0x19e: {  	v54 =	vadd.s32 v1, v35;
	v34 =	vld.idx.msk [tilespmem:v32+s2+$0x0], $0xffff  }
0x19f: {  	v55 =	vor.u32 $0x1, v33;
	_ =	sdelay $0x3  }
0x1a0: {  	[tilespmem:v54+s19+$0x0] =	vst.idx.msk $0xffff, v34  }
0x1a1: {  	v56 =	vadd.s32 v2, v35;
	v34 =	vld.idx.msk [tilespmem:v55+s30+$0x0], $0xffff  }
0x1a2: {  	v57 =	vor.u32 $0x1, v32;
	_ =	sdelay $0x3  }
0x1a3: {  	[tilespmem:v56+s19+$0x0] =	vst.idx.msk $0xffff, v34  }
0x1a4: {  	v58 =	vadd.s32 v3, v35;
	v34 =	vld.idx.msk [tilespmem:v57+s2+$0x0], $0xffff  }
0x1a5: {  	v59 =	vor.u32 $0x2, v33;
	_ =	sdelay $0x3  }
0x1a6: {  	[tilespmem:v58+s19+$0x0] =	vst.idx.msk $0xffff, v34  }
0x1a7: {  	v60 =	vadd.s32 v4, v35;
	v34 =	vld.idx.msk [tilespmem:v59+s30+$0x0], $0xffff  }
0x1a8: {  	v61 =	vor.u32 $0x2, v32;
	_ =	sdelay $0x3  }
0x1a9: {  	[tilespmem:v60+s19+$0x0] =	vst.idx.msk $0xffff, v34  }
0x1aa: {  	v62 =	vadd.s32 v5, v35;
	v34 =	vld.idx.msk [tilespmem:v61+s2+$0x0], $0xffff  }
0x1ab: {  	v63 =	vor.u32 $0x3, v33;
	_ =	sdelay $0x3  }
0x1ac: {  	[tilespmem:v62+s19+$0x0] =	vst.idx.msk $0xffff, v34  }
0x1ad: {  	v40 =	vadd.s32 v6, v35;
	v34 =	vld.idx.msk [tilespmem:v63+s30+$0x0], $0xffff  }
0x1ae: {  	v41 =	vor.u32 $0x3, v32;
	_ =	sdelay $0x3  }
0x1af: {  	[tilespmem:v40+s19+$0x0] =	vst.idx.msk $0xffff, v34  }
0x1b0: {  	v42 =	vadd.s32 v7, v35;
	v34 =	vld.idx.msk [tilespmem:v41+s2+$0x0], $0xffff  }
0x1b1: {  	v43 =	vor.u32 $0x4, v33;
	_ =	sdelay $0x3  }
0x1b2: {  	[tilespmem:v42+s19+$0x0] =	vst.idx.msk $0xffff, v34  }
0x1b3: {  	v44 =	vadd.s32 v8, v35;
	v34 =	vld.idx.msk [tilespmem:v43+s30+$0x0], $0xffff  }
0x1b4: {  	v45 =	vor.u32 $0x4, v32;
	_ =	sdelay $0x3  }
0x1b5: {  	[tilespmem:v44+s19+$0x0] =	vst.idx.msk $0xffff, v34  }
0x1b6: {  	v46 =	vadd.s32 v9, v35;
	v34 =	vld.idx.msk [tilespmem:v45+s2+$0x0], $0xffff  }
0x1b7: {  	v47 =	vor.u32 $0x5, v33;
	_ =	sdelay $0x3  }
0x1b8: {  	[tilespmem:v46+s19+$0x0] =	vst.idx.msk $0xffff, v34  }
0x1b9: {  	v48 =	vadd.s32 v10, v35;
	v34 =	vld.idx.msk [tilespmem:v47+s30+$0x0], $0xffff  }
0x1ba: {  	v49 =	vor.u32 $0x5, v32;
	_ =	sdelay $0x3  }
0x1bb: {  	[tilespmem:v48+s19+$0x0] =	vst.idx.msk $0xffff, v34  }
0x1bc: {  	v50 =	vadd.s32 v11, v35;
	v34 =	vld.idx.msk [tilespmem:v49+s2+$0x0], $0xffff  }
0x1bd: {  	v51 =	vor.u32 $0x6, v33;
	_ =	sdelay $0x3  }
0x1be: {  	[tilespmem:v50+s19+$0x0] =	vst.idx.msk $0xffff, v34  }
0x1bf: {  	v52 =	vadd.s32 v12, v35;
	v34 =	vld.idx.msk [tilespmem:v51+s30+$0x0], $0xffff  }
0x1c0: {  	v53 =	vor.u32 $0x6, v32;
	_ =	sdelay $0x3  }
0x1c1: {  	[tilespmem:v52+s19+$0x0] =	vst.idx.msk $0xffff, v34  }
0x1c2: {  	v54 =	vadd.s32 v13, v35;
	v34 =	vld.idx.msk [tilespmem:v53+s2+$0x0], $0xffff  }
0x1c3: {  	v55 =	vor.u32 $0x7, v33;
	_ =	sdelay $0x3  }
0x1c4: {  	[tilespmem:v54+s19+$0x0] =	vst.idx.msk $0xffff, v34  }
0x1c5: {  	v56 =	vadd.s32 v14, v35;
	v34 =	vld.idx.msk [tilespmem:v55+s30+$0x0], $0xffff  }
0x1c6: {  	v57 =	vor.u32 $0x7, v32;
	_ =	sdelay $0x3  }
0x1c7: {  	[tilespmem:v56+s19+$0x0] =	vst.idx.msk $0xffff, v34  }
0x1c8: {  	v58 =	vadd.s32 v15, v35;
	v34 =	vld.idx.msk [tilespmem:v57+s2+$0x0], $0xffff  }
0x1c9: {  	v59 =	vadd.s32 $0x8, v33;
	_ =	sdelay $0x3  }
0x1ca: {  	[tilespmem:v58+s19+$0x0] =	vst.idx.msk $0xffff, v34  }
0x1cb: {  	v60 =	vadd.s32 v16, v35;
	v34 =	vld.idx.msk [tilespmem:v59+s30+$0x0], $0xffff  }
0x1cc: {  	v61 =	vadd.s32 $0x8, v32;
	_ =	sdelay $0x3  }
0x1cd: {  	[tilespmem:v60+s19+$0x0] =	vst.idx.msk $0xffff, v34  }
0x1ce: {  	v62 =	vadd.s32 v17, v35;
	v34 =	vld.idx.msk [tilespmem:v61+s2+$0x0], $0xffff  }
0x1cf: {  	v63 =	vadd.s32 $0x9, v33;
	_ =	sdelay $0x3  }
0x1d0: {  	[tilespmem:v62+s19+$0x0] =	vst.idx.msk $0xffff, v34  }
0x1d1: {  	v40 =	vadd.s32 v18, v35;
	v34 =	vld.idx.msk [tilespmem:v63+s30+$0x0], $0xffff  }
0x1d2: {  	v41 =	vadd.s32 $0x9, v32;
	_ =	sdelay $0x3  }
0x1d3: {  	[tilespmem:v40+s19+$0x0] =	vst.idx.msk $0xffff, v34  }
0x1d4: {  	v42 =	vadd.s32 v19, v35;
	v34 =	vld.idx.msk [tilespmem:v41+s2+$0x0], $0xffff  }
0x1d5: {  	v43 =	vadd.s32 $0xA, v33;
	_ =	sdelay $0x3  }
0x1d6: {  	[tilespmem:v42+s19+$0x0] =	vst.idx.msk $0xffff, v34  }
0x1d7: {  	v44 =	vadd.s32 v20, v35;
	v34 =	vld.idx.msk [tilespmem:v43+s30+$0x0], $0xffff  }
0x1d8: {  	v45 =	vadd.s32 $0xA, v32;
	_ =	sdelay $0x3  }
0x1d9: {  	[tilespmem:v44+s19+$0x0] =	vst.idx.msk $0xffff, v34  }
0x1da: {  	v46 =	vadd.s32 v21, v35;
	v34 =	vld.idx.msk [tilespmem:v45+s2+$0x0], $0xffff  }
0x1db: {  	v47 =	vadd.s32 $0xB, v33;
	_ =	sdelay $0x3  }
0x1dc: {  	[tilespmem:v46+s19+$0x0] =	vst.idx.msk $0xffff, v34  }
0x1dd: {  	v48 =	vadd.s32 v22, v35;
	v34 =	vld.idx.msk [tilespmem:v47+s30+$0x0], $0xffff  }
0x1de: {  	v49 =	vadd.s32 $0xB, v32;
	_ =	sdelay $0x3  }
0x1df: {  	[tilespmem:v48+s19+$0x0] =	vst.idx.msk $0xffff, v34  }
0x1e0: {  	v50 =	vadd.s32 v23, v35;
	v34 =	vld.idx.msk [tilespmem:v49+s2+$0x0], $0xffff  }
0x1e1: {  	v51 =	vadd.s32 $0xC, v33;
	_ =	sdelay $0x3  }
0x1e2: {  	[tilespmem:v50+s19+$0x0] =	vst.idx.msk $0xffff, v34  }
0x1e3: {  	v52 =	vadd.s32 v24, v35;
	v34 =	vld.idx.msk [tilespmem:v51+s30+$0x0], $0xffff  }
0x1e4: {  	v53 =	vadd.s32 $0xC, v32;
	_ =	sdelay $0x3  }
0x1e5: {  	[tilespmem:v52+s19+$0x0] =	vst.idx.msk $0xffff, v34  }
0x1e6: {  	v54 =	vadd.s32 v25, v35;
	v34 =	vld.idx.msk [tilespmem:v53+s2+$0x0], $0xffff  }
0x1e7: {  	v55 =	vadd.s32 $0xD, v33;
	_ =	sdelay $0x3  }
0x1e8: {  	[tilespmem:v54+s19+$0x0] =	vst.idx.msk $0xffff, v34  }
0x1e9: {  	v56 =	vadd.s32 v26, v35;
	v34 =	vld.idx.msk [tilespmem:v55+s30+$0x0], $0xffff  }
0x1ea: {  	v57 =	vadd.s32 $0xD, v32;
	_ =	sdelay $0x3  }
0x1eb: {  	[tilespmem:v56+s19+$0x0] =	vst.idx.msk $0xffff, v34  }
0x1ec: {  	v58 =	vadd.s32 v27, v35;
	v34 =	vld.idx.msk [tilespmem:v57+s2+$0x0], $0xffff  }
0x1ed: {  	v59 =	vadd.s32 $0xE, v33;
	_ =	sdelay $0x3  }
0x1ee: {  	[tilespmem:v58+s19+$0x0] =	vst.idx.msk $0xffff, v34  }
0x1ef: {  	v60 =	vadd.s32 v28, v35;
	v34 =	vld.idx.msk [tilespmem:v59+s30+$0x0], $0xffff  }
0x1f0: {  	v61 =	vadd.s32 $0xE, v32;
	_ =	sdelay $0x3  }
0x1f1: {  	[tilespmem:v60+s19+$0x0] =	vst.idx.msk $0xffff, v34  }
0x1f2: {  	v62 =	vadd.s32 v29, v35;
	v34 =	vld.idx.msk [tilespmem:v61+s2+$0x0], $0xffff  }
0x1f3: {  	v33 =	vadd.s32 $0xF, v33;
	_ =	sdelay $0x3  }
0x1f4: {  	[tilespmem:v62+s19+$0x0] =	vst.idx.msk $0xffff, v34  }
0x1f5: {  	v63 =	vadd.s32 v30, v35;
	v33 =	vld.idx.msk [tilespmem:v33+s30+$0x0], $0xffff  }
0x1f6: {  	v32 =	vadd.s32 $0xF, v32;
	_ =	sdelay $0x3  }
0x1f7: {  	[tilespmem:v63+s19+$0x0] =	vst.idx.msk $0xffff, v33  }
0x1f8: {  	s25 =	simm.s32 $0x10;
	v33 =	vld.idx.msk [tilespmem:v32+s2+$0x0], $0xffff;
	v32 =	vadd.s32 v31, v35  }
.LBB2_19:
0x1f9: {  	_ =	sdelay $0x3  }
0x1fa: {  	s17 =	sadd.s32 $0x10, s17;
	s6 =	sadd.s32 $0x10, s6;
	s5 =	sadd.s32 $0x10, s5;
	[tilespmem:v32+s19+$0x0] =	vst.idx.msk $0xffff, v33  }
0x1fb: {  	p1 =	sne.s32 s25, $0x70;
	s3 =	smov.u32 s25;
	s25 =	sadd.s32 $0x10, s25;
	v32 =	vld [tilespmem:s5+$0x0]  }
0x1fc: {  	_ = 	snop  }
0x1fd: {  	v33 =	vld [tilespmem:s6+$0x0];
	_ =	sdelay $0x2  }
0x1fe: {  	v34 =	vmul.u32 $0x18, v32;
	_ =	sdelay $0x1  }
0x1ff: {  	v33 =	vmul.u32 v33, v34;
	_ =	sdelay $0x1  }
0x200: {  	v32 =	vmov s3;
	v35 =	vld [tilespmem:s17+$0x0]  }
0x201: {  	v32 =	vmul.u32 $0x28, v32;
	_ =	sdelay $0x1  }
0x202: {  	v32 =	vbroadcast v32, $0x0  }
0x203: {  	v36 =	vld.idx.msk [tilespmem:v33+s30+$0x0], $0xffff  }
0x204: {  	v37 =	vadd.s32 v0, v32;
	v34 =	vmul.u32 v35, v34;
	_ =	sdelay $0x4  }
0x205: {  	[tilespmem:v37+s19+$0x0] =	vst.idx.msk $0xffff, v36  }
0x206: {  	v35 =	vld.idx.msk [tilespmem:v34+s2+$0x0], $0xffff  }
0x207: {  	v36 =	vadd.s32 v1, v32  }
0x208: {  	v37 =	vor.u32 $0x1, v33;
	_ =	sdelay $0x3  }
0x209: {  	[tilespmem:v36+s19+$0x0] =	vst.idx.msk $0xffff, v35  }
0x20a: {  	v35 =	vld.idx.msk [tilespmem:v37+s30+$0x0], $0xffff  }
0x20b: {  	v36 =	vadd.s32 v2, v32  }
0x20c: {  	v37 =	vor.u32 $0x1, v34;
	_ =	sdelay $0x3  }
0x20d: {  	[tilespmem:v36+s19+$0x0] =	vst.idx.msk $0xffff, v35  }
0x20e: {  	v35 =	vld.idx.msk [tilespmem:v37+s2+$0x0], $0xffff  }
0x20f: {  	v36 =	vadd.s32 v3, v32  }
0x210: {  	v37 =	vor.u32 $0x2, v33;
	_ =	sdelay $0x3  }
0x211: {  	[tilespmem:v36+s19+$0x0] =	vst.idx.msk $0xffff, v35  }
0x212: {  	v35 =	vld.idx.msk [tilespmem:v37+s30+$0x0], $0xffff  }
0x213: {  	v36 =	vadd.s32 v4, v32  }
0x214: {  	v37 =	vor.u32 $0x2, v34;
	_ =	sdelay $0x3  }
0x215: {  	[tilespmem:v36+s19+$0x0] =	vst.idx.msk $0xffff, v35  }
0x216: {  	v35 =	vld.idx.msk [tilespmem:v37+s2+$0x0], $0xffff  }
0x217: {  	v36 =	vadd.s32 v5, v32  }
0x218: {  	v37 =	vor.u32 $0x3, v33;
	_ =	sdelay $0x3  }
0x219: {  	[tilespmem:v36+s19+$0x0] =	vst.idx.msk $0xffff, v35  }
0x21a: {  	v35 =	vld.idx.msk [tilespmem:v37+s30+$0x0], $0xffff  }
0x21b: {  	v36 =	vadd.s32 v6, v32  }
0x21c: {  	v37 =	vor.u32 $0x3, v34;
	_ =	sdelay $0x3  }
0x21d: {  	[tilespmem:v36+s19+$0x0] =	vst.idx.msk $0xffff, v35  }
0x21e: {  	v35 =	vld.idx.msk [tilespmem:v37+s2+$0x0], $0xffff  }
0x21f: {  	v36 =	vadd.s32 v7, v32  }
0x220: {  	v37 =	vor.u32 $0x4, v33;
	_ =	sdelay $0x3  }
0x221: {  	[tilespmem:v36+s19+$0x0] =	vst.idx.msk $0xffff, v35  }
0x222: {  	v35 =	vld.idx.msk [tilespmem:v37+s30+$0x0], $0xffff  }
0x223: {  	v36 =	vadd.s32 v8, v32  }
0x224: {  	v37 =	vor.u32 $0x4, v34;
	_ =	sdelay $0x3  }
0x225: {  	[tilespmem:v36+s19+$0x0] =	vst.idx.msk $0xffff, v35  }
0x226: {  	v35 =	vld.idx.msk [tilespmem:v37+s2+$0x0], $0xffff  }
0x227: {  	v36 =	vadd.s32 v9, v32  }
0x228: {  	v37 =	vor.u32 $0x5, v33;
	_ =	sdelay $0x3  }
0x229: {  	[tilespmem:v36+s19+$0x0] =	vst.idx.msk $0xffff, v35  }
0x22a: {  	v35 =	vld.idx.msk [tilespmem:v37+s30+$0x0], $0xffff  }
0x22b: {  	v36 =	vadd.s32 v10, v32  }
0x22c: {  	v37 =	vor.u32 $0x5, v34;
	_ =	sdelay $0x3  }
0x22d: {  	[tilespmem:v36+s19+$0x0] =	vst.idx.msk $0xffff, v35  }
0x22e: {  	v35 =	vld.idx.msk [tilespmem:v37+s2+$0x0], $0xffff  }
0x22f: {  	v36 =	vadd.s32 v11, v32  }
0x230: {  	v37 =	vor.u32 $0x6, v33;
	_ =	sdelay $0x3  }
0x231: {  	[tilespmem:v36+s19+$0x0] =	vst.idx.msk $0xffff, v35  }
0x232: {  	v35 =	vld.idx.msk [tilespmem:v37+s30+$0x0], $0xffff  }
0x233: {  	v36 =	vadd.s32 v12, v32  }
0x234: {  	v37 =	vor.u32 $0x6, v34;
	_ =	sdelay $0x3  }
0x235: {  	[tilespmem:v36+s19+$0x0] =	vst.idx.msk $0xffff, v35  }
0x236: {  	v35 =	vld.idx.msk [tilespmem:v37+s2+$0x0], $0xffff  }
0x237: {  	v36 =	vadd.s32 v13, v32  }
0x238: {  	v37 =	vor.u32 $0x7, v33;
	_ =	sdelay $0x3  }
0x239: {  	[tilespmem:v36+s19+$0x0] =	vst.idx.msk $0xffff, v35  }
0x23a: {  	v35 =	vld.idx.msk [tilespmem:v37+s30+$0x0], $0xffff  }
0x23b: {  	v36 =	vadd.s32 v14, v32  }
0x23c: {  	v37 =	vor.u32 $0x7, v34;
	_ =	sdelay $0x3  }
0x23d: {  	[tilespmem:v36+s19+$0x0] =	vst.idx.msk $0xffff, v35  }
0x23e: {  	v35 =	vld.idx.msk [tilespmem:v37+s2+$0x0], $0xffff  }
0x23f: {  	v36 =	vadd.s32 v15, v32  }
0x240: {  	v37 =	vadd.s32 $0x8, v33;
	_ =	sdelay $0x3  }
0x241: {  	[tilespmem:v36+s19+$0x0] =	vst.idx.msk $0xffff, v35  }
0x242: {  	v35 =	vld.idx.msk [tilespmem:v37+s30+$0x0], $0xffff  }
0x243: {  	v36 =	vadd.s32 v16, v32  }
0x244: {  	v37 =	vadd.s32 $0x8, v34;
	_ =	sdelay $0x3  }
0x245: {  	[tilespmem:v36+s19+$0x0] =	vst.idx.msk $0xffff, v35  }
0x246: {  	v35 =	vld.idx.msk [tilespmem:v37+s2+$0x0], $0xffff  }
0x247: {  	v36 =	vadd.s32 v17, v32  }
0x248: {  	v37 =	vadd.s32 $0x9, v33;
	_ =	sdelay $0x3  }
0x249: {  	[tilespmem:v36+s19+$0x0] =	vst.idx.msk $0xffff, v35  }
0x24a: {  	v35 =	vld.idx.msk [tilespmem:v37+s30+$0x0], $0xffff  }
0x24b: {  	v36 =	vadd.s32 v18, v32  }
0x24c: {  	v37 =	vadd.s32 $0x9, v34;
	_ =	sdelay $0x3  }
0x24d: {  	[tilespmem:v36+s19+$0x0] =	vst.idx.msk $0xffff, v35  }
0x24e: {  	v35 =	vld.idx.msk [tilespmem:v37+s2+$0x0], $0xffff  }
0x24f: {  	v36 =	vadd.s32 v19, v32  }
0x250: {  	v37 =	vadd.s32 $0xA, v33;
	_ =	sdelay $0x3  }
0x251: {  	[tilespmem:v36+s19+$0x0] =	vst.idx.msk $0xffff, v35  }
0x252: {  	v35 =	vld.idx.msk [tilespmem:v37+s30+$0x0], $0xffff  }
0x253: {  	v36 =	vadd.s32 v20, v32  }
0x254: {  	v37 =	vadd.s32 $0xA, v34;
	_ =	sdelay $0x3  }
0x255: {  	[tilespmem:v36+s19+$0x0] =	vst.idx.msk $0xffff, v35  }
0x256: {  	v35 =	vld.idx.msk [tilespmem:v37+s2+$0x0], $0xffff  }
0x257: {  	v36 =	vadd.s32 v21, v32  }
0x258: {  	v37 =	vadd.s32 $0xB, v33;
	_ =	sdelay $0x3  }
0x259: {  	[tilespmem:v36+s19+$0x0] =	vst.idx.msk $0xffff, v35  }
0x25a: {  	v35 =	vld.idx.msk [tilespmem:v37+s30+$0x0], $0xffff  }
0x25b: {  	v36 =	vadd.s32 v22, v32  }
0x25c: {  	v37 =	vadd.s32 $0xB, v34;
	_ =	sdelay $0x3  }
0x25d: {  	[tilespmem:v36+s19+$0x0] =	vst.idx.msk $0xffff, v35  }
0x25e: {  	v35 =	vld.idx.msk [tilespmem:v37+s2+$0x0], $0xffff  }
0x25f: {  	v36 =	vadd.s32 v23, v32  }
0x260: {  	v37 =	vadd.s32 $0xC, v33;
	_ =	sdelay $0x3  }
0x261: {  	[tilespmem:v36+s19+$0x0] =	vst.idx.msk $0xffff, v35  }
0x262: {  	v35 =	vld.idx.msk [tilespmem:v37+s30+$0x0], $0xffff  }
0x263: {  	v36 =	vadd.s32 v24, v32  }
0x264: {  	v37 =	vadd.s32 $0xC, v34;
	_ =	sdelay $0x3  }
0x265: {  	[tilespmem:v36+s19+$0x0] =	vst.idx.msk $0xffff, v35  }
0x266: {  	v35 =	vld.idx.msk [tilespmem:v37+s2+$0x0], $0xffff  }
0x267: {  	v36 =	vadd.s32 v25, v32  }
0x268: {  	v37 =	vadd.s32 $0xD, v33;
	_ =	sdelay $0x3  }
0x269: {  	[tilespmem:v36+s19+$0x0] =	vst.idx.msk $0xffff, v35  }
0x26a: {  	v35 =	vld.idx.msk [tilespmem:v37+s30+$0x0], $0xffff  }
0x26b: {  	v36 =	vadd.s32 v26, v32  }
0x26c: {  	v37 =	vadd.s32 $0xD, v34;
	_ =	sdelay $0x3  }
0x26d: {  	[tilespmem:v36+s19+$0x0] =	vst.idx.msk $0xffff, v35  }
0x26e: {  	v35 =	vld.idx.msk [tilespmem:v37+s2+$0x0], $0xffff  }
0x26f: {  	v36 =	vadd.s32 v27, v32  }
0x270: {  	v37 =	vadd.s32 $0xE, v33;
	_ =	sdelay $0x3  }
0x271: {  	[tilespmem:v36+s19+$0x0] =	vst.idx.msk $0xffff, v35  }
0x272: {  	v35 =	vld.idx.msk [tilespmem:v37+s30+$0x0], $0xffff  }
0x273: {  	v36 =	vadd.s32 v28, v32  }
0x274: {  	v37 =	vadd.s32 $0xE, v34;
	_ =	sdelay $0x3  }
0x275: {  	[tilespmem:v36+s19+$0x0] =	vst.idx.msk $0xffff, v35  }
0x276: {  	v35 =	vld.idx.msk [tilespmem:v37+s2+$0x0], $0xffff  }
0x277: {  	v36 =	vadd.s32 v29, v32  }
0x278: {  	v33 =	vadd.s32 $0xF, v33;
	_ =	sdelay $0x3  }
0x279: {  	[tilespmem:v36+s19+$0x0] =	vst.idx.msk $0xffff, v35  }
0x27a: {  	v33 =	vld.idx.msk [tilespmem:v33+s30+$0x0], $0xffff  }
0x27b: {  	v35 =	vadd.s32 v30, v32  }
0x27c: {  	v34 =	vadd.s32 $0xF, v34;
	_ =	sdelay $0x1  }
.Ltmp15:
0x27d: {  	(pc) =	sbr.rel @p1 .LBB2_19-.Ltmp15, $4  }
0x27e: {  	_ = 	snop  }
0x27f: {  	[tilespmem:v35+s19+$0x0] =	vst.idx.msk $0xffff, v33  }
0x280: {  	v33 =	vld.idx.msk [tilespmem:v34+s2+$0x0], $0xffff  }
0x281: {  	v32 =	vadd.s32 v31, v32  }
0x282: {  	p1 =	seq.s32 s11, $0x0  }
.Ltmp16:
0x283: {  	_ = 	snop;
	(pc) =	sbr.rel @p1 .LBB2_24-.Ltmp16, $2  }
0x284: {  	_ =	sdelay $0x2  }
0x285: {  	[tilespmem:v32+s19+$0x0] =	vst.idx.msk $0xffff, v33  }
0x286: {  	s3 =	smul.u32 $0x300, s11  }
0x287: {  	s5 =	rddreg [dreg:$0x13];
	s25 =	simm.s32 $0x6  }
0x288: {  	_ =	swait.ge [sflag:s25], $0x2000;
	s3 =	sadd.s32 s3, s5  }
0x289: {  	[sflag:s25] =	ssyncset.done $0x0;
	s3 =	smul.u32 $0x60, s3  }
0x28a: {  	s6 =	simm.s32 $0x40;
	[sflag:s25] =	ssyncadd.s32 $0xFFFFE000  }
0x28b: {  	s17 =	simm.s32 $0x60;
	s5 =	rddreg [dreg:$0x4];
	s3 =	sshrl.u32 s3, $0x3  }
0x28c: {  	s28 =	rddreg [dreg:$0x12];
	s25 =	simm.s32 $0x10400;
	s5 =	sadd.s32 s5, s3  }
0x28d: {  	[hbm4b:s5+s6] =	stream.strided.scatter [tilespmem:s25], [sflag:$0xC], $0x2000, s17, s6, $0x38;
	[tilespmem:$0x1B320] =	vst v63  }
0x28e: {  	s3 =	sadd.s32 s3, s28;
	s5 =	simm.s32 $0x18800  }
0x28f: {  	s6 =	simm.s32 $0xC;
	s25 =	sadd.s32 $0x0, s3;
	s17 =	simm.s32 $0x18828  }
.LBB2_22:
0x290: {  	[hbm4b:s25+s4] =	stream.linear.scatter [tilespmem:s5], [sflag:$0xC], $0x20, $0x38;
	[tilespmem:$0x1B320] =	vst v63  }
0x291: {  	s25 =	smov.u32 s6;
	s5 =	smov.u32 s17;
	p1 =	sne.s32 s6, $0x5F4  }
.Ltmp17:
0x292: {  	s6 =	sadd.s32 $0xC, s6;
	(pc) =	sbr.rel @p1 .LBB2_22-.Ltmp17, $2  }
0x293: {  	_ =	sdelay $0x2  }
0x294: {  	s17 =	sadd.s32 $0x28, s17;
	s25 =	sadd.s32 s25, s3  }
0x295: {  	[hbm4b:s25+s4] =	stream.linear.scatter [tilespmem:s5], [sflag:$0xC], $0x20, $0x38;
	[tilespmem:$0x1B320] =	vst v63  }
.LBB2_24:
0x296: {  	s3 =	sadd.s32 $0xFFFFFFFC, s26  }
0x297: {  	p1 =	sgt.u32 s3, $0x31  }
0x298: {  	s3 =	simm.s32 @!p1 $0x9  }
0x299: {  	p2 =	sgt.u32 s11, $0x7;
	_ =	swait.ge @!p1 [sflag:s3], $0x2000  }
.Ltmp18:
0x29a: {  	[sflag:s3] =	ssyncset.done @!p1 $0x0;
	(pc) =	sbr.rel @p2 .LBB2_28-.Ltmp18, $4  }
0x29b: {  	[sflag:s3] =	ssyncadd.s32 @!p1 $0xFFFFE000  }
0x29c: {  	_ =	swait.ge @!p1 [sflag:s3], $0x1000  }
0x29d: {  	s5 =	sadd.s32 $0x2, s26;
	[sflag:s3] =	ssyncset.done @!p1 $0x0  }
0x29e: {  	[dreg:$0x18] =	wrdreg s5;
	[sflag:s3] =	ssyncadd.s32 @!p1 $0xFFFFF000  }
0x29f: {  	s3 =	rddreg [dreg:$0x18]  }
0x2a0: {  	s5 =	rddreg [dreg:$0x8]  }
0x2a1: {  	s6 =	simm.s32 $0x80;
	s17 =	simm.s32 $0xA400;
	s3 =	sshll.u32 s3, $0x7  }
0x2a2: {  	[tilespmem:s17], [sflag:$0x3] =	stream.indirect.gather [hbm4b:s5+s6], $0x40, s3, s6, $0xb8;
	[tilespmem:$0x1B320] =	vst v63  }
0x2a3: {  	v32 =	vld [tilespmem:s0+$0x0];
	_ =	sdelay $0x1  }
0x2a4: {  	v33 =	vld [tilespmem:s1+$0x0];
	_ =	sdelay $0x2  }
0x2a5: {  	v32 =	vmul.u32 $0x18, v32;
	_ =	sdelay $0x1  }
0x2a6: {  	s25 =	simm.s32 $0x0;
	v33 =	vmul.u32 v33, v32  }
0x2a7: {  	v35 =	vmov s25;
	v34 =	vld [tilespmem:s15+$0x0]  }
0x2a8: {  	v35 =	vmul.u32 $0x28, v35;
	_ =	sdelay $0x1  }
0x2a9: {  	v35 =	vbroadcast v35, $0x0;
	_ =	sdelay $0x1  }
0x2aa: {  	v37 =	vadd.s32 v0, v35;
	v32 =	vmul.u32 v34, v32;
	v36 =	vld.idx.msk [tilespmem:v33+s30+$0x0], $0xffff;
	_ =	sdelay $0x4  }
0x2ab: {  	[tilespmem:v37+s20+$0x0] =	vst.idx.msk $0xffff, v36  }
0x2ac: {  	v54 =	vadd.s32 v1, v35;
	v34 =	vld.idx.msk [tilespmem:v32+s2+$0x0], $0xffff  }
0x2ad: {  	v55 =	vor.u32 $0x1, v33;
	_ =	sdelay $0x3  }
0x2ae: {  	[tilespmem:v54+s20+$0x0] =	vst.idx.msk $0xffff, v34  }
0x2af: {  	v56 =	vadd.s32 v2, v35;
	v34 =	vld.idx.msk [tilespmem:v55+s30+$0x0], $0xffff  }
0x2b0: {  	v57 =	vor.u32 $0x1, v32;
	_ =	sdelay $0x3  }
0x2b1: {  	[tilespmem:v56+s20+$0x0] =	vst.idx.msk $0xffff, v34  }
0x2b2: {  	v58 =	vadd.s32 v3, v35;
	v34 =	vld.idx.msk [tilespmem:v57+s2+$0x0], $0xffff  }
0x2b3: {  	v59 =	vor.u32 $0x2, v33;
	_ =	sdelay $0x3  }
0x2b4: {  	[tilespmem:v58+s20+$0x0] =	vst.idx.msk $0xffff, v34  }
0x2b5: {  	v60 =	vadd.s32 v4, v35;
	v34 =	vld.idx.msk [tilespmem:v59+s30+$0x0], $0xffff  }
0x2b6: {  	v61 =	vor.u32 $0x2, v32;
	_ =	sdelay $0x3  }
0x2b7: {  	[tilespmem:v60+s20+$0x0] =	vst.idx.msk $0xffff, v34  }
0x2b8: {  	v62 =	vadd.s32 v5, v35;
	v34 =	vld.idx.msk [tilespmem:v61+s2+$0x0], $0xffff  }
0x2b9: {  	v63 =	vor.u32 $0x3, v33;
	_ =	sdelay $0x3  }
0x2ba: {  	[tilespmem:v62+s20+$0x0] =	vst.idx.msk $0xffff, v34  }
0x2bb: {  	v40 =	vadd.s32 v6, v35;
	v34 =	vld.idx.msk [tilespmem:v63+s30+$0x0], $0xffff  }
0x2bc: {  	v41 =	vor.u32 $0x3, v32;
	_ =	sdelay $0x3  }
0x2bd: {  	[tilespmem:v40+s20+$0x0] =	vst.idx.msk $0xffff, v34  }
0x2be: {  	v42 =	vadd.s32 v7, v35;
	v34 =	vld.idx.msk [tilespmem:v41+s2+$0x0], $0xffff  }
0x2bf: {  	v43 =	vor.u32 $0x4, v33;
	_ =	sdelay $0x3  }
0x2c0: {  	[tilespmem:v42+s20+$0x0] =	vst.idx.msk $0xffff, v34  }
0x2c1: {  	v44 =	vadd.s32 v8, v35;
	v34 =	vld.idx.msk [tilespmem:v43+s30+$0x0], $0xffff  }
0x2c2: {  	v45 =	vor.u32 $0x4, v32;
	_ =	sdelay $0x3  }
0x2c3: {  	[tilespmem:v44+s20+$0x0] =	vst.idx.msk $0xffff, v34  }
0x2c4: {  	v46 =	vadd.s32 v9, v35;
	v34 =	vld.idx.msk [tilespmem:v45+s2+$0x0], $0xffff  }
0x2c5: {  	v47 =	vor.u32 $0x5, v33;
	_ =	sdelay $0x3  }
0x2c6: {  	[tilespmem:v46+s20+$0x0] =	vst.idx.msk $0xffff, v34  }
0x2c7: {  	v48 =	vadd.s32 v10, v35;
	v34 =	vld.idx.msk [tilespmem:v47+s30+$0x0], $0xffff  }
0x2c8: {  	v49 =	vor.u32 $0x5, v32;
	_ =	sdelay $0x3  }
0x2c9: {  	[tilespmem:v48+s20+$0x0] =	vst.idx.msk $0xffff, v34  }
0x2ca: {  	v50 =	vadd.s32 v11, v35;
	v34 =	vld.idx.msk [tilespmem:v49+s2+$0x0], $0xffff  }
0x2cb: {  	v51 =	vor.u32 $0x6, v33;
	_ =	sdelay $0x3  }
0x2cc: {  	[tilespmem:v50+s20+$0x0] =	vst.idx.msk $0xffff, v34  }
0x2cd: {  	v52 =	vadd.s32 v12, v35;
	v34 =	vld.idx.msk [tilespmem:v51+s30+$0x0], $0xffff  }
0x2ce: {  	v53 =	vor.u32 $0x6, v32;
	_ =	sdelay $0x3  }
0x2cf: {  	[tilespmem:v52+s20+$0x0] =	vst.idx.msk $0xffff, v34  }
0x2d0: {  	v54 =	vadd.s32 v13, v35;
	v34 =	vld.idx.msk [tilespmem:v53+s2+$0x0], $0xffff  }
0x2d1: {  	v55 =	vor.u32 $0x7, v33;
	_ =	sdelay $0x3  }
0x2d2: {  	[tilespmem:v54+s20+$0x0] =	vst.idx.msk $0xffff, v34  }
0x2d3: {  	v56 =	vadd.s32 v14, v35;
	v34 =	vld.idx.msk [tilespmem:v55+s30+$0x0], $0xffff  }
0x2d4: {  	v57 =	vor.u32 $0x7, v32;
	_ =	sdelay $0x3  }
0x2d5: {  	[tilespmem:v56+s20+$0x0] =	vst.idx.msk $0xffff, v34  }
0x2d6: {  	v58 =	vadd.s32 v15, v35;
	v34 =	vld.idx.msk [tilespmem:v57+s2+$0x0], $0xffff  }
0x2d7: {  	v59 =	vadd.s32 $0x8, v33;
	_ =	sdelay $0x3  }
0x2d8: {  	[tilespmem:v58+s20+$0x0] =	vst.idx.msk $0xffff, v34  }
0x2d9: {  	v60 =	vadd.s32 v16, v35;
	v34 =	vld.idx.msk [tilespmem:v59+s30+$0x0], $0xffff  }
0x2da: {  	v61 =	vadd.s32 $0x8, v32;
	_ =	sdelay $0x3  }
0x2db: {  	[tilespmem:v60+s20+$0x0] =	vst.idx.msk $0xffff, v34  }
0x2dc: {  	v62 =	vadd.s32 v17, v35;
	v34 =	vld.idx.msk [tilespmem:v61+s2+$0x0], $0xffff  }
0x2dd: {  	v63 =	vadd.s32 $0x9, v33;
	_ =	sdelay $0x3  }
0x2de: {  	[tilespmem:v62+s20+$0x0] =	vst.idx.msk $0xffff, v34  }
0x2df: {  	v40 =	vadd.s32 v18, v35;
	v34 =	vld.idx.msk [tilespmem:v63+s30+$0x0], $0xffff  }
0x2e0: {  	v41 =	vadd.s32 $0x9, v32;
	_ =	sdelay $0x3  }
0x2e1: {  	[tilespmem:v40+s20+$0x0] =	vst.idx.msk $0xffff, v34  }
0x2e2: {  	v42 =	vadd.s32 v19, v35;
	v34 =	vld.idx.msk [tilespmem:v41+s2+$0x0], $0xffff  }
0x2e3: {  	v43 =	vadd.s32 $0xA, v33;
	_ =	sdelay $0x3  }
0x2e4: {  	[tilespmem:v42+s20+$0x0] =	vst.idx.msk $0xffff, v34  }
0x2e5: {  	v44 =	vadd.s32 v20, v35;
	v34 =	vld.idx.msk [tilespmem:v43+s30+$0x0], $0xffff  }
0x2e6: {  	v45 =	vadd.s32 $0xA, v32;
	_ =	sdelay $0x3  }
0x2e7: {  	[tilespmem:v44+s20+$0x0] =	vst.idx.msk $0xffff, v34  }
0x2e8: {  	v46 =	vadd.s32 v21, v35;
	v34 =	vld.idx.msk [tilespmem:v45+s2+$0x0], $0xffff  }
0x2e9: {  	v47 =	vadd.s32 $0xB, v33;
	_ =	sdelay $0x3  }
0x2ea: {  	[tilespmem:v46+s20+$0x0] =	vst.idx.msk $0xffff, v34  }
0x2eb: {  	v48 =	vadd.s32 v22, v35;
	v34 =	vld.idx.msk [tilespmem:v47+s30+$0x0], $0xffff  }
0x2ec: {  	v49 =	vadd.s32 $0xB, v32;
	_ =	sdelay $0x3  }
0x2ed: {  	[tilespmem:v48+s20+$0x0] =	vst.idx.msk $0xffff, v34  }
0x2ee: {  	v50 =	vadd.s32 v23, v35;
	v34 =	vld.idx.msk [tilespmem:v49+s2+$0x0], $0xffff  }
0x2ef: {  	v51 =	vadd.s32 $0xC, v33;
	_ =	sdelay $0x3  }
0x2f0: {  	[tilespmem:v50+s20+$0x0] =	vst.idx.msk $0xffff, v34  }
0x2f1: {  	v52 =	vadd.s32 v24, v35;
	v34 =	vld.idx.msk [tilespmem:v51+s30+$0x0], $0xffff  }
0x2f2: {  	v53 =	vadd.s32 $0xC, v32;
	_ =	sdelay $0x3  }
0x2f3: {  	[tilespmem:v52+s20+$0x0] =	vst.idx.msk $0xffff, v34  }
0x2f4: {  	v54 =	vadd.s32 v25, v35;
	v34 =	vld.idx.msk [tilespmem:v53+s2+$0x0], $0xffff  }
0x2f5: {  	v55 =	vadd.s32 $0xD, v33;
	_ =	sdelay $0x3  }
0x2f6: {  	[tilespmem:v54+s20+$0x0] =	vst.idx.msk $0xffff, v34  }
0x2f7: {  	v56 =	vadd.s32 v26, v35;
	v34 =	vld.idx.msk [tilespmem:v55+s30+$0x0], $0xffff  }
0x2f8: {  	v57 =	vadd.s32 $0xD, v32;
	_ =	sdelay $0x3  }
0x2f9: {  	[tilespmem:v56+s20+$0x0] =	vst.idx.msk $0xffff, v34  }
0x2fa: {  	v58 =	vadd.s32 v27, v35;
	v34 =	vld.idx.msk [tilespmem:v57+s2+$0x0], $0xffff  }
0x2fb: {  	v59 =	vadd.s32 $0xE, v33;
	_ =	sdelay $0x3  }
0x2fc: {  	[tilespmem:v58+s20+$0x0] =	vst.idx.msk $0xffff, v34  }
0x2fd: {  	v60 =	vadd.s32 v28, v35;
	v34 =	vld.idx.msk [tilespmem:v59+s30+$0x0], $0xffff  }
0x2fe: {  	v61 =	vadd.s32 $0xE, v32;
	_ =	sdelay $0x3  }
0x2ff: {  	[tilespmem:v60+s20+$0x0] =	vst.idx.msk $0xffff, v34  }
0x300: {  	v62 =	vadd.s32 v29, v35;
	v34 =	vld.idx.msk [tilespmem:v61+s2+$0x0], $0xffff  }
0x301: {  	v33 =	vadd.s32 $0xF, v33;
	_ =	sdelay $0x3  }
0x302: {  	[tilespmem:v62+s20+$0x0] =	vst.idx.msk $0xffff, v34  }
0x303: {  	v63 =	vadd.s32 v30, v35;
	v33 =	vld.idx.msk [tilespmem:v33+s30+$0x0], $0xffff  }
0x304: {  	v32 =	vadd.s32 $0xF, v32;
	_ =	sdelay $0x3  }
0x305: {  	s28 =	smov.u32 s0;
	[tilespmem:v63+s20+$0x0] =	vst.idx.msk $0xffff, v33  }
0x306: {  	s25 =	smov.u32 s1;
	s6 =	simm.s32 $0x10;
	s17 =	smov.u32 s15;
	v33 =	vld.idx.msk [tilespmem:v32+s2+$0x0], $0xffff;
	v32 =	vadd.s32 v31, v35  }
.LBB2_26:
0x307: {  	_ =	sdelay $0x3  }
0x308: {  	s17 =	sadd.s32 $0x10, s17;
	s25 =	sadd.s32 $0x10, s25;
	s28 =	sadd.s32 $0x10, s28;
	[tilespmem:v32+s20+$0x0] =	vst.idx.msk $0xffff, v33  }
0x309: {  	p3 =	sne.s32 s6, $0x70;
	s3 =	smov.u32 s6;
	s6 =	sadd.s32 $0x10, s6;
	v32 =	vld [tilespmem:s28+$0x0]  }
0x30a: {  	_ = 	snop  }
0x30b: {  	v33 =	vld [tilespmem:s25+$0x0];
	_ =	sdelay $0x2  }
0x30c: {  	v34 =	vmul.u32 $0x18, v32;
	_ =	sdelay $0x1  }
0x30d: {  	v33 =	vmul.u32 v33, v34;
	_ =	sdelay $0x1  }
0x30e: {  	v32 =	vmov s3;
	v35 =	vld [tilespmem:s17+$0x0]  }
0x30f: {  	v32 =	vmul.u32 $0x28, v32;
	_ =	sdelay $0x1  }
0x310: {  	v32 =	vbroadcast v32, $0x0  }
0x311: {  	v36 =	vld.idx.msk [tilespmem:v33+s30+$0x0], $0xffff  }
0x312: {  	v37 =	vadd.s32 v0, v32;
	v34 =	vmul.u32 v35, v34;
	_ =	sdelay $0x4  }
0x313: {  	[tilespmem:v37+s20+$0x0] =	vst.idx.msk $0xffff, v36  }
0x314: {  	v35 =	vld.idx.msk [tilespmem:v34+s2+$0x0], $0xffff  }
0x315: {  	v36 =	vadd.s32 v1, v32  }
0x316: {  	v37 =	vor.u32 $0x1, v33;
	_ =	sdelay $0x3  }
0x317: {  	[tilespmem:v36+s20+$0x0] =	vst.idx.msk $0xffff, v35  }
0x318: {  	v35 =	vld.idx.msk [tilespmem:v37+s30+$0x0], $0xffff  }
0x319: {  	v36 =	vadd.s32 v2, v32  }
0x31a: {  	v37 =	vor.u32 $0x1, v34;
	_ =	sdelay $0x3  }
0x31b: {  	[tilespmem:v36+s20+$0x0] =	vst.idx.msk $0xffff, v35  }
0x31c: {  	v35 =	vld.idx.msk [tilespmem:v37+s2+$0x0], $0xffff  }
0x31d: {  	v36 =	vadd.s32 v3, v32  }
0x31e: {  	v37 =	vor.u32 $0x2, v33;
	_ =	sdelay $0x3  }
0x31f: {  	[tilespmem:v36+s20+$0x0] =	vst.idx.msk $0xffff, v35  }
0x320: {  	v35 =	vld.idx.msk [tilespmem:v37+s30+$0x0], $0xffff  }
0x321: {  	v36 =	vadd.s32 v4, v32  }
0x322: {  	v37 =	vor.u32 $0x2, v34;
	_ =	sdelay $0x3  }
0x323: {  	[tilespmem:v36+s20+$0x0] =	vst.idx.msk $0xffff, v35  }
0x324: {  	v35 =	vld.idx.msk [tilespmem:v37+s2+$0x0], $0xffff  }
0x325: {  	v36 =	vadd.s32 v5, v32  }
0x326: {  	v37 =	vor.u32 $0x3, v33;
	_ =	sdelay $0x3  }
0x327: {  	[tilespmem:v36+s20+$0x0] =	vst.idx.msk $0xffff, v35  }
0x328: {  	v35 =	vld.idx.msk [tilespmem:v37+s30+$0x0], $0xffff  }
0x329: {  	v36 =	vadd.s32 v6, v32  }
0x32a: {  	v37 =	vor.u32 $0x3, v34;
	_ =	sdelay $0x3  }
0x32b: {  	[tilespmem:v36+s20+$0x0] =	vst.idx.msk $0xffff, v35  }
0x32c: {  	v35 =	vld.idx.msk [tilespmem:v37+s2+$0x0], $0xffff  }
0x32d: {  	v36 =	vadd.s32 v7, v32  }
0x32e: {  	v37 =	vor.u32 $0x4, v33;
	_ =	sdelay $0x3  }
0x32f: {  	[tilespmem:v36+s20+$0x0] =	vst.idx.msk $0xffff, v35  }
0x330: {  	v35 =	vld.idx.msk [tilespmem:v37+s30+$0x0], $0xffff  }
0x331: {  	v36 =	vadd.s32 v8, v32  }
0x332: {  	v37 =	vor.u32 $0x4, v34;
	_ =	sdelay $0x3  }
0x333: {  	[tilespmem:v36+s20+$0x0] =	vst.idx.msk $0xffff, v35  }
0x334: {  	v35 =	vld.idx.msk [tilespmem:v37+s2+$0x0], $0xffff  }
0x335: {  	v36 =	vadd.s32 v9, v32  }
0x336: {  	v37 =	vor.u32 $0x5, v33;
	_ =	sdelay $0x3  }
0x337: {  	[tilespmem:v36+s20+$0x0] =	vst.idx.msk $0xffff, v35  }
0x338: {  	v35 =	vld.idx.msk [tilespmem:v37+s30+$0x0], $0xffff  }
0x339: {  	v36 =	vadd.s32 v10, v32  }
0x33a: {  	v37 =	vor.u32 $0x5, v34;
	_ =	sdelay $0x3  }
0x33b: {  	[tilespmem:v36+s20+$0x0] =	vst.idx.msk $0xffff, v35  }
0x33c: {  	v35 =	vld.idx.msk [tilespmem:v37+s2+$0x0], $0xffff  }
0x33d: {  	v36 =	vadd.s32 v11, v32  }
0x33e: {  	v37 =	vor.u32 $0x6, v33;
	_ =	sdelay $0x3  }
0x33f: {  	[tilespmem:v36+s20+$0x0] =	vst.idx.msk $0xffff, v35  }
0x340: {  	v35 =	vld.idx.msk [tilespmem:v37+s30+$0x0], $0xffff  }
0x341: {  	v36 =	vadd.s32 v12, v32  }
0x342: {  	v37 =	vor.u32 $0x6, v34;
	_ =	sdelay $0x3  }
0x343: {  	[tilespmem:v36+s20+$0x0] =	vst.idx.msk $0xffff, v35  }
0x344: {  	v35 =	vld.idx.msk [tilespmem:v37+s2+$0x0], $0xffff  }
0x345: {  	v36 =	vadd.s32 v13, v32  }
0x346: {  	v37 =	vor.u32 $0x7, v33;
	_ =	sdelay $0x3  }
0x347: {  	[tilespmem:v36+s20+$0x0] =	vst.idx.msk $0xffff, v35  }
0x348: {  	v35 =	vld.idx.msk [tilespmem:v37+s30+$0x0], $0xffff  }
0x349: {  	v36 =	vadd.s32 v14, v32  }
0x34a: {  	v37 =	vor.u32 $0x7, v34;
	_ =	sdelay $0x3  }
0x34b: {  	[tilespmem:v36+s20+$0x0] =	vst.idx.msk $0xffff, v35  }
0x34c: {  	v35 =	vld.idx.msk [tilespmem:v37+s2+$0x0], $0xffff  }
0x34d: {  	v36 =	vadd.s32 v15, v32  }
0x34e: {  	v37 =	vadd.s32 $0x8, v33;
	_ =	sdelay $0x3  }
0x34f: {  	[tilespmem:v36+s20+$0x0] =	vst.idx.msk $0xffff, v35  }
0x350: {  	v35 =	vld.idx.msk [tilespmem:v37+s30+$0x0], $0xffff  }
0x351: {  	v36 =	vadd.s32 v16, v32  }
0x352: {  	v37 =	vadd.s32 $0x8, v34;
	_ =	sdelay $0x3  }
0x353: {  	[tilespmem:v36+s20+$0x0] =	vst.idx.msk $0xffff, v35  }
0x354: {  	v35 =	vld.idx.msk [tilespmem:v37+s2+$0x0], $0xffff  }
0x355: {  	v36 =	vadd.s32 v17, v32  }
0x356: {  	v37 =	vadd.s32 $0x9, v33;
	_ =	sdelay $0x3  }
0x357: {  	[tilespmem:v36+s20+$0x0] =	vst.idx.msk $0xffff, v35  }
0x358: {  	v35 =	vld.idx.msk [tilespmem:v37+s30+$0x0], $0xffff  }
0x359: {  	v36 =	vadd.s32 v18, v32  }
0x35a: {  	v37 =	vadd.s32 $0x9, v34;
	_ =	sdelay $0x3  }
0x35b: {  	[tilespmem:v36+s20+$0x0] =	vst.idx.msk $0xffff, v35  }
0x35c: {  	v35 =	vld.idx.msk [tilespmem:v37+s2+$0x0], $0xffff  }
0x35d: {  	v36 =	vadd.s32 v19, v32  }
0x35e: {  	v37 =	vadd.s32 $0xA, v33;
	_ =	sdelay $0x3  }
0x35f: {  	[tilespmem:v36+s20+$0x0] =	vst.idx.msk $0xffff, v35  }
0x360: {  	v35 =	vld.idx.msk [tilespmem:v37+s30+$0x0], $0xffff  }
0x361: {  	v36 =	vadd.s32 v20, v32  }
0x362: {  	v37 =	vadd.s32 $0xA, v34;
	_ =	sdelay $0x3  }
0x363: {  	[tilespmem:v36+s20+$0x0] =	vst.idx.msk $0xffff, v35  }
0x364: {  	v35 =	vld.idx.msk [tilespmem:v37+s2+$0x0], $0xffff  }
0x365: {  	v36 =	vadd.s32 v21, v32  }
0x366: {  	v37 =	vadd.s32 $0xB, v33;
	_ =	sdelay $0x3  }
0x367: {  	[tilespmem:v36+s20+$0x0] =	vst.idx.msk $0xffff, v35  }
0x368: {  	v35 =	vld.idx.msk [tilespmem:v37+s30+$0x0], $0xffff  }
0x369: {  	v36 =	vadd.s32 v22, v32  }
0x36a: {  	v37 =	vadd.s32 $0xB, v34;
	_ =	sdelay $0x3  }
0x36b: {  	[tilespmem:v36+s20+$0x0] =	vst.idx.msk $0xffff, v35  }
0x36c: {  	v35 =	vld.idx.msk [tilespmem:v37+s2+$0x0], $0xffff  }
0x36d: {  	v36 =	vadd.s32 v23, v32  }
0x36e: {  	v37 =	vadd.s32 $0xC, v33;
	_ =	sdelay $0x3  }
0x36f: {  	[tilespmem:v36+s20+$0x0] =	vst.idx.msk $0xffff, v35  }
0x370: {  	v35 =	vld.idx.msk [tilespmem:v37+s30+$0x0], $0xffff  }
0x371: {  	v36 =	vadd.s32 v24, v32  }
0x372: {  	v37 =	vadd.s32 $0xC, v34;
	_ =	sdelay $0x3  }
0x373: {  	[tilespmem:v36+s20+$0x0] =	vst.idx.msk $0xffff, v35  }
0x374: {  	v35 =	vld.idx.msk [tilespmem:v37+s2+$0x0], $0xffff  }
0x375: {  	v36 =	vadd.s32 v25, v32  }
0x376: {  	v37 =	vadd.s32 $0xD, v33;
	_ =	sdelay $0x3  }
0x377: {  	[tilespmem:v36+s20+$0x0] =	vst.idx.msk $0xffff, v35  }
0x378: {  	v35 =	vld.idx.msk [tilespmem:v37+s30+$0x0], $0xffff  }
0x379: {  	v36 =	vadd.s32 v26, v32  }
0x37a: {  	v37 =	vadd.s32 $0xD, v34;
	_ =	sdelay $0x3  }
0x37b: {  	[tilespmem:v36+s20+$0x0] =	vst.idx.msk $0xffff, v35  }
0x37c: {  	v35 =	vld.idx.msk [tilespmem:v37+s2+$0x0], $0xffff  }
0x37d: {  	v36 =	vadd.s32 v27, v32  }
0x37e: {  	v37 =	vadd.s32 $0xE, v33;
	_ =	sdelay $0x3  }
0x37f: {  	[tilespmem:v36+s20+$0x0] =	vst.idx.msk $0xffff, v35  }
0x380: {  	v35 =	vld.idx.msk [tilespmem:v37+s30+$0x0], $0xffff  }
0x381: {  	v36 =	vadd.s32 v28, v32  }
0x382: {  	v37 =	vadd.s32 $0xE, v34;
	_ =	sdelay $0x3  }
0x383: {  	[tilespmem:v36+s20+$0x0] =	vst.idx.msk $0xffff, v35  }
0x384: {  	v35 =	vld.idx.msk [tilespmem:v37+s2+$0x0], $0xffff  }
0x385: {  	v36 =	vadd.s32 v29, v32  }
0x386: {  	v33 =	vadd.s32 $0xF, v33;
	_ =	sdelay $0x3  }
0x387: {  	[tilespmem:v36+s20+$0x0] =	vst.idx.msk $0xffff, v35  }
0x388: {  	v33 =	vld.idx.msk [tilespmem:v33+s30+$0x0], $0xffff  }
0x389: {  	v35 =	vadd.s32 v30, v32  }
0x38a: {  	v34 =	vadd.s32 $0xF, v34;
	_ =	sdelay $0x1  }
.Ltmp19:
0x38b: {  	(pc) =	sbr.rel @p3 .LBB2_26-.Ltmp19, $4  }
0x38c: {  	_ = 	snop  }
0x38d: {  	[tilespmem:v35+s20+$0x0] =	vst.idx.msk $0xffff, v33  }
0x38e: {  	v33 =	vld.idx.msk [tilespmem:v34+s2+$0x0], $0xffff  }
0x38f: {  	v32 =	vadd.s32 v31, v32  }
0x390: {  	_ =	sdelay $0x3  }
0x391: {  	[tilespmem:v32+s20+$0x0] =	vst.idx.msk $0xffff, v33  }
.LBB2_28:
0x392: {  	s3 =	smul.u32 $0x300, s11;
	s17 =	simm.s32 $0x1  }
0x393: {  	s5 =	rddreg [dreg:$0x7];
	_ =	swait.ge [sflag:s17], $0x2000  }
0x394: {  	s3 =	sadd.s32 s5, s3;
	[sflag:s17] =	ssyncset.done $0x0  }
0x395: {  	s3 =	smul.u32 $0xC, s3;
	[sflag:s17] =	ssyncadd.s32 $0xFFFFE000  }
0x396: {  	s25 =	simm.s32 $0x6400;
	s5 =	rddreg [dreg:$0x4]  }
0x397: {  	s17 =	simm.s32 $0x60;
	s6 =	sadd.s32 s5, s3;
	s5 =	simm.s32 $0x40  }
0x398: {  	[hbm4b:s6+s5] =	stream.strided.scatter [tilespmem:s25], [sflag:$0x7], $0x2000, s17, s5, $0x38;
	[tilespmem:$0x1B320] =	vst v63  }
0x399: {  	s25 =	rddreg [dreg:$0x12]  }
0x39a: {  	s6 =	simm.s32 $0x12400;
	s3 =	sadd.s32 s3, s25  }
0x39b: {  	s17 =	simm.s32 $0xC;
	s25 =	simm.s32 $0x12428;
	s28 =	sadd.s32 $0x0, s3  }
.LBB2_29:
0x39c: {  	[hbm4b:s28+s4] =	stream.linear.scatter [tilespmem:s6], [sflag:$0x7], $0x20, $0x38;
	[tilespmem:$0x1B320] =	vst v63  }
0x39d: {  	s28 =	smov.u32 s17;
	s6 =	smov.u32 s25;
	p3 =	sne.s32 s17, $0x5F4  }
.Ltmp20:
0x39e: {  	s17 =	sadd.s32 $0xC, s17;
	(pc) =	sbr.rel @p3 .LBB2_29-.Ltmp20, $2  }
0x39f: {  	_ =	sdelay $0x2  }
0x3a0: {  	s25 =	sadd.s32 $0x28, s25;
	s28 =	sadd.s32 s28, s3  }
.Ltmp21:
0x3a1: {  	(pc) =	sbr.rel @p1 .LBB2_32-.Ltmp21, $3  }
0x3a2: {  	_ =	sdelay $0x1  }
0x3a3: {  	[hbm4b:s28+s4] =	stream.linear.scatter [tilespmem:s6], [sflag:$0x7], $0x20, $0x38;
	[tilespmem:$0x1B320] =	vst v63  }
0x3a4: {  	s26 =	sadd.s32 $0x3, s26  }
0x3a5: {  	s3 =	simm.s32 $0xA  }
0x3a6: {  	p2 =	slt.u32 s11, $0x8;
	_ =	swait.ge [sflag:s3], $0x2000  }
.Ltmp22:
0x3a7: {  	[sflag:s3] =	ssyncset.done $0x0;
	(pc) =	sbr.rel @p2 .LBB2_33-.Ltmp22, $4  }
.Ltmp23:
0x3a8: {  	[sflag:s3] =	ssyncadd.s32 $0xFFFFE000;
	(pc) =	sbr.rel @!p2 .LBB2_36-.Ltmp23, $4  }
0x3a9: {  	_ =	swait.ge [sflag:s3], $0x1000  }
0x3aa: {  	[sflag:s3] =	ssyncset.done $0x0  }
0x3ab: {  	p1 =	por $0x0, $0x0;
	[sflag:s3] =	ssyncadd.s32 $0xFFFFF000  }
0x3ac: {  	_ = 	snop  }
.LBB2_32:
.Ltmp24:
0x3ad: {  	(pc) =	sbr.rel @p2 .LBB2_36-.Ltmp24, $2  }
0x3ae: {  	_ =	sdelay $0x2  }
0x3af: {  	p1 =	por $0x0, $0x0  }
.LBB2_33:
0x3b0: {  	s3 =	sshll.u32 s26, $0x7;
	s5 =	rddreg [dreg:$0x8]  }
0x3b1: {  	s6 =	simm.s32 $0x80;
	s17 =	simm.s32 $0xC400;
	s25 =	rddreg [dreg:$0x16]  }
0x3b2: {  	[tilespmem:s17], [sflag:$0x4] =	stream.indirect.gather [hbm4b:s5+s6], $0x40, s3, s6, $0xb8;
	[tilespmem:$0x1B320] =	vst v63  }
0x3b3: {  	s3 =	simm.s32 $0x0;
	s6 =	smov.u32 s21;
	s17 =	rddreg [dreg:$0x17]  }
.LBB2_34:
0x3b4: {  	v32 =	vld [tilespmem:s6+$0x0];
	_ =	sdelay $0x1  }
0x3b5: {  	v33 =	vld [tilespmem:s17+$0x0];
	_ =	sdelay $0x2  }
0x3b6: {  	v32 =	vmul.u32 $0x18, v32;
	_ =	sdelay $0x1  }
0x3b7: {  	v33 =	vmul.u32 v33, v32  }
0x3b8: {  	v34 =	vld [tilespmem:s25+$0x0];
	v35 =	vmov s3  }
0x3b9: {  	v35 =	vmul.u32 $0x28, v35;
	_ =	sdelay $0x1  }
0x3ba: {  	v35 =	vbroadcast v35, $0x0;
	_ =	sdelay $0x1  }
0x3bb: {  	v37 =	vadd.s32 v0, v35;
	v32 =	vmul.u32 v34, v32;
	v36 =	vld.idx.msk [tilespmem:v33+s30+$0x0], $0xffff;
	_ =	sdelay $0x4  }
0x3bc: {  	[tilespmem:v37+s18+$0x0] =	vst.idx.msk $0xffff, v36  }
0x3bd: {  	v53 =	vadd.s32 v1, v35;
	v34 =	vld.idx.msk [tilespmem:v32+s2+$0x0], $0xffff  }
0x3be: {  	v54 =	vor.u32 $0x1, v33;
	_ =	sdelay $0x3  }
0x3bf: {  	[tilespmem:v53+s18+$0x0] =	vst.idx.msk $0xffff, v34  }
0x3c0: {  	v55 =	vadd.s32 v2, v35;
	v34 =	vld.idx.msk [tilespmem:v54+s30+$0x0], $0xffff  }
0x3c1: {  	v56 =	vor.u32 $0x1, v32;
	_ =	sdelay $0x3  }
0x3c2: {  	[tilespmem:v55+s18+$0x0] =	vst.idx.msk $0xffff, v34  }
0x3c3: {  	v57 =	vadd.s32 v3, v35;
	v34 =	vld.idx.msk [tilespmem:v56+s2+$0x0], $0xffff  }
0x3c4: {  	v58 =	vor.u32 $0x2, v33;
	_ =	sdelay $0x3  }
0x3c5: {  	[tilespmem:v57+s18+$0x0] =	vst.idx.msk $0xffff, v34  }
0x3c6: {  	v59 =	vadd.s32 v4, v35;
	v34 =	vld.idx.msk [tilespmem:v58+s30+$0x0], $0xffff  }
0x3c7: {  	v60 =	vor.u32 $0x2, v32;
	_ =	sdelay $0x3  }
0x3c8: {  	[tilespmem:v59+s18+$0x0] =	vst.idx.msk $0xffff, v34  }
0x3c9: {  	v61 =	vadd.s32 v5, v35;
	v34 =	vld.idx.msk [tilespmem:v60+s2+$0x0], $0xffff  }
0x3ca: {  	v62 =	vor.u32 $0x3, v33;
	_ =	sdelay $0x3  }
0x3cb: {  	[tilespmem:v61+s18+$0x0] =	vst.idx.msk $0xffff, v34  }
0x3cc: {  	v63 =	vadd.s32 v6, v35;
	v34 =	vld.idx.msk [tilespmem:v62+s30+$0x0], $0xffff  }
0x3cd: {  	v40 =	vor.u32 $0x3, v32;
	_ =	sdelay $0x3  }
0x3ce: {  	[tilespmem:v63+s18+$0x0] =	vst.idx.msk $0xffff, v34  }
0x3cf: {  	v41 =	vadd.s32 v7, v35;
	v34 =	vld.idx.msk [tilespmem:v40+s2+$0x0], $0xffff  }
0x3d0: {  	v42 =	vor.u32 $0x4, v33;
	_ =	sdelay $0x3  }
0x3d1: {  	[tilespmem:v41+s18+$0x0] =	vst.idx.msk $0xffff, v34  }
0x3d2: {  	v43 =	vadd.s32 v8, v35;
	v34 =	vld.idx.msk [tilespmem:v42+s30+$0x0], $0xffff  }
0x3d3: {  	v44 =	vor.u32 $0x4, v32;
	_ =	sdelay $0x3  }
0x3d4: {  	[tilespmem:v43+s18+$0x0] =	vst.idx.msk $0xffff, v34  }
0x3d5: {  	v45 =	vadd.s32 v9, v35;
	v34 =	vld.idx.msk [tilespmem:v44+s2+$0x0], $0xffff  }
0x3d6: {  	v46 =	vor.u32 $0x5, v33;
	_ =	sdelay $0x3  }
0x3d7: {  	[tilespmem:v45+s18+$0x0] =	vst.idx.msk $0xffff, v34  }
0x3d8: {  	v47 =	vadd.s32 v10, v35;
	v34 =	vld.idx.msk [tilespmem:v46+s30+$0x0], $0xffff  }
0x3d9: {  	v48 =	vor.u32 $0x5, v32;
	_ =	sdelay $0x3  }
0x3da: {  	[tilespmem:v47+s18+$0x0] =	vst.idx.msk $0xffff, v34  }
0x3db: {  	v49 =	vadd.s32 v11, v35;
	v34 =	vld.idx.msk [tilespmem:v48+s2+$0x0], $0xffff  }
0x3dc: {  	v50 =	vor.u32 $0x6, v33;
	_ =	sdelay $0x3  }
0x3dd: {  	[tilespmem:v49+s18+$0x0] =	vst.idx.msk $0xffff, v34  }
0x3de: {  	v51 =	vadd.s32 v12, v35;
	v34 =	vld.idx.msk [tilespmem:v50+s30+$0x0], $0xffff  }
0x3df: {  	v52 =	vor.u32 $0x6, v32;
	_ =	sdelay $0x3  }
0x3e0: {  	[tilespmem:v51+s18+$0x0] =	vst.idx.msk $0xffff, v34  }
0x3e1: {  	v53 =	vadd.s32 v13, v35;
	v34 =	vld.idx.msk [tilespmem:v52+s2+$0x0], $0xffff  }
0x3e2: {  	v54 =	vor.u32 $0x7, v33;
	_ =	sdelay $0x3  }
0x3e3: {  	[tilespmem:v53+s18+$0x0] =	vst.idx.msk $0xffff, v34  }
0x3e4: {  	v55 =	vadd.s32 v14, v35;
	v34 =	vld.idx.msk [tilespmem:v54+s30+$0x0], $0xffff  }
0x3e5: {  	v56 =	vor.u32 $0x7, v32;
	_ =	sdelay $0x3  }
0x3e6: {  	[tilespmem:v55+s18+$0x0] =	vst.idx.msk $0xffff, v34  }
0x3e7: {  	v57 =	vadd.s32 v15, v35;
	v34 =	vld.idx.msk [tilespmem:v56+s2+$0x0], $0xffff  }
0x3e8: {  	v58 =	vadd.s32 $0x8, v33;
	_ =	sdelay $0x3  }
0x3e9: {  	[tilespmem:v57+s18+$0x0] =	vst.idx.msk $0xffff, v34  }
0x3ea: {  	v59 =	vadd.s32 v16, v35;
	v34 =	vld.idx.msk [tilespmem:v58+s30+$0x0], $0xffff  }
0x3eb: {  	v60 =	vadd.s32 $0x8, v32;
	_ =	sdelay $0x3  }
0x3ec: {  	[tilespmem:v59+s18+$0x0] =	vst.idx.msk $0xffff, v34  }
0x3ed: {  	v61 =	vadd.s32 v17, v35;
	v34 =	vld.idx.msk [tilespmem:v60+s2+$0x0], $0xffff  }
0x3ee: {  	v62 =	vadd.s32 $0x9, v33;
	_ =	sdelay $0x3  }
0x3ef: {  	[tilespmem:v61+s18+$0x0] =	vst.idx.msk $0xffff, v34  }
0x3f0: {  	v63 =	vadd.s32 v18, v35;
	v34 =	vld.idx.msk [tilespmem:v62+s30+$0x0], $0xffff  }
0x3f1: {  	v40 =	vadd.s32 $0x9, v32;
	_ =	sdelay $0x3  }
0x3f2: {  	[tilespmem:v63+s18+$0x0] =	vst.idx.msk $0xffff, v34  }
0x3f3: {  	v41 =	vadd.s32 v19, v35;
	v34 =	vld.idx.msk [tilespmem:v40+s2+$0x0], $0xffff  }
0x3f4: {  	v42 =	vadd.s32 $0xA, v33;
	_ =	sdelay $0x3  }
0x3f5: {  	[tilespmem:v41+s18+$0x0] =	vst.idx.msk $0xffff, v34  }
0x3f6: {  	v43 =	vadd.s32 v20, v35;
	v34 =	vld.idx.msk [tilespmem:v42+s30+$0x0], $0xffff  }
0x3f7: {  	v44 =	vadd.s32 $0xA, v32;
	_ =	sdelay $0x3  }
0x3f8: {  	[tilespmem:v43+s18+$0x0] =	vst.idx.msk $0xffff, v34  }
0x3f9: {  	v45 =	vadd.s32 v21, v35;
	v34 =	vld.idx.msk [tilespmem:v44+s2+$0x0], $0xffff  }
0x3fa: {  	v46 =	vadd.s32 $0xB, v33;
	_ =	sdelay $0x3  }
0x3fb: {  	[tilespmem:v45+s18+$0x0] =	vst.idx.msk $0xffff, v34  }
0x3fc: {  	v47 =	vadd.s32 v22, v35;
	v34 =	vld.idx.msk [tilespmem:v46+s30+$0x0], $0xffff  }
0x3fd: {  	v48 =	vadd.s32 $0xB, v32;
	_ =	sdelay $0x3  }
0x3fe: {  	[tilespmem:v47+s18+$0x0] =	vst.idx.msk $0xffff, v34  }
0x3ff: {  	v49 =	vadd.s32 v23, v35;
	v34 =	vld.idx.msk [tilespmem:v48+s2+$0x0], $0xffff  }
0x400: {  	v50 =	vadd.s32 $0xC, v33;
	_ =	sdelay $0x3  }
0x401: {  	[tilespmem:v49+s18+$0x0] =	vst.idx.msk $0xffff, v34  }
0x402: {  	v51 =	vadd.s32 v24, v35;
	v34 =	vld.idx.msk [tilespmem:v50+s30+$0x0], $0xffff  }
0x403: {  	v52 =	vadd.s32 $0xC, v32;
	_ =	sdelay $0x3  }
0x404: {  	[tilespmem:v51+s18+$0x0] =	vst.idx.msk $0xffff, v34  }
0x405: {  	v53 =	vadd.s32 v25, v35;
	v34 =	vld.idx.msk [tilespmem:v52+s2+$0x0], $0xffff  }
0x406: {  	v54 =	vadd.s32 $0xD, v33;
	_ =	sdelay $0x3  }
0x407: {  	[tilespmem:v53+s18+$0x0] =	vst.idx.msk $0xffff, v34  }
0x408: {  	v55 =	vadd.s32 v26, v35;
	v34 =	vld.idx.msk [tilespmem:v54+s30+$0x0], $0xffff  }
0x409: {  	v56 =	vadd.s32 $0xD, v32;
	_ =	sdelay $0x3  }
0x40a: {  	[tilespmem:v55+s18+$0x0] =	vst.idx.msk $0xffff, v34  }
0x40b: {  	v57 =	vadd.s32 v27, v35;
	v34 =	vld.idx.msk [tilespmem:v56+s2+$0x0], $0xffff  }
0x40c: {  	v58 =	vadd.s32 $0xE, v33;
	_ =	sdelay $0x3  }
0x40d: {  	[tilespmem:v57+s18+$0x0] =	vst.idx.msk $0xffff, v34  }
0x40e: {  	v59 =	vadd.s32 v28, v35;
	v34 =	vld.idx.msk [tilespmem:v58+s30+$0x0], $0xffff  }
0x40f: {  	v60 =	vadd.s32 $0xE, v32;
	_ =	sdelay $0x3  }
0x410: {  	[tilespmem:v59+s18+$0x0] =	vst.idx.msk $0xffff, v34  }
0x411: {  	v61 =	vadd.s32 v29, v35;
	v34 =	vld.idx.msk [tilespmem:v60+s2+$0x0], $0xffff  }
0x412: {  	v33 =	vadd.s32 $0xF, v33;
	_ =	sdelay $0x3  }
0x413: {  	[tilespmem:v61+s18+$0x0] =	vst.idx.msk $0xffff, v34  }
0x414: {  	v62 =	vadd.s32 v30, v35;
	v33 =	vld.idx.msk [tilespmem:v33+s30+$0x0], $0xffff  }
0x415: {  	v32 =	vadd.s32 $0xF, v32;
	_ =	sdelay $0x3  }
0x416: {  	[tilespmem:v62+s18+$0x0] =	vst.idx.msk $0xffff, v33  }
0x417: {  	p1 =	sne.s32 s3, $0x70;
	v63 =	vadd.s32 v31, v35;
	v32 =	vld.idx.msk [tilespmem:v32+s2+$0x0], $0xffff  }
.Ltmp25:
0x418: {  	_ = 	snop;
	(pc) =	sbr.rel @p1 .LBB2_34-.Ltmp25, $3  }
0x419: {  	_ =	sdelay $0x1  }
0x41a: {  	s25 =	sadd.s32 $0x10, s25  }
0x41b: {  	s17 =	sadd.s32 $0x10, s17;
	s6 =	sadd.s32 $0x10, s6;
	s3 =	sadd.s32 $0x10, s3;
	[tilespmem:v63+s18+$0x0] =	vst.idx.msk $0xffff, v32  }
0x41c: {  	p1 =	por $0x1, $0x1  }
.LBB2_36:
0x41d: {  	s3 =	rddreg [dreg:$0x7];
	s17 =	simm.s32 $0x2  }
0x41e: {  	s5 =	rddreg [dreg:$0x19];
	_ =	swait.ge [sflag:s17], $0x2000  }
0x41f: {  	s3 =	sadd.s32 s3, s5;
	[sflag:s17] =	ssyncset.done $0x0  }
0x420: {  	s3 =	smul.u32 $0xC, s3;
	[sflag:s17] =	ssyncadd.s32 $0xFFFFE000  }
0x421: {  	s25 =	simm.s32 $0x8400;
	s5 =	rddreg [dreg:$0x4]  }
0x422: {  	s17 =	simm.s32 $0x60;
	s6 =	sadd.s32 s5, s3;
	s5 =	simm.s32 $0x40  }
0x423: {  	[hbm4b:s6+s5] =	stream.strided.scatter [tilespmem:s25], [sflag:$0x8], $0x2000, s17, s5, $0x38;
	[tilespmem:$0x1B320] =	vst v63  }
0x424: {  	s25 =	rddreg [dreg:$0x12]  }
0x425: {  	s6 =	simm.s32 $0x13800;
	s3 =	sadd.s32 s3, s25  }
0x426: {  	s17 =	simm.s32 $0xC;
	s25 =	simm.s32 $0x13828;
	s28 =	sadd.s32 $0x0, s3  }
.LBB2_37:
0x427: {  	[hbm4b:s28+s4] =	stream.linear.scatter [tilespmem:s6], [sflag:$0x8], $0x20, $0x38;
	[tilespmem:$0x1B320] =	vst v63  }
0x428: {  	s28 =	smov.u32 s17;
	s6 =	smov.u32 s25;
	p2 =	sne.s32 s17, $0x5F4  }
.Ltmp26:
0x429: {  	s17 =	sadd.s32 $0xC, s17;
	(pc) =	sbr.rel @p2 .LBB2_37-.Ltmp26, $2  }
0x42a: {  	_ =	sdelay $0x2  }
0x42b: {  	s25 =	sadd.s32 $0x28, s25;
	s28 =	sadd.s32 s28, s3  }
.Ltmp27:
0x42c: {  	(pc) =	sbr.rel @!p0 .LBB2_40-.Ltmp27, $2  }
0x42d: {  	_ =	sdelay $0x2  }
0x42e: {  	[hbm4b:s28+s4] =	stream.linear.scatter [tilespmem:s6], [sflag:$0x8], $0x20, $0x38;
	[tilespmem:$0x1B320] =	vst v63  }
.LBB2_39:
0x42f: {  	s3 =	simm.s32 $0xB  }
0x430: {  	_ =	swait.ge [sflag:s3], $0x2000  }
.Ltmp28:
0x431: {  	[sflag:s3] =	ssyncset.done $0x0;
	(pc) =	sbr.rel @p1 .LBB2_41-.Ltmp28, $4  }
.Ltmp29:
0x432: {  	[sflag:s3] =	ssyncadd.s32 $0xFFFFE000;
	(pc) =	sbr.rel @!p1 .LBB2_46-.Ltmp29, $4  }
0x433: {  	_ =	swait.ge [sflag:s3], $0x1000  }
0x434: {  	[sflag:s3] =	ssyncset.done $0x0  }
0x435: {  	p2 =	por $0x0, $0x0;
	p0 =	por $0x1, $0x1;
	[sflag:s3] =	ssyncadd.s32 $0xFFFFF000  }
0x436: {  	_ = 	snop  }
.LBB2_40:
.Ltmp30:
0x437: {  	(pc) =	sbr.rel @!p1 .LBB2_53-.Ltmp30, $2  }
0x438: {  	_ =	sdelay $0x2  }
0x439: {  	p0 =	por $0x0, $0x0  }
.LBB2_41:
0x43a: {  	s25 =	smul.u32 $0x300, s11  }
0x43b: {  	s5 =	rddreg [dreg:$0x8]  }
0x43c: {  	s6 =	simm.s32 $0x80;
	s17 =	simm.s32 $0xE400;
	s3 =	sadd.s32 $0x200, s25  }
0x43d: {  	[tilespmem:s17], [sflag:$0x5] =	stream.indirect.gather [hbm4b:s5+s6], $0x40, s3, s6, $0xb8;
	[tilespmem:$0x1B320] =	vst v63  }
0x43e: {  	v32 =	vld [tilespmem:s23+$0x0];
	_ =	sdelay $0x1  }
0x43f: {  	v33 =	vld [tilespmem:s13+$0x0];
	_ =	sdelay $0x2  }
0x440: {  	v32 =	vmul.u32 $0x18, v32;
	_ =	sdelay $0x1  }
0x441: {  	s17 =	simm.s32 $0x0;
	v33 =	vmul.u32 v33, v32  }
0x442: {  	v34 =	vld [tilespmem:s29+$0x0];
	v35 =	vmov s17  }
0x443: {  	v35 =	vmul.u32 $0x28, v35;
	_ =	sdelay $0x1  }
0x444: {  	v35 =	vbroadcast v35, $0x0;
	_ =	sdelay $0x1  }
0x445: {  	v37 =	vadd.s32 v0, v35;
	v32 =	vmul.u32 v34, v32;
	v36 =	vld.idx.msk [tilespmem:v33+s30+$0x0], $0xffff;
	_ =	sdelay $0x4  }
0x446: {  	[tilespmem:v37+s31+$0x0] =	vst.idx.msk $0xffff, v36  }
0x447: {  	v54 =	vadd.s32 v1, v35;
	v34 =	vld.idx.msk [tilespmem:v32+s2+$0x0], $0xffff  }
0x448: {  	v55 =	vor.u32 $0x1, v33;
	_ =	sdelay $0x3  }
0x449: {  	[tilespmem:v54+s31+$0x0] =	vst.idx.msk $0xffff, v34  }
0x44a: {  	v56 =	vadd.s32 v2, v35;
	v34 =	vld.idx.msk [tilespmem:v55+s30+$0x0], $0xffff  }
0x44b: {  	v57 =	vor.u32 $0x1, v32;
	_ =	sdelay $0x3  }
0x44c: {  	[tilespmem:v56+s31+$0x0] =	vst.idx.msk $0xffff, v34  }
0x44d: {  	v58 =	vadd.s32 v3, v35;
	v34 =	vld.idx.msk [tilespmem:v57+s2+$0x0], $0xffff  }
0x44e: {  	v59 =	vor.u32 $0x2, v33;
	_ =	sdelay $0x3  }
0x44f: {  	[tilespmem:v58+s31+$0x0] =	vst.idx.msk $0xffff, v34  }
0x450: {  	v60 =	vadd.s32 v4, v35;
	v34 =	vld.idx.msk [tilespmem:v59+s30+$0x0], $0xffff  }
0x451: {  	v61 =	vor.u32 $0x2, v32;
	_ =	sdelay $0x3  }
0x452: {  	[tilespmem:v60+s31+$0x0] =	vst.idx.msk $0xffff, v34  }
0x453: {  	v62 =	vadd.s32 v5, v35;
	v34 =	vld.idx.msk [tilespmem:v61+s2+$0x0], $0xffff  }
0x454: {  	v63 =	vor.u32 $0x3, v33;
	_ =	sdelay $0x3  }
0x455: {  	[tilespmem:v62+s31+$0x0] =	vst.idx.msk $0xffff, v34  }
0x456: {  	v40 =	vadd.s32 v6, v35;
	v34 =	vld.idx.msk [tilespmem:v63+s30+$0x0], $0xffff  }
0x457: {  	v41 =	vor.u32 $0x3, v32;
	_ =	sdelay $0x3  }
0x458: {  	[tilespmem:v40+s31+$0x0] =	vst.idx.msk $0xffff, v34  }
0x459: {  	v42 =	vadd.s32 v7, v35;
	v34 =	vld.idx.msk [tilespmem:v41+s2+$0x0], $0xffff  }
0x45a: {  	v43 =	vor.u32 $0x4, v33;
	_ =	sdelay $0x3  }
0x45b: {  	[tilespmem:v42+s31+$0x0] =	vst.idx.msk $0xffff, v34  }
0x45c: {  	v44 =	vadd.s32 v8, v35;
	v34 =	vld.idx.msk [tilespmem:v43+s30+$0x0], $0xffff  }
0x45d: {  	v45 =	vor.u32 $0x4, v32;
	_ =	sdelay $0x3  }
0x45e: {  	[tilespmem:v44+s31+$0x0] =	vst.idx.msk $0xffff, v34  }
0x45f: {  	v46 =	vadd.s32 v9, v35;
	v34 =	vld.idx.msk [tilespmem:v45+s2+$0x0], $0xffff  }
0x460: {  	v47 =	vor.u32 $0x5, v33;
	_ =	sdelay $0x3  }
0x461: {  	[tilespmem:v46+s31+$0x0] =	vst.idx.msk $0xffff, v34  }
0x462: {  	v48 =	vadd.s32 v10, v35;
	v34 =	vld.idx.msk [tilespmem:v47+s30+$0x0], $0xffff  }
0x463: {  	v49 =	vor.u32 $0x5, v32;
	_ =	sdelay $0x3  }
0x464: {  	[tilespmem:v48+s31+$0x0] =	vst.idx.msk $0xffff, v34  }
0x465: {  	v50 =	vadd.s32 v11, v35;
	v34 =	vld.idx.msk [tilespmem:v49+s2+$0x0], $0xffff  }
0x466: {  	v51 =	vor.u32 $0x6, v33;
	_ =	sdelay $0x3  }
0x467: {  	[tilespmem:v50+s31+$0x0] =	vst.idx.msk $0xffff, v34  }
0x468: {  	v52 =	vadd.s32 v12, v35;
	v34 =	vld.idx.msk [tilespmem:v51+s30+$0x0], $0xffff  }
0x469: {  	v53 =	vor.u32 $0x6, v32;
	_ =	sdelay $0x3  }
0x46a: {  	[tilespmem:v52+s31+$0x0] =	vst.idx.msk $0xffff, v34  }
0x46b: {  	v54 =	vadd.s32 v13, v35;
	v34 =	vld.idx.msk [tilespmem:v53+s2+$0x0], $0xffff  }
0x46c: {  	v55 =	vor.u32 $0x7, v33;
	_ =	sdelay $0x3  }
0x46d: {  	[tilespmem:v54+s31+$0x0] =	vst.idx.msk $0xffff, v34  }
0x46e: {  	v56 =	vadd.s32 v14, v35;
	v34 =	vld.idx.msk [tilespmem:v55+s30+$0x0], $0xffff  }
0x46f: {  	v57 =	vor.u32 $0x7, v32;
	_ =	sdelay $0x3  }
0x470: {  	[tilespmem:v56+s31+$0x0] =	vst.idx.msk $0xffff, v34  }
0x471: {  	v58 =	vadd.s32 v15, v35;
	v34 =	vld.idx.msk [tilespmem:v57+s2+$0x0], $0xffff  }
0x472: {  	v59 =	vadd.s32 $0x8, v33;
	_ =	sdelay $0x3  }
0x473: {  	[tilespmem:v58+s31+$0x0] =	vst.idx.msk $0xffff, v34  }
0x474: {  	v60 =	vadd.s32 v16, v35;
	v34 =	vld.idx.msk [tilespmem:v59+s30+$0x0], $0xffff  }
0x475: {  	v61 =	vadd.s32 $0x8, v32;
	_ =	sdelay $0x3  }
0x476: {  	[tilespmem:v60+s31+$0x0] =	vst.idx.msk $0xffff, v34  }
0x477: {  	v62 =	vadd.s32 v17, v35;
	v34 =	vld.idx.msk [tilespmem:v61+s2+$0x0], $0xffff  }
0x478: {  	v63 =	vadd.s32 $0x9, v33;
	_ =	sdelay $0x3  }
0x479: {  	[tilespmem:v62+s31+$0x0] =	vst.idx.msk $0xffff, v34  }
0x47a: {  	v40 =	vadd.s32 v18, v35;
	v34 =	vld.idx.msk [tilespmem:v63+s30+$0x0], $0xffff  }
0x47b: {  	v41 =	vadd.s32 $0x9, v32;
	_ =	sdelay $0x3  }
0x47c: {  	[tilespmem:v40+s31+$0x0] =	vst.idx.msk $0xffff, v34  }
0x47d: {  	v42 =	vadd.s32 v19, v35;
	v34 =	vld.idx.msk [tilespmem:v41+s2+$0x0], $0xffff  }
0x47e: {  	v43 =	vadd.s32 $0xA, v33;
	_ =	sdelay $0x3  }
0x47f: {  	[tilespmem:v42+s31+$0x0] =	vst.idx.msk $0xffff, v34  }
0x480: {  	v44 =	vadd.s32 v20, v35;
	v34 =	vld.idx.msk [tilespmem:v43+s30+$0x0], $0xffff  }
0x481: {  	v45 =	vadd.s32 $0xA, v32;
	_ =	sdelay $0x3  }
0x482: {  	[tilespmem:v44+s31+$0x0] =	vst.idx.msk $0xffff, v34  }
0x483: {  	v46 =	vadd.s32 v21, v35;
	v34 =	vld.idx.msk [tilespmem:v45+s2+$0x0], $0xffff  }
0x484: {  	v47 =	vadd.s32 $0xB, v33;
	_ =	sdelay $0x3  }
0x485: {  	[tilespmem:v46+s31+$0x0] =	vst.idx.msk $0xffff, v34  }
0x486: {  	v48 =	vadd.s32 v22, v35;
	v34 =	vld.idx.msk [tilespmem:v47+s30+$0x0], $0xffff  }
0x487: {  	v49 =	vadd.s32 $0xB, v32;
	_ =	sdelay $0x3  }
0x488: {  	[tilespmem:v48+s31+$0x0] =	vst.idx.msk $0xffff, v34  }
0x489: {  	v50 =	vadd.s32 v23, v35;
	v34 =	vld.idx.msk [tilespmem:v49+s2+$0x0], $0xffff  }
0x48a: {  	v51 =	vadd.s32 $0xC, v33;
	_ =	sdelay $0x3  }
0x48b: {  	[tilespmem:v50+s31+$0x0] =	vst.idx.msk $0xffff, v34  }
0x48c: {  	v52 =	vadd.s32 v24, v35;
	v34 =	vld.idx.msk [tilespmem:v51+s30+$0x0], $0xffff  }
0x48d: {  	v53 =	vadd.s32 $0xC, v32;
	_ =	sdelay $0x3  }
0x48e: {  	[tilespmem:v52+s31+$0x0] =	vst.idx.msk $0xffff, v34  }
0x48f: {  	v54 =	vadd.s32 v25, v35;
	v34 =	vld.idx.msk [tilespmem:v53+s2+$0x0], $0xffff  }
0x490: {  	v55 =	vadd.s32 $0xD, v33;
	_ =	sdelay $0x3  }
0x491: {  	[tilespmem:v54+s31+$0x0] =	vst.idx.msk $0xffff, v34  }
0x492: {  	v56 =	vadd.s32 v26, v35;
	v34 =	vld.idx.msk [tilespmem:v55+s30+$0x0], $0xffff  }
0x493: {  	v57 =	vadd.s32 $0xD, v32;
	_ =	sdelay $0x3  }
0x494: {  	[tilespmem:v56+s31+$0x0] =	vst.idx.msk $0xffff, v34  }
0x495: {  	v58 =	vadd.s32 v27, v35;
	v34 =	vld.idx.msk [tilespmem:v57+s2+$0x0], $0xffff  }
0x496: {  	v59 =	vadd.s32 $0xE, v33;
	_ =	sdelay $0x3  }
0x497: {  	[tilespmem:v58+s31+$0x0] =	vst.idx.msk $0xffff, v34  }
0x498: {  	v60 =	vadd.s32 v28, v35;
	v34 =	vld.idx.msk [tilespmem:v59+s30+$0x0], $0xffff  }
0x499: {  	v61 =	vadd.s32 $0xE, v32;
	_ =	sdelay $0x3  }
0x49a: {  	[tilespmem:v60+s31+$0x0] =	vst.idx.msk $0xffff, v34  }
0x49b: {  	v62 =	vadd.s32 v29, v35;
	v34 =	vld.idx.msk [tilespmem:v61+s2+$0x0], $0xffff  }
0x49c: {  	v33 =	vadd.s32 $0xF, v33;
	_ =	sdelay $0x3  }
0x49d: {  	[tilespmem:v62+s31+$0x0] =	vst.idx.msk $0xffff, v34  }
0x49e: {  	v63 =	vadd.s32 v30, v35;
	v33 =	vld.idx.msk [tilespmem:v33+s30+$0x0], $0xffff  }
0x49f: {  	v32 =	vadd.s32 $0xF, v32;
	_ =	sdelay $0x3  }
0x4a0: {  	s28 =	smov.u32 s13;
	[tilespmem:v63+s31+$0x0] =	vst.idx.msk $0xffff, v33  }
0x4a1: {  	s6 =	simm.s32 $0x10;
	s3 =	smov.u32 s23;
	s17 =	smov.u32 s29;
	v33 =	vld.idx.msk [tilespmem:v32+s2+$0x0], $0xffff;
	v32 =	vadd.s32 v31, v35  }
.LBB2_42:
0x4a2: {  	_ =	sdelay $0x3  }
0x4a3: {  	s17 =	sadd.s32 $0x10, s17;
	s28 =	sadd.s32 $0x10, s28;
	s3 =	sadd.s32 $0x10, s3;
	[tilespmem:v32+s31+$0x0] =	vst.idx.msk $0xffff, v33  }
0x4a4: {  	p1 =	sne.s32 s6, $0x70;
	s5 =	smov.u32 s6;
	s6 =	sadd.s32 $0x10, s6;
	v32 =	vld [tilespmem:s3+$0x0]  }
0x4a5: {  	_ = 	snop  }
0x4a6: {  	v33 =	vld [tilespmem:s28+$0x0];
	_ =	sdelay $0x2  }
0x4a7: {  	v34 =	vmul.u32 $0x18, v32;
	_ =	sdelay $0x1  }
0x4a8: {  	v33 =	vmul.u32 v33, v34;
	_ =	sdelay $0x1  }
0x4a9: {  	v32 =	vmov s5;
	v35 =	vld [tilespmem:s17+$0x0]  }
0x4aa: {  	v32 =	vmul.u32 $0x28, v32;
	_ =	sdelay $0x1  }
0x4ab: {  	v32 =	vbroadcast v32, $0x0  }
0x4ac: {  	v36 =	vld.idx.msk [tilespmem:v33+s30+$0x0], $0xffff  }
0x4ad: {  	v37 =	vadd.s32 v0, v32;
	v34 =	vmul.u32 v35, v34;
	_ =	sdelay $0x4  }
0x4ae: {  	[tilespmem:v37+s31+$0x0] =	vst.idx.msk $0xffff, v36  }
0x4af: {  	v35 =	vld.idx.msk [tilespmem:v34+s2+$0x0], $0xffff  }
0x4b0: {  	v36 =	vadd.s32 v1, v32  }
0x4b1: {  	v37 =	vor.u32 $0x1, v33;
	_ =	sdelay $0x3  }
0x4b2: {  	[tilespmem:v36+s31+$0x0] =	vst.idx.msk $0xffff, v35  }
0x4b3: {  	v35 =	vld.idx.msk [tilespmem:v37+s30+$0x0], $0xffff  }
0x4b4: {  	v36 =	vadd.s32 v2, v32  }
0x4b5: {  	v37 =	vor.u32 $0x1, v34;
	_ =	sdelay $0x3  }
0x4b6: {  	[tilespmem:v36+s31+$0x0] =	vst.idx.msk $0xffff, v35  }
0x4b7: {  	v35 =	vld.idx.msk [tilespmem:v37+s2+$0x0], $0xffff  }
0x4b8: {  	v36 =	vadd.s32 v3, v32  }
0x4b9: {  	v37 =	vor.u32 $0x2, v33;
	_ =	sdelay $0x3  }
0x4ba: {  	[tilespmem:v36+s31+$0x0] =	vst.idx.msk $0xffff, v35  }
0x4bb: {  	v35 =	vld.idx.msk [tilespmem:v37+s30+$0x0], $0xffff  }
0x4bc: {  	v36 =	vadd.s32 v4, v32  }
0x4bd: {  	v37 =	vor.u32 $0x2, v34;
	_ =	sdelay $0x3  }
0x4be: {  	[tilespmem:v36+s31+$0x0] =	vst.idx.msk $0xffff, v35  }
0x4bf: {  	v35 =	vld.idx.msk [tilespmem:v37+s2+$0x0], $0xffff  }
0x4c0: {  	v36 =	vadd.s32 v5, v32  }
0x4c1: {  	v37 =	vor.u32 $0x3, v33;
	_ =	sdelay $0x3  }
0x4c2: {  	[tilespmem:v36+s31+$0x0] =	vst.idx.msk $0xffff, v35  }
0x4c3: {  	v35 =	vld.idx.msk [tilespmem:v37+s30+$0x0], $0xffff  }
0x4c4: {  	v36 =	vadd.s32 v6, v32  }
0x4c5: {  	v37 =	vor.u32 $0x3, v34;
	_ =	sdelay $0x3  }
0x4c6: {  	[tilespmem:v36+s31+$0x0] =	vst.idx.msk $0xffff, v35  }
0x4c7: {  	v35 =	vld.idx.msk [tilespmem:v37+s2+$0x0], $0xffff  }
0x4c8: {  	v36 =	vadd.s32 v7, v32  }
0x4c9: {  	v37 =	vor.u32 $0x4, v33;
	_ =	sdelay $0x3  }
0x4ca: {  	[tilespmem:v36+s31+$0x0] =	vst.idx.msk $0xffff, v35  }
0x4cb: {  	v35 =	vld.idx.msk [tilespmem:v37+s30+$0x0], $0xffff  }
0x4cc: {  	v36 =	vadd.s32 v8, v32  }
0x4cd: {  	v37 =	vor.u32 $0x4, v34;
	_ =	sdelay $0x3  }
0x4ce: {  	[tilespmem:v36+s31+$0x0] =	vst.idx.msk $0xffff, v35  }
0x4cf: {  	v35 =	vld.idx.msk [tilespmem:v37+s2+$0x0], $0xffff  }
0x4d0: {  	v36 =	vadd.s32 v9, v32  }
0x4d1: {  	v37 =	vor.u32 $0x5, v33;
	_ =	sdelay $0x3  }
0x4d2: {  	[tilespmem:v36+s31+$0x0] =	vst.idx.msk $0xffff, v35  }
0x4d3: {  	v35 =	vld.idx.msk [tilespmem:v37+s30+$0x0], $0xffff  }
0x4d4: {  	v36 =	vadd.s32 v10, v32  }
0x4d5: {  	v37 =	vor.u32 $0x5, v34;
	_ =	sdelay $0x3  }
0x4d6: {  	[tilespmem:v36+s31+$0x0] =	vst.idx.msk $0xffff, v35  }
0x4d7: {  	v35 =	vld.idx.msk [tilespmem:v37+s2+$0x0], $0xffff  }
0x4d8: {  	v36 =	vadd.s32 v11, v32  }
0x4d9: {  	v37 =	vor.u32 $0x6, v33;
	_ =	sdelay $0x3  }
0x4da: {  	[tilespmem:v36+s31+$0x0] =	vst.idx.msk $0xffff, v35  }
0x4db: {  	v35 =	vld.idx.msk [tilespmem:v37+s30+$0x0], $0xffff  }
0x4dc: {  	v36 =	vadd.s32 v12, v32  }
0x4dd: {  	v37 =	vor.u32 $0x6, v34;
	_ =	sdelay $0x3  }
0x4de: {  	[tilespmem:v36+s31+$0x0] =	vst.idx.msk $0xffff, v35  }
0x4df: {  	v35 =	vld.idx.msk [tilespmem:v37+s2+$0x0], $0xffff  }
0x4e0: {  	v36 =	vadd.s32 v13, v32  }
0x4e1: {  	v37 =	vor.u32 $0x7, v33;
	_ =	sdelay $0x3  }
0x4e2: {  	[tilespmem:v36+s31+$0x0] =	vst.idx.msk $0xffff, v35  }
0x4e3: {  	v35 =	vld.idx.msk [tilespmem:v37+s30+$0x0], $0xffff  }
0x4e4: {  	v36 =	vadd.s32 v14, v32  }
0x4e5: {  	v37 =	vor.u32 $0x7, v34;
	_ =	sdelay $0x3  }
0x4e6: {  	[tilespmem:v36+s31+$0x0] =	vst.idx.msk $0xffff, v35  }
0x4e7: {  	v35 =	vld.idx.msk [tilespmem:v37+s2+$0x0], $0xffff  }
0x4e8: {  	v36 =	vadd.s32 v15, v32  }
0x4e9: {  	v37 =	vadd.s32 $0x8, v33;
	_ =	sdelay $0x3  }
0x4ea: {  	[tilespmem:v36+s31+$0x0] =	vst.idx.msk $0xffff, v35  }
0x4eb: {  	v35 =	vld.idx.msk [tilespmem:v37+s30+$0x0], $0xffff  }
0x4ec: {  	v36 =	vadd.s32 v16, v32  }
0x4ed: {  	v37 =	vadd.s32 $0x8, v34;
	_ =	sdelay $0x3  }
0x4ee: {  	[tilespmem:v36+s31+$0x0] =	vst.idx.msk $0xffff, v35  }
0x4ef: {  	v35 =	vld.idx.msk [tilespmem:v37+s2+$0x0], $0xffff  }
0x4f0: {  	v36 =	vadd.s32 v17, v32  }
0x4f1: {  	v37 =	vadd.s32 $0x9, v33;
	_ =	sdelay $0x3  }
0x4f2: {  	[tilespmem:v36+s31+$0x0] =	vst.idx.msk $0xffff, v35  }
0x4f3: {  	v35 =	vld.idx.msk [tilespmem:v37+s30+$0x0], $0xffff  }
0x4f4: {  	v36 =	vadd.s32 v18, v32  }
0x4f5: {  	v37 =	vadd.s32 $0x9, v34;
	_ =	sdelay $0x3  }
0x4f6: {  	[tilespmem:v36+s31+$0x0] =	vst.idx.msk $0xffff, v35  }
0x4f7: {  	v35 =	vld.idx.msk [tilespmem:v37+s2+$0x0], $0xffff  }
0x4f8: {  	v36 =	vadd.s32 v19, v32  }
0x4f9: {  	v37 =	vadd.s32 $0xA, v33;
	_ =	sdelay $0x3  }
0x4fa: {  	[tilespmem:v36+s31+$0x0] =	vst.idx.msk $0xffff, v35  }
0x4fb: {  	v35 =	vld.idx.msk [tilespmem:v37+s30+$0x0], $0xffff  }
0x4fc: {  	v36 =	vadd.s32 v20, v32  }
0x4fd: {  	v37 =	vadd.s32 $0xA, v34;
	_ =	sdelay $0x3  }
0x4fe: {  	[tilespmem:v36+s31+$0x0] =	vst.idx.msk $0xffff, v35  }
0x4ff: {  	v35 =	vld.idx.msk [tilespmem:v37+s2+$0x0], $0xffff  }
0x500: {  	v36 =	vadd.s32 v21, v32  }
0x501: {  	v37 =	vadd.s32 $0xB, v33;
	_ =	sdelay $0x3  }
0x502: {  	[tilespmem:v36+s31+$0x0] =	vst.idx.msk $0xffff, v35  }
0x503: {  	v35 =	vld.idx.msk [tilespmem:v37+s30+$0x0], $0xffff  }
0x504: {  	v36 =	vadd.s32 v22, v32  }
0x505: {  	v37 =	vadd.s32 $0xB, v34;
	_ =	sdelay $0x3  }
0x506: {  	[tilespmem:v36+s31+$0x0] =	vst.idx.msk $0xffff, v35  }
0x507: {  	v35 =	vld.idx.msk [tilespmem:v37+s2+$0x0], $0xffff  }
0x508: {  	v36 =	vadd.s32 v23, v32  }
0x509: {  	v37 =	vadd.s32 $0xC, v33;
	_ =	sdelay $0x3  }
0x50a: {  	[tilespmem:v36+s31+$0x0] =	vst.idx.msk $0xffff, v35  }
0x50b: {  	v35 =	vld.idx.msk [tilespmem:v37+s30+$0x0], $0xffff  }
0x50c: {  	v36 =	vadd.s32 v24, v32  }
0x50d: {  	v37 =	vadd.s32 $0xC, v34;
	_ =	sdelay $0x3  }
0x50e: {  	[tilespmem:v36+s31+$0x0] =	vst.idx.msk $0xffff, v35  }
0x50f: {  	v35 =	vld.idx.msk [tilespmem:v37+s2+$0x0], $0xffff  }
0x510: {  	v36 =	vadd.s32 v25, v32  }
0x511: {  	v37 =	vadd.s32 $0xD, v33;
	_ =	sdelay $0x3  }
0x512: {  	[tilespmem:v36+s31+$0x0] =	vst.idx.msk $0xffff, v35  }
0x513: {  	v35 =	vld.idx.msk [tilespmem:v37+s30+$0x0], $0xffff  }
0x514: {  	v36 =	vadd.s32 v26, v32  }
0x515: {  	v37 =	vadd.s32 $0xD, v34;
	_ =	sdelay $0x3  }
0x516: {  	[tilespmem:v36+s31+$0x0] =	vst.idx.msk $0xffff, v35  }
0x517: {  	v35 =	vld.idx.msk [tilespmem:v37+s2+$0x0], $0xffff  }
0x518: {  	v36 =	vadd.s32 v27, v32  }
0x519: {  	v37 =	vadd.s32 $0xE, v33;
	_ =	sdelay $0x3  }
0x51a: {  	[tilespmem:v36+s31+$0x0] =	vst.idx.msk $0xffff, v35  }
0x51b: {  	v35 =	vld.idx.msk [tilespmem:v37+s30+$0x0], $0xffff  }
0x51c: {  	v36 =	vadd.s32 v28, v32  }
0x51d: {  	v37 =	vadd.s32 $0xE, v34;
	_ =	sdelay $0x3  }
0x51e: {  	[tilespmem:v36+s31+$0x0] =	vst.idx.msk $0xffff, v35  }
0x51f: {  	v35 =	vld.idx.msk [tilespmem:v37+s2+$0x0], $0xffff  }
0x520: {  	v36 =	vadd.s32 v29, v32  }
0x521: {  	v33 =	vadd.s32 $0xF, v33;
	_ =	sdelay $0x3  }
0x522: {  	[tilespmem:v36+s31+$0x0] =	vst.idx.msk $0xffff, v35  }
0x523: {  	v33 =	vld.idx.msk [tilespmem:v33+s30+$0x0], $0xffff  }
0x524: {  	v35 =	vadd.s32 v30, v32  }
0x525: {  	v34 =	vadd.s32 $0xF, v34;
	_ =	sdelay $0x1  }
.Ltmp31:
0x526: {  	(pc) =	sbr.rel @p1 .LBB2_42-.Ltmp31, $4  }
0x527: {  	_ = 	snop  }
0x528: {  	[tilespmem:v35+s31+$0x0] =	vst.idx.msk $0xffff, v33  }
0x529: {  	v33 =	vld.idx.msk [tilespmem:v34+s2+$0x0], $0xffff  }
0x52a: {  	v32 =	vadd.s32 v31, v32  }
0x52b: {  	_ =	sdelay $0x3  }
0x52c: {  	s3 =	rddreg [dreg:$0x18];
	s6 =	simm.s32 $0x3;
	[tilespmem:v32+s31+$0x0] =	vst.idx.msk $0xffff, v33  }
0x52d: {  	s5 =	rddreg [dreg:$0x7];
	s3 =	sshll.u32 s3, $0x7;
	_ =	swait.ge [sflag:s6], $0x2000  }
0x52e: {  	s3 =	sadd.s32 s5, s3;
	[sflag:s6] =	ssyncset.done $0x0  }
0x52f: {  	s3 =	smul.u32 $0xC, s3;
	[sflag:s6] =	ssyncadd.s32 $0xFFFFE000  }
0x530: {  	s17 =	simm.s32 $0x60;
	s5 =	rddreg [dreg:$0x4]  }
0x531: {  	s28 =	simm.s32 $0xA400;
	s6 =	simm.s32 $0x40;
	s5 =	sadd.s32 s5, s3  }
0x532: {  	[hbm4b:s5+s6] =	stream.strided.scatter [tilespmem:s28], [sflag:$0x9], $0x2000, s17, s6, $0x38;
	[tilespmem:$0x1B320] =	vst v63  }
0x533: {  	s17 =	rddreg [dreg:$0x12]  }
0x534: {  	s5 =	simm.s32 $0x14C00;
	s3 =	sadd.s32 s3, s17  }
0x535: {  	s6 =	simm.s32 $0xC;
	s17 =	simm.s32 $0x14C28;
	s28 =	sadd.s32 $0x0, s3  }
.LBB2_44:
0x536: {  	[hbm4b:s28+s4] =	stream.linear.scatter [tilespmem:s5], [sflag:$0x9], $0x20, $0x38;
	[tilespmem:$0x1B320] =	vst v63  }
0x537: {  	s28 =	smov.u32 s6;
	s5 =	smov.u32 s17;
	p1 =	sne.s32 s6, $0x5F4  }
.Ltmp32:
0x538: {  	s6 =	sadd.s32 $0xC, s6;
	(pc) =	sbr.rel @p1 .LBB2_44-.Ltmp32, $2  }
0x539: {  	_ =	sdelay $0x2  }
0x53a: {  	s17 =	sadd.s32 $0x28, s17;
	s28 =	sadd.s32 s28, s3  }
.Ltmp33:
0x53b: {  	(pc) =	sbr.rel @!p0 .LBB2_48-.Ltmp33, $3  }
0x53c: {  	_ =	sdelay $0x1  }
0x53d: {  	[hbm4b:s28+s4] =	stream.linear.scatter [tilespmem:s5], [sflag:$0x9], $0x20, $0x38;
	[tilespmem:$0x1B320] =	vst v63  }
0x53e: {  	p2 =	por $0x1, $0x1  }
.LBB2_46:
0x53f: {  	s3 =	simm.s32 $0xC  }
0x540: {  	_ =	swait.ge [sflag:s3], $0x2000  }
.Ltmp34:
0x541: {  	[sflag:s3] =	ssyncset.done $0x0;
	(pc) =	sbr.rel @!p2 .LBB2_53-.Ltmp34, $4  }
0x542: {  	[sflag:s3] =	ssyncadd.s32 $0xFFFFE000  }
0x543: {  	_ =	swait.ge [sflag:s3], $0x1000  }
0x544: {  	[sflag:s3] =	ssyncset.done $0x0  }
0x545: {  	[sflag:s3] =	ssyncadd.s32 $0xFFFFF000  }
0x546: {  	s25 =	smul.u32 $0x300, s11  }
.LBB2_48:
0x547: {  	s5 =	rddreg [dreg:$0x8]  }
0x548: {  	s6 =	simm.s32 $0x80;
	s17 =	simm.s32 $0x10400;
	s3 =	sadd.s32 $0x280, s25  }
0x549: {  	[tilespmem:s17], [sflag:$0x6] =	stream.indirect.gather [hbm4b:s5+s6], $0x40, s3, s6, $0xb8;
	[tilespmem:$0x1B320] =	vst v63  }
0x54a: {  	v32 =	vld [tilespmem:s10+$0x0];
	_ =	sdelay $0x1  }
0x54b: {  	v33 =	vld [tilespmem:s8+$0x0];
	_ =	sdelay $0x2  }
0x54c: {  	v32 =	vmul.u32 $0x18, v32;
	_ =	sdelay $0x1  }
0x54d: {  	s28 =	simm.s32 $0x0;
	v33 =	vmul.u32 v33, v32  }
0x54e: {  	v35 =	vmov s28;
	v34 =	vld [tilespmem:s22+$0x0]  }
0x54f: {  	v35 =	vmul.u32 $0x28, v35;
	_ =	sdelay $0x1  }
0x550: {  	v35 =	vbroadcast v35, $0x0;
	_ =	sdelay $0x1  }
0x551: {  	v37 =	vadd.s32 v0, v35;
	v32 =	vmul.u32 v34, v32;
	v36 =	vld.idx.msk [tilespmem:v33+s30+$0x0], $0xffff;
	_ =	sdelay $0x4  }
0x552: {  	[tilespmem:v37+s12+$0x0] =	vst.idx.msk $0xffff, v36  }
0x553: {  	v54 =	vadd.s32 v1, v35;
	v34 =	vld.idx.msk [tilespmem:v32+s2+$0x0], $0xffff  }
0x554: {  	v55 =	vor.u32 $0x1, v33;
	_ =	sdelay $0x3  }
0x555: {  	[tilespmem:v54+s12+$0x0] =	vst.idx.msk $0xffff, v34  }
0x556: {  	v56 =	vadd.s32 v2, v35;
	v34 =	vld.idx.msk [tilespmem:v55+s30+$0x0], $0xffff  }
0x557: {  	v57 =	vor.u32 $0x1, v32;
	_ =	sdelay $0x3  }
0x558: {  	[tilespmem:v56+s12+$0x0] =	vst.idx.msk $0xffff, v34  }
0x559: {  	v58 =	vadd.s32 v3, v35;
	v34 =	vld.idx.msk [tilespmem:v57+s2+$0x0], $0xffff  }
0x55a: {  	v59 =	vor.u32 $0x2, v33;
	_ =	sdelay $0x3  }
0x55b: {  	[tilespmem:v58+s12+$0x0] =	vst.idx.msk $0xffff, v34  }
0x55c: {  	v60 =	vadd.s32 v4, v35;
	v34 =	vld.idx.msk [tilespmem:v59+s30+$0x0], $0xffff  }
0x55d: {  	v61 =	vor.u32 $0x2, v32;
	_ =	sdelay $0x3  }
0x55e: {  	[tilespmem:v60+s12+$0x0] =	vst.idx.msk $0xffff, v34  }
0x55f: {  	v62 =	vadd.s32 v5, v35;
	v34 =	vld.idx.msk [tilespmem:v61+s2+$0x0], $0xffff  }
0x560: {  	v63 =	vor.u32 $0x3, v33;
	_ =	sdelay $0x3  }
0x561: {  	[tilespmem:v62+s12+$0x0] =	vst.idx.msk $0xffff, v34  }
0x562: {  	v40 =	vadd.s32 v6, v35;
	v34 =	vld.idx.msk [tilespmem:v63+s30+$0x0], $0xffff  }
0x563: {  	v41 =	vor.u32 $0x3, v32;
	_ =	sdelay $0x3  }
0x564: {  	[tilespmem:v40+s12+$0x0] =	vst.idx.msk $0xffff, v34  }
0x565: {  	v42 =	vadd.s32 v7, v35;
	v34 =	vld.idx.msk [tilespmem:v41+s2+$0x0], $0xffff  }
0x566: {  	v43 =	vor.u32 $0x4, v33;
	_ =	sdelay $0x3  }
0x567: {  	[tilespmem:v42+s12+$0x0] =	vst.idx.msk $0xffff, v34  }
0x568: {  	v44 =	vadd.s32 v8, v35;
	v34 =	vld.idx.msk [tilespmem:v43+s30+$0x0], $0xffff  }
0x569: {  	v45 =	vor.u32 $0x4, v32;
	_ =	sdelay $0x3  }
0x56a: {  	[tilespmem:v44+s12+$0x0] =	vst.idx.msk $0xffff, v34  }
0x56b: {  	v46 =	vadd.s32 v9, v35;
	v34 =	vld.idx.msk [tilespmem:v45+s2+$0x0], $0xffff  }
0x56c: {  	v47 =	vor.u32 $0x5, v33;
	_ =	sdelay $0x3  }
0x56d: {  	[tilespmem:v46+s12+$0x0] =	vst.idx.msk $0xffff, v34  }
0x56e: {  	v48 =	vadd.s32 v10, v35;
	v34 =	vld.idx.msk [tilespmem:v47+s30+$0x0], $0xffff  }
0x56f: {  	v49 =	vor.u32 $0x5, v32;
	_ =	sdelay $0x3  }
0x570: {  	[tilespmem:v48+s12+$0x0] =	vst.idx.msk $0xffff, v34  }
0x571: {  	v50 =	vadd.s32 v11, v35;
	v34 =	vld.idx.msk [tilespmem:v49+s2+$0x0], $0xffff  }
0x572: {  	v51 =	vor.u32 $0x6, v33;
	_ =	sdelay $0x3  }
0x573: {  	[tilespmem:v50+s12+$0x0] =	vst.idx.msk $0xffff, v34  }
0x574: {  	v52 =	vadd.s32 v12, v35;
	v34 =	vld.idx.msk [tilespmem:v51+s30+$0x0], $0xffff  }
0x575: {  	v53 =	vor.u32 $0x6, v32;
	_ =	sdelay $0x3  }
0x576: {  	[tilespmem:v52+s12+$0x0] =	vst.idx.msk $0xffff, v34  }
0x577: {  	v54 =	vadd.s32 v13, v35;
	v34 =	vld.idx.msk [tilespmem:v53+s2+$0x0], $0xffff  }
0x578: {  	v55 =	vor.u32 $0x7, v33;
	_ =	sdelay $0x3  }
0x579: {  	[tilespmem:v54+s12+$0x0] =	vst.idx.msk $0xffff, v34  }
0x57a: {  	v56 =	vadd.s32 v14, v35;
	v34 =	vld.idx.msk [tilespmem:v55+s30+$0x0], $0xffff  }
0x57b: {  	v57 =	vor.u32 $0x7, v32;
	_ =	sdelay $0x3  }
0x57c: {  	[tilespmem:v56+s12+$0x0] =	vst.idx.msk $0xffff, v34  }
0x57d: {  	v58 =	vadd.s32 v15, v35;
	v34 =	vld.idx.msk [tilespmem:v57+s2+$0x0], $0xffff  }
0x57e: {  	v59 =	vadd.s32 $0x8, v33;
	_ =	sdelay $0x3  }
0x57f: {  	[tilespmem:v58+s12+$0x0] =	vst.idx.msk $0xffff, v34  }
0x580: {  	v60 =	vadd.s32 v16, v35;
	v34 =	vld.idx.msk [tilespmem:v59+s30+$0x0], $0xffff  }
0x581: {  	v61 =	vadd.s32 $0x8, v32;
	_ =	sdelay $0x3  }
0x582: {  	[tilespmem:v60+s12+$0x0] =	vst.idx.msk $0xffff, v34  }
0x583: {  	v62 =	vadd.s32 v17, v35;
	v34 =	vld.idx.msk [tilespmem:v61+s2+$0x0], $0xffff  }
0x584: {  	v63 =	vadd.s32 $0x9, v33;
	_ =	sdelay $0x3  }
0x585: {  	[tilespmem:v62+s12+$0x0] =	vst.idx.msk $0xffff, v34  }
0x586: {  	v40 =	vadd.s32 v18, v35;
	v34 =	vld.idx.msk [tilespmem:v63+s30+$0x0], $0xffff  }
0x587: {  	v41 =	vadd.s32 $0x9, v32;
	_ =	sdelay $0x3  }
0x588: {  	[tilespmem:v40+s12+$0x0] =	vst.idx.msk $0xffff, v34  }
0x589: {  	v42 =	vadd.s32 v19, v35;
	v34 =	vld.idx.msk [tilespmem:v41+s2+$0x0], $0xffff  }
0x58a: {  	v43 =	vadd.s32 $0xA, v33;
	_ =	sdelay $0x3  }
0x58b: {  	[tilespmem:v42+s12+$0x0] =	vst.idx.msk $0xffff, v34  }
0x58c: {  	v44 =	vadd.s32 v20, v35;
	v34 =	vld.idx.msk [tilespmem:v43+s30+$0x0], $0xffff  }
0x58d: {  	v45 =	vadd.s32 $0xA, v32;
	_ =	sdelay $0x3  }
0x58e: {  	[tilespmem:v44+s12+$0x0] =	vst.idx.msk $0xffff, v34  }
0x58f: {  	v46 =	vadd.s32 v21, v35;
	v34 =	vld.idx.msk [tilespmem:v45+s2+$0x0], $0xffff  }
0x590: {  	v47 =	vadd.s32 $0xB, v33;
	_ =	sdelay $0x3  }
0x591: {  	[tilespmem:v46+s12+$0x0] =	vst.idx.msk $0xffff, v34  }
0x592: {  	v48 =	vadd.s32 v22, v35;
	v34 =	vld.idx.msk [tilespmem:v47+s30+$0x0], $0xffff  }
0x593: {  	v49 =	vadd.s32 $0xB, v32;
	_ =	sdelay $0x3  }
0x594: {  	[tilespmem:v48+s12+$0x0] =	vst.idx.msk $0xffff, v34  }
0x595: {  	v50 =	vadd.s32 v23, v35;
	v34 =	vld.idx.msk [tilespmem:v49+s2+$0x0], $0xffff  }
0x596: {  	v51 =	vadd.s32 $0xC, v33;
	_ =	sdelay $0x3  }
0x597: {  	[tilespmem:v50+s12+$0x0] =	vst.idx.msk $0xffff, v34  }
0x598: {  	v52 =	vadd.s32 v24, v35;
	v34 =	vld.idx.msk [tilespmem:v51+s30+$0x0], $0xffff  }
0x599: {  	v53 =	vadd.s32 $0xC, v32;
	_ =	sdelay $0x3  }
0x59a: {  	[tilespmem:v52+s12+$0x0] =	vst.idx.msk $0xffff, v34  }
0x59b: {  	v54 =	vadd.s32 v25, v35;
	v34 =	vld.idx.msk [tilespmem:v53+s2+$0x0], $0xffff  }
0x59c: {  	v55 =	vadd.s32 $0xD, v33;
	_ =	sdelay $0x3  }
0x59d: {  	[tilespmem:v54+s12+$0x0] =	vst.idx.msk $0xffff, v34  }
0x59e: {  	v56 =	vadd.s32 v26, v35;
	v34 =	vld.idx.msk [tilespmem:v55+s30+$0x0], $0xffff  }
0x59f: {  	v57 =	vadd.s32 $0xD, v32;
	_ =	sdelay $0x3  }
0x5a0: {  	[tilespmem:v56+s12+$0x0] =	vst.idx.msk $0xffff, v34  }
0x5a1: {  	v58 =	vadd.s32 v27, v35;
	v34 =	vld.idx.msk [tilespmem:v57+s2+$0x0], $0xffff  }
0x5a2: {  	v59 =	vadd.s32 $0xE, v33;
	_ =	sdelay $0x3  }
0x5a3: {  	[tilespmem:v58+s12+$0x0] =	vst.idx.msk $0xffff, v34  }
0x5a4: {  	v60 =	vadd.s32 v28, v35;
	v34 =	vld.idx.msk [tilespmem:v59+s30+$0x0], $0xffff  }
0x5a5: {  	v61 =	vadd.s32 $0xE, v32;
	_ =	sdelay $0x3  }
0x5a6: {  	[tilespmem:v60+s12+$0x0] =	vst.idx.msk $0xffff, v34  }
0x5a7: {  	v62 =	vadd.s32 v29, v35;
	v34 =	vld.idx.msk [tilespmem:v61+s2+$0x0], $0xffff  }
0x5a8: {  	v33 =	vadd.s32 $0xF, v33;
	_ =	sdelay $0x3  }
0x5a9: {  	[tilespmem:v62+s12+$0x0] =	vst.idx.msk $0xffff, v34  }
0x5aa: {  	v63 =	vadd.s32 v30, v35;
	v33 =	vld.idx.msk [tilespmem:v33+s30+$0x0], $0xffff  }
0x5ab: {  	v32 =	vadd.s32 $0xF, v32;
	_ =	sdelay $0x3  }
0x5ac: {  	s5 =	simm.s32 $0x10;
	[tilespmem:v63+s12+$0x0] =	vst.idx.msk $0xffff, v33  }
0x5ad: {  	s6 =	smov.u32 s22;
	s17 =	smov.u32 s8;
	s3 =	smov.u32 s10;
	v33 =	vld.idx.msk [tilespmem:v32+s2+$0x0], $0xffff;
	v32 =	vadd.s32 v31, v35  }
.LBB2_49:
0x5ae: {  	_ =	sdelay $0x3  }
0x5af: {  	s6 =	sadd.s32 $0x10, s6;
	s17 =	sadd.s32 $0x10, s17;
	s3 =	sadd.s32 $0x10, s3;
	[tilespmem:v32+s12+$0x0] =	vst.idx.msk $0xffff, v33  }
0x5b0: {  	p0 =	sne.s32 s5, $0x70;
	s25 =	smov.u32 s5;
	s5 =	sadd.s32 $0x10, s5;
	v32 =	vld [tilespmem:s3+$0x0]  }
0x5b1: {  	_ = 	snop  }
0x5b2: {  	v33 =	vld [tilespmem:s17+$0x0];
	_ =	sdelay $0x2  }
0x5b3: {  	v34 =	vmul.u32 $0x18, v32;
	_ =	sdelay $0x1  }
0x5b4: {  	v33 =	vmul.u32 v33, v34;
	_ =	sdelay $0x1  }
0x5b5: {  	v32 =	vmov s25;
	v35 =	vld [tilespmem:s6+$0x0]  }
0x5b6: {  	v32 =	vmul.u32 $0x28, v32;
	_ =	sdelay $0x1  }
0x5b7: {  	v32 =	vbroadcast v32, $0x0  }
0x5b8: {  	v36 =	vld.idx.msk [tilespmem:v33+s30+$0x0], $0xffff  }
0x5b9: {  	v37 =	vadd.s32 v0, v32;
	v34 =	vmul.u32 v35, v34;
	_ =	sdelay $0x4  }
0x5ba: {  	[tilespmem:v37+s12+$0x0] =	vst.idx.msk $0xffff, v36  }
0x5bb: {  	v35 =	vld.idx.msk [tilespmem:v34+s2+$0x0], $0xffff  }
0x5bc: {  	v36 =	vadd.s32 v1, v32  }
0x5bd: {  	v37 =	vor.u32 $0x1, v33;
	_ =	sdelay $0x3  }
0x5be: {  	[tilespmem:v36+s12+$0x0] =	vst.idx.msk $0xffff, v35  }
0x5bf: {  	v35 =	vld.idx.msk [tilespmem:v37+s30+$0x0], $0xffff  }
0x5c0: {  	v36 =	vadd.s32 v2, v32  }
0x5c1: {  	v37 =	vor.u32 $0x1, v34;
	_ =	sdelay $0x3  }
0x5c2: {  	[tilespmem:v36+s12+$0x0] =	vst.idx.msk $0xffff, v35  }
0x5c3: {  	v35 =	vld.idx.msk [tilespmem:v37+s2+$0x0], $0xffff  }
0x5c4: {  	v36 =	vadd.s32 v3, v32  }
0x5c5: {  	v37 =	vor.u32 $0x2, v33;
	_ =	sdelay $0x3  }
0x5c6: {  	[tilespmem:v36+s12+$0x0] =	vst.idx.msk $0xffff, v35  }
0x5c7: {  	v35 =	vld.idx.msk [tilespmem:v37+s30+$0x0], $0xffff  }
0x5c8: {  	v36 =	vadd.s32 v4, v32  }
0x5c9: {  	v37 =	vor.u32 $0x2, v34;
	_ =	sdelay $0x3  }
0x5ca: {  	[tilespmem:v36+s12+$0x0] =	vst.idx.msk $0xffff, v35  }
0x5cb: {  	v35 =	vld.idx.msk [tilespmem:v37+s2+$0x0], $0xffff  }
0x5cc: {  	v36 =	vadd.s32 v5, v32  }
0x5cd: {  	v37 =	vor.u32 $0x3, v33;
	_ =	sdelay $0x3  }
0x5ce: {  	[tilespmem:v36+s12+$0x0] =	vst.idx.msk $0xffff, v35  }
0x5cf: {  	v35 =	vld.idx.msk [tilespmem:v37+s30+$0x0], $0xffff  }
0x5d0: {  	v36 =	vadd.s32 v6, v32  }
0x5d1: {  	v37 =	vor.u32 $0x3, v34;
	_ =	sdelay $0x3  }
0x5d2: {  	[tilespmem:v36+s12+$0x0] =	vst.idx.msk $0xffff, v35  }
0x5d3: {  	v35 =	vld.idx.msk [tilespmem:v37+s2+$0x0], $0xffff  }
0x5d4: {  	v36 =	vadd.s32 v7, v32  }
0x5d5: {  	v37 =	vor.u32 $0x4, v33;
	_ =	sdelay $0x3  }
0x5d6: {  	[tilespmem:v36+s12+$0x0] =	vst.idx.msk $0xffff, v35  }
0x5d7: {  	v35 =	vld.idx.msk [tilespmem:v37+s30+$0x0], $0xffff  }
0x5d8: {  	v36 =	vadd.s32 v8, v32  }
0x5d9: {  	v37 =	vor.u32 $0x4, v34;
	_ =	sdelay $0x3  }
0x5da: {  	[tilespmem:v36+s12+$0x0] =	vst.idx.msk $0xffff, v35  }
0x5db: {  	v35 =	vld.idx.msk [tilespmem:v37+s2+$0x0], $0xffff  }
0x5dc: {  	v36 =	vadd.s32 v9, v32  }
0x5dd: {  	v37 =	vor.u32 $0x5, v33;
	_ =	sdelay $0x3  }
0x5de: {  	[tilespmem:v36+s12+$0x0] =	vst.idx.msk $0xffff, v35  }
0x5df: {  	v35 =	vld.idx.msk [tilespmem:v37+s30+$0x0], $0xffff  }
0x5e0: {  	v36 =	vadd.s32 v10, v32  }
0x5e1: {  	v37 =	vor.u32 $0x5, v34;
	_ =	sdelay $0x3  }
0x5e2: {  	[tilespmem:v36+s12+$0x0] =	vst.idx.msk $0xffff, v35  }
0x5e3: {  	v35 =	vld.idx.msk [tilespmem:v37+s2+$0x0], $0xffff  }
0x5e4: {  	v36 =	vadd.s32 v11, v32  }
0x5e5: {  	v37 =	vor.u32 $0x6, v33;
	_ =	sdelay $0x3  }
0x5e6: {  	[tilespmem:v36+s12+$0x0] =	vst.idx.msk $0xffff, v35  }
0x5e7: {  	v35 =	vld.idx.msk [tilespmem:v37+s30+$0x0], $0xffff  }
0x5e8: {  	v36 =	vadd.s32 v12, v32  }
0x5e9: {  	v37 =	vor.u32 $0x6, v34;
	_ =	sdelay $0x3  }
0x5ea: {  	[tilespmem:v36+s12+$0x0] =	vst.idx.msk $0xffff, v35  }
0x5eb: {  	v35 =	vld.idx.msk [tilespmem:v37+s2+$0x0], $0xffff  }
0x5ec: {  	v36 =	vadd.s32 v13, v32  }
0x5ed: {  	v37 =	vor.u32 $0x7, v33;
	_ =	sdelay $0x3  }
0x5ee: {  	[tilespmem:v36+s12+$0x0] =	vst.idx.msk $0xffff, v35  }
0x5ef: {  	v35 =	vld.idx.msk [tilespmem:v37+s30+$0x0], $0xffff  }
0x5f0: {  	v36 =	vadd.s32 v14, v32  }
0x5f1: {  	v37 =	vor.u32 $0x7, v34;
	_ =	sdelay $0x3  }
0x5f2: {  	[tilespmem:v36+s12+$0x0] =	vst.idx.msk $0xffff, v35  }
0x5f3: {  	v35 =	vld.idx.msk [tilespmem:v37+s2+$0x0], $0xffff  }
0x5f4: {  	v36 =	vadd.s32 v15, v32  }
0x5f5: {  	v37 =	vadd.s32 $0x8, v33;
	_ =	sdelay $0x3  }
0x5f6: {  	[tilespmem:v36+s12+$0x0] =	vst.idx.msk $0xffff, v35  }
0x5f7: {  	v35 =	vld.idx.msk [tilespmem:v37+s30+$0x0], $0xffff  }
0x5f8: {  	v36 =	vadd.s32 v16, v32  }
0x5f9: {  	v37 =	vadd.s32 $0x8, v34;
	_ =	sdelay $0x3  }
0x5fa: {  	[tilespmem:v36+s12+$0x0] =	vst.idx.msk $0xffff, v35  }
0x5fb: {  	v35 =	vld.idx.msk [tilespmem:v37+s2+$0x0], $0xffff  }
0x5fc: {  	v36 =	vadd.s32 v17, v32  }
0x5fd: {  	v37 =	vadd.s32 $0x9, v33;
	_ =	sdelay $0x3  }
0x5fe: {  	[tilespmem:v36+s12+$0x0] =	vst.idx.msk $0xffff, v35  }
0x5ff: {  	v35 =	vld.idx.msk [tilespmem:v37+s30+$0x0], $0xffff  }
0x600: {  	v36 =	vadd.s32 v18, v32  }
0x601: {  	v37 =	vadd.s32 $0x9, v34;
	_ =	sdelay $0x3  }
0x602: {  	[tilespmem:v36+s12+$0x0] =	vst.idx.msk $0xffff, v35  }
0x603: {  	v35 =	vld.idx.msk [tilespmem:v37+s2+$0x0], $0xffff  }
0x604: {  	v36 =	vadd.s32 v19, v32  }
0x605: {  	v37 =	vadd.s32 $0xA, v33;
	_ =	sdelay $0x3  }
0x606: {  	[tilespmem:v36+s12+$0x0] =	vst.idx.msk $0xffff, v35  }
0x607: {  	v35 =	vld.idx.msk [tilespmem:v37+s30+$0x0], $0xffff  }
0x608: {  	v36 =	vadd.s32 v20, v32  }
0x609: {  	v37 =	vadd.s32 $0xA, v34;
	_ =	sdelay $0x3  }
0x60a: {  	[tilespmem:v36+s12+$0x0] =	vst.idx.msk $0xffff, v35  }
0x60b: {  	v35 =	vld.idx.msk [tilespmem:v37+s2+$0x0], $0xffff  }
0x60c: {  	v36 =	vadd.s32 v21, v32  }
0x60d: {  	v37 =	vadd.s32 $0xB, v33;
	_ =	sdelay $0x3  }
0x60e: {  	[tilespmem:v36+s12+$0x0] =	vst.idx.msk $0xffff, v35  }
0x60f: {  	v35 =	vld.idx.msk [tilespmem:v37+s30+$0x0], $0xffff  }
0x610: {  	v36 =	vadd.s32 v22, v32  }
0x611: {  	v37 =	vadd.s32 $0xB, v34;
	_ =	sdelay $0x3  }
0x612: {  	[tilespmem:v36+s12+$0x0] =	vst.idx.msk $0xffff, v35  }
0x613: {  	v35 =	vld.idx.msk [tilespmem:v37+s2+$0x0], $0xffff  }
0x614: {  	v36 =	vadd.s32 v23, v32  }
0x615: {  	v37 =	vadd.s32 $0xC, v33;
	_ =	sdelay $0x3  }
0x616: {  	[tilespmem:v36+s12+$0x0] =	vst.idx.msk $0xffff, v35  }
0x617: {  	v35 =	vld.idx.msk [tilespmem:v37+s30+$0x0], $0xffff  }
0x618: {  	v36 =	vadd.s32 v24, v32  }
0x619: {  	v37 =	vadd.s32 $0xC, v34;
	_ =	sdelay $0x3  }
0x61a: {  	[tilespmem:v36+s12+$0x0] =	vst.idx.msk $0xffff, v35  }
0x61b: {  	v35 =	vld.idx.msk [tilespmem:v37+s2+$0x0], $0xffff  }
0x61c: {  	v36 =	vadd.s32 v25, v32  }
0x61d: {  	v37 =	vadd.s32 $0xD, v33;
	_ =	sdelay $0x3  }
0x61e: {  	[tilespmem:v36+s12+$0x0] =	vst.idx.msk $0xffff, v35  }
0x61f: {  	v35 =	vld.idx.msk [tilespmem:v37+s30+$0x0], $0xffff  }
0x620: {  	v36 =	vadd.s32 v26, v32  }
0x621: {  	v37 =	vadd.s32 $0xD, v34;
	_ =	sdelay $0x3  }
0x622: {  	[tilespmem:v36+s12+$0x0] =	vst.idx.msk $0xffff, v35  }
0x623: {  	v35 =	vld.idx.msk [tilespmem:v37+s2+$0x0], $0xffff  }
0x624: {  	v36 =	vadd.s32 v27, v32  }
0x625: {  	v37 =	vadd.s32 $0xE, v33;
	_ =	sdelay $0x3  }
0x626: {  	[tilespmem:v36+s12+$0x0] =	vst.idx.msk $0xffff, v35  }
0x627: {  	v35 =	vld.idx.msk [tilespmem:v37+s30+$0x0], $0xffff  }
0x628: {  	v36 =	vadd.s32 v28, v32  }
0x629: {  	v37 =	vadd.s32 $0xE, v34;
	_ =	sdelay $0x3  }
0x62a: {  	[tilespmem:v36+s12+$0x0] =	vst.idx.msk $0xffff, v35  }
0x62b: {  	v35 =	vld.idx.msk [tilespmem:v37+s2+$0x0], $0xffff  }
0x62c: {  	v36 =	vadd.s32 v29, v32  }
0x62d: {  	v33 =	vadd.s32 $0xF, v33;
	_ =	sdelay $0x3  }
0x62e: {  	[tilespmem:v36+s12+$0x0] =	vst.idx.msk $0xffff, v35  }
0x62f: {  	v33 =	vld.idx.msk [tilespmem:v33+s30+$0x0], $0xffff  }
0x630: {  	v35 =	vadd.s32 v30, v32  }
0x631: {  	v34 =	vadd.s32 $0xF, v34;
	_ =	sdelay $0x1  }
.Ltmp35:
0x632: {  	(pc) =	sbr.rel @p0 .LBB2_49-.Ltmp35, $4  }
0x633: {  	_ = 	snop  }
0x634: {  	[tilespmem:v35+s12+$0x0] =	vst.idx.msk $0xffff, v33  }
0x635: {  	v33 =	vld.idx.msk [tilespmem:v34+s2+$0x0], $0xffff  }
0x636: {  	v32 =	vadd.s32 v31, v32  }
0x637: {  	_ =	sdelay $0x3  }
0x638: {  	s3 =	sshll.u32 s26, $0x7;
	s26 =	simm.s32 $0x4;
	[tilespmem:v32+s12+$0x0] =	vst.idx.msk $0xffff, v33  }
0x639: {  	s5 =	rddreg [dreg:$0x7];
	_ =	swait.ge [sflag:s26], $0x2000  }
0x63a: {  	s3 =	sadd.s32 s5, s3;
	[sflag:s26] =	ssyncset.done $0x0  }
0x63b: {  	s3 =	smul.u32 $0xC, s3;
	[sflag:s26] =	ssyncadd.s32 $0xFFFFE000  }
0x63c: {  	s6 =	simm.s32 $0x40;
	s17 =	simm.s32 $0x60;
	s5 =	rddreg [dreg:$0x4]  }
0x63d: {  	s25 =	simm.s32 $0xC400;
	s28 =	rddreg [dreg:$0x12];
	s5 =	sadd.s32 s5, s3  }
0x63e: {  	[hbm4b:s5+s6] =	stream.strided.scatter [tilespmem:s25], [sflag:$0xA], $0x2000, s17, s6, $0x38;
	[tilespmem:$0x1B320] =	vst v63  }
0x63f: {  	s3 =	sadd.s32 s3, s28;
	s5 =	simm.s32 $0x16000  }
0x640: {  	s6 =	simm.s32 $0xC;
	s25 =	sadd.s32 $0x0, s3;
	s17 =	simm.s32 $0x16028  }
.LBB2_51:
0x641: {  	[hbm4b:s25+s4] =	stream.linear.scatter [tilespmem:s5], [sflag:$0xA], $0x20, $0x38;
	[tilespmem:$0x1B320] =	vst v63  }
0x642: {  	s25 =	smov.u32 s6;
	s5 =	smov.u32 s17;
	p0 =	sne.s32 s6, $0x5F4  }
.Ltmp36:
0x643: {  	s6 =	sadd.s32 $0xC, s6;
	(pc) =	sbr.rel @p0 .LBB2_51-.Ltmp36, $2  }
0x644: {  	_ =	sdelay $0x2  }
0x645: {  	s17 =	sadd.s32 $0x28, s17;
	s25 =	sadd.s32 s25, s3  }
.Ltmp37:
0x646: {  	(pc) =	sbr.rel .LBB2_53-.Ltmp37, $2  }
0x647: {  	_ =	sdelay $0x2  }
0x648: {  	[hbm4b:s25+s4] =	stream.linear.scatter [tilespmem:s5], [sflag:$0xA], $0x20, $0x38;
	[tilespmem:$0x1B320] =	vst v63  }
.LBB2_55:
0x649: {  	_ =	sfence.sel $0x180000  }
0x64a: {  	[bflag:$0x0] =	sbarrier.arrive $0xFFFF  }
0x64b: {  	_ =	strace $0x90000047  }
0x64c: {  	s0 =	stileid.u32;
	[bflag:$0x2] =	sbarrier.arrive $0xFFFF  }
0x64d: {  	p0 =	sne.s32 s0, $0x0;
	s0 =	rddreg [dreg:$0x6]  }
0x64e: {  	s0 =	sadd.s32 @!p0 $0x100000, s0  }
0x64f: {  	[sflag:s0] =	ssyncadd.tile.s32 @!p0 $0x1;
	_ =	shalt  }
.Lfunc_end2:
_tile_overlayer_lowered:
.L_overlay_start_2:
0x650: {  	(tag) =	ssettag $0x2  }
0x651: {  	s0 =	rddreg [dreg:$0x0];
	s2 =	stileid.u32  }
0x652: {  	s1 =	rddreg [dreg:$0x1];
	p0 =	sne.s32 s2, $0x0  }
0x653: {  	s3 =	rddreg [dreg:$0x2];
	[bflag:$0x3] =	sbarrier.arrive $0xFFFF;
	s2 =	simm.s32 @!p0 $0x1C0E  }
0x654: {  	[timem:s3], [sflag:s2] =	dma.local @!p0 [hbm:s0], s1  }
0x655: {  	s0 =	simm.s32 @!p0 $0xE  }
0x656: {  	_ =	swait.ge @!p0 [sflag:s0], s1  }
0x657: {  	s1 =	ssub.s32 @!p0 $0x0, s1;
	[sflag:s0] =	ssyncset.done @!p0 $0x0  }
0x658: {  	[sflag:s0] =	ssyncadd.s32 @!p0 s1  }
0x659: {  	[bflag:$0x3] =	sbarrier.arrive $0xFFFF  }
0x65a: {  	_ =	shalt  }

// kernel: sparse-core-data-format-call.cloned.1.call-start
scs
called_computation_lowered:
.L_overlay_start_0:
0x0: {  	s2 =	sld [smem:$0x3FD9]  }
0x1: {  	s3 =	sld [smem:$0x3FFE];
	_ =	sdelay $0x1  }
0x2: {  	s1 =	srdreg.scid  }
0x3: {  	s0 =	sand.u32 $0x1, s1  }
0x4: {  	s15 =	sshll.u32 s0, $0xA;
	s2 =	sadd.s32 s3, s2  }
0x5: {  	s2 =	sadd.s32 s2, s15  }
0x6: {  	[smem:$0x3FBF] =	sst s2  }
0x7: {  	_ = 	snop  }
0x8: {  	s2 =	sld [smem:$0x3FD0];
	_ =	sdelay $0x2  }
0x9: {  	s16 =	simm.s32 $0xA;
	s4 =	simm.s32 $0x10  }
0xa: {  	[smem:s4], [sflag:s16] =	dma.local [hbm:s2], $0x1  }
0xb: {  	_ =	swait.eq [sflag:s16], $0x1  }
0xc: {  	[sflag:s16] =	ssyncset.done $0x0  }
0xd: {  	[sflag:s16] =	ssyncadd.s32 $0xFFFFFFFF  }
0xe: {  	s17 =	sld [smem:$0x10];
	(tm) =	ssettm $0x1  }
0xf: {  	s18 =	sld [smem:$0x3FFB];
	_ =	sdelay $0x3  }
0x10: {  	_ =	strace s18  }
0x11: {  	s3 =	sld [smem:$0x3FFC];
	_ =	sdelay $0x3  }
0x12: {  	_ =	strace s3  }
0x13: {  	s3 =	sld [smem:$0x3FFD];
	_ =	sdelay $0x3  }
0x14: {  	_ =	strace s3  }
0x15: {  	_ =	strace $0x8FFFFFFF  }
0x16: {  	s19 =	sld [smem:$0x3FDB];
	_ =	sdelay $0x1  }
0x17: {  	s20 =	simm.s32 $_scs_section_size  }
0x18: {  	s5 =	simm.s32 $_size__tile_overlayer_lowered;
	s6 =	simm.s32 $_tile_overlayer_lowered  }
0x19: {  	s23 =	simm.s32 $0x1BFF;
	s22 =	sshll.u32 s6, $0x1;
	s3 =	sadd.s32 s20, s19  }
0x1a: {  	s7 =	simm.s32 $0x0;
	s21 =	sshll.u32 s5, $0x1;
	s5 =	sadd.s32 s22, s3  }
0x1b: {  	[timem:s7], [sflag:s23] =	dma.local [hbm:s5], s21  }
0x1c: {  	_ =	swait.ge [sflag:s23], s21  }
0x1d: {  	s4 =	ssub.s32 $0x0, s21;
	[sflag:s23] =	ssyncset.done $0x0  }
0x1e: {  	[sflag:s23] =	ssyncadd.s32 s4;
	_ =	sdelay $0x1  }
0x1f: {  	s24 =	simm.s32 $0x1B8B  }
0x20: {  	_ =	swait.ge [sflag:s24], $0x1  }
0x21: {  	[sflag:s24] =	ssyncset.done $0x0  }
0x22: {  	s26 =	simm.s32 $0x1B8E;
	s25 =	sld [smem:$0x3FFE];
	[sflag:s24] =	ssyncadd.s32 $0xFFFFFFFF  }
0x23: {  	s27 =	simm.s32 $execute0_lowered;
	[smem:$0x3FD2] =	sst s26  }
0x24: {  	s5 =	sshll.u32 s27, $0x1;
	_ =	strace $0x80000049;
	[dreg:$0x1] =	wrdreg $0xFFFFFFFF  }
0x25: {  	s28 =	simm.s32 $_size_execute0_lowered;
	s3 =	sadd.s32 s3, s5;
	[dreg:$0x0] =	wrdreg $0x0  }
0x26: {  	s5 =	sshll.u32 s28, $0x1;
	[dreg:$0x2] =	wrdreg s3  }
0x27: {  	[dreg:$0x3] =	wrdreg s5  }
0x28: {  	[dreg:$0x4] =	wrdreg $0xC0  }
0x29: {  	_ =	task [dreg:s7], $0x5FFFF  }
0x2a: {  	[dreg:$0x1] =	wrdreg $0xFFFFFFFF  }
0x2b: {  	[dreg:$0x0] =	wrdreg $0x60  }
0x2c: {  	[dreg:$0x2] =	wrdreg s25  }
0x2d: {  	[dreg:$0x3] =	wrdreg s17  }
0x2e: {  	[dreg:$0x4] =	wrdreg $0x9  }
0x2f: {  	_ =	task.clear_ibuf [dreg:s7], $0x5FFFF;
	_ =	strace $0x90000049  }
0x30: {  	s29 =	simm.s32 $0x9;
	_ =	strace $0x8000004B  }
0x31: {  	_ =	swait.ge [sflag:s29], $0x1  }
0x32: {  	[sflag:s29] =	ssyncadd.s32 $0xFFFFFFFF  }
0x33: {  	_ =	strace $0x9000004B  }
0x34: {  	_ =	sfence  }
0x35: {  	s30 =	sld [smem:$0x0];
	_ =	sdelay $0x2  }
0x36: {  	s31 =	sshll.u32 s1, $0xD;
	s1 =	sshrl.u32 s1, $0x2  }
0x37: {  	s3 =	sand.u32 $0x4000, s31;
	s1 =	sadd.s32 s1, s30  }
0x38: {  	s0 =	sor.u32 s3, s0;
	s1 =	sshll.u32 s1, $0x11  }
0x39: {  	s0 =	sor.u32 s1, s0  }
0x3a: {  	s0 =	sadd.s32 $0x8F2B, s0  }
0x3b: {  	[sflag:s0] =	ssyncadd.remote.s32 $0x1  }
0x3c: {  	_ =	sfence.sel $0xFFFF  }
0x3d: {  	[dreg:$0x0] =	wrdreg $0xFFFFFFFF;
	(pc) =	sbr.abs _section_cstart, $3  }
0x3e: {  	[dreg:$0x1] =	wrdreg $0xFFFFFFFF  }
0x3f: {  	_ =	task.clear_ibuf [dreg:s7], $0x2FFFF;
	_ =	strace $0x9FFFFFFF  }
0x40: {  	(tm) =	ssettm $0x7FFFFFFF  }
0x41: {  	_ =	shalt  }
tec
execute0_lowered:
.L_overlay_start_1:
0x0: {  	(tag) =	ssettag $0x1  }
0x1: {  	s4 =	rddreg [dreg:$0x0]  }
0x2: {  	s0 =	stileid.u32;
	s2 =	rddreg [dreg:$0x1]  }
0x3: {  	s7 =	srdreg.scid;
	s8 =	simm.s32 $0x2;
	s16 =	simm.s32 $0x0  }
0x4: {  	s9 =	simm.s32 $0x2000;
	s15 =	simm.s32 $0x0;
	s1 =	sshll.u32 s0, $0x7  }
0x5: {  	s10 =	simm.s32 $0x0;
	s11 =	simm.s32 $0x0;
	s3 =	sand.u32 $0x380, s1  }
0x6: {  	s14 =	simm.s32 $0x0;
	s7 =	sshll.u32 s7, $0x4;
	s5 =	ssub.s32 $0x400, s3  }
0x7: {  	s4 =	sadd.s32 $0x1CE00, s4;
	s1 =	rddreg [dreg:$0x2];
	s6 =	sand.u32 $0x380, s5  }
0x8: {  	s7 =	sand.u32 $0x10, s7;
	p0 =	sne.s32 s6, $0x0;
	s6 =	simm.s32 $0x1  }
.Ltmp0:
0x9: {  	s5 =	sshrl.u32 s5, $0xA;
	s6 =	simm.s32 @!p0 $0x0;
	(pc) =	sbr.rel .LBB1_1-.Ltmp0, $4  }
0xa: {  	_ =	strace $0x8000004A;
	s7 =	sor.u32 s0, s7;
	s6 =	sadd.s32 s6, s5  }
0xb: {  	s7 =	sshrl.u32 s7, $0x3;
	s5 =	simm.s32 $0x1;
	s6 =	smul.u32 $0x32, s6  }
0xc: {  	s13 =	smov.u32 s3;
	s12 =	smov.u32 s7;
	[sflag:s5] =	ssyncpa.u1 $0x0  }
0xd: {  	p0 =	por $0x0, $0x0;
	[sflag:s8] =	ssyncpa.u1 $0x0;
	s8 =	sor.u32 $0x1, s6  }
.LBB1_4:
0xe: {  	s21 =	sshra.s32 s21, $0x2  }
0xf: {  	v5 =	vld [tilespmem:s18+$0xFFFFFFD0];
	s30 =	sshrl.u32 s11, $0x7;
	p1 =	sgt.s32 s10, $0xC7;
	s22 =	smov.u32 s10  }
0x10: {  	[tilespmem:s19+$0x2040 ss:$0x81] =	vst.msk $0xffff, v4;
	s23 =	sshra.s32 s10, $0x1F;
	v58 =	vld [tilespmem:s18+$0xFFFFFFE0];
	s25 =	sshra.s32 s11, $0x1F;
	s27 =	smul.u32 $0x3000, s10  }
0x11: {  	[tilespmem:s19+$0x2850 ss:$0x81] =	vst.msk $0xffff, v3;
	v59 =	vld [tilespmem:s18+$0xFFFFFFF0];
	s28 =	sshrl.u32 s11, $0x3;
	s20 =	sadd.s32 s21, s20;
	s21 =	sand.u32 $0x3FFFFF, s30  }
0x12: {  	[tilespmem:s19+$0x3060 ss:$0x81] =	vst.msk $0xffff, v2;
	v60 =	vld [tilespmem:s18+$0x0];
	s22 =	simm.s32 @!p1 $0xC7;
	s23 =	sand.u32 s23, s10;
	p1 =	sgt.s32 s11, $0x380  }
0x13: {  	[tilespmem:s19+$0x0 ss:$0x81] =	vst.msk $0xffff, v1;
	v61 =	vld [tilespmem:s18+$0x10];
	s25 =	sand.u32 s25, s11;
	s22 =	ssub.s32 s22, s23;
	s23 =	smov.u32 s11  }
0x14: {  	s24 =	smulhi.u32 $0x2AAAAAB, s21;
	[tilespmem:s20+$0x3870 ss:$0x81] =	vst.msk $0xffff, v0;
	s31 =	ssub.s32 $0xC8, s22;
	s23 =	simm.s32 @!p1 $0x380  }
0x15: {  	v62 =	vld [tilespmem:s18+$0x20];
	s22 =	sadd.s32 $0xFFFFFF39, s22;
	s23 =	ssub.s32 s23, s25;
	s19 =	smul.u32 $0x60, s31;
	[tilespmem:s20+$0x810 ss:$0x81] =	vst.msk $0xffff, v5  }
0x16: {  	v63 =	vld [tilespmem:s18+$0xFFFFFFC0];
	s24 =	smul.u32 $0x60, s24;
	p1 =	sgt.s32 s22, $0x0;
	s26 =	sadd.s32 $0xFFFFFC80, s23;
	[tilespmem:s20+$0x1020 ss:$0x81] =	vst.msk $0xffff, v58  }
0x17: {  	s18 =	ssub.s32 $0x400, s23;
	[tilespmem:s20+$0x1830 ss:$0x81] =	vst.msk $0xffff, v59;
	s19 =	simm.s32 @p1 $0x0;
	p1 =	sgt.s32 s26, $0x7F  }
0x18: {  	s29 =	sand.u32 $0x7, s11;
	s22 =	sadd.s32 s2, s27;
	[tilespmem:s20+$0x2040 ss:$0x81] =	vst.msk $0xffff, v60;
	s18 =	simm.s32 @p1 $0x0  }
0x19: {  	[tilespmem:s20+$0x2850 ss:$0x81] =	vst.msk $0xffff, v61;
	s21 =	ssub.s32 s21, s24;
	s18 =	smul.u32 s18, s19;
	s19 =	sand.u32 $0xF, s28  }
0x1a: {  	s30 =	sshll.u32 s29, $0x12;
	[tilespmem:s20+$0x3060 ss:$0x81] =	vst.msk $0xffff, v62;
	s21 =	sshll.u32 s21, $0x7;
	s19 =	sadd.s32 s19, s22  }
0x1b: {  	s31 =	sor.u32 $0x400, s30;
	[tilespmem:s20+$0x0 ss:$0x81] =	vst.msk $0xffff, v63;
	s18 =	sand.u32 $0x3FFFFFE0, s18;
	s19 =	sadd.s32 s21, s19  }
0x1c: {  	[hbm4b:s19+s31] =	stream.strided.scatter [tilespmem:s17], [sflag:$0x2], s18, s9, s31, $0x20;
	[tilespmem:$0x10100] =	vst v63  }
.LBB1_5:
0x1d: {  	p1 =	slt.u32 s14, $0x2  }
0x1e: {  	s18 =	smov.u32 s16;
	p2 =	sgt.s32 @!p1 s16, $0xC7;
	s17 =	sshra.s32 @!p1 s16, $0x1F  }
0x1f: {  	p3 =	sgt.s32 @!p1 s15, $0x380;
	s19 =	sshra.s32 @!p1 s15, $0x1F;
	p2 =	por !p2, p1  }
0x20: {  	s16 =	sand.u32 @!p1 s17, s16;
	p3 =	por !p3, p1;
	s17 =	smov.u32 s15  }
0x21: {  	s15 =	sand.u32 @!p1 s19, s15;
	s18 =	simm.s32 @p2 $0xC7;
	s17 =	simm.s32 @p3 $0x380  }
0x22: {  	s19 =	smov.u32 s13;
	s16 =	ssub.s32 @!p1 s18, s16;
	s15 =	ssub.s32 @!p1 s17, s15  }
0x23: {  	s17 =	sadd.s32 @!p1 $0xFFFFFF39, s16;
	s16 =	ssub.s32 @!p1 $0xC8, s16;
	s18 =	sadd.s32 @!p1 $0xFFFFFC80, s15  }
0x24: {  	p2 =	sgt.s32 @!p1 s17, $0x0;
	s16 =	smul.u32 @!p1 $0x60, s16;
	p3 =	sgt.s32 @!p1 s18, $0x7F  }
0x25: {  	s15 =	ssub.s32 @!p1 $0x400, s15;
	p2 =	por !p2, p1;
	p3 =	por !p3, p1  }
0x26: {  	s17 =	sadd.s32 $0x4, s12;
	s16 =	simm.s32 @!p2 $0x0;
	s15 =	simm.s32 @!p3 $0x0  }
0x27: {  	p2 =	sgt.s32 s17, $0xC7;
	s15 =	smul.u32 @!p1 s15, s16;
	s16 =	sadd.s32 $0x400, s13  }
0x28: {  	s19 =	smov.u32 @p2 s16  }
0x29: {  	s17 =	smov.u32 @p2 s7;
	p2 =	sgt.s32 s19, $0x3FF  }
0x2a: {  	s19 =	smov.u32 @p2 s3;
	p2 =	sne.s32 s14, s8  }
.Ltmp1:
0x2b: {  	p0 =	por !p0, !p0;
	s18 =	simm.s32 @!p1 $0x2;
	(pc) =	sbr.rel @!p2 .LBB1_6-.Ltmp1, $4  }
0x2c: {  	s16 =	smov.u32 s10;
	s10 =	smov.u32 s12;
	s15 =	sand.u32 @!p1 $0x3FFFFFE0, s15  }
0x2d: {  	s12 =	smov.u32 s17;
	_ =	swait.ge @!p1 [sflag:s18], s15;
	s20 =	ssub.s32 @!p1 $0x0, s15  }
0x2e: {  	s15 =	smov.u32 s11;
	s14 =	sadd.s32 $0x1, s14;
	[sflag:s18] =	ssyncset.done @!p1 $0x0  }
0x2f: {  	s11 =	smov.u32 s13;
	s13 =	smov.u32 s19;
	[sflag:s18] =	ssyncadd.s32 @!p1 s20  }
.LBB1_1:
0x30: {  	p1 =	sge.u32 s14, s6  }
0x31: {  	s17 =	sand.u32 @!p1 $0x1FFFFFF, s12  }
0x32: {  	s18 =	smulhi.u32 @!p1 $0x147AE15, s17;
	_ =	sdelay $0x1  }
0x33: {  	s18 =	smul.u32 @!p1 $0xC8, s18  }
0x34: {  	s19 =	sxor.u32 @!p1 $0xFFFFFFFF, s14;
	s20 =	smul.u32 @!p1 $0xC80, s13  }
0x35: {  	s31 =	sadd.s32 $0xFFFFFFFF, s14;
	s19 =	sshll.u32 @!p1 s19, $0xE;
	s17 =	ssub.s32 @!p1 s17, s18  }
0x36: {  	s18 =	sand.u32 @!p1 $0x4000, s19;
	s19 =	sadd.s32 @!p1 s4, s20;
	s17 =	sshll.u32 @!p1 s17, $0x4  }
0x37: {  	s20 =	simm.s32 @!p1 $0x6400;
	s17 =	sadd.s32 @!p1 s17, s19;
	s19 =	simm.s32 @!p1 $0x80  }
0x38: {  	[tilespmem:s18], [sflag:$0x1] =	stream.strided.gather @!p1 [hbm4b:s17+s19], $0x4000, s20, s19, $0x38;
	[tilespmem:$0x10100] =	vst v63  }
0x39: {  	p1 =	sge.u32 s31, s6  }
.Ltmp2:
0x3a: {  	_ = 	snop;
	(pc) =	sbr.rel @p1 .LBB1_5-.Ltmp2, $1  }
0x3b: {  	_ =	sdelay $0x3  }
0x3c: {  	s17 =	simm.s32 $0x1  }
0x3d: {  	_ =	swait.ge [sflag:s5], $0x4000;
	s17 =	simm.s32 @!p0 $0x0  }
0x3e: {  	[sflag:s5] =	ssyncset.done $0x0;
	s18 =	sshll.u32 s17, $0xE  }
0x3f: {  	[sflag:s5] =	ssyncadd.s32 $0xFFFFC000;
	s18 =	sor.u32 $0x40, s18  }
0x40: {  	s17 =	smul.u32 $0x10200, s17;
	v0 =	vld [tilespmem:s18+$0x30]  }
0x41: {  	v1 =	vld [tilespmem:s18+$0xFFFFFFD0]  }
0x42: {  	s17 =	sshrl.u32 s17, $0x2;
	v5 =	vld [tilespmem:s18+$0xFFFFFFE0]  }
0x43: {  	v6 =	vld [tilespmem:s18+$0xFFFFFFF0];
	s20 =	sor.u32 $0x8000, s17  }
0x44: {  	s31 =	sand.u32 $0x1, s14;
	v4 =	vld [tilespmem:s18+$0x0];
	s19 =	sadd.s32 $0x0, s20  }
0x45: {  	v3 =	vld [tilespmem:s18+$0x10];
	s17 =	smul.u32 $0x10200, s31;
	[tilespmem:s19+$0x3870 ss:$0x81] =	vst.msk $0xffff, v0  }
0x46: {  	v2 =	vld [tilespmem:s18+$0x20];
	[tilespmem:s19+$0x810 ss:$0x81] =	vst.msk $0xffff, v1  }
0x47: {  	s17 =	sshrl.u32 s17, $0x2;
	v1 =	vld [tilespmem:s18+$0xFFFFFFC0];
	[tilespmem:s19+$0x1020 ss:$0x81] =	vst.msk $0xffff, v5;
	s18 =	sadd.s32 $0x80, s18  }
0x48: {  	s21 =	simm.s32 $0x4;
	s22 =	simm.s32 $0x8;
	s17 =	sor.u32 $0x8000, s17;
	[tilespmem:s19+$0x1830 ss:$0x81] =	vst.msk $0xffff, v6;
	v0 =	vld [tilespmem:s18+$0x30]  }
.LBB1_3:
0x49: {  	p1 =	sne.s32 s22, $0x1FC;
	v5 =	vld [tilespmem:s18+$0xFFFFFFD0];
	[tilespmem:s19+$0x2040 ss:$0x81] =	vst.msk $0xffff, v4  }
0x4a: {  	v6 =	vld [tilespmem:s18+$0xFFFFFFE0];
	[tilespmem:s19+$0x2850 ss:$0x81] =	vst.msk $0xffff, v3  }
0x4b: {  	s23 =	sshra.s32 s21, $0x2;
	s21 =	smov.u32 s22;
	v7 =	vld [tilespmem:s18+$0xFFFFFFF0];
	[tilespmem:s19+$0x3060 ss:$0x81] =	vst.msk $0xffff, v2  }
.Ltmp3:
0x4c: {  	v4 =	vld [tilespmem:s18+$0x0];
	[tilespmem:s19+$0x0 ss:$0x81] =	vst.msk $0xffff, v1;
	s19 =	sadd.s32 s23, s20;
	(pc) =	sbr.rel @p1 .LBB1_3-.Ltmp3, $4  }
0x4d: {  	v3 =	vld [tilespmem:s18+$0x10];
	[tilespmem:s19+$0x3870 ss:$0x81] =	vst.msk $0xffff, v0  }
0x4e: {  	[tilespmem:s19+$0x810 ss:$0x81] =	vst.msk $0xffff, v5;
	v2 =	vld [tilespmem:s18+$0x20]  }
0x4f: {  	v1 =	vld [tilespmem:s18+$0xFFFFFFC0];
	[tilespmem:s19+$0x1020 ss:$0x81] =	vst.msk $0xffff, v6;
	s18 =	sadd.s32 $0x80, s18  }
0x50: {  	s22 =	sadd.s32 $0x4, s22;
	v0 =	vld [tilespmem:s18+$0x30];
	[tilespmem:s19+$0x1830 ss:$0x81] =	vst.msk $0xffff, v7  }
.Ltmp4:
0x51: {  	_ = 	snop;
	(pc) =	sbr.rel .LBB1_4-.Ltmp4, $1  }
0x52: {  	_ =	sdelay $0x3  }
.LBB1_6:
0x53: {  	_ =	sfence.sel $0x180000  }
0x54: {  	s2 =	simm.s32 $0x1;
	[bflag:$0x0] =	sbarrier.arrive $0xFFFF  }
0x55: {  	s31 =	simm.s32 $0x2;
	[sflag:s2] =	ssyncpa.u1 $0x1  }
0x56: {  	[sflag:s31] =	ssyncpa.u1 $0x1  }
0x57: {  	p0 =	sne.s32 s0, $0x0;
	_ =	strace $0x9000004A  }
0x58: {  	s0 =	sadd.s32 @!p0 $0x100000, s1;
	[bflag:$0x2] =	sbarrier.arrive $0xFFFF  }
0x59: {  	[sflag:s0] =	ssyncadd.tile.s32 @!p0 $0x1;
	_ =	shalt  }
.Lfunc_end1:
_tile_overlayer_lowered:
.L_overlay_start_2:
0x5a: {  	(tag) =	ssettag $0x2  }
0x5b: {  	s0 =	rddreg [dreg:$0x0];
	s2 =	stileid.u32  }
0x5c: {  	s1 =	rddreg [dreg:$0x1];
	p0 =	sne.s32 s2, $0x0  }
0x5d: {  	s3 =	rddreg [dreg:$0x2];
	[bflag:$0x3] =	sbarrier.arrive $0xFFFF;
	s2 =	simm.s32 @!p0 $0x1C01  }
0x5e: {  	[timem:s3], [sflag:s2] =	dma.local @!p0 [hbm:s0], s1  }
0x5f: {  	s0 =	simm.s32 @!p0 $0x1  }
0x60: {  	_ =	swait.ge @!p0 [sflag:s0], s1  }
0x61: {  	s1 =	ssub.s32 @!p0 $0x0, s1;
	[sflag:s0] =	ssyncset.done @!p0 $0x0  }
0x62: {  	[sflag:s0] =	ssyncadd.s32 @!p0 s1  }
0x63: {  	[bflag:$0x3] =	sbarrier.arrive $0xFFFF  }
0x64: {  	_ =	shalt  }

</sc_bundles>
